<compile_context>
chip_gen: v7x
topology: tpu7x:2x2x1
jax: 0.10.2.dev20260603
libtpu: 0.0.44.dev20260713+nightly
codegen_flags: <defaults>
</compile_context>

<pallas_src>
import functools

import jax
import jax.numpy as jnp
from jax import lax
from jax.experimental import pallas as pl
from jax.experimental.pallas import tpu as pltpu
from jax.experimental.pallas import tpu_sc as plsc

N = 10000
C = 128
E = 320000
NC = 2
NS = 16
NW = NC * NS
EPW = E // NW
W = 80
NWIN = 128
EPAD = NWIN * W
PADN = 10240
RPT = PADN // NS


def _project(x_ing, x_taste, Wi, bi, Wt, bt, att_s, att_d):
    B = 1000
    grid = N // B

    def body(xi_ref, xt_ref, wi_ref, bi_ref, wt_ref, bt_ref, as_ref, ad_ref,
             h_ref, asrc_ref, adst_ref):
        dn = (((1,), (1,)), ((), ()))
        h = lax.dot_general(xi_ref[...], wi_ref[...], dn,
                            preferred_element_type=jnp.float32)
        h = h + bi_ref[...]
        h_ref[...] = h
        asrc_ref[...] = jnp.sum(h * as_ref[...], axis=1, keepdims=True)
        hd = lax.dot_general(xt_ref[...], wt_ref[...], dn,
                             preferred_element_type=jnp.float32)
        hd = hd + bt_ref[...]
        adst_ref[...] = jnp.sum(hd * ad_ref[...], axis=1, keepdims=True)

    h, a_s, a_d = pl.pallas_call(
        body,
        grid=(grid,),
        in_specs=[
            pl.BlockSpec((B, C), lambda i: (i, 0)),
            pl.BlockSpec((B, C), lambda i: (i, 0)),
            pl.BlockSpec((C, C), lambda i: (0, 0)),
            pl.BlockSpec((1, C), lambda i: (0, 0)),
            pl.BlockSpec((C, C), lambda i: (0, 0)),
            pl.BlockSpec((1, C), lambda i: (0, 0)),
            pl.BlockSpec((1, C), lambda i: (0, 0)),
            pl.BlockSpec((1, C), lambda i: (0, 0)),
        ],
        out_specs=[
            pl.BlockSpec((B, C), lambda i: (i, 0)),
            pl.BlockSpec((B, 1), lambda i: (i, 0)),
            pl.BlockSpec((B, 1), lambda i: (i, 0)),
        ],
        out_shape=[
            jax.ShapeDtypeStruct((N, C), jnp.float32),
            jax.ShapeDtypeStruct((N, 1), jnp.float32),
            jax.ShapeDtypeStruct((N, 1), jnp.float32),
        ],
    )(x_ing, x_taste, Wi, bi.reshape(1, C), Wt, bt.reshape(1, C),
      att_s.reshape(1, C), att_d.reshape(1, C))
    return h, a_s.reshape(N), a_d.reshape(N)


def _make_edge_kernel():
    mesh = plsc.VectorSubcoreMesh(core_axis_name="c", subcore_axis_name="s")
    NB = 4

    @functools.partial(
        pl.kernel,
        out_type=[
            jax.ShapeDtypeStruct((NC * PADN, C), jnp.float32),
            jax.ShapeDtypeStruct((NC * PADN,), jnp.float32),
        ],
        mesh=mesh,
        compiler_params=pltpu.CompilerParams(needs_layout_passes=False),
        scratch_types=[
            pltpu.VMEM_SHARED((PADN, C), jnp.float32),
            pltpu.VMEM_SHARED((PADN,), jnp.float32),
            pltpu.VMEM_SHARED((N,), jnp.float32),
            pltpu.VMEM_SHARED((N,), jnp.float32),
            pltpu.VMEM((NB, 2, W), jnp.int32),
            pltpu.VMEM((NB, W), jnp.float32),
            pltpu.VMEM((NB, W), jnp.float32),
            pltpu.VMEM((NB, W, C), jnp.float32),
            pltpu.VMEM((NB, W), jnp.float32),
        ] + [pltpu.SemaphoreType.DMA] * (4 * NB),
    )
    def edge_kernel(h_hbm, asrc_hbm, adst_hbm, edges_hbm,
                    num_out, den_out,
                    acc_sm, den_sm, asrc_sm, adst_sm, idx_v,
                    asg_v, adg_v, rows_v, ex_v, *sems):
        c = lax.axis_index("c")
        s = lax.axis_index("s")
        wid = c * NS + s
        isem = sems[0:NB]
        asem = sems[NB:2 * NB]
        gsem = sems[2 * NB:3 * NB]
        ssem = sems[3 * NB:4 * NB]

        @pl.when(s == 0)
        def _():
            pltpu.sync_copy(asrc_hbm, asrc_sm)
        @pl.when(s == 1)
        def _():
            pltpu.sync_copy(adst_hbm, adst_sm)

        zv = jnp.zeros((16,), jnp.float32)

        def zrow(e, _):
            for j in range(C // 16):
                rows_v[0, e, pl.ds(j * 16, 16)] = zv
            return 0

        lax.fori_loop(0, W, zrow, 0)
        for i in range(W // 16):
            ex_v[0, pl.ds(i * 16, 16)] = zv
        for k in range(RPT // W):
            pltpu.sync_copy(rows_v.at[0], acc_sm.at[pl.ds(s * RPT + k * W, W)])
            pltpu.sync_copy(ex_v.at[0], den_sm.at[pl.ds(s * RPT + k * W, W)])
        plsc.subcore_barrier()

        def issue_idx(w, b):
            pltpu.async_copy(edges_hbm.at[wid * NWIN + w], idx_v.at[b],
                             isem[b])

        def wait_idx(b):
            pltpu.make_async_copy(edges_hbm.at[0], idx_v.at[b],
                                  isem[b]).wait()

        def issue_gathers(b):
            pltpu.async_copy(asrc_sm.at[idx_v.at[b, 0]], asg_v.at[b],
                             asem[b])
            pltpu.async_copy(adst_sm.at[idx_v.at[b, 1]], adg_v.at[b],
                             asem[b])
            pltpu.async_copy(h_hbm.at[idx_v.at[b, 0]], rows_v.at[b],
                             gsem[b])

        def wait_alpha(b):
            pltpu.make_async_copy(asrc_sm.at[idx_v.at[b, 0]], asg_v.at[b],
                                  asem[b]).wait()
            pltpu.make_async_copy(adst_sm.at[idx_v.at[b, 1]], adg_v.at[b],
                                  asem[b]).wait()

        def wait_rows(b):
            pltpu.make_async_copy(h_hbm.at[idx_v.at[b, 0]], rows_v.at[b],
                                  gsem[b]).wait()

        def issue_scatter(b):
            pltpu.async_copy(rows_v.at[b], acc_sm.at[idx_v.at[b, 1]],
                             ssem[b], add=True)
            pltpu.async_copy(ex_v.at[b], den_sm.at[idx_v.at[b, 1]],
                             ssem[b], add=True)

        def wait_scatter(b):
            pltpu.make_async_copy(rows_v.at[b], acc_sm.at[idx_v.at[b, 1]],
                                  ssem[b]).wait()
            pltpu.make_async_copy(ex_v.at[b], den_sm.at[idx_v.at[b, 1]],
                                  ssem[b]).wait()

        def compute_ex(w, b):
            wait_alpha(b)
            for i in range(W // 16):
                a = asg_v[b, pl.ds(i * 16, 16)] + \
                    adg_v[b, pl.ds(i * 16, 16)]
                a = jnp.where(a > 0.0, a, 0.2 * a)
                ex = jnp.exp(a)
                eidx = w * W + i * 16 + lax.iota(jnp.int32, 16)
                ex_v[b, pl.ds(i * 16, 16)] = jnp.where(eidx < EPW, ex, 0.0)

        def scale_rows(b):
            wait_rows(b)

            @plsc.parallel_loop(0, W, unroll=4)
            def _(e):
                idx = jnp.full((16,), e, jnp.int32)
                sc_ = plsc.load_gather(ex_v.at[b], [idx])
                for j in range(C // 16):
                    sl = pl.ds(j * 16, 16)
                    rows_v[b, e, sl] = rows_v[b, e, sl] * sc_

        issue_idx(0, 0)
        issue_idx(1, 1)
        wait_idx(0)
        issue_gathers(0)

        LAST_T = NWIN // NB - 1

        def quad(t, _):
            for j in range(NB):
                w = NB * t + j
                b = j
                if j >= 2:
                    wait_scatter((b + 2) % NB)
                else:
                    @pl.when(t > 0)
                    def _():
                        wait_scatter((b + 2) % NB)
                if j < 2:
                    issue_idx(w + 2, (b + 2) % NB)
                else:
                    @pl.when(t < LAST_T)
                    def _():
                        issue_idx(w + 2, (b + 2) % NB)
                compute_ex(w, b)
                if j < NB - 1:
                    wait_idx((b + 1) % NB)
                    issue_gathers((b + 1) % NB)
                else:
                    @pl.when(t < LAST_T)
                    def _():
                        wait_idx((b + 1) % NB)
                        issue_gathers((b + 1) % NB)
                scale_rows(b)
                issue_scatter(b)
            return 0

        lax.fori_loop(0, NWIN // NB, quad, 0)
        wait_scatter(2)
        wait_scatter(3)
        plsc.subcore_barrier()

        ob = c * PADN + s * RPT
        pltpu.sync_copy(acc_sm.at[pl.ds(s * RPT, RPT)],
                        num_out.at[pl.ds(ob, RPT)])
        pltpu.sync_copy(den_sm.at[pl.ds(s * RPT, RPT)],
                        den_out.at[pl.ds(ob, RPT)])

    return edge_kernel


_EDGE_KERNEL = _make_edge_kernel()


def _finalize(num_p, den_p, x_taste, gamma, beta):

    def body(num_ref, den_ref, xt_ref, g_ref, b_ref, out_ref):
        num = num_ref[pl.ds(0, N), :] + num_ref[pl.ds(PADN, N), :]
        den = den_ref[0, pl.ds(0, N), :] + den_ref[1, pl.ds(0, N), :]
        y = num / jnp.maximum(den, 1e-30)
        y = jnp.maximum(y, 0.0) + xt_ref[...]
        mean = jnp.mean(y, axis=0, keepdims=True)
        d = y - mean
        var = jnp.mean(d * d, axis=0, keepdims=True)
        out = d * lax.rsqrt(var + 1e-5) * g_ref[...] + b_ref[...]
        out_ref[...] = jnp.maximum(out, 0.0)

    return pl.pallas_call(
        body,
        out_shape=jax.ShapeDtypeStruct((N, C), jnp.float32),
    )(num_p, den_p.reshape(NC, PADN, 1), x_taste,
      gamma.reshape(1, C), beta.reshape(1, C))


def kernel(x_ingredient, x_taste, edge_index, W_proj_ing, b_proj_ing,
           W_proj_taste, b_proj_taste, att_src, att_dst,
           k_lin_W, k_lin_b, q_vec, bn_gamma, bn_beta):
    src = edge_index[0].astype(jnp.int32)
    dst = edge_index[1].astype(jnp.int32)

    h_src, a_s, a_d = _project(x_ingredient, x_taste, W_proj_ing, b_proj_ing,
                               W_proj_taste, b_proj_taste, att_src, att_dst)

    pad = jnp.arange(EPAD - EPW, dtype=jnp.int32) * 37 % N
    src2 = jnp.concatenate(
        [src.reshape(NW, EPW), jnp.tile(pad[None], (NW, 1))],
        axis=1).reshape(NW, NWIN, W)
    dst2 = jnp.concatenate(
        [dst.reshape(NW, EPW), jnp.tile(pad[None], (NW, 1))],
        axis=1).reshape(NW, NWIN, W)
    edges3 = jnp.stack([src2, dst2], axis=2).reshape(NW * NWIN, 2, W)

    num_p, den_p = _EDGE_KERNEL(h_src, a_s, a_d, edges3)
    out_taste = _finalize(num_p, den_p, x_taste, bn_gamma, bn_beta)
    return (x_ingredient, out_taste)

# --- scband reference (transcript-rebuilt; emitter-appended) ---
"""Pipeline reference for scband-taste-gnn-50689204027704 (READ-ONLY COPY).

The authoritative reference and input builder live on the scoring server;
editing this copy changes nothing except your own understanding.
"""

import jax, jax.numpy as jnp
import numpy as np

N_ING = 10000
N_TASTE = 10000
E = 320000
C = 128


def setup_inputs(seed: int = 0) -> dict:
    key = jax.random.key(seed)
    ks = jax.random.split(key, 16)
    inp = {}
    inp["x_ingredient"] = jax.random.normal(ks[0], (N_ING, C), dtype=jnp.float32)
    inp["x_taste"] = jax.random.normal(ks[1], (N_TASTE, C), dtype=jnp.float32)
    src = jax.random.randint(ks[2], (E,), 0, N_ING)
    dst = jax.random.randint(ks[3], (E,), 0, N_TASTE)
    inp["edge_index"] = jnp.stack([src, dst], axis=0)
    s = 1.0 / np.sqrt(C)
    inp["W_proj_ing"] = jax.random.uniform(ks[4], (C, C), minval=-s, maxval=s, dtype=jnp.float32)
    inp["b_proj_ing"] = jax.random.uniform(ks[5], (C,), minval=-s, maxval=s, dtype=jnp.float32)
    inp["W_proj_taste"] = jax.random.uniform(ks[6], (C, C), minval=-s, maxval=s, dtype=jnp.float32)
    inp["b_proj_taste"] = jax.random.uniform(ks[7], (C,), minval=-s, maxval=s, dtype=jnp.float32)
    inp["att_src"] = jax.random.normal(ks[8], (C,), dtype=jnp.float32) * 0.1
    inp["att_dst"] = jax.random.normal(ks[9], (C,), dtype=jnp.float32) * 0.1
    inp["k_lin_W"] = jax.random.uniform(ks[10], (C, C), minval=-s, maxval=s, dtype=jnp.float32)
    inp["k_lin_b"] = jax.random.uniform(ks[11], (C,), minval=-s, maxval=s, dtype=jnp.float32)
    inp["q_vec"] = jax.random.normal(ks[12], (C,), dtype=jnp.float32) * 0.1
    inp["bn_gamma"] = jnp.ones((C,), dtype=jnp.float32)
    inp["bn_beta"] = jnp.zeros((C,), dtype=jnp.float32)
    return inp


def reference(x_ingredient, x_taste, edge_index, W_proj_ing, b_proj_ing,
              W_proj_taste, b_proj_taste, att_src, att_dst,
              k_lin_W, k_lin_b, q_vec, bn_gamma, bn_beta):
    src = edge_index[0]
    dst = edge_index[1]
    # HANConv: per-node-type projection (heads=1, D=C)
    h_src = x_ingredient @ W_proj_ing.T + b_proj_ing
    h_dst = x_taste @ W_proj_taste.T + b_proj_taste
    # attention coefficients
    alpha_src = (h_src * att_src).sum(axis=-1)
    alpha_dst = (h_dst * att_dst).sum(axis=-1)
    alpha = alpha_src[src] + alpha_dst[dst]
    alpha = jnp.where(alpha > 0, alpha, 0.2 * alpha)  # leaky_relu(0.2)
    # segment softmax over incoming edges of each taste node
    amax = jax.ops.segment_max(alpha, dst, num_segments=N_TASTE)
    amax = jnp.where(jnp.isfinite(amax), amax, 0.0)
    ex = jnp.exp(alpha - amax[dst])
    denom = jax.ops.segment_sum(ex, dst, num_segments=N_TASTE)
    attn = ex / (denom[dst] + 1e-16)
    # message + scatter-add aggregation
    msg = h_src[src] * attn[:, None]
    out_taste = jax.ops.segment_sum(msg, dst, num_segments=N_TASTE)
    out_taste = jax.nn.relu(out_taste)
    # semantic attention over metapaths (single metapath -> weight 1, computed faithfully)
    k_mean = jnp.tanh(out_taste @ k_lin_W.T + k_lin_b).mean(axis=0)
    score = (q_vec * k_mean).sum()
    w = jax.nn.softmax(jnp.stack([score]))[0]
    out_taste = w * out_taste
    # TasteGNN residual: out['taste'] += x_dict['taste']
    out_taste = out_taste + x_taste
    # BatchNorm (training-mode batch stats, eps=1e-5)
    mean = out_taste.mean(axis=0)
    var = out_taste.var(axis=0)
    out_taste = (out_taste - mean) / jnp.sqrt(var + 1e-5) * bn_gamma + bn_beta
    # ReLU; Dropout is identity in eval
    out_taste = jax.nn.relu(out_taste)
    # ingredient output is passed through unchanged
    return (x_ingredient, out_taste)

if __name__ == "__main__":
    import jax
    _d = setup_inputs()
    print(jax.jit(kernel)(*tuple(_d.values())))

</pallas_src>

<mosaic_0001>
#map = affine_map<(d0, d1) -> (0, 0)>
#map1 = affine_map<(d0, d1) -> (0)>
#map2 = affine_map<(d0, d1) -> (0, 0, 0)>
module attributes {stable_mosaic.version = 14 : i64} {
  func.func @edge_kernel(%arg0: i32, %arg1: i32, %arg2: memref<10000x128xf32, #tpu.memory_space<hbm>>, %arg3: memref<10000xf32, #tpu.memory_space<hbm>>, %arg4: memref<10000xf32, #tpu.memory_space<hbm>>, %arg5: memref<4096x2x80xi32, #tpu.memory_space<hbm>>, %arg6: memref<20480x128xf32, #tpu.memory_space<hbm>>, %arg7: memref<20480xf32, #tpu.memory_space<hbm>>, %arg8: memref<10240x128xf32, #tpu.memory_space<vmem_shared>>, %arg9: memref<10240xf32, #tpu.memory_space<vmem_shared>>, %arg10: memref<10000xf32, #tpu.memory_space<vmem_shared>>, %arg11: memref<10000xf32, #tpu.memory_space<vmem_shared>>, %arg12: memref<4x2x80xi32, #tpu.memory_space<vmem>>, %arg13: memref<4x80xf32, #tpu.memory_space<vmem>>, %arg14: memref<4x80xf32, #tpu.memory_space<vmem>>, %arg15: memref<4x80x128xf32, #tpu.memory_space<vmem>>, %arg16: memref<4x80xf32, #tpu.memory_space<vmem>>, %arg17: memref<!tpu.dma_semaphore, #tpu.memory_space<semaphore_mem>>, %arg18: memref<!tpu.dma_semaphore, #tpu.memory_space<semaphore_mem>>, %arg19: memref<!tpu.dma_semaphore, #tpu.memory_space<semaphore_mem>>, %arg20: memref<!tpu.dma_semaphore, #tpu.memory_space<semaphore_mem>>, %arg21: memref<!tpu.dma_semaphore, #tpu.memory_space<semaphore_mem>>, %arg22: memref<!tpu.dma_semaphore, #tpu.memory_space<semaphore_mem>>, %arg23: memref<!tpu.dma_semaphore, #tpu.memory_space<semaphore_mem>>, %arg24: memref<!tpu.dma_semaphore, #tpu.memory_space<semaphore_mem>>, %arg25: memref<!tpu.dma_semaphore, #tpu.memory_space<semaphore_mem>>, %arg26: memref<!tpu.dma_semaphore, #tpu.memory_space<semaphore_mem>>, %arg27: memref<!tpu.dma_semaphore, #tpu.memory_space<semaphore_mem>>, %arg28: memref<!tpu.dma_semaphore, #tpu.memory_space<semaphore_mem>>, %arg29: memref<!tpu.dma_semaphore, #tpu.memory_space<semaphore_mem>>, %arg30: memref<!tpu.dma_semaphore, #tpu.memory_space<semaphore_mem>>, %arg31: memref<!tpu.dma_semaphore, #tpu.memory_space<semaphore_mem>>, %arg32: memref<!tpu.dma_semaphore, #tpu.memory_space<semaphore_mem>>) attributes {dimension_semantics = [#tpu.dimension_semantics<core_parallel>, #tpu.dimension_semantics<subcore_parallel>], iteration_bounds = array<i64: 2, 16>, scalar_prefetch = 0 : i64, scratch_operands = 25 : i64, tpu.core_type = #tpu.core_type<sc_vector_subcore>, window_params = [{transform_indices = #map}, {transform_indices = #map1}, {transform_indices = #map1}, {transform_indices = #map2}, {transform_indices = #map}, {transform_indices = #map1}]} {
    %mul3A = arith.constant 16 : i32
    %mul3A_0 = arith.muli %arg0, %mul3A : i32
    %add3A = arith.addi %mul3A_0, %arg1 : i32
    %eq3A = arith.constant 0 : i32
    %eq3A_1 = arith.cmpi eq, %arg1, %eq3A : i32
    %convert_element_type3A = arith.extui %eq3A_1 : i1 to i32
    %cond3A = arith.constant 0 : i32
    %cond3A_2 = arith.cmpi ne, %convert_element_type3A, %cond3A : i32
    scf.if %cond3A_2 {
      "tpu.region"() ({
        %run_scoped3A_271 = tpu.sem_alloc : memref<!tpu.dma_semaphore, #tpu.memory_space<semaphore_mem>>
        tpu.enqueue_dma source(%arg3 : memref<10000xf32, #tpu.memory_space<hbm>>) target(%arg10 : memref<10000xf32, #tpu.memory_space<vmem_shared>>) target_semaphore(%run_scoped3A_271 : memref<!tpu.dma_semaphore, #tpu.memory_space<semaphore_mem>>)
        tpu.wait_dma2 semaphore(%run_scoped3A_271 : memref<!tpu.dma_semaphore, #tpu.memory_space<semaphore_mem>>) src(%arg3 : memref<10000xf32, #tpu.memory_space<hbm>>) dst(%arg10 : memref<10000xf32, #tpu.memory_space<vmem_shared>>)
        tpu.yield
      }) : () -> ()
    } else {
    }
    %eq3A_3 = arith.constant 1 : i32
    %eq3A_4 = arith.cmpi eq, %arg1, %eq3A_3 : i32
    %convert_element_type3A_5 = arith.extui %eq3A_4 : i1 to i32
    %cond3A_6 = arith.constant 0 : i32
    %cond3A_7 = arith.cmpi ne, %convert_element_type3A_5, %cond3A_6 : i32
    scf.if %cond3A_7 {
      "tpu.region"() ({
        %run_scoped3A_271 = tpu.sem_alloc : memref<!tpu.dma_semaphore, #tpu.memory_space<semaphore_mem>>
        tpu.enqueue_dma source(%arg4 : memref<10000xf32, #tpu.memory_space<hbm>>) target(%arg11 : memref<10000xf32, #tpu.memory_space<vmem_shared>>) target_semaphore(%run_scoped3A_271 : memref<!tpu.dma_semaphore, #tpu.memory_space<semaphore_mem>>)
        tpu.wait_dma2 semaphore(%run_scoped3A_271 : memref<!tpu.dma_semaphore, #tpu.memory_space<semaphore_mem>>) src(%arg4 : memref<10000xf32, #tpu.memory_space<hbm>>) dst(%arg11 : memref<10000xf32, #tpu.memory_space<vmem_shared>>)
        tpu.yield
      }) : () -> ()
    } else {
    }
    %broadcast_in_dim3A = arith.constant 0.000000e+00 : f32
    %broadcast_in_dim3A_8 = vector.broadcast %broadcast_in_dim3A : f32 to vector<16xf32>
    %scan3A = arith.constant 0 : i32
    %scan3A_9 = arith.constant 0 : i32
    %scan3A_10 = arith.constant 80 : i32
    %scan3A_11 = arith.addi %scan3A_9, %scan3A_10 : i32
    %scan3A_12 = arith.constant 1 : i32
    %scan3A_13 = scf.for %scan3A_271 = %scan3A_9 to %scan3A_11 step %scan3A_12 iter_args(%scan3A_272 = %scan3A) -> (i32)  : i32 {
      %swap3A_273 = arith.constant 0 : i32
      %swap3A_274 = arith.index_cast %swap3A_273 : i32 to index
      %swap3A_275 = arith.index_cast %scan3A_271 : i32 to index
      %swap3A_276 = arith.constant 0 : index
      %swap3A_277 = tpu.vector_load %arg15[%swap3A_274, %swap3A_275, %swap3A_276] {strides = array<i32>} : memref<4x80x128xf32, #tpu.memory_space<vmem>>, vector<16xf32>,
      tpu.vector_store %arg15[%swap3A_274, %swap3A_275, %swap3A_276], %broadcast_in_dim3A_8 {strides = array<i32>} : memref<4x80x128xf32, #tpu.memory_space<vmem>>, vector<16xf32>,
      %swap3A_278 = arith.constant 0 : i32
      %swap3A_279 = arith.index_cast %swap3A_278 : i32 to index
      %swap3A_280 = arith.index_cast %scan3A_271 : i32 to index
      %swap3A_281 = arith.constant 16 : index
      %swap3A_282 = tpu.vector_load %arg15[%swap3A_279, %swap3A_280, %swap3A_281] {strides = array<i32>} : memref<4x80x128xf32, #tpu.memory_space<vmem>>, vector<16xf32>,
      tpu.vector_store %arg15[%swap3A_279, %swap3A_280, %swap3A_281], %broadcast_in_dim3A_8 {strides = array<i32>} : memref<4x80x128xf32, #tpu.memory_space<vmem>>, vector<16xf32>,
      %swap3A_283 = arith.constant 0 : i32
      %swap3A_284 = arith.index_cast %swap3A_283 : i32 to index
      %swap3A_285 = arith.index_cast %scan3A_271 : i32 to index
      %swap3A_286 = arith.constant 32 : index
      %swap3A_287 = tpu.vector_load %arg15[%swap3A_284, %swap3A_285, %swap3A_286] {strides = array<i32>} : memref<4x80x128xf32, #tpu.memory_space<vmem>>, vector<16xf32>,
      tpu.vector_store %arg15[%swap3A_284, %swap3A_285, %swap3A_286], %broadcast_in_dim3A_8 {strides = array<i32>} : memref<4x80x128xf32, #tpu.memory_space<vmem>>, vector<16xf32>,
      %swap3A_288 = arith.constant 0 : i32
      %swap3A_289 = arith.index_cast %swap3A_288 : i32 to index
      %swap3A_290 = arith.index_cast %scan3A_271 : i32 to index
      %swap3A_291 = arith.constant 48 : index
      %swap3A_292 = tpu.vector_load %arg15[%swap3A_289, %swap3A_290, %swap3A_291] {strides = array<i32>} : memref<4x80x128xf32, #tpu.memory_space<vmem>>, vector<16xf32>,
      tpu.vector_store %arg15[%swap3A_289, %swap3A_290, %swap3A_291], %broadcast_in_dim3A_8 {strides = array<i32>} : memref<4x80x128xf32, #tpu.memory_space<vmem>>, vector<16xf32>,
      %swap3A_293 = arith.constant 0 : i32
      %swap3A_294 = arith.index_cast %swap3A_293 : i32 to index
      %swap3A_295 = arith.index_cast %scan3A_271 : i32 to index
      %swap3A_296 = arith.constant 64 : index
      %swap3A_297 = tpu.vector_load %arg15[%swap3A_294, %swap3A_295, %swap3A_296] {strides = array<i32>} : memref<4x80x128xf32, #tpu.memory_space<vmem>>, vector<16xf32>,
      tpu.vector_store %arg15[%swap3A_294, %swap3A_295, %swap3A_296], %broadcast_in_dim3A_8 {strides = array<i32>} : memref<4x80x128xf32, #tpu.memory_space<vmem>>, vector<16xf32>,
      %swap3A_298 = arith.constant 0 : i32
      %swap3A_299 = arith.index_cast %swap3A_298 : i32 to index
      %swap3A_300 = arith.index_cast %scan3A_271 : i32 to index
      %swap3A_301 = arith.constant 80 : index
      %swap3A_302 = tpu.vector_load %arg15[%swap3A_299, %swap3A_300, %swap3A_301] {strides = array<i32>} : memref<4x80x128xf32, #tpu.memory_space<vmem>>, vector<16xf32>,
      tpu.vector_store %arg15[%swap3A_299, %swap3A_300, %swap3A_301], %broadcast_in_dim3A_8 {strides = array<i32>} : memref<4x80x128xf32, #tpu.memory_space<vmem>>, vector<16xf32>,
      %swap3A_303 = arith.constant 0 : i32
      %swap3A_304 = arith.index_cast %swap3A_303 : i32 to index
      %swap3A_305 = arith.index_cast %scan3A_271 : i32 to index
      %swap3A_306 = arith.constant 96 : index
      %swap3A_307 = tpu.vector_load %arg15[%swap3A_304, %swap3A_305, %swap3A_306] {strides = array<i32>} : memref<4x80x128xf32, #tpu.memory_space<vmem>>, vector<16xf32>,
      tpu.vector_store %arg15[%swap3A_304, %swap3A_305, %swap3A_306], %broadcast_in_dim3A_8 {strides = array<i32>} : memref<4x80x128xf32, #tpu.memory_space<vmem>>, vector<16xf32>,
      %swap3A_308 = arith.constant 0 : i32
      %swap3A_309 = arith.index_cast %swap3A_308 : i32 to index
      %swap3A_310 = arith.index_cast %scan3A_271 : i32 to index
      %swap3A_311 = arith.constant 112 : index
      %swap3A_312 = tpu.vector_load %arg15[%swap3A_309, %swap3A_310, %swap3A_311] {strides = array<i32>} : memref<4x80x128xf32, #tpu.memory_space<vmem>>, vector<16xf32>,
      tpu.vector_store %arg15[%swap3A_309, %swap3A_310, %swap3A_311], %broadcast_in_dim3A_8 {strides = array<i32>} : memref<4x80x128xf32, #tpu.memory_space<vmem>>, vector<16xf32>,
      %scan3A_313 = arith.constant 0 : i32
      scf.yield %scan3A_313 : i32
    }
    %scan3A_14 = arith.constant 80 : i32
    %swap3A = arith.constant 0 : i32
    %swap3A_15 = arith.index_cast %swap3A : i32 to index
    %swap3A_16 = arith.constant 0 : index
    %swap3A_17 = tpu.vector_load %arg16[%swap3A_15, %swap3A_16] {strides = array<i32>} : memref<4x80xf32, #tpu.memory_space<vmem>>, vector<16xf32>,
    tpu.vector_store %arg16[%swap3A_15, %swap3A_16], %broadcast_in_dim3A_8 {strides = array<i32>} : memref<4x80xf32, #tpu.memory_space<vmem>>, vector<16xf32>,
    %swap3A_18 = arith.constant 0 : i32
    %swap3A_19 = arith.index_cast %swap3A_18 : i32 to index
    %swap3A_20 = arith.constant 16 : index
    %swap3A_21 = tpu.vector_load %arg16[%swap3A_19, %swap3A_20] {strides = array<i32>} : memref<4x80xf32, #tpu.memory_space<vmem>>, vector<16xf32>,
    tpu.vector_store %arg16[%swap3A_19, %swap3A_20], %broadcast_in_dim3A_8 {strides = array<i32>} : memref<4x80xf32, #tpu.memory_space<vmem>>, vector<16xf32>,
    %swap3A_22 = arith.constant 0 : i32
    %swap3A_23 = arith.index_cast %swap3A_22 : i32 to index
    %swap3A_24 = arith.constant 32 : index
    %swap3A_25 = tpu.vector_load %arg16[%swap3A_23, %swap3A_24] {strides = array<i32>} : memref<4x80xf32, #tpu.memory_space<vmem>>, vector<16xf32>,
    tpu.vector_store %arg16[%swap3A_23, %swap3A_24], %broadcast_in_dim3A_8 {strides = array<i32>} : memref<4x80xf32, #tpu.memory_space<vmem>>, vector<16xf32>,
    %swap3A_26 = arith.constant 0 : i32
    %swap3A_27 = arith.index_cast %swap3A_26 : i32 to index
    %swap3A_28 = arith.constant 48 : index
    %swap3A_29 = tpu.vector_load %arg16[%swap3A_27, %swap3A_28] {strides = array<i32>} : memref<4x80xf32, #tpu.memory_space<vmem>>, vector<16xf32>,
    tpu.vector_store %arg16[%swap3A_27, %swap3A_28], %broadcast_in_dim3A_8 {strides = array<i32>} : memref<4x80xf32, #tpu.memory_space<vmem>>, vector<16xf32>,
    %swap3A_30 = arith.constant 0 : i32
    %swap3A_31 = arith.index_cast %swap3A_30 : i32 to index
    %swap3A_32 = arith.constant 64 : index
    %swap3A_33 = tpu.vector_load %arg16[%swap3A_31, %swap3A_32] {strides = array<i32>} : memref<4x80xf32, #tpu.memory_space<vmem>>, vector<16xf32>,
    tpu.vector_store %arg16[%swap3A_31, %swap3A_32], %broadcast_in_dim3A_8 {strides = array<i32>} : memref<4x80xf32, #tpu.memory_space<vmem>>, vector<16xf32>,
    %mul3A_34 = arith.constant 640 : i32
    %mul3A_35 = arith.muli %arg1, %mul3A_34 : i32
    %add3A_36 = arith.constant 0 : i32
    %add3A_37 = arith.addi %mul3A_35, %add3A_36 : i32
    %run_scoped3A = arith.constant 0 : i32
    "tpu.region"() ({
      %run_scoped3A_271 = tpu.sem_alloc : memref<!tpu.dma_semaphore, #tpu.memory_space<semaphore_mem>>
      %dma_start3A_272 = arith.constant 0 : i32
      %dma_start3A_273 = arith.constant 0 : i32
      %dma_start3A_274 = tpu.memref_slice %arg15[%run_scoped3A, %dma_start3A_272, %dma_start3A_273] : memref<4x80x128xf32, #tpu.memory_space<vmem>> -> memref<1x80x128xf32, #tpu.memory_space<vmem>>
      %dma_start3A_275 = tpu.memref_squeeze %dma_start3A_274 : memref<1x80x128xf32, #tpu.memory_space<vmem>> -> memref<80x128xf32, #tpu.memory_space<vmem>>
      %dma_start3A_276 = arith.constant 0 : i32
      %dma_start3A_277 = tpu.memref_slice %arg8[%add3A_37, %dma_start3A_276] : memref<10240x128xf32, #tpu.memory_space<vmem_shared>> -> memref<80x128xf32, #tpu.memory_space<vmem_shared>>
      %dma_start3A_278 = arith.constant 0 : i32
      %dma_start3A_279 = tpu.memref_slice %arg8[%add3A_37, %dma_start3A_278] : memref<10240x128xf32, #tpu.memory_space<vmem_shared>> -> memref<80x128xf32, #tpu.memory_space<vmem_shared>>
      %dma_start3A_280 = arith.constant 0 : i32
      %dma_start3A_281 = arith.constant 0 : i32
      %dma_start3A_282 = tpu.memref_slice %arg15[%run_scoped3A, %dma_start3A_280, %dma_start3A_281] : memref<4x80x128xf32, #tpu.memory_space<vmem>> -> memref<1x80x128xf32, #tpu.memory_space<vmem>>
      %dma_start3A_283 = tpu.memref_squeeze %dma_start3A_282 : memref<1x80x128xf32, #tpu.memory_space<vmem>> -> memref<80x128xf32, #tpu.memory_space<vmem>>
      tpu.enqueue_dma source(%dma_start3A_283 : memref<80x128xf32, #tpu.memory_space<vmem>>) target(%dma_start3A_279 : memref<80x128xf32, #tpu.memory_space<vmem_shared>>) target_semaphore(%run_scoped3A_271 : memref<!tpu.dma_semaphore, #tpu.memory_space<semaphore_mem>>)
      %dma_wait3A_284 = arith.constant 0 : i32
      %dma_wait3A_285 = arith.constant 0 : i32
      %dma_wait3A_286 = tpu.memref_slice %arg15[%run_scoped3A, %dma_wait3A_284, %dma_wait3A_285] : memref<4x80x128xf32, #tpu.memory_space<vmem>> -> memref<1x80x128xf32, #tpu.memory_space<vmem>>
      %dma_wait3A_287 = tpu.memref_squeeze %dma_wait3A_286 : memref<1x80x128xf32, #tpu.memory_space<vmem>> -> memref<80x128xf32, #tpu.memory_space<vmem>>
      %dma_wait3A_288 = arith.constant 0 : i32
      %dma_wait3A_289 = tpu.memref_slice %arg8[%add3A_37, %dma_wait3A_288] : memref<10240x128xf32, #tpu.memory_space<vmem_shared>> -> memref<80x128xf32, #tpu.memory_space<vmem_shared>>
      %dma_wait3A_290 = arith.constant 0 : i32
      %dma_wait3A_291 = tpu.memref_slice %arg8[%add3A_37, %dma_wait3A_290] : memref<10240x128xf32, #tpu.memory_space<vmem_shared>> -> memref<80x128xf32, #tpu.memory_space<vmem_shared>>
      %dma_wait3A_292 = arith.constant 0 : i32
      %dma_wait3A_293 = arith.constant 0 : i32
      %dma_wait3A_294 = tpu.memref_slice %arg15[%run_scoped3A, %dma_wait3A_292, %dma_wait3A_293] : memref<4x80x128xf32, #tpu.memory_space<vmem>> -> memref<1x80x128xf32, #tpu.memory_space<vmem>>
      %dma_wait3A_295 = tpu.memref_squeeze %dma_wait3A_294 : memref<1x80x128xf32, #tpu.memory_space<vmem>> -> memref<80x128xf32, #tpu.memory_space<vmem>>
      tpu.wait_dma2 semaphore(%run_scoped3A_271 : memref<!tpu.dma_semaphore, #tpu.memory_space<semaphore_mem>>) src(%dma_wait3A_295 : memref<80x128xf32, #tpu.memory_space<vmem>>) dst(%dma_wait3A_291 : memref<80x128xf32, #tpu.memory_space<vmem_shared>>)
      tpu.yield
    }) : () -> ()
    %mul3A_38 = arith.constant 640 : i32
    %mul3A_39 = arith.muli %arg1, %mul3A_38 : i32
    %add3A_40 = arith.constant 0 : i32
    %add3A_41 = arith.addi %mul3A_39, %add3A_40 : i32
    %run_scoped3A_42 = arith.constant 0 : i32
    "tpu.region"() ({
      %run_scoped3A_271 = tpu.sem_alloc : memref<!tpu.dma_semaphore, #tpu.memory_space<semaphore_mem>>
      %dma_start3A_272 = arith.constant 0 : i32
      %dma_start3A_273 = tpu.memref_slice %arg16[%run_scoped3A_42, %dma_start3A_272] : memref<4x80xf32, #tpu.memory_space<vmem>> -> memref<1x80xf32, #tpu.memory_space<vmem>>
      %dma_start3A_274 = tpu.memref_squeeze %dma_start3A_273 : memref<1x80xf32, #tpu.memory_space<vmem>> -> memref<80xf32, #tpu.memory_space<vmem>>
      %dma_start3A_275 = tpu.memref_slice %arg9[%add3A_41] : memref<10240xf32, #tpu.memory_space<vmem_shared>> -> memref<80xf32, #tpu.memory_space<vmem_shared>>
      %dma_start3A_276 = tpu.memref_slice %arg9[%add3A_41] : memref<10240xf32, #tpu.memory_space<vmem_shared>> -> memref<80xf32, #tpu.memory_space<vmem_shared>>
      %dma_start3A_277 = arith.constant 0 : i32
      %dma_start3A_278 = tpu.memref_slice %arg16[%run_scoped3A_42, %dma_start3A_277] : memref<4x80xf32, #tpu.memory_space<vmem>> -> memref<1x80xf32, #tpu.memory_space<vmem>>
      %dma_start3A_279 = tpu.memref_squeeze %dma_start3A_278 : memref<1x80xf32, #tpu.memory_space<vmem>> -> memref<80xf32, #tpu.memory_space<vmem>>
      tpu.enqueue_dma source(%dma_start3A_279 : memref<80xf32, #tpu.memory_space<vmem>>) target(%dma_start3A_276 : memref<80xf32, #tpu.memory_space<vmem_shared>>) target_semaphore(%run_scoped3A_271 : memref<!tpu.dma_semaphore, #tpu.memory_space<semaphore_mem>>)
      %dma_wait3A_280 = arith.constant 0 : i32
      %dma_wait3A_281 = tpu.memref_slice %arg16[%run_scoped3A_42, %dma_wait3A_280] : memref<4x80xf32, #tpu.memory_space<vmem>> -> memref<1x80xf32, #tpu.memory_space<vmem>>
      %dma_wait3A_282 = tpu.memref_squeeze %dma_wait3A_281 : memref<1x80xf32, #tpu.memory_space<vmem>> -> memref<80xf32, #tpu.memory_space<vmem>>
      %dma_wait3A_283 = tpu.memref_slice %arg9[%add3A_41] : memref<10240xf32, #tpu.memory_space<vmem_shared>> -> memref<80xf32, #tpu.memory_space<vmem_shared>>
      %dma_wait3A_284 = tpu.memref_slice %arg9[%add3A_41] : memref<10240xf32, #tpu.memory_space<vmem_shared>> -> memref<80xf32, #tpu.memory_space<vmem_shared>>
      %dma_wait3A_285 = arith.constant 0 : i32
      %dma_wait3A_286 = tpu.memref_slice %arg16[%run_scoped3A_42, %dma_wait3A_285] : memref<4x80xf32, #tpu.memory_space<vmem>> -> memref<1x80xf32, #tpu.memory_space<vmem>>
      %dma_wait3A_287 = tpu.memref_squeeze %dma_wait3A_286 : memref<1x80xf32, #tpu.memory_space<vmem>> -> memref<80xf32, #tpu.memory_space<vmem>>
      tpu.wait_dma2 semaphore(%run_scoped3A_271 : memref<!tpu.dma_semaphore, #tpu.memory_space<semaphore_mem>>) src(%dma_wait3A_287 : memref<80xf32, #tpu.memory_space<vmem>>) dst(%dma_wait3A_284 : memref<80xf32, #tpu.memory_space<vmem_shared>>)
      tpu.yield
    }) : () -> ()
    %mul3A_43 = arith.constant 640 : i32
    %mul3A_44 = arith.muli %arg1, %mul3A_43 : i32
    %add3A_45 = arith.constant 80 : i32
    %add3A_46 = arith.addi %mul3A_44, %add3A_45 : i32
    %run_scoped3A_47 = arith.constant 0 : i32
    "tpu.region"() ({
      %run_scoped3A_271 = tpu.sem_alloc : memref<!tpu.dma_semaphore, #tpu.memory_space<semaphore_mem>>
      %dma_start3A_272 = arith.constant 0 : i32
      %dma_start3A_273 = arith.constant 0 : i32
      %dma_start3A_274 = tpu.memref_slice %arg15[%run_scoped3A_47, %dma_start3A_272, %dma_start3A_273] : memref<4x80x128xf32, #tpu.memory_space<vmem>> -> memref<1x80x128xf32, #tpu.memory_space<vmem>>
      %dma_start3A_275 = tpu.memref_squeeze %dma_start3A_274 : memref<1x80x128xf32, #tpu.memory_space<vmem>> -> memref<80x128xf32, #tpu.memory_space<vmem>>
      %dma_start3A_276 = arith.constant 0 : i32
      %dma_start3A_277 = tpu.memref_slice %arg8[%add3A_46, %dma_start3A_276] : memref<10240x128xf32, #tpu.memory_space<vmem_shared>> -> memref<80x128xf32, #tpu.memory_space<vmem_shared>>
      %dma_start3A_278 = arith.constant 0 : i32
      %dma_start3A_279 = tpu.memref_slice %arg8[%add3A_46, %dma_start3A_278] : memref<10240x128xf32, #tpu.memory_space<vmem_shared>> -> memref<80x128xf32, #tpu.memory_space<vmem_shared>>
      %dma_start3A_280 = arith.constant 0 : i32
      %dma_start3A_281 = arith.constant 0 : i32
      %dma_start3A_282 = tpu.memref_slice %arg15[%run_scoped3A_47, %dma_start3A_280, %dma_start3A_281] : memref<4x80x128xf32, #tpu.memory_space<vmem>> -> memref<1x80x128xf32, #tpu.memory_space<vmem>>
      %dma_start3A_283 = tpu.memref_squeeze %dma_start3A_282 : memref<1x80x128xf32, #tpu.memory_space<vmem>> -> memref<80x128xf32, #tpu.memory_space<vmem>>
      tpu.enqueue_dma source(%dma_start3A_283 : memref<80x128xf32, #tpu.memory_space<vmem>>) target(%dma_start3A_279 : memref<80x128xf32, #tpu.memory_space<vmem_shared>>) target_semaphore(%run_scoped3A_271 : memref<!tpu.dma_semaphore, #tpu.memory_space<semaphore_mem>>)
      %dma_wait3A_284 = arith.constant 0 : i32
      %dma_wait3A_285 = arith.constant 0 : i32
      %dma_wait3A_286 = tpu.memref_slice %arg15[%run_scoped3A_47, %dma_wait3A_284, %dma_wait3A_285] : memref<4x80x128xf32, #tpu.memory_space<vmem>> -> memref<1x80x128xf32, #tpu.memory_space<vmem>>
      %dma_wait3A_287 = tpu.memref_squeeze %dma_wait3A_286 : memref<1x80x128xf32, #tpu.memory_space<vmem>> -> memref<80x128xf32, #tpu.memory_space<vmem>>
      %dma_wait3A_288 = arith.constant 0 : i32
      %dma_wait3A_289 = tpu.memref_slice %arg8[%add3A_46, %dma_wait3A_288] : memref<10240x128xf32, #tpu.memory_space<vmem_shared>> -> memref<80x128xf32, #tpu.memory_space<vmem_shared>>
      %dma_wait3A_290 = arith.constant 0 : i32
      %dma_wait3A_291 = tpu.memref_slice %arg8[%add3A_46, %dma_wait3A_290] : memref<10240x128xf32, #tpu.memory_space<vmem_shared>> -> memref<80x128xf32, #tpu.memory_space<vmem_shared>>
      %dma_wait3A_292 = arith.constant 0 : i32
      %dma_wait3A_293 = arith.constant 0 : i32
      %dma_wait3A_294 = tpu.memref_slice %arg15[%run_scoped3A_47, %dma_wait3A_292, %dma_wait3A_293] : memref<4x80x128xf32, #tpu.memory_space<vmem>> -> memref<1x80x128xf32, #tpu.memory_space<vmem>>
      %dma_wait3A_295 = tpu.memref_squeeze %dma_wait3A_294 : memref<1x80x128xf32, #tpu.memory_space<vmem>> -> memref<80x128xf32, #tpu.memory_space<vmem>>
      tpu.wait_dma2 semaphore(%run_scoped3A_271 : memref<!tpu.dma_semaphore, #tpu.memory_space<semaphore_mem>>) src(%dma_wait3A_295 : memref<80x128xf32, #tpu.memory_space<vmem>>) dst(%dma_wait3A_291 : memref<80x128xf32, #tpu.memory_space<vmem_shared>>)
      tpu.yield
    }) : () -> ()
    %mul3A_48 = arith.constant 640 : i32
    %mul3A_49 = arith.muli %arg1, %mul3A_48 : i32
    %add3A_50 = arith.constant 80 : i32
    %add3A_51 = arith.addi %mul3A_49, %add3A_50 : i32
    %run_scoped3A_52 = arith.constant 0 : i32
    "tpu.region"() ({
      %run_scoped3A_271 = tpu.sem_alloc : memref<!tpu.dma_semaphore, #tpu.memory_space<semaphore_mem>>
      %dma_start3A_272 = arith.constant 0 : i32
      %dma_start3A_273 = tpu.memref_slice %arg16[%run_scoped3A_52, %dma_start3A_272] : memref<4x80xf32, #tpu.memory_space<vmem>> -> memref<1x80xf32, #tpu.memory_space<vmem>>
      %dma_start3A_274 = tpu.memref_squeeze %dma_start3A_273 : memref<1x80xf32, #tpu.memory_space<vmem>> -> memref<80xf32, #tpu.memory_space<vmem>>
      %dma_start3A_275 = tpu.memref_slice %arg9[%add3A_51] : memref<10240xf32, #tpu.memory_space<vmem_shared>> -> memref<80xf32, #tpu.memory_space<vmem_shared>>
      %dma_start3A_276 = tpu.memref_slice %arg9[%add3A_51] : memref<10240xf32, #tpu.memory_space<vmem_shared>> -> memref<80xf32, #tpu.memory_space<vmem_shared>>
      %dma_start3A_277 = arith.constant 0 : i32
      %dma_start3A_278 = tpu.memref_slice %arg16[%run_scoped3A_52, %dma_start3A_277] : memref<4x80xf32, #tpu.memory_space<vmem>> -> memref<1x80xf32, #tpu.memory_space<vmem>>
      %dma_start3A_279 = tpu.memref_squeeze %dma_start3A_278 : memref<1x80xf32, #tpu.memory_space<vmem>> -> memref<80xf32, #tpu.memory_space<vmem>>
      tpu.enqueue_dma source(%dma_start3A_279 : memref<80xf32, #tpu.memory_space<vmem>>) target(%dma_start3A_276 : memref<80xf32, #tpu.memory_space<vmem_shared>>) target_semaphore(%run_scoped3A_271 : memref<!tpu.dma_semaphore, #tpu.memory_space<semaphore_mem>>)
      %dma_wait3A_280 = arith.constant 0 : i32
      %dma_wait3A_281 = tpu.memref_slice %arg16[%run_scoped3A_52, %dma_wait3A_280] : memref<4x80xf32, #tpu.memory_space<vmem>> -> memref<1x80xf32, #tpu.memory_space<vmem>>
      %dma_wait3A_282 = tpu.memref_squeeze %dma_wait3A_281 : memref<1x80xf32, #tpu.memory_space<vmem>> -> memref<80xf32, #tpu.memory_space<vmem>>
      %dma_wait3A_283 = tpu.memref_slice %arg9[%add3A_51] : memref<10240xf32, #tpu.memory_space<vmem_shared>> -> memref<80xf32, #tpu.memory_space<vmem_shared>>
      %dma_wait3A_284 = tpu.memref_slice %arg9[%add3A_51] : memref<10240xf32, #tpu.memory_space<vmem_shared>> -> memref<80xf32, #tpu.memory_space<vmem_shared>>
      %dma_wait3A_285 = arith.constant 0 : i32
      %dma_wait3A_286 = tpu.memref_slice %arg16[%run_scoped3A_52, %dma_wait3A_285] : memref<4x80xf32, #tpu.memory_space<vmem>> -> memref<1x80xf32, #tpu.memory_space<vmem>>
      %dma_wait3A_287 = tpu.memref_squeeze %dma_wait3A_286 : memref<1x80xf32, #tpu.memory_space<vmem>> -> memref<80xf32, #tpu.memory_space<vmem>>
      tpu.wait_dma2 semaphore(%run_scoped3A_271 : memref<!tpu.dma_semaphore, #tpu.memory_space<semaphore_mem>>) src(%dma_wait3A_287 : memref<80xf32, #tpu.memory_space<vmem>>) dst(%dma_wait3A_284 : memref<80xf32, #tpu.memory_space<vmem_shared>>)
      tpu.yield
    }) : () -> ()
    %mul3A_53 = arith.constant 640 : i32
    %mul3A_54 = arith.muli %arg1, %mul3A_53 : i32
    %add3A_55 = arith.constant 160 : i32
    %add3A_56 = arith.addi %mul3A_54, %add3A_55 : i32
    %run_scoped3A_57 = arith.constant 0 : i32
    "tpu.region"() ({
      %run_scoped3A_271 = tpu.sem_alloc : memref<!tpu.dma_semaphore, #tpu.memory_space<semaphore_mem>>
      %dma_start3A_272 = arith.constant 0 : i32
      %dma_start3A_273 = arith.constant 0 : i32
      %dma_start3A_274 = tpu.memref_slice %arg15[%run_scoped3A_57, %dma_start3A_272, %dma_start3A_273] : memref<4x80x128xf32, #tpu.memory_space<vmem>> -> memref<1x80x128xf32, #tpu.memory_space<vmem>>
      %dma_start3A_275 = tpu.memref_squeeze %dma_start3A_274 : memref<1x80x128xf32, #tpu.memory_space<vmem>> -> memref<80x128xf32, #tpu.memory_space<vmem>>
      %dma_start3A_276 = arith.constant 0 : i32
      %dma_start3A_277 = tpu.memref_slice %arg8[%add3A_56, %dma_start3A_276] : memref<10240x128xf32, #tpu.memory_space<vmem_shared>> -> memref<80x128xf32, #tpu.memory_space<vmem_shared>>
      %dma_start3A_278 = arith.constant 0 : i32
      %dma_start3A_279 = tpu.memref_slice %arg8[%add3A_56, %dma_start3A_278] : memref<10240x128xf32, #tpu.memory_space<vmem_shared>> -> memref<80x128xf32, #tpu.memory_space<vmem_shared>>
      %dma_start3A_280 = arith.constant 0 : i32
      %dma_start3A_281 = arith.constant 0 : i32
      %dma_start3A_282 = tpu.memref_slice %arg15[%run_scoped3A_57, %dma_start3A_280, %dma_start3A_281] : memref<4x80x128xf32, #tpu.memory_space<vmem>> -> memref<1x80x128xf32, #tpu.memory_space<vmem>>
      %dma_start3A_283 = tpu.memref_squeeze %dma_start3A_282 : memref<1x80x128xf32, #tpu.memory_space<vmem>> -> memref<80x128xf32, #tpu.memory_space<vmem>>
      tpu.enqueue_dma source(%dma_start3A_283 : memref<80x128xf32, #tpu.memory_space<vmem>>) target(%dma_start3A_279 : memref<80x128xf32, #tpu.memory_space<vmem_shared>>) target_semaphore(%run_scoped3A_271 : memref<!tpu.dma_semaphore, #tpu.memory_space<semaphore_mem>>)
      %dma_wait3A_284 = arith.constant 0 : i32
      %dma_wait3A_285 = arith.constant 0 : i32
      %dma_wait3A_286 = tpu.memref_slice %arg15[%run_scoped3A_57, %dma_wait3A_284, %dma_wait3A_285] : memref<4x80x128xf32, #tpu.memory_space<vmem>> -> memref<1x80x128xf32, #tpu.memory_space<vmem>>
      %dma_wait3A_287 = tpu.memref_squeeze %dma_wait3A_286 : memref<1x80x128xf32, #tpu.memory_space<vmem>> -> memref<80x128xf32, #tpu.memory_space<vmem>>
      %dma_wait3A_288 = arith.constant 0 : i32
      %dma_wait3A_289 = tpu.memref_slice %arg8[%add3A_56, %dma_wait3A_288] : memref<10240x128xf32, #tpu.memory_space<vmem_shared>> -> memref<80x128xf32, #tpu.memory_space<vmem_shared>>
      %dma_wait3A_290 = arith.constant 0 : i32
      %dma_wait3A_291 = tpu.memref_slice %arg8[%add3A_56, %dma_wait3A_290] : memref<10240x128xf32, #tpu.memory_space<vmem_shared>> -> memref<80x128xf32, #tpu.memory_space<vmem_shared>>
      %dma_wait3A_292 = arith.constant 0 : i32
      %dma_wait3A_293 = arith.constant 0 : i32
      %dma_wait3A_294 = tpu.memref_slice %arg15[%run_scoped3A_57, %dma_wait3A_292, %dma_wait3A_293] : memref<4x80x128xf32, #tpu.memory_space<vmem>> -> memref<1x80x128xf32, #tpu.memory_space<vmem>>
      %dma_wait3A_295 = tpu.memref_squeeze %dma_wait3A_294 : memref<1x80x128xf32, #tpu.memory_space<vmem>> -> memref<80x128xf32, #tpu.memory_space<vmem>>
      tpu.wait_dma2 semaphore(%run_scoped3A_271 : memref<!tpu.dma_semaphore, #tpu.memory_space<semaphore_mem>>) src(%dma_wait3A_295 : memref<80x128xf32, #tpu.memory_space<vmem>>) dst(%dma_wait3A_291 : memref<80x128xf32, #tpu.memory_space<vmem_shared>>)
      tpu.yield
    }) : () -> ()
    %mul3A_58 = arith.constant 640 : i32
    %mul3A_59 = arith.muli %arg1, %mul3A_58 : i32
    %add3A_60 = arith.constant 160 : i32
    %add3A_61 = arith.addi %mul3A_59, %add3A_60 : i32
    %run_scoped3A_62 = arith.constant 0 : i32
    "tpu.region"() ({
      %run_scoped3A_271 = tpu.sem_alloc : memref<!tpu.dma_semaphore, #tpu.memory_space<semaphore_mem>>
      %dma_start3A_272 = arith.constant 0 : i32
      %dma_start3A_273 = tpu.memref_slice %arg16[%run_scoped3A_62, %dma_start3A_272] : memref<4x80xf32, #tpu.memory_space<vmem>> -> memref<1x80xf32, #tpu.memory_space<vmem>>
      %dma_start3A_274 = tpu.memref_squeeze %dma_start3A_273 : memref<1x80xf32, #tpu.memory_space<vmem>> -> memref<80xf32, #tpu.memory_space<vmem>>
      %dma_start3A_275 = tpu.memref_slice %arg9[%add3A_61] : memref<10240xf32, #tpu.memory_space<vmem_shared>> -> memref<80xf32, #tpu.memory_space<vmem_shared>>
      %dma_start3A_276 = tpu.memref_slice %arg9[%add3A_61] : memref<10240xf32, #tpu.memory_space<vmem_shared>> -> memref<80xf32, #tpu.memory_space<vmem_shared>>
      %dma_start3A_277 = arith.constant 0 : i32
      %dma_start3A_278 = tpu.memref_slice %arg16[%run_scoped3A_62, %dma_start3A_277] : memref<4x80xf32, #tpu.memory_space<vmem>> -> memref<1x80xf32, #tpu.memory_space<vmem>>
      %dma_start3A_279 = tpu.memref_squeeze %dma_start3A_278 : memref<1x80xf32, #tpu.memory_space<vmem>> -> memref<80xf32, #tpu.memory_space<vmem>>
      tpu.enqueue_dma source(%dma_start3A_279 : memref<80xf32, #tpu.memory_space<vmem>>) target(%dma_start3A_276 : memref<80xf32, #tpu.memory_space<vmem_shared>>) target_semaphore(%run_scoped3A_271 : memref<!tpu.dma_semaphore, #tpu.memory_space<semaphore_mem>>)
      %dma_wait3A_280 = arith.constant 0 : i32
      %dma_wait3A_281 = tpu.memref_slice %arg16[%run_scoped3A_62, %dma_wait3A_280] : memref<4x80xf32, #tpu.memory_space<vmem>> -> memref<1x80xf32, #tpu.memory_space<vmem>>
      %dma_wait3A_282 = tpu.memref_squeeze %dma_wait3A_281 : memref<1x80xf32, #tpu.memory_space<vmem>> -> memref<80xf32, #tpu.memory_space<vmem>>
      %dma_wait3A_283 = tpu.memref_slice %arg9[%add3A_61] : memref<10240xf32, #tpu.memory_space<vmem_shared>> -> memref<80xf32, #tpu.memory_space<vmem_shared>>
      %dma_wait3A_284 = tpu.memref_slice %arg9[%add3A_61] : memref<10240xf32, #tpu.memory_space<vmem_shared>> -> memref<80xf32, #tpu.memory_space<vmem_shared>>
      %dma_wait3A_285 = arith.constant 0 : i32
      %dma_wait3A_286 = tpu.memref_slice %arg16[%run_scoped3A_62, %dma_wait3A_285] : memref<4x80xf32, #tpu.memory_space<vmem>> -> memref<1x80xf32, #tpu.memory_space<vmem>>
      %dma_wait3A_287 = tpu.memref_squeeze %dma_wait3A_286 : memref<1x80xf32, #tpu.memory_space<vmem>> -> memref<80xf32, #tpu.memory_space<vmem>>
      tpu.wait_dma2 semaphore(%run_scoped3A_271 : memref<!tpu.dma_semaphore, #tpu.memory_space<semaphore_mem>>) src(%dma_wait3A_287 : memref<80xf32, #tpu.memory_space<vmem>>) dst(%dma_wait3A_284 : memref<80xf32, #tpu.memory_space<vmem_shared>>)
      tpu.yield
    }) : () -> ()
    %mul3A_63 = arith.constant 640 : i32
    %mul3A_64 = arith.muli %arg1, %mul3A_63 : i32
    %add3A_65 = arith.constant 240 : i32
    %add3A_66 = arith.addi %mul3A_64, %add3A_65 : i32
    %run_scoped3A_67 = arith.constant 0 : i32
    "tpu.region"() ({
      %run_scoped3A_271 = tpu.sem_alloc : memref<!tpu.dma_semaphore, #tpu.memory_space<semaphore_mem>>
      %dma_start3A_272 = arith.constant 0 : i32
      %dma_start3A_273 = arith.constant 0 : i32
      %dma_start3A_274 = tpu.memref_slice %arg15[%run_scoped3A_67, %dma_start3A_272, %dma_start3A_273] : memref<4x80x128xf32, #tpu.memory_space<vmem>> -> memref<1x80x128xf32, #tpu.memory_space<vmem>>
      %dma_start3A_275 = tpu.memref_squeeze %dma_start3A_274 : memref<1x80x128xf32, #tpu.memory_space<vmem>> -> memref<80x128xf32, #tpu.memory_space<vmem>>
      %dma_start3A_276 = arith.constant 0 : i32
      %dma_start3A_277 = tpu.memref_slice %arg8[%add3A_66, %dma_start3A_276] : memref<10240x128xf32, #tpu.memory_space<vmem_shared>> -> memref<80x128xf32, #tpu.memory_space<vmem_shared>>
      %dma_start3A_278 = arith.constant 0 : i32
      %dma_start3A_279 = tpu.memref_slice %arg8[%add3A_66, %dma_start3A_278] : memref<10240x128xf32, #tpu.memory_space<vmem_shared>> -> memref<80x128xf32, #tpu.memory_space<vmem_shared>>
      %dma_start3A_280 = arith.constant 0 : i32
      %dma_start3A_281 = arith.constant 0 : i32
      %dma_start3A_282 = tpu.memref_slice %arg15[%run_scoped3A_67, %dma_start3A_280, %dma_start3A_281] : memref<4x80x128xf32, #tpu.memory_space<vmem>> -> memref<1x80x128xf32, #tpu.memory_space<vmem>>
      %dma_start3A_283 = tpu.memref_squeeze %dma_start3A_282 : memref<1x80x128xf32, #tpu.memory_space<vmem>> -> memref<80x128xf32, #tpu.memory_space<vmem>>
      tpu.enqueue_dma source(%dma_start3A_283 : memref<80x128xf32, #tpu.memory_space<vmem>>) target(%dma_start3A_279 : memref<80x128xf32, #tpu.memory_space<vmem_shared>>) target_semaphore(%run_scoped3A_271 : memref<!tpu.dma_semaphore, #tpu.memory_space<semaphore_mem>>)
      %dma_wait3A_284 = arith.constant 0 : i32
      %dma_wait3A_285 = arith.constant 0 : i32
      %dma_wait3A_286 = tpu.memref_slice %arg15[%run_scoped3A_67, %dma_wait3A_284, %dma_wait3A_285] : memref<4x80x128xf32, #tpu.memory_space<vmem>> -> memref<1x80x128xf32, #tpu.memory_space<vmem>>
      %dma_wait3A_287 = tpu.memref_squeeze %dma_wait3A_286 : memref<1x80x128xf32, #tpu.memory_space<vmem>> -> memref<80x128xf32, #tpu.memory_space<vmem>>
      %dma_wait3A_288 = arith.constant 0 : i32
      %dma_wait3A_289 = tpu.memref_slice %arg8[%add3A_66, %dma_wait3A_288] : memref<10240x128xf32, #tpu.memory_space<vmem_shared>> -> memref<80x128xf32, #tpu.memory_space<vmem_shared>>
      %dma_wait3A_290 = arith.constant 0 : i32
      %dma_wait3A_291 = tpu.memref_slice %arg8[%add3A_66, %dma_wait3A_290] : memref<10240x128xf32, #tpu.memory_space<vmem_shared>> -> memref<80x128xf32, #tpu.memory_space<vmem_shared>>
      %dma_wait3A_292 = arith.constant 0 : i32
      %dma_wait3A_293 = arith.constant 0 : i32
      %dma_wait3A_294 = tpu.memref_slice %arg15[%run_scoped3A_67, %dma_wait3A_292, %dma_wait3A_293] : memref<4x80x128xf32, #tpu.memory_space<vmem>> -> memref<1x80x128xf32, #tpu.memory_space<vmem>>
      %dma_wait3A_295 = tpu.memref_squeeze %dma_wait3A_294 : memref<1x80x128xf32, #tpu.memory_space<vmem>> -> memref<80x128xf32, #tpu.memory_space<vmem>>
      tpu.wait_dma2 semaphore(%run_scoped3A_271 : memref<!tpu.dma_semaphore, #tpu.memory_space<semaphore_mem>>) src(%dma_wait3A_295 : memref<80x128xf32, #tpu.memory_space<vmem>>) dst(%dma_wait3A_291 : memref<80x128xf32, #tpu.memory_space<vmem_shared>>)
      tpu.yield
    }) : () -> ()
    %mul3A_68 = arith.constant 640 : i32
    %mul3A_69 = arith.muli %arg1, %mul3A_68 : i32
    %add3A_70 = arith.constant 240 : i32
    %add3A_71 = arith.addi %mul3A_69, %add3A_70 : i32
    %run_scoped3A_72 = arith.constant 0 : i32
    "tpu.region"() ({
      %run_scoped3A_271 = tpu.sem_alloc : memref<!tpu.dma_semaphore, #tpu.memory_space<semaphore_mem>>
      %dma_start3A_272 = arith.constant 0 : i32
      %dma_start3A_273 = tpu.memref_slice %arg16[%run_scoped3A_72, %dma_start3A_272] : memref<4x80xf32, #tpu.memory_space<vmem>> -> memref<1x80xf32, #tpu.memory_space<vmem>>
      %dma_start3A_274 = tpu.memref_squeeze %dma_start3A_273 : memref<1x80xf32, #tpu.memory_space<vmem>> -> memref<80xf32, #tpu.memory_space<vmem>>
      %dma_start3A_275 = tpu.memref_slice %arg9[%add3A_71] : memref<10240xf32, #tpu.memory_space<vmem_shared>> -> memref<80xf32, #tpu.memory_space<vmem_shared>>
      %dma_start3A_276 = tpu.memref_slice %arg9[%add3A_71] : memref<10240xf32, #tpu.memory_space<vmem_shared>> -> memref<80xf32, #tpu.memory_space<vmem_shared>>
      %dma_start3A_277 = arith.constant 0 : i32
      %dma_start3A_278 = tpu.memref_slice %arg16[%run_scoped3A_72, %dma_start3A_277] : memref<4x80xf32, #tpu.memory_space<vmem>> -> memref<1x80xf32, #tpu.memory_space<vmem>>
      %dma_start3A_279 = tpu.memref_squeeze %dma_start3A_278 : memref<1x80xf32, #tpu.memory_space<vmem>> -> memref<80xf32, #tpu.memory_space<vmem>>
      tpu.enqueue_dma source(%dma_start3A_279 : memref<80xf32, #tpu.memory_space<vmem>>) target(%dma_start3A_276 : memref<80xf32, #tpu.memory_space<vmem_shared>>) target_semaphore(%run_scoped3A_271 : memref<!tpu.dma_semaphore, #tpu.memory_space<semaphore_mem>>)
      %dma_wait3A_280 = arith.constant 0 : i32
      %dma_wait3A_281 = tpu.memref_slice %arg16[%run_scoped3A_72, %dma_wait3A_280] : memref<4x80xf32, #tpu.memory_space<vmem>> -> memref<1x80xf32, #tpu.memory_space<vmem>>
      %dma_wait3A_282 = tpu.memref_squeeze %dma_wait3A_281 : memref<1x80xf32, #tpu.memory_space<vmem>> -> memref<80xf32, #tpu.memory_space<vmem>>
      %dma_wait3A_283 = tpu.memref_slice %arg9[%add3A_71] : memref<10240xf32, #tpu.memory_space<vmem_shared>> -> memref<80xf32, #tpu.memory_space<vmem_shared>>
      %dma_wait3A_284 = tpu.memref_slice %arg9[%add3A_71] : memref<10240xf32, #tpu.memory_space<vmem_shared>> -> memref<80xf32, #tpu.memory_space<vmem_shared>>
      %dma_wait3A_285 = arith.constant 0 : i32
      %dma_wait3A_286 = tpu.memref_slice %arg16[%run_scoped3A_72, %dma_wait3A_285] : memref<4x80xf32, #tpu.memory_space<vmem>> -> memref<1x80xf32, #tpu.memory_space<vmem>>
      %dma_wait3A_287 = tpu.memref_squeeze %dma_wait3A_286 : memref<1x80xf32, #tpu.memory_space<vmem>> -> memref<80xf32, #tpu.memory_space<vmem>>
      tpu.wait_dma2 semaphore(%run_scoped3A_271 : memref<!tpu.dma_semaphore, #tpu.memory_space<semaphore_mem>>) src(%dma_wait3A_287 : memref<80xf32, #tpu.memory_space<vmem>>) dst(%dma_wait3A_284 : memref<80xf32, #tpu.memory_space<vmem_shared>>)
      tpu.yield
    }) : () -> ()
    %mul3A_73 = arith.constant 640 : i32
    %mul3A_74 = arith.muli %arg1, %mul3A_73 : i32
    %add3A_75 = arith.constant 320 : i32
    %add3A_76 = arith.addi %mul3A_74, %add3A_75 : i32
    %run_scoped3A_77 = arith.constant 0 : i32
    "tpu.region"() ({
      %run_scoped3A_271 = tpu.sem_alloc : memref<!tpu.dma_semaphore, #tpu.memory_space<semaphore_mem>>
      %dma_start3A_272 = arith.constant 0 : i32
      %dma_start3A_273 = arith.constant 0 : i32
      %dma_start3A_274 = tpu.memref_slice %arg15[%run_scoped3A_77, %dma_start3A_272, %dma_start3A_273] : memref<4x80x128xf32, #tpu.memory_space<vmem>> -> memref<1x80x128xf32, #tpu.memory_space<vmem>>
      %dma_start3A_275 = tpu.memref_squeeze %dma_start3A_274 : memref<1x80x128xf32, #tpu.memory_space<vmem>> -> memref<80x128xf32, #tpu.memory_space<vmem>>
      %dma_start3A_276 = arith.constant 0 : i32
      %dma_start3A_277 = tpu.memref_slice %arg8[%add3A_76, %dma_start3A_276] : memref<10240x128xf32, #tpu.memory_space<vmem_shared>> -> memref<80x128xf32, #tpu.memory_space<vmem_shared>>
      %dma_start3A_278 = arith.constant 0 : i32
      %dma_start3A_279 = tpu.memref_slice %arg8[%add3A_76, %dma_start3A_278] : memref<10240x128xf32, #tpu.memory_space<vmem_shared>> -> memref<80x128xf32, #tpu.memory_space<vmem_shared>>
      %dma_start3A_280 = arith.constant 0 : i32
      %dma_start3A_281 = arith.constant 0 : i32
      %dma_start3A_282 = tpu.memref_slice %arg15[%run_scoped3A_77, %dma_start3A_280, %dma_start3A_281] : memref<4x80x128xf32, #tpu.memory_space<vmem>> -> memref<1x80x128xf32, #tpu.memory_space<vmem>>
      %dma_start3A_283 = tpu.memref_squeeze %dma_start3A_282 : memref<1x80x128xf32, #tpu.memory_space<vmem>> -> memref<80x128xf32, #tpu.memory_space<vmem>>
      tpu.enqueue_dma source(%dma_start3A_283 : memref<80x128xf32, #tpu.memory_space<vmem>>) target(%dma_start3A_279 : memref<80x128xf32, #tpu.memory_space<vmem_shared>>) target_semaphore(%run_scoped3A_271 : memref<!tpu.dma_semaphore, #tpu.memory_space<semaphore_mem>>)
      %dma_wait3A_284 = arith.constant 0 : i32
      %dma_wait3A_285 = arith.constant 0 : i32
      %dma_wait3A_286 = tpu.memref_slice %arg15[%run_scoped3A_77, %dma_wait3A_284, %dma_wait3A_285] : memref<4x80x128xf32, #tpu.memory_space<vmem>> -> memref<1x80x128xf32, #tpu.memory_space<vmem>>
      %dma_wait3A_287 = tpu.memref_squeeze %dma_wait3A_286 : memref<1x80x128xf32, #tpu.memory_space<vmem>> -> memref<80x128xf32, #tpu.memory_space<vmem>>
      %dma_wait3A_288 = arith.constant 0 : i32
      %dma_wait3A_289 = tpu.memref_slice %arg8[%add3A_76, %dma_wait3A_288] : memref<10240x128xf32, #tpu.memory_space<vmem_shared>> -> memref<80x128xf32, #tpu.memory_space<vmem_shared>>
      %dma_wait3A_290 = arith.constant 0 : i32
      %dma_wait3A_291 = tpu.memref_slice %arg8[%add3A_76, %dma_wait3A_290] : memref<10240x128xf32, #tpu.memory_space<vmem_shared>> -> memref<80x128xf32, #tpu.memory_space<vmem_shared>>
      %dma_wait3A_292 = arith.constant 0 : i32
      %dma_wait3A_293 = arith.constant 0 : i32
      %dma_wait3A_294 = tpu.memref_slice %arg15[%run_scoped3A_77, %dma_wait3A_292, %dma_wait3A_293] : memref<4x80x128xf32, #tpu.memory_space<vmem>> -> memref<1x80x128xf32, #tpu.memory_space<vmem>>
      %dma_wait3A_295 = tpu.memref_squeeze %dma_wait3A_294 : memref<1x80x128xf32, #tpu.memory_space<vmem>> -> memref<80x128xf32, #tpu.memory_space<vmem>>
      tpu.wait_dma2 semaphore(%run_scoped3A_271 : memref<!tpu.dma_semaphore, #tpu.memory_space<semaphore_mem>>) src(%dma_wait3A_295 : memref<80x128xf32, #tpu.memory_space<vmem>>) dst(%dma_wait3A_291 : memref<80x128xf32, #tpu.memory_space<vmem_shared>>)
      tpu.yield
    }) : () -> ()
    %mul3A_78 = arith.constant 640 : i32
    %mul3A_79 = arith.muli %arg1, %mul3A_78 : i32
    %add3A_80 = arith.constant 320 : i32
    %add3A_81 = arith.addi %mul3A_79, %add3A_80 : i32
    %run_scoped3A_82 = arith.constant 0 : i32
    "tpu.region"() ({
      %run_scoped3A_271 = tpu.sem_alloc : memref<!tpu.dma_semaphore, #tpu.memory_space<semaphore_mem>>
      %dma_start3A_272 = arith.constant 0 : i32
      %dma_start3A_273 = tpu.memref_slice %arg16[%run_scoped3A_82, %dma_start3A_272] : memref<4x80xf32, #tpu.memory_space<vmem>> -> memref<1x80xf32, #tpu.memory_space<vmem>>
      %dma_start3A_274 = tpu.memref_squeeze %dma_start3A_273 : memref<1x80xf32, #tpu.memory_space<vmem>> -> memref<80xf32, #tpu.memory_space<vmem>>
      %dma_start3A_275 = tpu.memref_slice %arg9[%add3A_81] : memref<10240xf32, #tpu.memory_space<vmem_shared>> -> memref<80xf32, #tpu.memory_space<vmem_shared>>
      %dma_start3A_276 = tpu.memref_slice %arg9[%add3A_81] : memref<10240xf32, #tpu.memory_space<vmem_shared>> -> memref<80xf32, #tpu.memory_space<vmem_shared>>
      %dma_start3A_277 = arith.constant 0 : i32
      %dma_start3A_278 = tpu.memref_slice %arg16[%run_scoped3A_82, %dma_start3A_277] : memref<4x80xf32, #tpu.memory_space<vmem>> -> memref<1x80xf32, #tpu.memory_space<vmem>>
      %dma_start3A_279 = tpu.memref_squeeze %dma_start3A_278 : memref<1x80xf32, #tpu.memory_space<vmem>> -> memref<80xf32, #tpu.memory_space<vmem>>
      tpu.enqueue_dma source(%dma_start3A_279 : memref<80xf32, #tpu.memory_space<vmem>>) target(%dma_start3A_276 : memref<80xf32, #tpu.memory_space<vmem_shared>>) target_semaphore(%run_scoped3A_271 : memref<!tpu.dma_semaphore, #tpu.memory_space<semaphore_mem>>)
      %dma_wait3A_280 = arith.constant 0 : i32
      %dma_wait3A_281 = tpu.memref_slice %arg16[%run_scoped3A_82, %dma_wait3A_280] : memref<4x80xf32, #tpu.memory_space<vmem>> -> memref<1x80xf32, #tpu.memory_space<vmem>>
      %dma_wait3A_282 = tpu.memref_squeeze %dma_wait3A_281 : memref<1x80xf32, #tpu.memory_space<vmem>> -> memref<80xf32, #tpu.memory_space<vmem>>
      %dma_wait3A_283 = tpu.memref_slice %arg9[%add3A_81] : memref<10240xf32, #tpu.memory_space<vmem_shared>> -> memref<80xf32, #tpu.memory_space<vmem_shared>>
      %dma_wait3A_284 = tpu.memref_slice %arg9[%add3A_81] : memref<10240xf32, #tpu.memory_space<vmem_shared>> -> memref<80xf32, #tpu.memory_space<vmem_shared>>
      %dma_wait3A_285 = arith.constant 0 : i32
      %dma_wait3A_286 = tpu.memref_slice %arg16[%run_scoped3A_82, %dma_wait3A_285] : memref<4x80xf32, #tpu.memory_space<vmem>> -> memref<1x80xf32, #tpu.memory_space<vmem>>
      %dma_wait3A_287 = tpu.memref_squeeze %dma_wait3A_286 : memref<1x80xf32, #tpu.memory_space<vmem>> -> memref<80xf32, #tpu.memory_space<vmem>>
      tpu.wait_dma2 semaphore(%run_scoped3A_271 : memref<!tpu.dma_semaphore, #tpu.memory_space<semaphore_mem>>) src(%dma_wait3A_287 : memref<80xf32, #tpu.memory_space<vmem>>) dst(%dma_wait3A_284 : memref<80xf32, #tpu.memory_space<vmem_shared>>)
      tpu.yield
    }) : () -> ()
    %mul3A_83 = arith.constant 640 : i32
    %mul3A_84 = arith.muli %arg1, %mul3A_83 : i32
    %add3A_85 = arith.constant 400 : i32
    %add3A_86 = arith.addi %mul3A_84, %add3A_85 : i32
    %run_scoped3A_87 = arith.constant 0 : i32
    "tpu.region"() ({
      %run_scoped3A_271 = tpu.sem_alloc : memref<!tpu.dma_semaphore, #tpu.memory_space<semaphore_mem>>
      %dma_start3A_272 = arith.constant 0 : i32
      %dma_start3A_273 = arith.constant 0 : i32
      %dma_start3A_274 = tpu.memref_slice %arg15[%run_scoped3A_87, %dma_start3A_272, %dma_start3A_273] : memref<4x80x128xf32, #tpu.memory_space<vmem>> -> memref<1x80x128xf32, #tpu.memory_space<vmem>>
      %dma_start3A_275 = tpu.memref_squeeze %dma_start3A_274 : memref<1x80x128xf32, #tpu.memory_space<vmem>> -> memref<80x128xf32, #tpu.memory_space<vmem>>
      %dma_start3A_276 = arith.constant 0 : i32
      %dma_start3A_277 = tpu.memref_slice %arg8[%add3A_86, %dma_start3A_276] : memref<10240x128xf32, #tpu.memory_space<vmem_shared>> -> memref<80x128xf32, #tpu.memory_space<vmem_shared>>
      %dma_start3A_278 = arith.constant 0 : i32
      %dma_start3A_279 = tpu.memref_slice %arg8[%add3A_86, %dma_start3A_278] : memref<10240x128xf32, #tpu.memory_space<vmem_shared>> -> memref<80x128xf32, #tpu.memory_space<vmem_shared>>
      %dma_start3A_280 = arith.constant 0 : i32
      %dma_start3A_281 = arith.constant 0 : i32
      %dma_start3A_282 = tpu.memref_slice %arg15[%run_scoped3A_87, %dma_start3A_280, %dma_start3A_281] : memref<4x80x128xf32, #tpu.memory_space<vmem>> -> memref<1x80x128xf32, #tpu.memory_space<vmem>>
      %dma_start3A_283 = tpu.memref_squeeze %dma_start3A_282 : memref<1x80x128xf32, #tpu.memory_space<vmem>> -> memref<80x128xf32, #tpu.memory_space<vmem>>
      tpu.enqueue_dma source(%dma_start3A_283 : memref<80x128xf32, #tpu.memory_space<vmem>>) target(%dma_start3A_279 : memref<80x128xf32, #tpu.memory_space<vmem_shared>>) target_semaphore(%run_scoped3A_271 : memref<!tpu.dma_semaphore, #tpu.memory_space<semaphore_mem>>)
      %dma_wait3A_284 = arith.constant 0 : i32
      %dma_wait3A_285 = arith.constant 0 : i32
      %dma_wait3A_286 = tpu.memref_slice %arg15[%run_scoped3A_87, %dma_wait3A_284, %dma_wait3A_285] : memref<4x80x128xf32, #tpu.memory_space<vmem>> -> memref<1x80x128xf32, #tpu.memory_space<vmem>>
      %dma_wait3A_287 = tpu.memref_squeeze %dma_wait3A_286 : memref<1x80x128xf32, #tpu.memory_space<vmem>> -> memref<80x128xf32, #tpu.memory_space<vmem>>
      %dma_wait3A_288 = arith.constant 0 : i32
      %dma_wait3A_289 = tpu.memref_slice %arg8[%add3A_86, %dma_wait3A_288] : memref<10240x128xf32, #tpu.memory_space<vmem_shared>> -> memref<80x128xf32, #tpu.memory_space<vmem_shared>>
      %dma_wait3A_290 = arith.constant 0 : i32
      %dma_wait3A_291 = tpu.memref_slice %arg8[%add3A_86, %dma_wait3A_290] : memref<10240x128xf32, #tpu.memory_space<vmem_shared>> -> memref<80x128xf32, #tpu.memory_space<vmem_shared>>
      %dma_wait3A_292 = arith.constant 0 : i32
      %dma_wait3A_293 = arith.constant 0 : i32
      %dma_wait3A_294 = tpu.memref_slice %arg15[%run_scoped3A_87, %dma_wait3A_292, %dma_wait3A_293] : memref<4x80x128xf32, #tpu.memory_space<vmem>> -> memref<1x80x128xf32, #tpu.memory_space<vmem>>
      %dma_wait3A_295 = tpu.memref_squeeze %dma_wait3A_294 : memref<1x80x128xf32, #tpu.memory_space<vmem>> -> memref<80x128xf32, #tpu.memory_space<vmem>>
      tpu.wait_dma2 semaphore(%run_scoped3A_271 : memref<!tpu.dma_semaphore, #tpu.memory_space<semaphore_mem>>) src(%dma_wait3A_295 : memref<80x128xf32, #tpu.memory_space<vmem>>) dst(%dma_wait3A_291 : memref<80x128xf32, #tpu.memory_space<vmem_shared>>)
      tpu.yield
    }) : () -> ()
    %mul3A_88 = arith.constant 640 : i32
    %mul3A_89 = arith.muli %arg1, %mul3A_88 : i32
    %add3A_90 = arith.constant 400 : i32
    %add3A_91 = arith.addi %mul3A_89, %add3A_90 : i32
    %run_scoped3A_92 = arith.constant 0 : i32
    "tpu.region"() ({
      %run_scoped3A_271 = tpu.sem_alloc : memref<!tpu.dma_semaphore, #tpu.memory_space<semaphore_mem>>
      %dma_start3A_272 = arith.constant 0 : i32
      %dma_start3A_273 = tpu.memref_slice %arg16[%run_scoped3A_92, %dma_start3A_272] : memref<4x80xf32, #tpu.memory_space<vmem>> -> memref<1x80xf32, #tpu.memory_space<vmem>>
      %dma_start3A_274 = tpu.memref_squeeze %dma_start3A_273 : memref<1x80xf32, #tpu.memory_space<vmem>> -> memref<80xf32, #tpu.memory_space<vmem>>
      %dma_start3A_275 = tpu.memref_slice %arg9[%add3A_91] : memref<10240xf32, #tpu.memory_space<vmem_shared>> -> memref<80xf32, #tpu.memory_space<vmem_shared>>
      %dma_start3A_276 = tpu.memref_slice %arg9[%add3A_91] : memref<10240xf32, #tpu.memory_space<vmem_shared>> -> memref<80xf32, #tpu.memory_space<vmem_shared>>
      %dma_start3A_277 = arith.constant 0 : i32
      %dma_start3A_278 = tpu.memref_slice %arg16[%run_scoped3A_92, %dma_start3A_277] : memref<4x80xf32, #tpu.memory_space<vmem>> -> memref<1x80xf32, #tpu.memory_space<vmem>>
      %dma_start3A_279 = tpu.memref_squeeze %dma_start3A_278 : memref<1x80xf32, #tpu.memory_space<vmem>> -> memref<80xf32, #tpu.memory_space<vmem>>
      tpu.enqueue_dma source(%dma_start3A_279 : memref<80xf32, #tpu.memory_space<vmem>>) target(%dma_start3A_276 : memref<80xf32, #tpu.memory_space<vmem_shared>>) target_semaphore(%run_scoped3A_271 : memref<!tpu.dma_semaphore, #tpu.memory_space<semaphore_mem>>)
      %dma_wait3A_280 = arith.constant 0 : i32
      %dma_wait3A_281 = tpu.memref_slice %arg16[%run_scoped3A_92, %dma_wait3A_280] : memref<4x80xf32, #tpu.memory_space<vmem>> -> memref<1x80xf32, #tpu.memory_space<vmem>>
      %dma_wait3A_282 = tpu.memref_squeeze %dma_wait3A_281 : memref<1x80xf32, #tpu.memory_space<vmem>> -> memref<80xf32, #tpu.memory_space<vmem>>
      %dma_wait3A_283 = tpu.memref_slice %arg9[%add3A_91] : memref<10240xf32, #tpu.memory_space<vmem_shared>> -> memref<80xf32, #tpu.memory_space<vmem_shared>>
      %dma_wait3A_284 = tpu.memref_slice %arg9[%add3A_91] : memref<10240xf32, #tpu.memory_space<vmem_shared>> -> memref<80xf32, #tpu.memory_space<vmem_shared>>
      %dma_wait3A_285 = arith.constant 0 : i32
      %dma_wait3A_286 = tpu.memref_slice %arg16[%run_scoped3A_92, %dma_wait3A_285] : memref<4x80xf32, #tpu.memory_space<vmem>> -> memref<1x80xf32, #tpu.memory_space<vmem>>
      %dma_wait3A_287 = tpu.memref_squeeze %dma_wait3A_286 : memref<1x80xf32, #tpu.memory_space<vmem>> -> memref<80xf32, #tpu.memory_space<vmem>>
      tpu.wait_dma2 semaphore(%run_scoped3A_271 : memref<!tpu.dma_semaphore, #tpu.memory_space<semaphore_mem>>) src(%dma_wait3A_287 : memref<80xf32, #tpu.memory_space<vmem>>) dst(%dma_wait3A_284 : memref<80xf32, #tpu.memory_space<vmem_shared>>)
      tpu.yield
    }) : () -> ()
    %mul3A_93 = arith.constant 640 : i32
    %mul3A_94 = arith.muli %arg1, %mul3A_93 : i32
    %add3A_95 = arith.constant 480 : i32
    %add3A_96 = arith.addi %mul3A_94, %add3A_95 : i32
    %run_scoped3A_97 = arith.constant 0 : i32
    "tpu.region"() ({
      %run_scoped3A_271 = tpu.sem_alloc : memref<!tpu.dma_semaphore, #tpu.memory_space<semaphore_mem>>
      %dma_start3A_272 = arith.constant 0 : i32
      %dma_start3A_273 = arith.constant 0 : i32
      %dma_start3A_274 = tpu.memref_slice %arg15[%run_scoped3A_97, %dma_start3A_272, %dma_start3A_273] : memref<4x80x128xf32, #tpu.memory_space<vmem>> -> memref<1x80x128xf32, #tpu.memory_space<vmem>>
      %dma_start3A_275 = tpu.memref_squeeze %dma_start3A_274 : memref<1x80x128xf32, #tpu.memory_space<vmem>> -> memref<80x128xf32, #tpu.memory_space<vmem>>
      %dma_start3A_276 = arith.constant 0 : i32
      %dma_start3A_277 = tpu.memref_slice %arg8[%add3A_96, %dma_start3A_276] : memref<10240x128xf32, #tpu.memory_space<vmem_shared>> -> memref<80x128xf32, #tpu.memory_space<vmem_shared>>
      %dma_start3A_278 = arith.constant 0 : i32
      %dma_start3A_279 = tpu.memref_slice %arg8[%add3A_96, %dma_start3A_278] : memref<10240x128xf32, #tpu.memory_space<vmem_shared>> -> memref<80x128xf32, #tpu.memory_space<vmem_shared>>
      %dma_start3A_280 = arith.constant 0 : i32
      %dma_start3A_281 = arith.constant 0 : i32
      %dma_start3A_282 = tpu.memref_slice %arg15[%run_scoped3A_97, %dma_start3A_280, %dma_start3A_281] : memref<4x80x128xf32, #tpu.memory_space<vmem>> -> memref<1x80x128xf32, #tpu.memory_space<vmem>>
      %dma_start3A_283 = tpu.memref_squeeze %dma_start3A_282 : memref<1x80x128xf32, #tpu.memory_space<vmem>> -> memref<80x128xf32, #tpu.memory_space<vmem>>
      tpu.enqueue_dma source(%dma_start3A_283 : memref<80x128xf32, #tpu.memory_space<vmem>>) target(%dma_start3A_279 : memref<80x128xf32, #tpu.memory_space<vmem_shared>>) target_semaphore(%run_scoped3A_271 : memref<!tpu.dma_semaphore, #tpu.memory_space<semaphore_mem>>)
      %dma_wait3A_284 = arith.constant 0 : i32
      %dma_wait3A_285 = arith.constant 0 : i32
      %dma_wait3A_286 = tpu.memref_slice %arg15[%run_scoped3A_97, %dma_wait3A_284, %dma_wait3A_285] : memref<4x80x128xf32, #tpu.memory_space<vmem>> -> memref<1x80x128xf32, #tpu.memory_space<vmem>>
      %dma_wait3A_287 = tpu.memref_squeeze %dma_wait3A_286 : memref<1x80x128xf32, #tpu.memory_space<vmem>> -> memref<80x128xf32, #tpu.memory_space<vmem>>
      %dma_wait3A_288 = arith.constant 0 : i32
      %dma_wait3A_289 = tpu.memref_slice %arg8[%add3A_96, %dma_wait3A_288] : memref<10240x128xf32, #tpu.memory_space<vmem_shared>> -> memref<80x128xf32, #tpu.memory_space<vmem_shared>>
      %dma_wait3A_290 = arith.constant 0 : i32
      %dma_wait3A_291 = tpu.memref_slice %arg8[%add3A_96, %dma_wait3A_290] : memref<10240x128xf32, #tpu.memory_space<vmem_shared>> -> memref<80x128xf32, #tpu.memory_space<vmem_shared>>
      %dma_wait3A_292 = arith.constant 0 : i32
      %dma_wait3A_293 = arith.constant 0 : i32
      %dma_wait3A_294 = tpu.memref_slice %arg15[%run_scoped3A_97, %dma_wait3A_292, %dma_wait3A_293] : memref<4x80x128xf32, #tpu.memory_space<vmem>> -> memref<1x80x128xf32, #tpu.memory_space<vmem>>
      %dma_wait3A_295 = tpu.memref_squeeze %dma_wait3A_294 : memref<1x80x128xf32, #tpu.memory_space<vmem>> -> memref<80x128xf32, #tpu.memory_space<vmem>>
      tpu.wait_dma2 semaphore(%run_scoped3A_271 : memref<!tpu.dma_semaphore, #tpu.memory_space<semaphore_mem>>) src(%dma_wait3A_295 : memref<80x128xf32, #tpu.memory_space<vmem>>) dst(%dma_wait3A_291 : memref<80x128xf32, #tpu.memory_space<vmem_shared>>)
      tpu.yield
    }) : () -> ()
    %mul3A_98 = arith.constant 640 : i32
    %mul3A_99 = arith.muli %arg1, %mul3A_98 : i32
    %add3A_100 = arith.constant 480 : i32
    %add3A_101 = arith.addi %mul3A_99, %add3A_100 : i32
    %run_scoped3A_102 = arith.constant 0 : i32
    "tpu.region"() ({
      %run_scoped3A_271 = tpu.sem_alloc : memref<!tpu.dma_semaphore, #tpu.memory_space<semaphore_mem>>
      %dma_start3A_272 = arith.constant 0 : i32
      %dma_start3A_273 = tpu.memref_slice %arg16[%run_scoped3A_102, %dma_start3A_272] : memref<4x80xf32, #tpu.memory_space<vmem>> -> memref<1x80xf32, #tpu.memory_space<vmem>>
      %dma_start3A_274 = tpu.memref_squeeze %dma_start3A_273 : memref<1x80xf32, #tpu.memory_space<vmem>> -> memref<80xf32, #tpu.memory_space<vmem>>
      %dma_start3A_275 = tpu.memref_slice %arg9[%add3A_101] : memref<10240xf32, #tpu.memory_space<vmem_shared>> -> memref<80xf32, #tpu.memory_space<vmem_shared>>
      %dma_start3A_276 = tpu.memref_slice %arg9[%add3A_101] : memref<10240xf32, #tpu.memory_space<vmem_shared>> -> memref<80xf32, #tpu.memory_space<vmem_shared>>
      %dma_start3A_277 = arith.constant 0 : i32
      %dma_start3A_278 = tpu.memref_slice %arg16[%run_scoped3A_102, %dma_start3A_277] : memref<4x80xf32, #tpu.memory_space<vmem>> -> memref<1x80xf32, #tpu.memory_space<vmem>>
      %dma_start3A_279 = tpu.memref_squeeze %dma_start3A_278 : memref<1x80xf32, #tpu.memory_space<vmem>> -> memref<80xf32, #tpu.memory_space<vmem>>
      tpu.enqueue_dma source(%dma_start3A_279 : memref<80xf32, #tpu.memory_space<vmem>>) target(%dma_start3A_276 : memref<80xf32, #tpu.memory_space<vmem_shared>>) target_semaphore(%run_scoped3A_271 : memref<!tpu.dma_semaphore, #tpu.memory_space<semaphore_mem>>)
      %dma_wait3A_280 = arith.constant 0 : i32
      %dma_wait3A_281 = tpu.memref_slice %arg16[%run_scoped3A_102, %dma_wait3A_280] : memref<4x80xf32, #tpu.memory_space<vmem>> -> memref<1x80xf32, #tpu.memory_space<vmem>>
      %dma_wait3A_282 = tpu.memref_squeeze %dma_wait3A_281 : memref<1x80xf32, #tpu.memory_space<vmem>> -> memref<80xf32, #tpu.memory_space<vmem>>
      %dma_wait3A_283 = tpu.memref_slice %arg9[%add3A_101] : memref<10240xf32, #tpu.memory_space<vmem_shared>> -> memref<80xf32, #tpu.memory_space<vmem_shared>>
      %dma_wait3A_284 = tpu.memref_slice %arg9[%add3A_101] : memref<10240xf32, #tpu.memory_space<vmem_shared>> -> memref<80xf32, #tpu.memory_space<vmem_shared>>
      %dma_wait3A_285 = arith.constant 0 : i32
      %dma_wait3A_286 = tpu.memref_slice %arg16[%run_scoped3A_102, %dma_wait3A_285] : memref<4x80xf32, #tpu.memory_space<vmem>> -> memref<1x80xf32, #tpu.memory_space<vmem>>
      %dma_wait3A_287 = tpu.memref_squeeze %dma_wait3A_286 : memref<1x80xf32, #tpu.memory_space<vmem>> -> memref<80xf32, #tpu.memory_space<vmem>>
      tpu.wait_dma2 semaphore(%run_scoped3A_271 : memref<!tpu.dma_semaphore, #tpu.memory_space<semaphore_mem>>) src(%dma_wait3A_287 : memref<80xf32, #tpu.memory_space<vmem>>) dst(%dma_wait3A_284 : memref<80xf32, #tpu.memory_space<vmem_shared>>)
      tpu.yield
    }) : () -> ()
    %mul3A_103 = arith.constant 640 : i32
    %mul3A_104 = arith.muli %arg1, %mul3A_103 : i32
    %add3A_105 = arith.constant 560 : i32
    %add3A_106 = arith.addi %mul3A_104, %add3A_105 : i32
    %run_scoped3A_107 = arith.constant 0 : i32
    "tpu.region"() ({
      %run_scoped3A_271 = tpu.sem_alloc : memref<!tpu.dma_semaphore, #tpu.memory_space<semaphore_mem>>
      %dma_start3A_272 = arith.constant 0 : i32
      %dma_start3A_273 = arith.constant 0 : i32
      %dma_start3A_274 = tpu.memref_slice %arg15[%run_scoped3A_107, %dma_start3A_272, %dma_start3A_273] : memref<4x80x128xf32, #tpu.memory_space<vmem>> -> memref<1x80x128xf32, #tpu.memory_space<vmem>>
      %dma_start3A_275 = tpu.memref_squeeze %dma_start3A_274 : memref<1x80x128xf32, #tpu.memory_space<vmem>> -> memref<80x128xf32, #tpu.memory_space<vmem>>
      %dma_start3A_276 = arith.constant 0 : i32
      %dma_start3A_277 = tpu.memref_slice %arg8[%add3A_106, %dma_start3A_276] : memref<10240x128xf32, #tpu.memory_space<vmem_shared>> -> memref<80x128xf32, #tpu.memory_space<vmem_shared>>
      %dma_start3A_278 = arith.constant 0 : i32
      %dma_start3A_279 = tpu.memref_slice %arg8[%add3A_106, %dma_start3A_278] : memref<10240x128xf32, #tpu.memory_space<vmem_shared>> -> memref<80x128xf32, #tpu.memory_space<vmem_shared>>
      %dma_start3A_280 = arith.constant 0 : i32
      %dma_start3A_281 = arith.constant 0 : i32
      %dma_start3A_282 = tpu.memref_slice %arg15[%run_scoped3A_107, %dma_start3A_280, %dma_start3A_281] : memref<4x80x128xf32, #tpu.memory_space<vmem>> -> memref<1x80x128xf32, #tpu.memory_space<vmem>>
      %dma_start3A_283 = tpu.memref_squeeze %dma_start3A_282 : memref<1x80x128xf32, #tpu.memory_space<vmem>> -> memref<80x128xf32, #tpu.memory_space<vmem>>
      tpu.enqueue_dma source(%dma_start3A_283 : memref<80x128xf32, #tpu.memory_space<vmem>>) target(%dma_start3A_279 : memref<80x128xf32, #tpu.memory_space<vmem_shared>>) target_semaphore(%run_scoped3A_271 : memref<!tpu.dma_semaphore, #tpu.memory_space<semaphore_mem>>)
      %dma_wait3A_284 = arith.constant 0 : i32
      %dma_wait3A_285 = arith.constant 0 : i32
      %dma_wait3A_286 = tpu.memref_slice %arg15[%run_scoped3A_107, %dma_wait3A_284, %dma_wait3A_285] : memref<4x80x128xf32, #tpu.memory_space<vmem>> -> memref<1x80x128xf32, #tpu.memory_space<vmem>>
      %dma_wait3A_287 = tpu.memref_squeeze %dma_wait3A_286 : memref<1x80x128xf32, #tpu.memory_space<vmem>> -> memref<80x128xf32, #tpu.memory_space<vmem>>
      %dma_wait3A_288 = arith.constant 0 : i32
      %dma_wait3A_289 = tpu.memref_slice %arg8[%add3A_106, %dma_wait3A_288] : memref<10240x128xf32, #tpu.memory_space<vmem_shared>> -> memref<80x128xf32, #tpu.memory_space<vmem_shared>>
      %dma_wait3A_290 = arith.constant 0 : i32
      %dma_wait3A_291 = tpu.memref_slice %arg8[%add3A_106, %dma_wait3A_290] : memref<10240x128xf32, #tpu.memory_space<vmem_shared>> -> memref<80x128xf32, #tpu.memory_space<vmem_shared>>
      %dma_wait3A_292 = arith.constant 0 : i32
      %dma_wait3A_293 = arith.constant 0 : i32
      %dma_wait3A_294 = tpu.memref_slice %arg15[%run_scoped3A_107, %dma_wait3A_292, %dma_wait3A_293] : memref<4x80x128xf32, #tpu.memory_space<vmem>> -> memref<1x80x128xf32, #tpu.memory_space<vmem>>
      %dma_wait3A_295 = tpu.memref_squeeze %dma_wait3A_294 : memref<1x80x128xf32, #tpu.memory_space<vmem>> -> memref<80x128xf32, #tpu.memory_space<vmem>>
      tpu.wait_dma2 semaphore(%run_scoped3A_271 : memref<!tpu.dma_semaphore, #tpu.memory_space<semaphore_mem>>) src(%dma_wait3A_295 : memref<80x128xf32, #tpu.memory_space<vmem>>) dst(%dma_wait3A_291 : memref<80x128xf32, #tpu.memory_space<vmem_shared>>)
      tpu.yield
    }) : () -> ()
    %mul3A_108 = arith.constant 640 : i32
    %mul3A_109 = arith.muli %arg1, %mul3A_108 : i32
    %add3A_110 = arith.constant 560 : i32
    %add3A_111 = arith.addi %mul3A_109, %add3A_110 : i32
    %run_scoped3A_112 = arith.constant 0 : i32
    "tpu.region"() ({
      %run_scoped3A_271 = tpu.sem_alloc : memref<!tpu.dma_semaphore, #tpu.memory_space<semaphore_mem>>
      %dma_start3A_272 = arith.constant 0 : i32
      %dma_start3A_273 = tpu.memref_slice %arg16[%run_scoped3A_112, %dma_start3A_272] : memref<4x80xf32, #tpu.memory_space<vmem>> -> memref<1x80xf32, #tpu.memory_space<vmem>>
      %dma_start3A_274 = tpu.memref_squeeze %dma_start3A_273 : memref<1x80xf32, #tpu.memory_space<vmem>> -> memref<80xf32, #tpu.memory_space<vmem>>
      %dma_start3A_275 = tpu.memref_slice %arg9[%add3A_111] : memref<10240xf32, #tpu.memory_space<vmem_shared>> -> memref<80xf32, #tpu.memory_space<vmem_shared>>
      %dma_start3A_276 = tpu.memref_slice %arg9[%add3A_111] : memref<10240xf32, #tpu.memory_space<vmem_shared>> -> memref<80xf32, #tpu.memory_space<vmem_shared>>
      %dma_start3A_277 = arith.constant 0 : i32
      %dma_start3A_278 = tpu.memref_slice %arg16[%run_scoped3A_112, %dma_start3A_277] : memref<4x80xf32, #tpu.memory_space<vmem>> -> memref<1x80xf32, #tpu.memory_space<vmem>>
      %dma_start3A_279 = tpu.memref_squeeze %dma_start3A_278 : memref<1x80xf32, #tpu.memory_space<vmem>> -> memref<80xf32, #tpu.memory_space<vmem>>
      tpu.enqueue_dma source(%dma_start3A_279 : memref<80xf32, #tpu.memory_space<vmem>>) target(%dma_start3A_276 : memref<80xf32, #tpu.memory_space<vmem_shared>>) target_semaphore(%run_scoped3A_271 : memref<!tpu.dma_semaphore, #tpu.memory_space<semaphore_mem>>)
      %dma_wait3A_280 = arith.constant 0 : i32
      %dma_wait3A_281 = tpu.memref_slice %arg16[%run_scoped3A_112, %dma_wait3A_280] : memref<4x80xf32, #tpu.memory_space<vmem>> -> memref<1x80xf32, #tpu.memory_space<vmem>>
      %dma_wait3A_282 = tpu.memref_squeeze %dma_wait3A_281 : memref<1x80xf32, #tpu.memory_space<vmem>> -> memref<80xf32, #tpu.memory_space<vmem>>
      %dma_wait3A_283 = tpu.memref_slice %arg9[%add3A_111] : memref<10240xf32, #tpu.memory_space<vmem_shared>> -> memref<80xf32, #tpu.memory_space<vmem_shared>>
      %dma_wait3A_284 = tpu.memref_slice %arg9[%add3A_111] : memref<10240xf32, #tpu.memory_space<vmem_shared>> -> memref<80xf32, #tpu.memory_space<vmem_shared>>
      %dma_wait3A_285 = arith.constant 0 : i32
      %dma_wait3A_286 = tpu.memref_slice %arg16[%run_scoped3A_112, %dma_wait3A_285] : memref<4x80xf32, #tpu.memory_space<vmem>> -> memref<1x80xf32, #tpu.memory_space<vmem>>
      %dma_wait3A_287 = tpu.memref_squeeze %dma_wait3A_286 : memref<1x80xf32, #tpu.memory_space<vmem>> -> memref<80xf32, #tpu.memory_space<vmem>>
      tpu.wait_dma2 semaphore(%run_scoped3A_271 : memref<!tpu.dma_semaphore, #tpu.memory_space<semaphore_mem>>) src(%dma_wait3A_287 : memref<80xf32, #tpu.memory_space<vmem>>) dst(%dma_wait3A_284 : memref<80xf32, #tpu.memory_space<vmem_shared>>)
      tpu.yield
    }) : () -> ()
    %barrier3A = arith.constant 0 : index
    tpu.barrier barrier_id(%barrier3A)
    %mul3A_113 = arith.constant 128 : i32
    %mul3A_114 = arith.muli %add3A, %mul3A_113 : i32
    %add3A_115 = arith.constant 0 : i32
    %add3A_116 = arith.addi %mul3A_114, %add3A_115 : i32
    %dma_start3A = arith.constant 0 : i32
    %dma_start3A_117 = arith.constant 0 : i32
    %dma_start3A_118 = arith.constant 0 : i32
    %dma_start3A_119 = tpu.memref_slice %arg12[%dma_start3A, %dma_start3A_117, %dma_start3A_118] : memref<4x2x80xi32, #tpu.memory_space<vmem>> -> memref<1x2x80xi32, #tpu.memory_space<vmem>>
    %dma_start3A_120 = tpu.memref_squeeze %dma_start3A_119 : memref<1x2x80xi32, #tpu.memory_space<vmem>> -> memref<2x80xi32, #tpu.memory_space<vmem>>
    %dma_start3A_121 = arith.constant 0 : i32
    %dma_start3A_122 = arith.constant 0 : i32
    %dma_start3A_123 = tpu.memref_slice %arg5[%add3A_116, %dma_start3A_121, %dma_start3A_122] : memref<4096x2x80xi32, #tpu.memory_space<hbm>> -> memref<1x2x80xi32, #tpu.memory_space<hbm>>
    %dma_start3A_124 = tpu.memref_squeeze %dma_start3A_123 : memref<1x2x80xi32, #tpu.memory_space<hbm>> -> memref<2x80xi32, #tpu.memory_space<hbm>>
    %dma_start3A_125 = arith.constant 0 : i32
    %dma_start3A_126 = arith.constant 0 : i32
    %dma_start3A_127 = tpu.memref_slice %arg12[%dma_start3A, %dma_start3A_125, %dma_start3A_126] : memref<4x2x80xi32, #tpu.memory_space<vmem>> -> memref<1x2x80xi32, #tpu.memory_space<vmem>>
    %dma_start3A_128 = tpu.memref_squeeze %dma_start3A_127 : memref<1x2x80xi32, #tpu.memory_space<vmem>> -> memref<2x80xi32, #tpu.memory_space<vmem>>
    %dma_start3A_129 = arith.constant 0 : i32
    %dma_start3A_130 = arith.constant 0 : i32
    %dma_start3A_131 = tpu.memref_slice %arg5[%add3A_116, %dma_start3A_129, %dma_start3A_130] : memref<4096x2x80xi32, #tpu.memory_space<hbm>> -> memref<1x2x80xi32, #tpu.memory_space<hbm>>
    %dma_start3A_132 = tpu.memref_squeeze %dma_start3A_131 : memref<1x2x80xi32, #tpu.memory_space<hbm>> -> memref<2x80xi32, #tpu.memory_space<hbm>>
    tpu.enqueue_dma source(%dma_start3A_132 : memref<2x80xi32, #tpu.memory_space<hbm>>) target(%dma_start3A_128 : memref<2x80xi32, #tpu.memory_space<vmem>>) target_semaphore(%arg17 : memref<!tpu.dma_semaphore, #tpu.memory_space<semaphore_mem>>)
    %mul3A_133 = arith.constant 128 : i32
    %mul3A_134 = arith.muli %add3A, %mul3A_133 : i32
    %add3A_135 = arith.constant 1 : i32
    %add3A_136 = arith.addi %mul3A_134, %add3A_135 : i32
    %dma_start3A_137 = arith.constant 1 : i32
    %dma_start3A_138 = arith.constant 0 : i32
    %dma_start3A_139 = arith.constant 0 : i32
    %dma_start3A_140 = tpu.memref_slice %arg12[%dma_start3A_137, %dma_start3A_138, %dma_start3A_139] : memref<4x2x80xi32, #tpu.memory_space<vmem>> -> memref<1x2x80xi32, #tpu.memory_space<vmem>>
    %dma_start3A_141 = tpu.memref_squeeze %dma_start3A_140 : memref<1x2x80xi32, #tpu.memory_space<vmem>> -> memref<2x80xi32, #tpu.memory_space<vmem>>
    %dma_start3A_142 = arith.constant 0 : i32
    %dma_start3A_143 = arith.constant 0 : i32
    %dma_start3A_144 = tpu.memref_slice %arg5[%add3A_136, %dma_start3A_142, %dma_start3A_143] : memref<4096x2x80xi32, #tpu.memory_space<hbm>> -> memref<1x2x80xi32, #tpu.memory_space<hbm>>
    %dma_start3A_145 = tpu.memref_squeeze %dma_start3A_144 : memref<1x2x80xi32, #tpu.memory_space<hbm>> -> memref<2x80xi32, #tpu.memory_space<hbm>>
    %dma_start3A_146 = arith.constant 0 : i32
    %dma_start3A_147 = arith.constant 0 : i32
    %dma_start3A_148 = tpu.memref_slice %arg12[%dma_start3A_137, %dma_start3A_146, %dma_start3A_147] : memref<4x2x80xi32, #tpu.memory_space<vmem>> -> memref<1x2x80xi32, #tpu.memory_space<vmem>>
    %dma_start3A_149 = tpu.memref_squeeze %dma_start3A_148 : memref<1x2x80xi32, #tpu.memory_space<vmem>> -> memref<2x80xi32, #tpu.memory_space<vmem>>
    %dma_start3A_150 = arith.constant 0 : i32
    %dma_start3A_151 = arith.constant 0 : i32
    %dma_start3A_152 = tpu.memref_slice %arg5[%add3A_136, %dma_start3A_150, %dma_start3A_151] : memref<4096x2x80xi32, #tpu.memory_space<hbm>> -> memref<1x2x80xi32, #tpu.memory_space<hbm>>
    %dma_start3A_153 = tpu.memref_squeeze %dma_start3A_152 : memref<1x2x80xi32, #tpu.memory_space<hbm>> -> memref<2x80xi32, #tpu.memory_space<hbm>>
    tpu.enqueue_dma source(%dma_start3A_153 : memref<2x80xi32, #tpu.memory_space<hbm>>) target(%dma_start3A_149 : memref<2x80xi32, #tpu.memory_space<vmem>>) target_semaphore(%arg18 : memref<!tpu.dma_semaphore, #tpu.memory_space<semaphore_mem>>)
    %dma_wait3A = arith.constant 0 : i32
    %dma_wait3A_154 = arith.constant 0 : i32
    %dma_wait3A_155 = arith.constant 0 : i32
    %dma_wait3A_156 = arith.constant 0 : i32
    %dma_wait3A_157 = tpu.memref_slice %arg12[%dma_wait3A_154, %dma_wait3A_155, %dma_wait3A_156] : memref<4x2x80xi32, #tpu.memory_space<vmem>> -> memref<1x2x80xi32, #tpu.memory_space<vmem>>
    %dma_wait3A_158 = tpu.memref_squeeze %dma_wait3A_157 : memref<1x2x80xi32, #tpu.memory_space<vmem>> -> memref<2x80xi32, #tpu.memory_space<vmem>>
    %dma_wait3A_159 = arith.constant 0 : i32
    %dma_wait3A_160 = arith.constant 0 : i32
    %dma_wait3A_161 = tpu.memref_slice %arg5[%dma_wait3A, %dma_wait3A_159, %dma_wait3A_160] : memref<4096x2x80xi32, #tpu.memory_space<hbm>> -> memref<1x2x80xi32, #tpu.memory_space<hbm>>
    %dma_wait3A_162 = tpu.memref_squeeze %dma_wait3A_161 : memref<1x2x80xi32, #tpu.memory_space<hbm>> -> memref<2x80xi32, #tpu.memory_space<hbm>>
    %dma_wait3A_163 = arith.constant 0 : i32
    %dma_wait3A_164 = arith.constant 0 : i32
    %dma_wait3A_165 = tpu.memref_slice %arg12[%dma_wait3A_154, %dma_wait3A_163, %dma_wait3A_164] : memref<4x2x80xi32, #tpu.memory_space<vmem>> -> memref<1x2x80xi32, #tpu.memory_space<vmem>>
    %dma_wait3A_166 = tpu.memref_squeeze %dma_wait3A_165 : memref<1x2x80xi32, #tpu.memory_space<vmem>> -> memref<2x80xi32, #tpu.memory_space<vmem>>
    %dma_wait3A_167 = arith.constant 0 : i32
    %dma_wait3A_168 = arith.constant 0 : i32
    %dma_wait3A_169 = tpu.memref_slice %arg5[%dma_wait3A, %dma_wait3A_167, %dma_wait3A_168] : memref<4096x2x80xi32, #tpu.memory_space<hbm>> -> memref<1x2x80xi32, #tpu.memory_space<hbm>>
    %dma_wait3A_170 = tpu.memref_squeeze %dma_wait3A_169 : memref<1x2x80xi32, #tpu.memory_space<hbm>> -> memref<2x80xi32, #tpu.memory_space<hbm>>
    tpu.wait_dma2 semaphore(%arg17 : memref<!tpu.dma_semaphore, #tpu.memory_space<semaphore_mem>>) src(%dma_wait3A_170 : memref<2x80xi32, #tpu.memory_space<hbm>>) dst(%dma_wait3A_166 : memref<2x80xi32, #tpu.memory_space<vmem>>)
    %dma_start3A_171 = arith.constant 0 : i32
    %dma_start3A_172 = arith.constant 0 : i32
    %dma_start3A_173 = arith.constant 0 : i32
    %dma_start3A_174 = arith.constant 0 : i32
    %dma_start3A_175 = tpu.memref_slice %arg13[%dma_start3A_173, %dma_start3A_174] : memref<4x80xf32, #tpu.memory_space<vmem>> -> memref<1x80xf32, #tpu.memory_space<vmem>>
    %dma_start3A_176 = tpu.memref_squeeze %dma_start3A_175 : memref<1x80xf32, #tpu.memory_space<vmem>> -> memref<80xf32, #tpu.memory_space<vmem>>
    %dma_start3A_177 = arith.constant 0 : i32
    %dma_start3A_178 = tpu.memref_slice %arg12[%dma_start3A_171, %dma_start3A_172, %dma_start3A_177] : memref<4x2x80xi32, #tpu.memory_space<vmem>> -> memref<1x1x80xi32, #tpu.memory_space<vmem>>
    %dma_start3A_179 = tpu.memref_squeeze %dma_start3A_178 : memref<1x1x80xi32, #tpu.memory_space<vmem>> -> memref<80xi32, #tpu.memory_space<vmem>>
    %dma_start3A_180 = arith.constant 0 : i32
    %dma_start3A_181 = tpu.memref_slice %arg10[%dma_start3A_180] : memref<10000xf32, #tpu.memory_space<vmem_shared>> -> memref<10000xf32, #tpu.memory_space<vmem_shared>>
    tpu.enqueue_indirect_dma source(%dma_start3A_181 : memref<10000xf32, #tpu.memory_space<vmem_shared>>) target(%dma_start3A_176 : memref<80xf32, #tpu.memory_space<vmem>>) offsets(%dma_start3A_179 : memref<80xi32, #tpu.memory_space<vmem>>) semaphore(%arg21 : memref<!tpu.dma_semaphore, #tpu.memory_space<semaphore_mem>>)
    %dma_start3A_182 = arith.constant 0 : i32
    %dma_start3A_183 = arith.constant 1 : i32
    %dma_start3A_184 = arith.constant 0 : i32
    %dma_start3A_185 = arith.constant 0 : i32
    %dma_start3A_186 = tpu.memref_slice %arg14[%dma_start3A_184, %dma_start3A_185] : memref<4x80xf32, #tpu.memory_space<vmem>> -> memref<1x80xf32, #tpu.memory_space<vmem>>
    %dma_start3A_187 = tpu.memref_squeeze %dma_start3A_186 : memref<1x80xf32, #tpu.memory_space<vmem>> -> memref<80xf32, #tpu.memory_space<vmem>>
    %dma_start3A_188 = arith.constant 0 : i32
    %dma_start3A_189 = tpu.memref_slice %arg12[%dma_start3A_182, %dma_start3A_183, %dma_start3A_188] : memref<4x2x80xi32, #tpu.memory_space<vmem>> -> memref<1x1x80xi32, #tpu.memory_space<vmem>>
    %dma_start3A_190 = tpu.memref_squeeze %dma_start3A_189 : memref<1x1x80xi32, #tpu.memory_space<vmem>> -> memref<80xi32, #tpu.memory_space<vmem>>
    %dma_start3A_191 = arith.constant 0 : i32
    %dma_start3A_192 = tpu.memref_slice %arg11[%dma_start3A_191] : memref<10000xf32, #tpu.memory_space<vmem_shared>> -> memref<10000xf32, #tpu.memory_space<vmem_shared>>
    tpu.enqueue_indirect_dma source(%dma_start3A_192 : memref<10000xf32, #tpu.memory_space<vmem_shared>>) target(%dma_start3A_187 : memref<80xf32, #tpu.memory_space<vmem>>) offsets(%dma_start3A_190 : memref<80xi32, #tpu.memory_space<vmem>>) semaphore(%arg21 : memref<!tpu.dma_semaphore, #tpu.memory_space<semaphore_mem>>)
    %dma_start3A_193 = arith.constant 0 : i32
    %dma_start3A_194 = arith.constant 0 : i32
    %dma_start3A_195 = arith.constant 0 : i32
    %dma_start3A_196 = arith.constant 0 : i32
    %dma_start3A_197 = arith.constant 0 : i32
    %dma_start3A_198 = tpu.memref_slice %arg15[%dma_start3A_195, %dma_start3A_196, %dma_start3A_197] : memref<4x80x128xf32, #tpu.memory_space<vmem>> -> memref<1x80x128xf32, #tpu.memory_space<vmem>>
    %dma_start3A_199 = tpu.memref_squeeze %dma_start3A_198 : memref<1x80x128xf32, #tpu.memory_space<vmem>> -> memref<80x128xf32, #tpu.memory_space<vmem>>
    %dma_start3A_200 = arith.constant 0 : i32
    %dma_start3A_201 = tpu.memref_slice %arg12[%dma_start3A_193, %dma_start3A_194, %dma_start3A_200] : memref<4x2x80xi32, #tpu.memory_space<vmem>> -> memref<1x1x80xi32, #tpu.memory_space<vmem>>
    %dma_start3A_202 = tpu.memref_squeeze %dma_start3A_201 : memref<1x1x80xi32, #tpu.memory_space<vmem>> -> memref<80xi32, #tpu.memory_space<vmem>>
    %dma_start3A_203 = arith.constant 0 : i32
    %dma_start3A_204 = arith.constant 0 : i32
    %dma_start3A_205 = tpu.memref_slice %arg2[%dma_start3A_203, %dma_start3A_204] : memref<10000x128xf32, #tpu.memory_space<hbm>> -> memref<10000x128xf32, #tpu.memory_space<hbm>>
    tpu.enqueue_indirect_dma source(%dma_start3A_205 : memref<10000x128xf32, #tpu.memory_space<hbm>>) target(%dma_start3A_199 : memref<80x128xf32, #tpu.memory_space<vmem>>) offsets(%dma_start3A_202 : memref<80xi32, #tpu.memory_space<vmem>>) semaphore(%arg25 : memref<!tpu.dma_semaphore, #tpu.memory_space<semaphore_mem>>)
    %scan3A_206 = arith.constant 0 : i32
    %scan3A_207 = arith.constant 0 : i32
    %scan3A_208 = arith.constant 32 : i32
    %scan3A_209 = arith.addi %scan3A_207, %scan3A_208 : i32
    %scan3A_210 = arith.constant 1 : i32
    %scan3A_211 = scf.for %scan3A_271 = %scan3A_207 to %scan3A_209 step %scan3A_210 iter_args(%scan3A_272 = %scan3A_206) -> (i32)  : i32 {
      %mul3A_273 = arith.constant 4 : i32
      %mul3A_274 = arith.muli %mul3A_273, %scan3A_271 : i32
      %add3A_275 = arith.constant 0 : i32
      %add3A_276 = arith.addi %mul3A_274, %add3A_275 : i32
      %gt3A = arith.constant 0 : i32
      %gt3A_277 = arith.cmpi sgt, %scan3A_271, %gt3A : i32
      %convert_element_type3A_278 = arith.extui %gt3A_277 : i1 to i32
      %cond3A_279 = arith.constant 0 : i32
      %cond3A_280 = arith.cmpi ne, %convert_element_type3A_278, %cond3A_279 : i32
      scf.if %cond3A_280 {
        %dma_wait3A_1486 = arith.constant 2 : i32
        %dma_wait3A_1487 = arith.constant 2 : i32
        %dma_wait3A_1488 = arith.constant 1 : i32
        %dma_wait3A_1489 = arith.constant 0 : i32
        %dma_wait3A_1490 = arith.constant 0 : i32
        %dma_wait3A_1491 = tpu.memref_slice %arg15[%dma_wait3A_1486, %dma_wait3A_1489, %dma_wait3A_1490] : memref<4x80x128xf32, #tpu.memory_space<vmem>> -> memref<1x80x128xf32, #tpu.memory_space<vmem>>
        %dma_wait3A_1492 = tpu.memref_squeeze %dma_wait3A_1491 : memref<1x80x128xf32, #tpu.memory_space<vmem>> -> memref<80x128xf32, #tpu.memory_space<vmem>>
        %dma_wait3A_1493 = arith.constant 0 : i32
        %dma_wait3A_1494 = tpu.memref_slice %arg12[%dma_wait3A_1487, %dma_wait3A_1488, %dma_wait3A_1493] : memref<4x2x80xi32, #tpu.memory_space<vmem>> -> memref<1x1x80xi32, #tpu.memory_space<vmem>>
        %dma_wait3A_1495 = tpu.memref_squeeze %dma_wait3A_1494 : memref<1x1x80xi32, #tpu.memory_space<vmem>> -> memref<80xi32, #tpu.memory_space<vmem>>
        %dma_wait3A_1496 = arith.constant 0 : i32
        %dma_wait3A_1497 = arith.constant 0 : i32
        %dma_wait3A_1498 = tpu.memref_slice %arg8[%dma_wait3A_1496, %dma_wait3A_1497] : memref<10240x128xf32, #tpu.memory_space<vmem_shared>> -> memref<10240x128xf32, #tpu.memory_space<vmem_shared>>
        tpu.wait_indirect_dma semaphore(%arg31 : memref<!tpu.dma_semaphore, #tpu.memory_space<semaphore_mem>>) src(%dma_wait3A_1492 : memref<80x128xf32, #tpu.memory_space<vmem>>) dst(%dma_wait3A_1498 : memref<10240x128xf32, #tpu.memory_space<vmem_shared>>)
        %dma_wait3A_1499 = arith.constant 2 : i32
        %dma_wait3A_1500 = arith.constant 2 : i32
        %dma_wait3A_1501 = arith.constant 1 : i32
        %dma_wait3A_1502 = arith.constant 0 : i32
        %dma_wait3A_1503 = tpu.memref_slice %arg16[%dma_wait3A_1499, %dma_wait3A_1502] : memref<4x80xf32, #tpu.memory_space<vmem>> -> memref<1x80xf32, #tpu.memory_space<vmem>>
        %dma_wait3A_1504 = tpu.memref_squeeze %dma_wait3A_1503 : memref<1x80xf32, #tpu.memory_space<vmem>> -> memref<80xf32, #tpu.memory_space<vmem>>
        %dma_wait3A_1505 = arith.constant 0 : i32
        %dma_wait3A_1506 = tpu.memref_slice %arg12[%dma_wait3A_1500, %dma_wait3A_1501, %dma_wait3A_1505] : memref<4x2x80xi32, #tpu.memory_space<vmem>> -> memref<1x1x80xi32, #tpu.memory_space<vmem>>
        %dma_wait3A_1507 = tpu.memref_squeeze %dma_wait3A_1506 : memref<1x1x80xi32, #tpu.memory_space<vmem>> -> memref<80xi32, #tpu.memory_space<vmem>>
        %dma_wait3A_1508 = arith.constant 0 : i32
        %dma_wait3A_1509 = tpu.memref_slice %arg9[%dma_wait3A_1508] : memref<10240xf32, #tpu.memory_space<vmem_shared>> -> memref<10240xf32, #tpu.memory_space<vmem_shared>>
        tpu.wait_indirect_dma semaphore(%arg31 : memref<!tpu.dma_semaphore, #tpu.memory_space<semaphore_mem>>) src(%dma_wait3A_1504 : memref<80xf32, #tpu.memory_space<vmem>>) dst(%dma_wait3A_1509 : memref<10240xf32, #tpu.memory_space<vmem_shared>>)
      } else {
      }
      %add3A_281 = arith.constant 2 : i32
      %add3A_282 = arith.addi %add3A_276, %add3A_281 : i32
      %mul3A_283 = arith.constant 128 : i32
      %mul3A_284 = arith.muli %add3A, %mul3A_283 : i32
      %add3A_285 = arith.addi %mul3A_284, %add3A_282 : i32
      %dma_start3A_286 = arith.constant 2 : i32
      %dma_start3A_287 = arith.constant 0 : i32
      %dma_start3A_288 = arith.constant 0 : i32
      %dma_start3A_289 = tpu.memref_slice %arg12[%dma_start3A_286, %dma_start3A_287, %dma_start3A_288] : memref<4x2x80xi32, #tpu.memory_space<vmem>> -> memref<1x2x80xi32, #tpu.memory_space<vmem>>
      %dma_start3A_290 = tpu.memref_squeeze %dma_start3A_289 : memref<1x2x80xi32, #tpu.memory_space<vmem>> -> memref<2x80xi32, #tpu.memory_space<vmem>>
      %dma_start3A_291 = arith.constant 0 : i32
      %dma_start3A_292 = arith.constant 0 : i32
      %dma_start3A_293 = tpu.memref_slice %arg5[%add3A_285, %dma_start3A_291, %dma_start3A_292] : memref<4096x2x80xi32, #tpu.memory_space<hbm>> -> memref<1x2x80xi32, #tpu.memory_space<hbm>>
      %dma_start3A_294 = tpu.memref_squeeze %dma_start3A_293 : memref<1x2x80xi32, #tpu.memory_space<hbm>> -> memref<2x80xi32, #tpu.memory_space<hbm>>
      %dma_start3A_295 = arith.constant 0 : i32
      %dma_start3A_296 = arith.constant 0 : i32
      %dma_start3A_297 = tpu.memref_slice %arg12[%dma_start3A_286, %dma_start3A_295, %dma_start3A_296] : memref<4x2x80xi32, #tpu.memory_space<vmem>> -> memref<1x2x80xi32, #tpu.memory_space<vmem>>
      %dma_start3A_298 = tpu.memref_squeeze %dma_start3A_297 : memref<1x2x80xi32, #tpu.memory_space<vmem>> -> memref<2x80xi32, #tpu.memory_space<vmem>>
      %dma_start3A_299 = arith.constant 0 : i32
      %dma_start3A_300 = arith.constant 0 : i32
      %dma_start3A_301 = tpu.memref_slice %arg5[%add3A_285, %dma_start3A_299, %dma_start3A_300] : memref<4096x2x80xi32, #tpu.memory_space<hbm>> -> memref<1x2x80xi32, #tpu.memory_space<hbm>>
      %dma_start3A_302 = tpu.memref_squeeze %dma_start3A_301 : memref<1x2x80xi32, #tpu.memory_space<hbm>> -> memref<2x80xi32, #tpu.memory_space<hbm>>
      tpu.enqueue_dma source(%dma_start3A_302 : memref<2x80xi32, #tpu.memory_space<hbm>>) target(%dma_start3A_298 : memref<2x80xi32, #tpu.memory_space<vmem>>) target_semaphore(%arg19 : memref<!tpu.dma_semaphore, #tpu.memory_space<semaphore_mem>>)
      %dma_wait3A_303 = arith.constant 0 : i32
      %dma_wait3A_304 = arith.constant 0 : i32
      %dma_wait3A_305 = arith.constant 0 : i32
      %dma_wait3A_306 = arith.constant 0 : i32
      %dma_wait3A_307 = tpu.memref_slice %arg13[%dma_wait3A_305, %dma_wait3A_306] : memref<4x80xf32, #tpu.memory_space<vmem>> -> memref<1x80xf32, #tpu.memory_space<vmem>>
      %dma_wait3A_308 = tpu.memref_squeeze %dma_wait3A_307 : memref<1x80xf32, #tpu.memory_space<vmem>> -> memref<80xf32, #tpu.memory_space<vmem>>
      %dma_wait3A_309 = arith.constant 0 : i32
      %dma_wait3A_310 = tpu.memref_slice %arg12[%dma_wait3A_303, %dma_wait3A_304, %dma_wait3A_309] : memref<4x2x80xi32, #tpu.memory_space<vmem>> -> memref<1x1x80xi32, #tpu.memory_space<vmem>>
      %dma_wait3A_311 = tpu.memref_squeeze %dma_wait3A_310 : memref<1x1x80xi32, #tpu.memory_space<vmem>> -> memref<80xi32, #tpu.memory_space<vmem>>
      %dma_wait3A_312 = arith.constant 0 : i32
      %dma_wait3A_313 = tpu.memref_slice %arg10[%dma_wait3A_312] : memref<10000xf32, #tpu.memory_space<vmem_shared>> -> memref<10000xf32, #tpu.memory_space<vmem_shared>>
      tpu.wait_indirect_dma semaphore(%arg21 : memref<!tpu.dma_semaphore, #tpu.memory_space<semaphore_mem>>) src(%dma_wait3A_313 : memref<10000xf32, #tpu.memory_space<vmem_shared>>) dst(%dma_wait3A_308 : memref<80xf32, #tpu.memory_space<vmem>>)
      %dma_wait3A_314 = arith.constant 0 : i32
      %dma_wait3A_315 = arith.constant 1 : i32
      %dma_wait3A_316 = arith.constant 0 : i32
      %dma_wait3A_317 = arith.constant 0 : i32
      %dma_wait3A_318 = tpu.memref_slice %arg14[%dma_wait3A_316, %dma_wait3A_317] : memref<4x80xf32, #tpu.memory_space<vmem>> -> memref<1x80xf32, #tpu.memory_space<vmem>>
      %dma_wait3A_319 = tpu.memref_squeeze %dma_wait3A_318 : memref<1x80xf32, #tpu.memory_space<vmem>> -> memref<80xf32, #tpu.memory_space<vmem>>
      %dma_wait3A_320 = arith.constant 0 : i32
      %dma_wait3A_321 = tpu.memref_slice %arg12[%dma_wait3A_314, %dma_wait3A_315, %dma_wait3A_320] : memref<4x2x80xi32, #tpu.memory_space<vmem>> -> memref<1x1x80xi32, #tpu.memory_space<vmem>>
      %dma_wait3A_322 = tpu.memref_squeeze %dma_wait3A_321 : memref<1x1x80xi32, #tpu.memory_space<vmem>> -> memref<80xi32, #tpu.memory_space<vmem>>
      %dma_wait3A_323 = arith.constant 0 : i32
      %dma_wait3A_324 = tpu.memref_slice %arg11[%dma_wait3A_323] : memref<10000xf32, #tpu.memory_space<vmem_shared>> -> memref<10000xf32, #tpu.memory_space<vmem_shared>>
      tpu.wait_indirect_dma semaphore(%arg21 : memref<!tpu.dma_semaphore, #tpu.memory_space<semaphore_mem>>) src(%dma_wait3A_324 : memref<10000xf32, #tpu.memory_space<vmem_shared>>) dst(%dma_wait3A_319 : memref<80xf32, #tpu.memory_space<vmem>>)
      %get3A = arith.constant 0 : i32
      %get3A_325 = arith.index_cast %get3A : i32 to index
      %get3A_326 = arith.constant 0 : index
      %get3A_327 = tpu.vector_load %arg13[%get3A_325, %get3A_326] {strides = array<i32>} : memref<4x80xf32, #tpu.memory_space<vmem>>, vector<16xf32>,
      %get3A_328 = arith.constant 0 : i32
      %get3A_329 = arith.index_cast %get3A_328 : i32 to index
      %get3A_330 = arith.constant 0 : index
      %get3A_331 = tpu.vector_load %arg14[%get3A_329, %get3A_330] {strides = array<i32>} : memref<4x80xf32, #tpu.memory_space<vmem>>, vector<16xf32>,
      %add3A_332 = arith.addf %get3A_327, %get3A_331 : vector<16xf32>
      %gt3A_333 = arith.constant 0.000000e+00 : f32
      %gt3A_334 = vector.broadcast %gt3A_333 : f32 to vector<16xf32>
      %gt3A_335 = arith.cmpf ogt, %add3A_332, %gt3A_334 : vector<16xf32>
      %mul3A_336 = arith.constant 2.000000e-01 : f32
      %mul3A_337 = vector.broadcast %mul3A_336 : f32 to vector<16xf32>
      %mul3A_338 = arith.mulf %mul3A_337, %add3A_332 : vector<16xf32>
      %select_n3A = arith.select %gt3A_335, %add3A_332, %mul3A_338 : vector<16xi1>, vector<16xf32>
      %exp3A = math.exp %select_n3A : vector<16xf32>
      %mul3A_339 = arith.constant 80 : i32
      %mul3A_340 = arith.muli %add3A_276, %mul3A_339 : i32
      %add3A_341 = arith.constant 0 : i32
      %add3A_342 = arith.addi %mul3A_340, %add3A_341 : i32
      %iota3A = tpu.iota {dimensions = array<i32: 0>} : vector<16xi32>
      %add3A_343 = vector.broadcast %add3A_342 : i32 to vector<16xi32>
      %add3A_344 = arith.addi %add3A_343, %iota3A : vector<16xi32>
      %lt3A = arith.constant 10000 : i32
      %lt3A_345 = vector.broadcast %lt3A : i32 to vector<16xi32>
      %lt3A_346 = arith.cmpi slt, %add3A_344, %lt3A_345 : vector<16xi32>
      %jit3A = arith.constant 0.000000e+00 : f32
      %broadcast_in_dim3A_347 = vector.broadcast %jit3A : f32 to vector<16xf32>
      %select_n3A_348 = arith.select %lt3A_346, %exp3A, %broadcast_in_dim3A_347 : vector<16xi1>, vector<16xf32>
      %swap3A_349 = arith.constant 0 : i32
      %swap3A_350 = arith.index_cast %swap3A_349 : i32 to index
      %swap3A_351 = arith.constant 0 : index
      %swap3A_352 = tpu.vector_load %arg16[%swap3A_350, %swap3A_351] {strides = array<i32>} : memref<4x80xf32, #tpu.memory_space<vmem>>, vector<16xf32>,
      tpu.vector_store %arg16[%swap3A_350, %swap3A_351], %select_n3A_348 {strides = array<i32>} : memref<4x80xf32, #tpu.memory_space<vmem>>, vector<16xf32>,
      %get3A_353 = arith.constant 0 : i32
      %get3A_354 = arith.index_cast %get3A_353 : i32 to index
      %get3A_355 = arith.constant 16 : index
      %get3A_356 = tpu.vector_load %arg13[%get3A_354, %get3A_355] {strides = array<i32>} : memref<4x80xf32, #tpu.memory_space<vmem>>, vector<16xf32>,
      %get3A_357 = arith.constant 0 : i32
      %get3A_358 = arith.index_cast %get3A_357 : i32 to index
      %get3A_359 = arith.constant 16 : index
      %get3A_360 = tpu.vector_load %arg14[%get3A_358, %get3A_359] {strides = array<i32>} : memref<4x80xf32, #tpu.memory_space<vmem>>, vector<16xf32>,
      %add3A_361 = arith.addf %get3A_356, %get3A_360 : vector<16xf32>
      %gt3A_362 = arith.constant 0.000000e+00 : f32
      %gt3A_363 = vector.broadcast %gt3A_362 : f32 to vector<16xf32>
      %gt3A_364 = arith.cmpf ogt, %add3A_361, %gt3A_363 : vector<16xf32>
      %mul3A_365 = arith.constant 2.000000e-01 : f32
      %mul3A_366 = vector.broadcast %mul3A_365 : f32 to vector<16xf32>
      %mul3A_367 = arith.mulf %mul3A_366, %add3A_361 : vector<16xf32>
      %select_n3A_368 = arith.select %gt3A_364, %add3A_361, %mul3A_367 : vector<16xi1>, vector<16xf32>
      %exp3A_369 = math.exp %select_n3A_368 : vector<16xf32>
      %mul3A_370 = arith.constant 80 : i32
      %mul3A_371 = arith.muli %add3A_276, %mul3A_370 : i32
      %add3A_372 = arith.constant 16 : i32
      %add3A_373 = arith.addi %mul3A_371, %add3A_372 : i32
      %iota3A_374 = tpu.iota {dimensions = array<i32: 0>} : vector<16xi32>
      %add3A_375 = vector.broadcast %add3A_373 : i32 to vector<16xi32>
      %add3A_376 = arith.addi %add3A_375, %iota3A_374 : vector<16xi32>
      %lt3A_377 = arith.constant 10000 : i32
      %lt3A_378 = vector.broadcast %lt3A_377 : i32 to vector<16xi32>
      %lt3A_379 = arith.cmpi slt, %add3A_376, %lt3A_378 : vector<16xi32>
      %jit3A_380 = arith.constant 0.000000e+00 : f32
      %broadcast_in_dim3A_381 = vector.broadcast %jit3A_380 : f32 to vector<16xf32>
      %select_n3A_382 = arith.select %lt3A_379, %exp3A_369, %broadcast_in_dim3A_381 : vector<16xi1>, vector<16xf32>
      %swap3A_383 = arith.constant 0 : i32
      %swap3A_384 = arith.index_cast %swap3A_383 : i32 to index
      %swap3A_385 = arith.constant 16 : index
      %swap3A_386 = tpu.vector_load %arg16[%swap3A_384, %swap3A_385] {strides = array<i32>} : memref<4x80xf32, #tpu.memory_space<vmem>>, vector<16xf32>,
      tpu.vector_store %arg16[%swap3A_384, %swap3A_385], %select_n3A_382 {strides = array<i32>} : memref<4x80xf32, #tpu.memory_space<vmem>>, vector<16xf32>,
      %get3A_387 = arith.constant 0 : i32
      %get3A_388 = arith.index_cast %get3A_387 : i32 to index
      %get3A_389 = arith.constant 32 : index
      %get3A_390 = tpu.vector_load %arg13[%get3A_388, %get3A_389] {strides = array<i32>} : memref<4x80xf32, #tpu.memory_space<vmem>>, vector<16xf32>,
      %get3A_391 = arith.constant 0 : i32
      %get3A_392 = arith.index_cast %get3A_391 : i32 to index
      %get3A_393 = arith.constant 32 : index
      %get3A_394 = tpu.vector_load %arg14[%get3A_392, %get3A_393] {strides = array<i32>} : memref<4x80xf32, #tpu.memory_space<vmem>>, vector<16xf32>,
      %add3A_395 = arith.addf %get3A_390, %get3A_394 : vector<16xf32>
      %gt3A_396 = arith.constant 0.000000e+00 : f32
      %gt3A_397 = vector.broadcast %gt3A_396 : f32 to vector<16xf32>
      %gt3A_398 = arith.cmpf ogt, %add3A_395, %gt3A_397 : vector<16xf32>
      %mul3A_399 = arith.constant 2.000000e-01 : f32
      %mul3A_400 = vector.broadcast %mul3A_399 : f32 to vector<16xf32>
      %mul3A_401 = arith.mulf %mul3A_400, %add3A_395 : vector<16xf32>
      %select_n3A_402 = arith.select %gt3A_398, %add3A_395, %mul3A_401 : vector<16xi1>, vector<16xf32>
      %exp3A_403 = math.exp %select_n3A_402 : vector<16xf32>
      %mul3A_404 = arith.constant 80 : i32
      %mul3A_405 = arith.muli %add3A_276, %mul3A_404 : i32
      %add3A_406 = arith.constant 32 : i32
      %add3A_407 = arith.addi %mul3A_405, %add3A_406 : i32
      %iota3A_408 = tpu.iota {dimensions = array<i32: 0>} : vector<16xi32>
      %add3A_409 = vector.broadcast %add3A_407 : i32 to vector<16xi32>
      %add3A_410 = arith.addi %add3A_409, %iota3A_408 : vector<16xi32>
      %lt3A_411 = arith.constant 10000 : i32
      %lt3A_412 = vector.broadcast %lt3A_411 : i32 to vector<16xi32>
      %lt3A_413 = arith.cmpi slt, %add3A_410, %lt3A_412 : vector<16xi32>
      %jit3A_414 = arith.constant 0.000000e+00 : f32
      %broadcast_in_dim3A_415 = vector.broadcast %jit3A_414 : f32 to vector<16xf32>
      %select_n3A_416 = arith.select %lt3A_413, %exp3A_403, %broadcast_in_dim3A_415 : vector<16xi1>, vector<16xf32>
      %swap3A_417 = arith.constant 0 : i32
      %swap3A_418 = arith.index_cast %swap3A_417 : i32 to index
      %swap3A_419 = arith.constant 32 : index
      %swap3A_420 = tpu.vector_load %arg16[%swap3A_418, %swap3A_419] {strides = array<i32>} : memref<4x80xf32, #tpu.memory_space<vmem>>, vector<16xf32>,
      tpu.vector_store %arg16[%swap3A_418, %swap3A_419], %select_n3A_416 {strides = array<i32>} : memref<4x80xf32, #tpu.memory_space<vmem>>, vector<16xf32>,
      %get3A_421 = arith.constant 0 : i32
      %get3A_422 = arith.index_cast %get3A_421 : i32 to index
      %get3A_423 = arith.constant 48 : index
      %get3A_424 = tpu.vector_load %arg13[%get3A_422, %get3A_423] {strides = array<i32>} : memref<4x80xf32, #tpu.memory_space<vmem>>, vector<16xf32>,
      %get3A_425 = arith.constant 0 : i32
      %get3A_426 = arith.index_cast %get3A_425 : i32 to index
      %get3A_427 = arith.constant 48 : index
      %get3A_428 = tpu.vector_load %arg14[%get3A_426, %get3A_427] {strides = array<i32>} : memref<4x80xf32, #tpu.memory_space<vmem>>, vector<16xf32>,
      %add3A_429 = arith.addf %get3A_424, %get3A_428 : vector<16xf32>
      %gt3A_430 = arith.constant 0.000000e+00 : f32
      %gt3A_431 = vector.broadcast %gt3A_430 : f32 to vector<16xf32>
      %gt3A_432 = arith.cmpf ogt, %add3A_429, %gt3A_431 : vector<16xf32>
      %mul3A_433 = arith.constant 2.000000e-01 : f32
      %mul3A_434 = vector.broadcast %mul3A_433 : f32 to vector<16xf32>
      %mul3A_435 = arith.mulf %mul3A_434, %add3A_429 : vector<16xf32>
      %select_n3A_436 = arith.select %gt3A_432, %add3A_429, %mul3A_435 : vector<16xi1>, vector<16xf32>
      %exp3A_437 = math.exp %select_n3A_436 : vector<16xf32>
      %mul3A_438 = arith.constant 80 : i32
      %mul3A_439 = arith.muli %add3A_276, %mul3A_438 : i32
      %add3A_440 = arith.constant 48 : i32
      %add3A_441 = arith.addi %mul3A_439, %add3A_440 : i32
      %iota3A_442 = tpu.iota {dimensions = array<i32: 0>} : vector<16xi32>
      %add3A_443 = vector.broadcast %add3A_441 : i32 to vector<16xi32>
      %add3A_444 = arith.addi %add3A_443, %iota3A_442 : vector<16xi32>
      %lt3A_445 = arith.constant 10000 : i32
      %lt3A_446 = vector.broadcast %lt3A_445 : i32 to vector<16xi32>
      %lt3A_447 = arith.cmpi slt, %add3A_444, %lt3A_446 : vector<16xi32>
      %jit3A_448 = arith.constant 0.000000e+00 : f32
      %broadcast_in_dim3A_449 = vector.broadcast %jit3A_448 : f32 to vector<16xf32>
      %select_n3A_450 = arith.select %lt3A_447, %exp3A_437, %broadcast_in_dim3A_449 : vector<16xi1>, vector<16xf32>
      %swap3A_451 = arith.constant 0 : i32
      %swap3A_452 = arith.index_cast %swap3A_451 : i32 to index
      %swap3A_453 = arith.constant 48 : index
      %swap3A_454 = tpu.vector_load %arg16[%swap3A_452, %swap3A_453] {strides = array<i32>} : memref<4x80xf32, #tpu.memory_space<vmem>>, vector<16xf32>,
      tpu.vector_store %arg16[%swap3A_452, %swap3A_453], %select_n3A_450 {strides = array<i32>} : memref<4x80xf32, #tpu.memory_space<vmem>>, vector<16xf32>,
      %get3A_455 = arith.constant 0 : i32
      %get3A_456 = arith.index_cast %get3A_455 : i32 to index
      %get3A_457 = arith.constant 64 : index
      %get3A_458 = tpu.vector_load %arg13[%get3A_456, %get3A_457] {strides = array<i32>} : memref<4x80xf32, #tpu.memory_space<vmem>>, vector<16xf32>,
      %get3A_459 = arith.constant 0 : i32
      %get3A_460 = arith.index_cast %get3A_459 : i32 to index
      %get3A_461 = arith.constant 64 : index
      %get3A_462 = tpu.vector_load %arg14[%get3A_460, %get3A_461] {strides = array<i32>} : memref<4x80xf32, #tpu.memory_space<vmem>>, vector<16xf32>,
      %add3A_463 = arith.addf %get3A_458, %get3A_462 : vector<16xf32>
      %gt3A_464 = arith.constant 0.000000e+00 : f32
      %gt3A_465 = vector.broadcast %gt3A_464 : f32 to vector<16xf32>
      %gt3A_466 = arith.cmpf ogt, %add3A_463, %gt3A_465 : vector<16xf32>
      %mul3A_467 = arith.constant 2.000000e-01 : f32
      %mul3A_468 = vector.broadcast %mul3A_467 : f32 to vector<16xf32>
      %mul3A_469 = arith.mulf %mul3A_468, %add3A_463 : vector<16xf32>
      %select_n3A_470 = arith.select %gt3A_466, %add3A_463, %mul3A_469 : vector<16xi1>, vector<16xf32>
      %exp3A_471 = math.exp %select_n3A_470 : vector<16xf32>
      %mul3A_472 = arith.constant 80 : i32
      %mul3A_473 = arith.muli %add3A_276, %mul3A_472 : i32
      %add3A_474 = arith.constant 64 : i32
      %add3A_475 = arith.addi %mul3A_473, %add3A_474 : i32
      %iota3A_476 = tpu.iota {dimensions = array<i32: 0>} : vector<16xi32>
      %add3A_477 = vector.broadcast %add3A_475 : i32 to vector<16xi32>
      %add3A_478 = arith.addi %add3A_477, %iota3A_476 : vector<16xi32>
      %lt3A_479 = arith.constant 10000 : i32
      %lt3A_480 = vector.broadcast %lt3A_479 : i32 to vector<16xi32>
      %lt3A_481 = arith.cmpi slt, %add3A_478, %lt3A_480 : vector<16xi32>
      %jit3A_482 = arith.constant 0.000000e+00 : f32
      %broadcast_in_dim3A_483 = vector.broadcast %jit3A_482 : f32 to vector<16xf32>
      %select_n3A_484 = arith.select %lt3A_481, %exp3A_471, %broadcast_in_dim3A_483 : vector<16xi1>, vector<16xf32>
      %swap3A_485 = arith.constant 0 : i32
      %swap3A_486 = arith.index_cast %swap3A_485 : i32 to index
      %swap3A_487 = arith.constant 64 : index
      %swap3A_488 = tpu.vector_load %arg16[%swap3A_486, %swap3A_487] {strides = array<i32>} : memref<4x80xf32, #tpu.memory_space<vmem>>, vector<16xf32>,
      tpu.vector_store %arg16[%swap3A_486, %swap3A_487], %select_n3A_484 {strides = array<i32>} : memref<4x80xf32, #tpu.memory_space<vmem>>, vector<16xf32>,
      %dma_wait3A_489 = arith.constant 0 : i32
      %dma_wait3A_490 = arith.constant 1 : i32
      %dma_wait3A_491 = arith.constant 0 : i32
      %dma_wait3A_492 = arith.constant 0 : i32
      %dma_wait3A_493 = tpu.memref_slice %arg12[%dma_wait3A_490, %dma_wait3A_491, %dma_wait3A_492] : memref<4x2x80xi32, #tpu.memory_space<vmem>> -> memref<1x2x80xi32, #tpu.memory_space<vmem>>
      %dma_wait3A_494 = tpu.memref_squeeze %dma_wait3A_493 : memref<1x2x80xi32, #tpu.memory_space<vmem>> -> memref<2x80xi32, #tpu.memory_space<vmem>>
      %dma_wait3A_495 = arith.constant 0 : i32
      %dma_wait3A_496 = arith.constant 0 : i32
      %dma_wait3A_497 = tpu.memref_slice %arg5[%dma_wait3A_489, %dma_wait3A_495, %dma_wait3A_496] : memref<4096x2x80xi32, #tpu.memory_space<hbm>> -> memref<1x2x80xi32, #tpu.memory_space<hbm>>
      %dma_wait3A_498 = tpu.memref_squeeze %dma_wait3A_497 : memref<1x2x80xi32, #tpu.memory_space<hbm>> -> memref<2x80xi32, #tpu.memory_space<hbm>>
      %dma_wait3A_499 = arith.constant 0 : i32
      %dma_wait3A_500 = arith.constant 0 : i32
      %dma_wait3A_501 = tpu.memref_slice %arg12[%dma_wait3A_490, %dma_wait3A_499, %dma_wait3A_500] : memref<4x2x80xi32, #tpu.memory_space<vmem>> -> memref<1x2x80xi32, #tpu.memory_space<vmem>>
      %dma_wait3A_502 = tpu.memref_squeeze %dma_wait3A_501 : memref<1x2x80xi32, #tpu.memory_space<vmem>> -> memref<2x80xi32, #tpu.memory_space<vmem>>
      %dma_wait3A_503 = arith.constant 0 : i32
      %dma_wait3A_504 = arith.constant 0 : i32
      %dma_wait3A_505 = tpu.memref_slice %arg5[%dma_wait3A_489, %dma_wait3A_503, %dma_wait3A_504] : memref<4096x2x80xi32, #tpu.memory_space<hbm>> -> memref<1x2x80xi32, #tpu.memory_space<hbm>>
      %dma_wait3A_506 = tpu.memref_squeeze %dma_wait3A_505 : memref<1x2x80xi32, #tpu.memory_space<hbm>> -> memref<2x80xi32, #tpu.memory_space<hbm>>
      tpu.wait_dma2 semaphore(%arg18 : memref<!tpu.dma_semaphore, #tpu.memory_space<semaphore_mem>>) src(%dma_wait3A_506 : memref<2x80xi32, #tpu.memory_space<hbm>>) dst(%dma_wait3A_502 : memref<2x80xi32, #tpu.memory_space<vmem>>)
      %dma_start3A_507 = arith.constant 1 : i32
      %dma_start3A_508 = arith.constant 0 : i32
      %dma_start3A_509 = arith.constant 1 : i32
      %dma_start3A_510 = arith.constant 0 : i32
      %dma_start3A_511 = tpu.memref_slice %arg13[%dma_start3A_509, %dma_start3A_510] : memref<4x80xf32, #tpu.memory_space<vmem>> -> memref<1x80xf32, #tpu.memory_space<vmem>>
      %dma_start3A_512 = tpu.memref_squeeze %dma_start3A_511 : memref<1x80xf32, #tpu.memory_space<vmem>> -> memref<80xf32, #tpu.memory_space<vmem>>
      %dma_start3A_513 = arith.constant 0 : i32
      %dma_start3A_514 = tpu.memref_slice %arg12[%dma_start3A_507, %dma_start3A_508, %dma_start3A_513] : memref<4x2x80xi32, #tpu.memory_space<vmem>> -> memref<1x1x80xi32, #tpu.memory_space<vmem>>
      %dma_start3A_515 = tpu.memref_squeeze %dma_start3A_514 : memref<1x1x80xi32, #tpu.memory_space<vmem>> -> memref<80xi32, #tpu.memory_space<vmem>>
      %dma_start3A_516 = arith.constant 0 : i32
      %dma_start3A_517 = tpu.memref_slice %arg10[%dma_start3A_516] : memref<10000xf32, #tpu.memory_space<vmem_shared>> -> memref<10000xf32, #tpu.memory_space<vmem_shared>>
      tpu.enqueue_indirect_dma source(%dma_start3A_517 : memref<10000xf32, #tpu.memory_space<vmem_shared>>) target(%dma_start3A_512 : memref<80xf32, #tpu.memory_space<vmem>>) offsets(%dma_start3A_515 : memref<80xi32, #tpu.memory_space<vmem>>) semaphore(%arg22 : memref<!tpu.dma_semaphore, #tpu.memory_space<semaphore_mem>>)
      %dma_start3A_518 = arith.constant 1 : i32
      %dma_start3A_519 = arith.constant 1 : i32
      %dma_start3A_520 = arith.constant 1 : i32
      %dma_start3A_521 = arith.constant 0 : i32
      %dma_start3A_522 = tpu.memref_slice %arg14[%dma_start3A_520, %dma_start3A_521] : memref<4x80xf32, #tpu.memory_space<vmem>> -> memref<1x80xf32, #tpu.memory_space<vmem>>
      %dma_start3A_523 = tpu.memref_squeeze %dma_start3A_522 : memref<1x80xf32, #tpu.memory_space<vmem>> -> memref<80xf32, #tpu.memory_space<vmem>>
      %dma_start3A_524 = arith.constant 0 : i32
      %dma_start3A_525 = tpu.memref_slice %arg12[%dma_start3A_518, %dma_start3A_519, %dma_start3A_524] : memref<4x2x80xi32, #tpu.memory_space<vmem>> -> memref<1x1x80xi32, #tpu.memory_space<vmem>>
      %dma_start3A_526 = tpu.memref_squeeze %dma_start3A_525 : memref<1x1x80xi32, #tpu.memory_space<vmem>> -> memref<80xi32, #tpu.memory_space<vmem>>
      %dma_start3A_527 = arith.constant 0 : i32
      %dma_start3A_528 = tpu.memref_slice %arg11[%dma_start3A_527] : memref<10000xf32, #tpu.memory_space<vmem_shared>> -> memref<10000xf32, #tpu.memory_space<vmem_shared>>
      tpu.enqueue_indirect_dma source(%dma_start3A_528 : memref<10000xf32, #tpu.memory_space<vmem_shared>>) target(%dma_start3A_523 : memref<80xf32, #tpu.memory_space<vmem>>) offsets(%dma_start3A_526 : memref<80xi32, #tpu.memory_space<vmem>>) semaphore(%arg22 : memref<!tpu.dma_semaphore, #tpu.memory_space<semaphore_mem>>)
      %dma_start3A_529 = arith.constant 1 : i32
      %dma_start3A_530 = arith.constant 0 : i32
      %dma_start3A_531 = arith.constant 1 : i32
      %dma_start3A_532 = arith.constant 0 : i32
      %dma_start3A_533 = arith.constant 0 : i32
      %dma_start3A_534 = tpu.memref_slice %arg15[%dma_start3A_531, %dma_start3A_532, %dma_start3A_533] : memref<4x80x128xf32, #tpu.memory_space<vmem>> -> memref<1x80x128xf32, #tpu.memory_space<vmem>>
      %dma_start3A_535 = tpu.memref_squeeze %dma_start3A_534 : memref<1x80x128xf32, #tpu.memory_space<vmem>> -> memref<80x128xf32, #tpu.memory_space<vmem>>
      %dma_start3A_536 = arith.constant 0 : i32
      %dma_start3A_537 = tpu.memref_slice %arg12[%dma_start3A_529, %dma_start3A_530, %dma_start3A_536] : memref<4x2x80xi32, #tpu.memory_space<vmem>> -> memref<1x1x80xi32, #tpu.memory_space<vmem>>
      %dma_start3A_538 = tpu.memref_squeeze %dma_start3A_537 : memref<1x1x80xi32, #tpu.memory_space<vmem>> -> memref<80xi32, #tpu.memory_space<vmem>>
      %dma_start3A_539 = arith.constant 0 : i32
      %dma_start3A_540 = arith.constant 0 : i32
      %dma_start3A_541 = tpu.memref_slice %arg2[%dma_start3A_539, %dma_start3A_540] : memref<10000x128xf32, #tpu.memory_space<hbm>> -> memref<10000x128xf32, #tpu.memory_space<hbm>>
      tpu.enqueue_indirect_dma source(%dma_start3A_541 : memref<10000x128xf32, #tpu.memory_space<hbm>>) target(%dma_start3A_535 : memref<80x128xf32, #tpu.memory_space<vmem>>) offsets(%dma_start3A_538 : memref<80xi32, #tpu.memory_space<vmem>>) semaphore(%arg26 : memref<!tpu.dma_semaphore, #tpu.memory_space<semaphore_mem>>)
      %dma_wait3A_542 = arith.constant 0 : i32
      %dma_wait3A_543 = arith.constant 0 : i32
      %dma_wait3A_544 = arith.constant 0 : i32
      %dma_wait3A_545 = arith.constant 0 : i32
      %dma_wait3A_546 = arith.constant 0 : i32
      %dma_wait3A_547 = tpu.memref_slice %arg15[%dma_wait3A_544, %dma_wait3A_545, %dma_wait3A_546] : memref<4x80x128xf32, #tpu.memory_space<vmem>> -> memref<1x80x128xf32, #tpu.memory_space<vmem>>
      %dma_wait3A_548 = tpu.memref_squeeze %dma_wait3A_547 : memref<1x80x128xf32, #tpu.memory_space<vmem>> -> memref<80x128xf32, #tpu.memory_space<vmem>>
      %dma_wait3A_549 = arith.constant 0 : i32
      %dma_wait3A_550 = tpu.memref_slice %arg12[%dma_wait3A_542, %dma_wait3A_543, %dma_wait3A_549] : memref<4x2x80xi32, #tpu.memory_space<vmem>> -> memref<1x1x80xi32, #tpu.memory_space<vmem>>
      %dma_wait3A_551 = tpu.memref_squeeze %dma_wait3A_550 : memref<1x1x80xi32, #tpu.memory_space<vmem>> -> memref<80xi32, #tpu.memory_space<vmem>>
      %dma_wait3A_552 = arith.constant 0 : i32
      %dma_wait3A_553 = arith.constant 0 : i32
      %dma_wait3A_554 = tpu.memref_slice %arg2[%dma_wait3A_552, %dma_wait3A_553] : memref<10000x128xf32, #tpu.memory_space<hbm>> -> memref<10000x128xf32, #tpu.memory_space<hbm>>
      tpu.wait_indirect_dma semaphore(%arg25 : memref<!tpu.dma_semaphore, #tpu.memory_space<semaphore_mem>>) src(%dma_wait3A_554 : memref<10000x128xf32, #tpu.memory_space<hbm>>) dst(%dma_wait3A_548 : memref<80x128xf32, #tpu.memory_space<vmem>>)
      %parallel_loop3A = arith.constant 0 : i32
      %parallel_loop3A_555 = arith.constant 80 : i32
      %parallel_loop3A_556 = arith.constant 1 : i32
      scf.for %parallel_loop3A_1486 = %parallel_loop3A to %parallel_loop3A_555 step %parallel_loop3A_556  : i32 {
        %parallel_loop3A_1487 = vector.broadcast %parallel_loop3A_1486 : i32 to vector<16xi32>
        %parallel_loop3A_1488 = arith.constant 0 : i32
        %parallel_loop3A_1489 = arith.constant 0 : i32
        %parallel_loop3A_1490 = tpu.memref_slice %arg16[%parallel_loop3A_1488, %parallel_loop3A_1489] : memref<4x80xf32, #tpu.memory_space<vmem>> -> memref<1x80xf32, #tpu.memory_space<vmem>>
        %parallel_loop3A_1491 = tpu.memref_squeeze %parallel_loop3A_1490 : memref<1x80xf32, #tpu.memory_space<vmem>> -> memref<80xf32, #tpu.memory_space<vmem>>
        %parallel_loop3A_1492 = tpu.vector_load_idx %parallel_loop3A_1491[%parallel_loop3A_1487] : memref<80xf32, #tpu.memory_space<vmem>>[vector<16xi32>], vector<16xf32>,
        %parallel_loop3A_1493 = arith.constant 0 : i32
        %parallel_loop3A_1494 = arith.index_cast %parallel_loop3A_1493 : i32 to index
        %parallel_loop3A_1495 = arith.index_cast %parallel_loop3A_1486 : i32 to index
        %parallel_loop3A_1496 = arith.constant 0 : index
        %parallel_loop3A_1497 = tpu.vector_load %arg15[%parallel_loop3A_1494, %parallel_loop3A_1495, %parallel_loop3A_1496] {strides = array<i32>} : memref<4x80x128xf32, #tpu.memory_space<vmem>>, vector<16xf32>,
        %parallel_loop3A_1498 = arith.mulf %parallel_loop3A_1497, %parallel_loop3A_1492 : vector<16xf32>
        %parallel_loop3A_1499 = arith.constant 0 : i32
        %parallel_loop3A_1500 = arith.index_cast %parallel_loop3A_1499 : i32 to index
        %parallel_loop3A_1501 = arith.index_cast %parallel_loop3A_1486 : i32 to index
        %parallel_loop3A_1502 = arith.constant 0 : index
        %parallel_loop3A_1503 = tpu.vector_load %arg15[%parallel_loop3A_1500, %parallel_loop3A_1501, %parallel_loop3A_1502] {strides = array<i32>} : memref<4x80x128xf32, #tpu.memory_space<vmem>>, vector<16xf32>,
        tpu.vector_store %arg15[%parallel_loop3A_1500, %parallel_loop3A_1501, %parallel_loop3A_1502], %parallel_loop3A_1498 {strides = array<i32>} : memref<4x80x128xf32, #tpu.memory_space<vmem>>, vector<16xf32>,
        %parallel_loop3A_1504 = arith.constant 0 : i32
        %parallel_loop3A_1505 = arith.index_cast %parallel_loop3A_1504 : i32 to index
        %parallel_loop3A_1506 = arith.index_cast %parallel_loop3A_1486 : i32 to index
        %parallel_loop3A_1507 = arith.constant 16 : index
        %parallel_loop3A_1508 = tpu.vector_load %arg15[%parallel_loop3A_1505, %parallel_loop3A_1506, %parallel_loop3A_1507] {strides = array<i32>} : memref<4x80x128xf32, #tpu.memory_space<vmem>>, vector<16xf32>,
        %parallel_loop3A_1509 = arith.mulf %parallel_loop3A_1508, %parallel_loop3A_1492 : vector<16xf32>
        %parallel_loop3A_1510 = arith.constant 0 : i32
        %parallel_loop3A_1511 = arith.index_cast %parallel_loop3A_1510 : i32 to index
        %parallel_loop3A_1512 = arith.index_cast %parallel_loop3A_1486 : i32 to index
        %parallel_loop3A_1513 = arith.constant 16 : index
        %parallel_loop3A_1514 = tpu.vector_load %arg15[%parallel_loop3A_1511, %parallel_loop3A_1512, %parallel_loop3A_1513] {strides = array<i32>} : memref<4x80x128xf32, #tpu.memory_space<vmem>>, vector<16xf32>,
        tpu.vector_store %arg15[%parallel_loop3A_1511, %parallel_loop3A_1512, %parallel_loop3A_1513], %parallel_loop3A_1509 {strides = array<i32>} : memref<4x80x128xf32, #tpu.memory_space<vmem>>, vector<16xf32>,
        %parallel_loop3A_1515 = arith.constant 0 : i32
        %parallel_loop3A_1516 = arith.index_cast %parallel_loop3A_1515 : i32 to index
        %parallel_loop3A_1517 = arith.index_cast %parallel_loop3A_1486 : i32 to index
        %parallel_loop3A_1518 = arith.constant 32 : index
        %parallel_loop3A_1519 = tpu.vector_load %arg15[%parallel_loop3A_1516, %parallel_loop3A_1517, %parallel_loop3A_1518] {strides = array<i32>} : memref<4x80x128xf32, #tpu.memory_space<vmem>>, vector<16xf32>,
        %parallel_loop3A_1520 = arith.mulf %parallel_loop3A_1519, %parallel_loop3A_1492 : vector<16xf32>
        %parallel_loop3A_1521 = arith.constant 0 : i32
        %parallel_loop3A_1522 = arith.index_cast %parallel_loop3A_1521 : i32 to index
        %parallel_loop3A_1523 = arith.index_cast %parallel_loop3A_1486 : i32 to index
        %parallel_loop3A_1524 = arith.constant 32 : index
        %parallel_loop3A_1525 = tpu.vector_load %arg15[%parallel_loop3A_1522, %parallel_loop3A_1523, %parallel_loop3A_1524] {strides = array<i32>} : memref<4x80x128xf32, #tpu.memory_space<vmem>>, vector<16xf32>,
        tpu.vector_store %arg15[%parallel_loop3A_1522, %parallel_loop3A_1523, %parallel_loop3A_1524], %parallel_loop3A_1520 {strides = array<i32>} : memref<4x80x128xf32, #tpu.memory_space<vmem>>, vector<16xf32>,
        %parallel_loop3A_1526 = arith.constant 0 : i32
        %parallel_loop3A_1527 = arith.index_cast %parallel_loop3A_1526 : i32 to index
        %parallel_loop3A_1528 = arith.index_cast %parallel_loop3A_1486 : i32 to index
        %parallel_loop3A_1529 = arith.constant 48 : index
        %parallel_loop3A_1530 = tpu.vector_load %arg15[%parallel_loop3A_1527, %parallel_loop3A_1528, %parallel_loop3A_1529] {strides = array<i32>} : memref<4x80x128xf32, #tpu.memory_space<vmem>>, vector<16xf32>,
        %parallel_loop3A_1531 = arith.mulf %parallel_loop3A_1530, %parallel_loop3A_1492 : vector<16xf32>
        %parallel_loop3A_1532 = arith.constant 0 : i32
        %parallel_loop3A_1533 = arith.index_cast %parallel_loop3A_1532 : i32 to index
        %parallel_loop3A_1534 = arith.index_cast %parallel_loop3A_1486 : i32 to index
        %parallel_loop3A_1535 = arith.constant 48 : index
        %parallel_loop3A_1536 = tpu.vector_load %arg15[%parallel_loop3A_1533, %parallel_loop3A_1534, %parallel_loop3A_1535] {strides = array<i32>} : memref<4x80x128xf32, #tpu.memory_space<vmem>>, vector<16xf32>,
        tpu.vector_store %arg15[%parallel_loop3A_1533, %parallel_loop3A_1534, %parallel_loop3A_1535], %parallel_loop3A_1531 {strides = array<i32>} : memref<4x80x128xf32, #tpu.memory_space<vmem>>, vector<16xf32>,
        %parallel_loop3A_1537 = arith.constant 0 : i32
        %parallel_loop3A_1538 = arith.index_cast %parallel_loop3A_1537 : i32 to index
        %parallel_loop3A_1539 = arith.index_cast %parallel_loop3A_1486 : i32 to index
        %parallel_loop3A_1540 = arith.constant 64 : index
        %parallel_loop3A_1541 = tpu.vector_load %arg15[%parallel_loop3A_1538, %parallel_loop3A_1539, %parallel_loop3A_1540] {strides = array<i32>} : memref<4x80x128xf32, #tpu.memory_space<vmem>>, vector<16xf32>,
        %parallel_loop3A_1542 = arith.mulf %parallel_loop3A_1541, %parallel_loop3A_1492 : vector<16xf32>
        %parallel_loop3A_1543 = arith.constant 0 : i32
        %parallel_loop3A_1544 = arith.index_cast %parallel_loop3A_1543 : i32 to index
        %parallel_loop3A_1545 = arith.index_cast %parallel_loop3A_1486 : i32 to index
        %parallel_loop3A_1546 = arith.constant 64 : index
        %parallel_loop3A_1547 = tpu.vector_load %arg15[%parallel_loop3A_1544, %parallel_loop3A_1545, %parallel_loop3A_1546] {strides = array<i32>} : memref<4x80x128xf32, #tpu.memory_space<vmem>>, vector<16xf32>,
        tpu.vector_store %arg15[%parallel_loop3A_1544, %parallel_loop3A_1545, %parallel_loop3A_1546], %parallel_loop3A_1542 {strides = array<i32>} : memref<4x80x128xf32, #tpu.memory_space<vmem>>, vector<16xf32>,
        %parallel_loop3A_1548 = arith.constant 0 : i32
        %parallel_loop3A_1549 = arith.index_cast %parallel_loop3A_1548 : i32 to index
        %parallel_loop3A_1550 = arith.index_cast %parallel_loop3A_1486 : i32 to index
        %parallel_loop3A_1551 = arith.constant 80 : index
        %parallel_loop3A_1552 = tpu.vector_load %arg15[%parallel_loop3A_1549, %parallel_loop3A_1550, %parallel_loop3A_1551] {strides = array<i32>} : memref<4x80x128xf32, #tpu.memory_space<vmem>>, vector<16xf32>,
        %parallel_loop3A_1553 = arith.mulf %parallel_loop3A_1552, %parallel_loop3A_1492 : vector<16xf32>
        %parallel_loop3A_1554 = arith.constant 0 : i32
        %parallel_loop3A_1555 = arith.index_cast %parallel_loop3A_1554 : i32 to index
        %parallel_loop3A_1556 = arith.index_cast %parallel_loop3A_1486 : i32 to index
        %parallel_loop3A_1557 = arith.constant 80 : index
        %parallel_loop3A_1558 = tpu.vector_load %arg15[%parallel_loop3A_1555, %parallel_loop3A_1556, %parallel_loop3A_1557] {strides = array<i32>} : memref<4x80x128xf32, #tpu.memory_space<vmem>>, vector<16xf32>,
        tpu.vector_store %arg15[%parallel_loop3A_1555, %parallel_loop3A_1556, %parallel_loop3A_1557], %parallel_loop3A_1553 {strides = array<i32>} : memref<4x80x128xf32, #tpu.memory_space<vmem>>, vector<16xf32>,
        %parallel_loop3A_1559 = arith.constant 0 : i32
        %parallel_loop3A_1560 = arith.index_cast %parallel_loop3A_1559 : i32 to index
        %parallel_loop3A_1561 = arith.index_cast %parallel_loop3A_1486 : i32 to index
        %parallel_loop3A_1562 = arith.constant 96 : index
        %parallel_loop3A_1563 = tpu.vector_load %arg15[%parallel_loop3A_1560, %parallel_loop3A_1561, %parallel_loop3A_1562] {strides = array<i32>} : memref<4x80x128xf32, #tpu.memory_space<vmem>>, vector<16xf32>,
        %parallel_loop3A_1564 = arith.mulf %parallel_loop3A_1563, %parallel_loop3A_1492 : vector<16xf32>
        %parallel_loop3A_1565 = arith.constant 0 : i32
        %parallel_loop3A_1566 = arith.index_cast %parallel_loop3A_1565 : i32 to index
        %parallel_loop3A_1567 = arith.index_cast %parallel_loop3A_1486 : i32 to index
        %parallel_loop3A_1568 = arith.constant 96 : index
        %parallel_loop3A_1569 = tpu.vector_load %arg15[%parallel_loop3A_1566, %parallel_loop3A_1567, %parallel_loop3A_1568] {strides = array<i32>} : memref<4x80x128xf32, #tpu.memory_space<vmem>>, vector<16xf32>,
        tpu.vector_store %arg15[%parallel_loop3A_1566, %parallel_loop3A_1567, %parallel_loop3A_1568], %parallel_loop3A_1564 {strides = array<i32>} : memref<4x80x128xf32, #tpu.memory_space<vmem>>, vector<16xf32>,
        %parallel_loop3A_1570 = arith.constant 0 : i32
        %parallel_loop3A_1571 = arith.index_cast %parallel_loop3A_1570 : i32 to index
        %parallel_loop3A_1572 = arith.index_cast %parallel_loop3A_1486 : i32 to index
        %parallel_loop3A_1573 = arith.constant 112 : index
        %parallel_loop3A_1574 = tpu.vector_load %arg15[%parallel_loop3A_1571, %parallel_loop3A_1572, %parallel_loop3A_1573] {strides = array<i32>} : memref<4x80x128xf32, #tpu.memory_space<vmem>>, vector<16xf32>,
        %parallel_loop3A_1575 = arith.mulf %parallel_loop3A_1574, %parallel_loop3A_1492 : vector<16xf32>
        %parallel_loop3A_1576 = arith.constant 0 : i32
        %parallel_loop3A_1577 = arith.index_cast %parallel_loop3A_1576 : i32 to index
        %parallel_loop3A_1578 = arith.index_cast %parallel_loop3A_1486 : i32 to index
        %parallel_loop3A_1579 = arith.constant 112 : index
        %parallel_loop3A_1580 = tpu.vector_load %arg15[%parallel_loop3A_1577, %parallel_loop3A_1578, %parallel_loop3A_1579] {strides = array<i32>} : memref<4x80x128xf32, #tpu.memory_space<vmem>>, vector<16xf32>,
        tpu.vector_store %arg15[%parallel_loop3A_1577, %parallel_loop3A_1578, %parallel_loop3A_1579], %parallel_loop3A_1575 {strides = array<i32>} : memref<4x80x128xf32, #tpu.memory_space<vmem>>, vector<16xf32>,
      } {sc.loop_unroll_factor = 4 : i64, sc.parallel_access}
      %dma_start3A_557 = arith.constant 0 : i32
      %dma_start3A_558 = arith.constant 0 : i32
      %dma_start3A_559 = arith.constant 1 : i32
      %dma_start3A_560 = arith.constant 0 : i32
      %dma_start3A_561 = arith.constant 0 : i32
      %dma_start3A_562 = tpu.memref_slice %arg15[%dma_start3A_557, %dma_start3A_560, %dma_start3A_561] : memref<4x80x128xf32, #tpu.memory_space<vmem>> -> memref<1x80x128xf32, #tpu.memory_space<vmem>>
      %dma_start3A_563 = tpu.memref_squeeze %dma_start3A_562 : memref<1x80x128xf32, #tpu.memory_space<vmem>> -> memref<80x128xf32, #tpu.memory_space<vmem>>
      %dma_start3A_564 = arith.constant 0 : i32
      %dma_start3A_565 = tpu.memref_slice %arg12[%dma_start3A_558, %dma_start3A_559, %dma_start3A_564] : memref<4x2x80xi32, #tpu.memory_space<vmem>> -> memref<1x1x80xi32, #tpu.memory_space<vmem>>
      %dma_start3A_566 = tpu.memref_squeeze %dma_start3A_565 : memref<1x1x80xi32, #tpu.memory_space<vmem>> -> memref<80xi32, #tpu.memory_space<vmem>>
      %dma_start3A_567 = arith.constant 0 : i32
      %dma_start3A_568 = arith.constant 0 : i32
      %dma_start3A_569 = tpu.memref_slice %arg8[%dma_start3A_567, %dma_start3A_568] : memref<10240x128xf32, #tpu.memory_space<vmem_shared>> -> memref<10240x128xf32, #tpu.memory_space<vmem_shared>>
      tpu.enqueue_indirect_dma source(%dma_start3A_563 : memref<80x128xf32, #tpu.memory_space<vmem>>) target(%dma_start3A_569 : memref<10240x128xf32, #tpu.memory_space<vmem_shared>>) offsets(%dma_start3A_566 : memref<80xi32, #tpu.memory_space<vmem>>) semaphore(%arg29 : memref<!tpu.dma_semaphore, #tpu.memory_space<semaphore_mem>>) {add = true}
      %dma_start3A_570 = arith.constant 0 : i32
      %dma_start3A_571 = arith.constant 0 : i32
      %dma_start3A_572 = arith.constant 1 : i32
      %dma_start3A_573 = arith.constant 0 : i32
      %dma_start3A_574 = tpu.memref_slice %arg16[%dma_start3A_570, %dma_start3A_573] : memref<4x80xf32, #tpu.memory_space<vmem>> -> memref<1x80xf32, #tpu.memory_space<vmem>>
      %dma_start3A_575 = tpu.memref_squeeze %dma_start3A_574 : memref<1x80xf32, #tpu.memory_space<vmem>> -> memref<80xf32, #tpu.memory_space<vmem>>
      %dma_start3A_576 = arith.constant 0 : i32
      %dma_start3A_577 = tpu.memref_slice %arg12[%dma_start3A_571, %dma_start3A_572, %dma_start3A_576] : memref<4x2x80xi32, #tpu.memory_space<vmem>> -> memref<1x1x80xi32, #tpu.memory_space<vmem>>
      %dma_start3A_578 = tpu.memref_squeeze %dma_start3A_577 : memref<1x1x80xi32, #tpu.memory_space<vmem>> -> memref<80xi32, #tpu.memory_space<vmem>>
      %dma_start3A_579 = arith.constant 0 : i32
      %dma_start3A_580 = tpu.memref_slice %arg9[%dma_start3A_579] : memref<10240xf32, #tpu.memory_space<vmem_shared>> -> memref<10240xf32, #tpu.memory_space<vmem_shared>>
      tpu.enqueue_indirect_dma source(%dma_start3A_575 : memref<80xf32, #tpu.memory_space<vmem>>) target(%dma_start3A_580 : memref<10240xf32, #tpu.memory_space<vmem_shared>>) offsets(%dma_start3A_578 : memref<80xi32, #tpu.memory_space<vmem>>) semaphore(%arg29 : memref<!tpu.dma_semaphore, #tpu.memory_space<semaphore_mem>>) {add = true}
      %mul3A_581 = arith.constant 4 : i32
      %mul3A_582 = arith.muli %mul3A_581, %scan3A_271 : i32
      %add3A_583 = arith.constant 1 : i32
      %add3A_584 = arith.addi %mul3A_582, %add3A_583 : i32
      %gt3A_585 = arith.constant 0 : i32
      %gt3A_586 = arith.cmpi sgt, %scan3A_271, %gt3A_585 : i32
      %convert_element_type3A_587 = arith.extui %gt3A_586 : i1 to i32
      %cond3A_588 = arith.constant 0 : i32
      %cond3A_589 = arith.cmpi ne, %convert_element_type3A_587, %cond3A_588 : i32
      scf.if %cond3A_589 {
        %dma_wait3A_1486 = arith.constant 3 : i32
        %dma_wait3A_1487 = arith.constant 3 : i32
        %dma_wait3A_1488 = arith.constant 1 : i32
        %dma_wait3A_1489 = arith.constant 0 : i32
        %dma_wait3A_1490 = arith.constant 0 : i32
        %dma_wait3A_1491 = tpu.memref_slice %arg15[%dma_wait3A_1486, %dma_wait3A_1489, %dma_wait3A_1490] : memref<4x80x128xf32, #tpu.memory_space<vmem>> -> memref<1x80x128xf32, #tpu.memory_space<vmem>>
        %dma_wait3A_1492 = tpu.memref_squeeze %dma_wait3A_1491 : memref<1x80x128xf32, #tpu.memory_space<vmem>> -> memref<80x128xf32, #tpu.memory_space<vmem>>
        %dma_wait3A_1493 = arith.constant 0 : i32
        %dma_wait3A_1494 = tpu.memref_slice %arg12[%dma_wait3A_1487, %dma_wait3A_1488, %dma_wait3A_1493] : memref<4x2x80xi32, #tpu.memory_space<vmem>> -> memref<1x1x80xi32, #tpu.memory_space<vmem>>
        %dma_wait3A_1495 = tpu.memref_squeeze %dma_wait3A_1494 : memref<1x1x80xi32, #tpu.memory_space<vmem>> -> memref<80xi32, #tpu.memory_space<vmem>>
        %dma_wait3A_1496 = arith.constant 0 : i32
        %dma_wait3A_1497 = arith.constant 0 : i32
        %dma_wait3A_1498 = tpu.memref_slice %arg8[%dma_wait3A_1496, %dma_wait3A_1497] : memref<10240x128xf32, #tpu.memory_space<vmem_shared>> -> memref<10240x128xf32, #tpu.memory_space<vmem_shared>>
        tpu.wait_indirect_dma semaphore(%arg32 : memref<!tpu.dma_semaphore, #tpu.memory_space<semaphore_mem>>) src(%dma_wait3A_1492 : memref<80x128xf32, #tpu.memory_space<vmem>>) dst(%dma_wait3A_1498 : memref<10240x128xf32, #tpu.memory_space<vmem_shared>>)
        %dma_wait3A_1499 = arith.constant 3 : i32
        %dma_wait3A_1500 = arith.constant 3 : i32
        %dma_wait3A_1501 = arith.constant 1 : i32
        %dma_wait3A_1502 = arith.constant 0 : i32
        %dma_wait3A_1503 = tpu.memref_slice %arg16[%dma_wait3A_1499, %dma_wait3A_1502] : memref<4x80xf32, #tpu.memory_space<vmem>> -> memref<1x80xf32, #tpu.memory_space<vmem>>
        %dma_wait3A_1504 = tpu.memref_squeeze %dma_wait3A_1503 : memref<1x80xf32, #tpu.memory_space<vmem>> -> memref<80xf32, #tpu.memory_space<vmem>>
        %dma_wait3A_1505 = arith.constant 0 : i32
        %dma_wait3A_1506 = tpu.memref_slice %arg12[%dma_wait3A_1500, %dma_wait3A_1501, %dma_wait3A_1505] : memref<4x2x80xi32, #tpu.memory_space<vmem>> -> memref<1x1x80xi32, #tpu.memory_space<vmem>>
        %dma_wait3A_1507 = tpu.memref_squeeze %dma_wait3A_1506 : memref<1x1x80xi32, #tpu.memory_space<vmem>> -> memref<80xi32, #tpu.memory_space<vmem>>
        %dma_wait3A_1508 = arith.constant 0 : i32
        %dma_wait3A_1509 = tpu.memref_slice %arg9[%dma_wait3A_1508] : memref<10240xf32, #tpu.memory_space<vmem_shared>> -> memref<10240xf32, #tpu.memory_space<vmem_shared>>
        tpu.wait_indirect_dma semaphore(%arg32 : memref<!tpu.dma_semaphore, #tpu.memory_space<semaphore_mem>>) src(%dma_wait3A_1504 : memref<80xf32, #tpu.memory_space<vmem>>) dst(%dma_wait3A_1509 : memref<10240xf32, #tpu.memory_space<vmem_shared>>)
      } else {
      }
      %add3A_590 = arith.constant 2 : i32
      %add3A_591 = arith.addi %add3A_584, %add3A_590 : i32
      %mul3A_592 = arith.constant 128 : i32
      %mul3A_593 = arith.muli %add3A, %mul3A_592 : i32
      %add3A_594 = arith.addi %mul3A_593, %add3A_591 : i32
      %dma_start3A_595 = arith.constant 3 : i32
      %dma_start3A_596 = arith.constant 0 : i32
      %dma_start3A_597 = arith.constant 0 : i32
      %dma_start3A_598 = tpu.memref_slice %arg12[%dma_start3A_595, %dma_start3A_596, %dma_start3A_597] : memref<4x2x80xi32, #tpu.memory_space<vmem>> -> memref<1x2x80xi32, #tpu.memory_space<vmem>>
      %dma_start3A_599 = tpu.memref_squeeze %dma_start3A_598 : memref<1x2x80xi32, #tpu.memory_space<vmem>> -> memref<2x80xi32, #tpu.memory_space<vmem>>
      %dma_start3A_600 = arith.constant 0 : i32
      %dma_start3A_601 = arith.constant 0 : i32
      %dma_start3A_602 = tpu.memref_slice %arg5[%add3A_594, %dma_start3A_600, %dma_start3A_601] : memref<4096x2x80xi32, #tpu.memory_space<hbm>> -> memref<1x2x80xi32, #tpu.memory_space<hbm>>
      %dma_start3A_603 = tpu.memref_squeeze %dma_start3A_602 : memref<1x2x80xi32, #tpu.memory_space<hbm>> -> memref<2x80xi32, #tpu.memory_space<hbm>>
      %dma_start3A_604 = arith.constant 0 : i32
      %dma_start3A_605 = arith.constant 0 : i32
      %dma_start3A_606 = tpu.memref_slice %arg12[%dma_start3A_595, %dma_start3A_604, %dma_start3A_605] : memref<4x2x80xi32, #tpu.memory_space<vmem>> -> memref<1x2x80xi32, #tpu.memory_space<vmem>>
      %dma_start3A_607 = tpu.memref_squeeze %dma_start3A_606 : memref<1x2x80xi32, #tpu.memory_space<vmem>> -> memref<2x80xi32, #tpu.memory_space<vmem>>
      %dma_start3A_608 = arith.constant 0 : i32
      %dma_start3A_609 = arith.constant 0 : i32
      %dma_start3A_610 = tpu.memref_slice %arg5[%add3A_594, %dma_start3A_608, %dma_start3A_609] : memref<4096x2x80xi32, #tpu.memory_space<hbm>> -> memref<1x2x80xi32, #tpu.memory_space<hbm>>
      %dma_start3A_611 = tpu.memref_squeeze %dma_start3A_610 : memref<1x2x80xi32, #tpu.memory_space<hbm>> -> memref<2x80xi32, #tpu.memory_space<hbm>>
      tpu.enqueue_dma source(%dma_start3A_611 : memref<2x80xi32, #tpu.memory_space<hbm>>) target(%dma_start3A_607 : memref<2x80xi32, #tpu.memory_space<vmem>>) target_semaphore(%arg20 : memref<!tpu.dma_semaphore, #tpu.memory_space<semaphore_mem>>)
      %dma_wait3A_612 = arith.constant 1 : i32
      %dma_wait3A_613 = arith.constant 0 : i32
      %dma_wait3A_614 = arith.constant 1 : i32
      %dma_wait3A_615 = arith.constant 0 : i32
      %dma_wait3A_616 = tpu.memref_slice %arg13[%dma_wait3A_614, %dma_wait3A_615] : memref<4x80xf32, #tpu.memory_space<vmem>> -> memref<1x80xf32, #tpu.memory_space<vmem>>
      %dma_wait3A_617 = tpu.memref_squeeze %dma_wait3A_616 : memref<1x80xf32, #tpu.memory_space<vmem>> -> memref<80xf32, #tpu.memory_space<vmem>>
      %dma_wait3A_618 = arith.constant 0 : i32
      %dma_wait3A_619 = tpu.memref_slice %arg12[%dma_wait3A_612, %dma_wait3A_613, %dma_wait3A_618] : memref<4x2x80xi32, #tpu.memory_space<vmem>> -> memref<1x1x80xi32, #tpu.memory_space<vmem>>
      %dma_wait3A_620 = tpu.memref_squeeze %dma_wait3A_619 : memref<1x1x80xi32, #tpu.memory_space<vmem>> -> memref<80xi32, #tpu.memory_space<vmem>>
      %dma_wait3A_621 = arith.constant 0 : i32
      %dma_wait3A_622 = tpu.memref_slice %arg10[%dma_wait3A_621] : memref<10000xf32, #tpu.memory_space<vmem_shared>> -> memref<10000xf32, #tpu.memory_space<vmem_shared>>
      tpu.wait_indirect_dma semaphore(%arg22 : memref<!tpu.dma_semaphore, #tpu.memory_space<semaphore_mem>>) src(%dma_wait3A_622 : memref<10000xf32, #tpu.memory_space<vmem_shared>>) dst(%dma_wait3A_617 : memref<80xf32, #tpu.memory_space<vmem>>)
      %dma_wait3A_623 = arith.constant 1 : i32
      %dma_wait3A_624 = arith.constant 1 : i32
      %dma_wait3A_625 = arith.constant 1 : i32
      %dma_wait3A_626 = arith.constant 0 : i32
      %dma_wait3A_627 = tpu.memref_slice %arg14[%dma_wait3A_625, %dma_wait3A_626] : memref<4x80xf32, #tpu.memory_space<vmem>> -> memref<1x80xf32, #tpu.memory_space<vmem>>
      %dma_wait3A_628 = tpu.memref_squeeze %dma_wait3A_627 : memref<1x80xf32, #tpu.memory_space<vmem>> -> memref<80xf32, #tpu.memory_space<vmem>>
      %dma_wait3A_629 = arith.constant 0 : i32
      %dma_wait3A_630 = tpu.memref_slice %arg12[%dma_wait3A_623, %dma_wait3A_624, %dma_wait3A_629] : memref<4x2x80xi32, #tpu.memory_space<vmem>> -> memref<1x1x80xi32, #tpu.memory_space<vmem>>
      %dma_wait3A_631 = tpu.memref_squeeze %dma_wait3A_630 : memref<1x1x80xi32, #tpu.memory_space<vmem>> -> memref<80xi32, #tpu.memory_space<vmem>>
      %dma_wait3A_632 = arith.constant 0 : i32
      %dma_wait3A_633 = tpu.memref_slice %arg11[%dma_wait3A_632] : memref<10000xf32, #tpu.memory_space<vmem_shared>> -> memref<10000xf32, #tpu.memory_space<vmem_shared>>
      tpu.wait_indirect_dma semaphore(%arg22 : memref<!tpu.dma_semaphore, #tpu.memory_space<semaphore_mem>>) src(%dma_wait3A_633 : memref<10000xf32, #tpu.memory_space<vmem_shared>>) dst(%dma_wait3A_628 : memref<80xf32, #tpu.memory_space<vmem>>)
      %get3A_634 = arith.constant 1 : i32
      %get3A_635 = arith.index_cast %get3A_634 : i32 to index
      %get3A_636 = arith.constant 0 : index
      %get3A_637 = tpu.vector_load %arg13[%get3A_635, %get3A_636] {strides = array<i32>} : memref<4x80xf32, #tpu.memory_space<vmem>>, vector<16xf32>,
      %get3A_638 = arith.constant 1 : i32
      %get3A_639 = arith.index_cast %get3A_638 : i32 to index
      %get3A_640 = arith.constant 0 : index
      %get3A_641 = tpu.vector_load %arg14[%get3A_639, %get3A_640] {strides = array<i32>} : memref<4x80xf32, #tpu.memory_space<vmem>>, vector<16xf32>,
      %add3A_642 = arith.addf %get3A_637, %get3A_641 : vector<16xf32>
      %gt3A_643 = arith.constant 0.000000e+00 : f32
      %gt3A_644 = vector.broadcast %gt3A_643 : f32 to vector<16xf32>
      %gt3A_645 = arith.cmpf ogt, %add3A_642, %gt3A_644 : vector<16xf32>
      %mul3A_646 = arith.constant 2.000000e-01 : f32
      %mul3A_647 = vector.broadcast %mul3A_646 : f32 to vector<16xf32>
      %mul3A_648 = arith.mulf %mul3A_647, %add3A_642 : vector<16xf32>
      %select_n3A_649 = arith.select %gt3A_645, %add3A_642, %mul3A_648 : vector<16xi1>, vector<16xf32>
      %exp3A_650 = math.exp %select_n3A_649 : vector<16xf32>
      %mul3A_651 = arith.constant 80 : i32
      %mul3A_652 = arith.muli %add3A_584, %mul3A_651 : i32
      %add3A_653 = arith.constant 0 : i32
      %add3A_654 = arith.addi %mul3A_652, %add3A_653 : i32
      %iota3A_655 = tpu.iota {dimensions = array<i32: 0>} : vector<16xi32>
      %add3A_656 = vector.broadcast %add3A_654 : i32 to vector<16xi32>
      %add3A_657 = arith.addi %add3A_656, %iota3A_655 : vector<16xi32>
      %lt3A_658 = arith.constant 10000 : i32
      %lt3A_659 = vector.broadcast %lt3A_658 : i32 to vector<16xi32>
      %lt3A_660 = arith.cmpi slt, %add3A_657, %lt3A_659 : vector<16xi32>
      %jit3A_661 = arith.constant 0.000000e+00 : f32
      %broadcast_in_dim3A_662 = vector.broadcast %jit3A_661 : f32 to vector<16xf32>
      %select_n3A_663 = arith.select %lt3A_660, %exp3A_650, %broadcast_in_dim3A_662 : vector<16xi1>, vector<16xf32>
      %swap3A_664 = arith.constant 1 : i32
      %swap3A_665 = arith.index_cast %swap3A_664 : i32 to index
      %swap3A_666 = arith.constant 0 : index
      %swap3A_667 = tpu.vector_load %arg16[%swap3A_665, %swap3A_666] {strides = array<i32>} : memref<4x80xf32, #tpu.memory_space<vmem>>, vector<16xf32>,
      tpu.vector_store %arg16[%swap3A_665, %swap3A_666], %select_n3A_663 {strides = array<i32>} : memref<4x80xf32, #tpu.memory_space<vmem>>, vector<16xf32>,
      %get3A_668 = arith.constant 1 : i32
      %get3A_669 = arith.index_cast %get3A_668 : i32 to index
      %get3A_670 = arith.constant 16 : index
      %get3A_671 = tpu.vector_load %arg13[%get3A_669, %get3A_670] {strides = array<i32>} : memref<4x80xf32, #tpu.memory_space<vmem>>, vector<16xf32>,
      %get3A_672 = arith.constant 1 : i32
      %get3A_673 = arith.index_cast %get3A_672 : i32 to index
      %get3A_674 = arith.constant 16 : index
      %get3A_675 = tpu.vector_load %arg14[%get3A_673, %get3A_674] {strides = array<i32>} : memref<4x80xf32, #tpu.memory_space<vmem>>, vector<16xf32>,
      %add3A_676 = arith.addf %get3A_671, %get3A_675 : vector<16xf32>
      %gt3A_677 = arith.constant 0.000000e+00 : f32
      %gt3A_678 = vector.broadcast %gt3A_677 : f32 to vector<16xf32>
      %gt3A_679 = arith.cmpf ogt, %add3A_676, %gt3A_678 : vector<16xf32>
      %mul3A_680 = arith.constant 2.000000e-01 : f32
      %mul3A_681 = vector.broadcast %mul3A_680 : f32 to vector<16xf32>
      %mul3A_682 = arith.mulf %mul3A_681, %add3A_676 : vector<16xf32>
      %select_n3A_683 = arith.select %gt3A_679, %add3A_676, %mul3A_682 : vector<16xi1>, vector<16xf32>
      %exp3A_684 = math.exp %select_n3A_683 : vector<16xf32>
      %mul3A_685 = arith.constant 80 : i32
      %mul3A_686 = arith.muli %add3A_584, %mul3A_685 : i32
      %add3A_687 = arith.constant 16 : i32
      %add3A_688 = arith.addi %mul3A_686, %add3A_687 : i32
      %iota3A_689 = tpu.iota {dimensions = array<i32: 0>} : vector<16xi32>
      %add3A_690 = vector.broadcast %add3A_688 : i32 to vector<16xi32>
      %add3A_691 = arith.addi %add3A_690, %iota3A_689 : vector<16xi32>
      %lt3A_692 = arith.constant 10000 : i32
      %lt3A_693 = vector.broadcast %lt3A_692 : i32 to vector<16xi32>
      %lt3A_694 = arith.cmpi slt, %add3A_691, %lt3A_693 : vector<16xi32>
      %jit3A_695 = arith.constant 0.000000e+00 : f32
      %broadcast_in_dim3A_696 = vector.broadcast %jit3A_695 : f32 to vector<16xf32>
      %select_n3A_697 = arith.select %lt3A_694, %exp3A_684, %broadcast_in_dim3A_696 : vector<16xi1>, vector<16xf32>
      %swap3A_698 = arith.constant 1 : i32
      %swap3A_699 = arith.index_cast %swap3A_698 : i32 to index
      %swap3A_700 = arith.constant 16 : index
      %swap3A_701 = tpu.vector_load %arg16[%swap3A_699, %swap3A_700] {strides = array<i32>} : memref<4x80xf32, #tpu.memory_space<vmem>>, vector<16xf32>,
      tpu.vector_store %arg16[%swap3A_699, %swap3A_700], %select_n3A_697 {strides = array<i32>} : memref<4x80xf32, #tpu.memory_space<vmem>>, vector<16xf32>,
      %get3A_702 = arith.constant 1 : i32
      %get3A_703 = arith.index_cast %get3A_702 : i32 to index
      %get3A_704 = arith.constant 32 : index
      %get3A_705 = tpu.vector_load %arg13[%get3A_703, %get3A_704] {strides = array<i32>} : memref<4x80xf32, #tpu.memory_space<vmem>>, vector<16xf32>,
      %get3A_706 = arith.constant 1 : i32
      %get3A_707 = arith.index_cast %get3A_706 : i32 to index
      %get3A_708 = arith.constant 32 : index
      %get3A_709 = tpu.vector_load %arg14[%get3A_707, %get3A_708] {strides = array<i32>} : memref<4x80xf32, #tpu.memory_space<vmem>>, vector<16xf32>,
      %add3A_710 = arith.addf %get3A_705, %get3A_709 : vector<16xf32>
      %gt3A_711 = arith.constant 0.000000e+00 : f32
      %gt3A_712 = vector.broadcast %gt3A_711 : f32 to vector<16xf32>
      %gt3A_713 = arith.cmpf ogt, %add3A_710, %gt3A_712 : vector<16xf32>
      %mul3A_714 = arith.constant 2.000000e-01 : f32
      %mul3A_715 = vector.broadcast %mul3A_714 : f32 to vector<16xf32>
      %mul3A_716 = arith.mulf %mul3A_715, %add3A_710 : vector<16xf32>
      %select_n3A_717 = arith.select %gt3A_713, %add3A_710, %mul3A_716 : vector<16xi1>, vector<16xf32>
      %exp3A_718 = math.exp %select_n3A_717 : vector<16xf32>
      %mul3A_719 = arith.constant 80 : i32
      %mul3A_720 = arith.muli %add3A_584, %mul3A_719 : i32
      %add3A_721 = arith.constant 32 : i32
      %add3A_722 = arith.addi %mul3A_720, %add3A_721 : i32
      %iota3A_723 = tpu.iota {dimensions = array<i32: 0>} : vector<16xi32>
      %add3A_724 = vector.broadcast %add3A_722 : i32 to vector<16xi32>
      %add3A_725 = arith.addi %add3A_724, %iota3A_723 : vector<16xi32>
      %lt3A_726 = arith.constant 10000 : i32
      %lt3A_727 = vector.broadcast %lt3A_726 : i32 to vector<16xi32>
      %lt3A_728 = arith.cmpi slt, %add3A_725, %lt3A_727 : vector<16xi32>
      %jit3A_729 = arith.constant 0.000000e+00 : f32
      %broadcast_in_dim3A_730 = vector.broadcast %jit3A_729 : f32 to vector<16xf32>
      %select_n3A_731 = arith.select %lt3A_728, %exp3A_718, %broadcast_in_dim3A_730 : vector<16xi1>, vector<16xf32>
      %swap3A_732 = arith.constant 1 : i32
      %swap3A_733 = arith.index_cast %swap3A_732 : i32 to index
      %swap3A_734 = arith.constant 32 : index
      %swap3A_735 = tpu.vector_load %arg16[%swap3A_733, %swap3A_734] {strides = array<i32>} : memref<4x80xf32, #tpu.memory_space<vmem>>, vector<16xf32>,
      tpu.vector_store %arg16[%swap3A_733, %swap3A_734], %select_n3A_731 {strides = array<i32>} : memref<4x80xf32, #tpu.memory_space<vmem>>, vector<16xf32>,
      %get3A_736 = arith.constant 1 : i32
      %get3A_737 = arith.index_cast %get3A_736 : i32 to index
      %get3A_738 = arith.constant 48 : index
      %get3A_739 = tpu.vector_load %arg13[%get3A_737, %get3A_738] {strides = array<i32>} : memref<4x80xf32, #tpu.memory_space<vmem>>, vector<16xf32>,
      %get3A_740 = arith.constant 1 : i32
      %get3A_741 = arith.index_cast %get3A_740 : i32 to index
      %get3A_742 = arith.constant 48 : index
      %get3A_743 = tpu.vector_load %arg14[%get3A_741, %get3A_742] {strides = array<i32>} : memref<4x80xf32, #tpu.memory_space<vmem>>, vector<16xf32>,
      %add3A_744 = arith.addf %get3A_739, %get3A_743 : vector<16xf32>
      %gt3A_745 = arith.constant 0.000000e+00 : f32
      %gt3A_746 = vector.broadcast %gt3A_745 : f32 to vector<16xf32>
      %gt3A_747 = arith.cmpf ogt, %add3A_744, %gt3A_746 : vector<16xf32>
      %mul3A_748 = arith.constant 2.000000e-01 : f32
      %mul3A_749 = vector.broadcast %mul3A_748 : f32 to vector<16xf32>
      %mul3A_750 = arith.mulf %mul3A_749, %add3A_744 : vector<16xf32>
      %select_n3A_751 = arith.select %gt3A_747, %add3A_744, %mul3A_750 : vector<16xi1>, vector<16xf32>
      %exp3A_752 = math.exp %select_n3A_751 : vector<16xf32>
      %mul3A_753 = arith.constant 80 : i32
      %mul3A_754 = arith.muli %add3A_584, %mul3A_753 : i32
      %add3A_755 = arith.constant 48 : i32
      %add3A_756 = arith.addi %mul3A_754, %add3A_755 : i32
      %iota3A_757 = tpu.iota {dimensions = array<i32: 0>} : vector<16xi32>
      %add3A_758 = vector.broadcast %add3A_756 : i32 to vector<16xi32>
      %add3A_759 = arith.addi %add3A_758, %iota3A_757 : vector<16xi32>
      %lt3A_760 = arith.constant 10000 : i32
      %lt3A_761 = vector.broadcast %lt3A_760 : i32 to vector<16xi32>
      %lt3A_762 = arith.cmpi slt, %add3A_759, %lt3A_761 : vector<16xi32>
      %jit3A_763 = arith.constant 0.000000e+00 : f32
      %broadcast_in_dim3A_764 = vector.broadcast %jit3A_763 : f32 to vector<16xf32>
      %select_n3A_765 = arith.select %lt3A_762, %exp3A_752, %broadcast_in_dim3A_764 : vector<16xi1>, vector<16xf32>
      %swap3A_766 = arith.constant 1 : i32
      %swap3A_767 = arith.index_cast %swap3A_766 : i32 to index
      %swap3A_768 = arith.constant 48 : index
      %swap3A_769 = tpu.vector_load %arg16[%swap3A_767, %swap3A_768] {strides = array<i32>} : memref<4x80xf32, #tpu.memory_space<vmem>>, vector<16xf32>,
      tpu.vector_store %arg16[%swap3A_767, %swap3A_768], %select_n3A_765 {strides = array<i32>} : memref<4x80xf32, #tpu.memory_space<vmem>>, vector<16xf32>,
      %get3A_770 = arith.constant 1 : i32
      %get3A_771 = arith.index_cast %get3A_770 : i32 to index
      %get3A_772 = arith.constant 64 : index
      %get3A_773 = tpu.vector_load %arg13[%get3A_771, %get3A_772] {strides = array<i32>} : memref<4x80xf32, #tpu.memory_space<vmem>>, vector<16xf32>,
      %get3A_774 = arith.constant 1 : i32
      %get3A_775 = arith.index_cast %get3A_774 : i32 to index
      %get3A_776 = arith.constant 64 : index
      %get3A_777 = tpu.vector_load %arg14[%get3A_775, %get3A_776] {strides = array<i32>} : memref<4x80xf32, #tpu.memory_space<vmem>>, vector<16xf32>,
      %add3A_778 = arith.addf %get3A_773, %get3A_777 : vector<16xf32>
      %gt3A_779 = arith.constant 0.000000e+00 : f32
      %gt3A_780 = vector.broadcast %gt3A_779 : f32 to vector<16xf32>
      %gt3A_781 = arith.cmpf ogt, %add3A_778, %gt3A_780 : vector<16xf32>
      %mul3A_782 = arith.constant 2.000000e-01 : f32
      %mul3A_783 = vector.broadcast %mul3A_782 : f32 to vector<16xf32>
      %mul3A_784 = arith.mulf %mul3A_783, %add3A_778 : vector<16xf32>
      %select_n3A_785 = arith.select %gt3A_781, %add3A_778, %mul3A_784 : vector<16xi1>, vector<16xf32>
      %exp3A_786 = math.exp %select_n3A_785 : vector<16xf32>
      %mul3A_787 = arith.constant 80 : i32
      %mul3A_788 = arith.muli %add3A_584, %mul3A_787 : i32
      %add3A_789 = arith.constant 64 : i32
      %add3A_790 = arith.addi %mul3A_788, %add3A_789 : i32
      %iota3A_791 = tpu.iota {dimensions = array<i32: 0>} : vector<16xi32>
      %add3A_792 = vector.broadcast %add3A_790 : i32 to vector<16xi32>
      %add3A_793 = arith.addi %add3A_792, %iota3A_791 : vector<16xi32>
      %lt3A_794 = arith.constant 10000 : i32
      %lt3A_795 = vector.broadcast %lt3A_794 : i32 to vector<16xi32>
      %lt3A_796 = arith.cmpi slt, %add3A_793, %lt3A_795 : vector<16xi32>
      %jit3A_797 = arith.constant 0.000000e+00 : f32
      %broadcast_in_dim3A_798 = vector.broadcast %jit3A_797 : f32 to vector<16xf32>
      %select_n3A_799 = arith.select %lt3A_796, %exp3A_786, %broadcast_in_dim3A_798 : vector<16xi1>, vector<16xf32>
      %swap3A_800 = arith.constant 1 : i32
      %swap3A_801 = arith.index_cast %swap3A_800 : i32 to index
      %swap3A_802 = arith.constant 64 : index
      %swap3A_803 = tpu.vector_load %arg16[%swap3A_801, %swap3A_802] {strides = array<i32>} : memref<4x80xf32, #tpu.memory_space<vmem>>, vector<16xf32>,
      tpu.vector_store %arg16[%swap3A_801, %swap3A_802], %select_n3A_799 {strides = array<i32>} : memref<4x80xf32, #tpu.memory_space<vmem>>, vector<16xf32>,
      %dma_wait3A_804 = arith.constant 0 : i32
      %dma_wait3A_805 = arith.constant 2 : i32
      %dma_wait3A_806 = arith.constant 0 : i32
      %dma_wait3A_807 = arith.constant 0 : i32
      %dma_wait3A_808 = tpu.memref_slice %arg12[%dma_wait3A_805, %dma_wait3A_806, %dma_wait3A_807] : memref<4x2x80xi32, #tpu.memory_space<vmem>> -> memref<1x2x80xi32, #tpu.memory_space<vmem>>
      %dma_wait3A_809 = tpu.memref_squeeze %dma_wait3A_808 : memref<1x2x80xi32, #tpu.memory_space<vmem>> -> memref<2x80xi32, #tpu.memory_space<vmem>>
      %dma_wait3A_810 = arith.constant 0 : i32
      %dma_wait3A_811 = arith.constant 0 : i32
      %dma_wait3A_812 = tpu.memref_slice %arg5[%dma_wait3A_804, %dma_wait3A_810, %dma_wait3A_811] : memref<4096x2x80xi32, #tpu.memory_space<hbm>> -> memref<1x2x80xi32, #tpu.memory_space<hbm>>
      %dma_wait3A_813 = tpu.memref_squeeze %dma_wait3A_812 : memref<1x2x80xi32, #tpu.memory_space<hbm>> -> memref<2x80xi32, #tpu.memory_space<hbm>>
      %dma_wait3A_814 = arith.constant 0 : i32
      %dma_wait3A_815 = arith.constant 0 : i32
      %dma_wait3A_816 = tpu.memref_slice %arg12[%dma_wait3A_805, %dma_wait3A_814, %dma_wait3A_815] : memref<4x2x80xi32, #tpu.memory_space<vmem>> -> memref<1x2x80xi32, #tpu.memory_space<vmem>>
      %dma_wait3A_817 = tpu.memref_squeeze %dma_wait3A_816 : memref<1x2x80xi32, #tpu.memory_space<vmem>> -> memref<2x80xi32, #tpu.memory_space<vmem>>
      %dma_wait3A_818 = arith.constant 0 : i32
      %dma_wait3A_819 = arith.constant 0 : i32
      %dma_wait3A_820 = tpu.memref_slice %arg5[%dma_wait3A_804, %dma_wait3A_818, %dma_wait3A_819] : memref<4096x2x80xi32, #tpu.memory_space<hbm>> -> memref<1x2x80xi32, #tpu.memory_space<hbm>>
      %dma_wait3A_821 = tpu.memref_squeeze %dma_wait3A_820 : memref<1x2x80xi32, #tpu.memory_space<hbm>> -> memref<2x80xi32, #tpu.memory_space<hbm>>
      tpu.wait_dma2 semaphore(%arg19 : memref<!tpu.dma_semaphore, #tpu.memory_space<semaphore_mem>>) src(%dma_wait3A_821 : memref<2x80xi32, #tpu.memory_space<hbm>>) dst(%dma_wait3A_817 : memref<2x80xi32, #tpu.memory_space<vmem>>)
      %dma_start3A_822 = arith.constant 2 : i32
      %dma_start3A_823 = arith.constant 0 : i32
      %dma_start3A_824 = arith.constant 2 : i32
      %dma_start3A_825 = arith.constant 0 : i32
      %dma_start3A_826 = tpu.memref_slice %arg13[%dma_start3A_824, %dma_start3A_825] : memref<4x80xf32, #tpu.memory_space<vmem>> -> memref<1x80xf32, #tpu.memory_space<vmem>>
      %dma_start3A_827 = tpu.memref_squeeze %dma_start3A_826 : memref<1x80xf32, #tpu.memory_space<vmem>> -> memref<80xf32, #tpu.memory_space<vmem>>
      %dma_start3A_828 = arith.constant 0 : i32
      %dma_start3A_829 = tpu.memref_slice %arg12[%dma_start3A_822, %dma_start3A_823, %dma_start3A_828] : memref<4x2x80xi32, #tpu.memory_space<vmem>> -> memref<1x1x80xi32, #tpu.memory_space<vmem>>
      %dma_start3A_830 = tpu.memref_squeeze %dma_start3A_829 : memref<1x1x80xi32, #tpu.memory_space<vmem>> -> memref<80xi32, #tpu.memory_space<vmem>>
      %dma_start3A_831 = arith.constant 0 : i32
      %dma_start3A_832 = tpu.memref_slice %arg10[%dma_start3A_831] : memref<10000xf32, #tpu.memory_space<vmem_shared>> -> memref<10000xf32, #tpu.memory_space<vmem_shared>>
      tpu.enqueue_indirect_dma source(%dma_start3A_832 : memref<10000xf32, #tpu.memory_space<vmem_shared>>) target(%dma_start3A_827 : memref<80xf32, #tpu.memory_space<vmem>>) offsets(%dma_start3A_830 : memref<80xi32, #tpu.memory_space<vmem>>) semaphore(%arg23 : memref<!tpu.dma_semaphore, #tpu.memory_space<semaphore_mem>>)
      %dma_start3A_833 = arith.constant 2 : i32
      %dma_start3A_834 = arith.constant 1 : i32
      %dma_start3A_835 = arith.constant 2 : i32
      %dma_start3A_836 = arith.constant 0 : i32
      %dma_start3A_837 = tpu.memref_slice %arg14[%dma_start3A_835, %dma_start3A_836] : memref<4x80xf32, #tpu.memory_space<vmem>> -> memref<1x80xf32, #tpu.memory_space<vmem>>
      %dma_start3A_838 = tpu.memref_squeeze %dma_start3A_837 : memref<1x80xf32, #tpu.memory_space<vmem>> -> memref<80xf32, #tpu.memory_space<vmem>>
      %dma_start3A_839 = arith.constant 0 : i32
      %dma_start3A_840 = tpu.memref_slice %arg12[%dma_start3A_833, %dma_start3A_834, %dma_start3A_839] : memref<4x2x80xi32, #tpu.memory_space<vmem>> -> memref<1x1x80xi32, #tpu.memory_space<vmem>>
      %dma_start3A_841 = tpu.memref_squeeze %dma_start3A_840 : memref<1x1x80xi32, #tpu.memory_space<vmem>> -> memref<80xi32, #tpu.memory_space<vmem>>
      %dma_start3A_842 = arith.constant 0 : i32
      %dma_start3A_843 = tpu.memref_slice %arg11[%dma_start3A_842] : memref<10000xf32, #tpu.memory_space<vmem_shared>> -> memref<10000xf32, #tpu.memory_space<vmem_shared>>
      tpu.enqueue_indirect_dma source(%dma_start3A_843 : memref<10000xf32, #tpu.memory_space<vmem_shared>>) target(%dma_start3A_838 : memref<80xf32, #tpu.memory_space<vmem>>) offsets(%dma_start3A_841 : memref<80xi32, #tpu.memory_space<vmem>>) semaphore(%arg23 : memref<!tpu.dma_semaphore, #tpu.memory_space<semaphore_mem>>)
      %dma_start3A_844 = arith.constant 2 : i32
      %dma_start3A_845 = arith.constant 0 : i32
      %dma_start3A_846 = arith.constant 2 : i32
      %dma_start3A_847 = arith.constant 0 : i32
      %dma_start3A_848 = arith.constant 0 : i32
      %dma_start3A_849 = tpu.memref_slice %arg15[%dma_start3A_846, %dma_start3A_847, %dma_start3A_848] : memref<4x80x128xf32, #tpu.memory_space<vmem>> -> memref<1x80x128xf32, #tpu.memory_space<vmem>>
      %dma_start3A_850 = tpu.memref_squeeze %dma_start3A_849 : memref<1x80x128xf32, #tpu.memory_space<vmem>> -> memref<80x128xf32, #tpu.memory_space<vmem>>
      %dma_start3A_851 = arith.constant 0 : i32
      %dma_start3A_852 = tpu.memref_slice %arg12[%dma_start3A_844, %dma_start3A_845, %dma_start3A_851] : memref<4x2x80xi32, #tpu.memory_space<vmem>> -> memref<1x1x80xi32, #tpu.memory_space<vmem>>
      %dma_start3A_853 = tpu.memref_squeeze %dma_start3A_852 : memref<1x1x80xi32, #tpu.memory_space<vmem>> -> memref<80xi32, #tpu.memory_space<vmem>>
      %dma_start3A_854 = arith.constant 0 : i32
      %dma_start3A_855 = arith.constant 0 : i32
      %dma_start3A_856 = tpu.memref_slice %arg2[%dma_start3A_854, %dma_start3A_855] : memref<10000x128xf32, #tpu.memory_space<hbm>> -> memref<10000x128xf32, #tpu.memory_space<hbm>>
      tpu.enqueue_indirect_dma source(%dma_start3A_856 : memref<10000x128xf32, #tpu.memory_space<hbm>>) target(%dma_start3A_850 : memref<80x128xf32, #tpu.memory_space<vmem>>) offsets(%dma_start3A_853 : memref<80xi32, #tpu.memory_space<vmem>>) semaphore(%arg27 : memref<!tpu.dma_semaphore, #tpu.memory_space<semaphore_mem>>)
      %dma_wait3A_857 = arith.constant 1 : i32
      %dma_wait3A_858 = arith.constant 0 : i32
      %dma_wait3A_859 = arith.constant 1 : i32
      %dma_wait3A_860 = arith.constant 0 : i32
      %dma_wait3A_861 = arith.constant 0 : i32
      %dma_wait3A_862 = tpu.memref_slice %arg15[%dma_wait3A_859, %dma_wait3A_860, %dma_wait3A_861] : memref<4x80x128xf32, #tpu.memory_space<vmem>> -> memref<1x80x128xf32, #tpu.memory_space<vmem>>
      %dma_wait3A_863 = tpu.memref_squeeze %dma_wait3A_862 : memref<1x80x128xf32, #tpu.memory_space<vmem>> -> memref<80x128xf32, #tpu.memory_space<vmem>>
      %dma_wait3A_864 = arith.constant 0 : i32
      %dma_wait3A_865 = tpu.memref_slice %arg12[%dma_wait3A_857, %dma_wait3A_858, %dma_wait3A_864] : memref<4x2x80xi32, #tpu.memory_space<vmem>> -> memref<1x1x80xi32, #tpu.memory_space<vmem>>
      %dma_wait3A_866 = tpu.memref_squeeze %dma_wait3A_865 : memref<1x1x80xi32, #tpu.memory_space<vmem>> -> memref<80xi32, #tpu.memory_space<vmem>>
      %dma_wait3A_867 = arith.constant 0 : i32
      %dma_wait3A_868 = arith.constant 0 : i32
      %dma_wait3A_869 = tpu.memref_slice %arg2[%dma_wait3A_867, %dma_wait3A_868] : memref<10000x128xf32, #tpu.memory_space<hbm>> -> memref<10000x128xf32, #tpu.memory_space<hbm>>
      tpu.wait_indirect_dma semaphore(%arg26 : memref<!tpu.dma_semaphore, #tpu.memory_space<semaphore_mem>>) src(%dma_wait3A_869 : memref<10000x128xf32, #tpu.memory_space<hbm>>) dst(%dma_wait3A_863 : memref<80x128xf32, #tpu.memory_space<vmem>>)
      %parallel_loop3A_870 = arith.constant 0 : i32
      %parallel_loop3A_871 = arith.constant 80 : i32
      %parallel_loop3A_872 = arith.constant 1 : i32
      scf.for %parallel_loop3A_1486 = %parallel_loop3A_870 to %parallel_loop3A_871 step %parallel_loop3A_872  : i32 {
        %parallel_loop3A_1487 = vector.broadcast %parallel_loop3A_1486 : i32 to vector<16xi32>
        %parallel_loop3A_1488 = arith.constant 1 : i32
        %parallel_loop3A_1489 = arith.constant 0 : i32
        %parallel_loop3A_1490 = tpu.memref_slice %arg16[%parallel_loop3A_1488, %parallel_loop3A_1489] : memref<4x80xf32, #tpu.memory_space<vmem>> -> memref<1x80xf32, #tpu.memory_space<vmem>>
        %parallel_loop3A_1491 = tpu.memref_squeeze %parallel_loop3A_1490 : memref<1x80xf32, #tpu.memory_space<vmem>> -> memref<80xf32, #tpu.memory_space<vmem>>
        %parallel_loop3A_1492 = tpu.vector_load_idx %parallel_loop3A_1491[%parallel_loop3A_1487] : memref<80xf32, #tpu.memory_space<vmem>>[vector<16xi32>], vector<16xf32>,
        %parallel_loop3A_1493 = arith.constant 1 : i32
        %parallel_loop3A_1494 = arith.index_cast %parallel_loop3A_1493 : i32 to index
        %parallel_loop3A_1495 = arith.index_cast %parallel_loop3A_1486 : i32 to index
        %parallel_loop3A_1496 = arith.constant 0 : index
        %parallel_loop3A_1497 = tpu.vector_load %arg15[%parallel_loop3A_1494, %parallel_loop3A_1495, %parallel_loop3A_1496] {strides = array<i32>} : memref<4x80x128xf32, #tpu.memory_space<vmem>>, vector<16xf32>,
        %parallel_loop3A_1498 = arith.mulf %parallel_loop3A_1497, %parallel_loop3A_1492 : vector<16xf32>
        %parallel_loop3A_1499 = arith.constant 1 : i32
        %parallel_loop3A_1500 = arith.index_cast %parallel_loop3A_1499 : i32 to index
        %parallel_loop3A_1501 = arith.index_cast %parallel_loop3A_1486 : i32 to index
        %parallel_loop3A_1502 = arith.constant 0 : index
        %parallel_loop3A_1503 = tpu.vector_load %arg15[%parallel_loop3A_1500, %parallel_loop3A_1501, %parallel_loop3A_1502] {strides = array<i32>} : memref<4x80x128xf32, #tpu.memory_space<vmem>>, vector<16xf32>,
        tpu.vector_store %arg15[%parallel_loop3A_1500, %parallel_loop3A_1501, %parallel_loop3A_1502], %parallel_loop3A_1498 {strides = array<i32>} : memref<4x80x128xf32, #tpu.memory_space<vmem>>, vector<16xf32>,
        %parallel_loop3A_1504 = arith.constant 1 : i32
        %parallel_loop3A_1505 = arith.index_cast %parallel_loop3A_1504 : i32 to index
        %parallel_loop3A_1506 = arith.index_cast %parallel_loop3A_1486 : i32 to index
        %parallel_loop3A_1507 = arith.constant 16 : index
        %parallel_loop3A_1508 = tpu.vector_load %arg15[%parallel_loop3A_1505, %parallel_loop3A_1506, %parallel_loop3A_1507] {strides = array<i32>} : memref<4x80x128xf32, #tpu.memory_space<vmem>>, vector<16xf32>,
        %parallel_loop3A_1509 = arith.mulf %parallel_loop3A_1508, %parallel_loop3A_1492 : vector<16xf32>
        %parallel_loop3A_1510 = arith.constant 1 : i32
        %parallel_loop3A_1511 = arith.index_cast %parallel_loop3A_1510 : i32 to index
        %parallel_loop3A_1512 = arith.index_cast %parallel_loop3A_1486 : i32 to index
        %parallel_loop3A_1513 = arith.constant 16 : index
        %parallel_loop3A_1514 = tpu.vector_load %arg15[%parallel_loop3A_1511, %parallel_loop3A_1512, %parallel_loop3A_1513] {strides = array<i32>} : memref<4x80x128xf32, #tpu.memory_space<vmem>>, vector<16xf32>,
        tpu.vector_store %arg15[%parallel_loop3A_1511, %parallel_loop3A_1512, %parallel_loop3A_1513], %parallel_loop3A_1509 {strides = array<i32>} : memref<4x80x128xf32, #tpu.memory_space<vmem>>, vector<16xf32>,
        %parallel_loop3A_1515 = arith.constant 1 : i32
        %parallel_loop3A_1516 = arith.index_cast %parallel_loop3A_1515 : i32 to index
        %parallel_loop3A_1517 = arith.index_cast %parallel_loop3A_1486 : i32 to index
        %parallel_loop3A_1518 = arith.constant 32 : index
        %parallel_loop3A_1519 = tpu.vector_load %arg15[%parallel_loop3A_1516, %parallel_loop3A_1517, %parallel_loop3A_1518] {strides = array<i32>} : memref<4x80x128xf32, #tpu.memory_space<vmem>>, vector<16xf32>,
        %parallel_loop3A_1520 = arith.mulf %parallel_loop3A_1519, %parallel_loop3A_1492 : vector<16xf32>
        %parallel_loop3A_1521 = arith.constant 1 : i32
        %parallel_loop3A_1522 = arith.index_cast %parallel_loop3A_1521 : i32 to index
        %parallel_loop3A_1523 = arith.index_cast %parallel_loop3A_1486 : i32 to index
        %parallel_loop3A_1524 = arith.constant 32 : index
        %parallel_loop3A_1525 = tpu.vector_load %arg15[%parallel_loop3A_1522, %parallel_loop3A_1523, %parallel_loop3A_1524] {strides = array<i32>} : memref<4x80x128xf32, #tpu.memory_space<vmem>>, vector<16xf32>,
        tpu.vector_store %arg15[%parallel_loop3A_1522, %parallel_loop3A_1523, %parallel_loop3A_1524], %parallel_loop3A_1520 {strides = array<i32>} : memref<4x80x128xf32, #tpu.memory_space<vmem>>, vector<16xf32>,
        %parallel_loop3A_1526 = arith.constant 1 : i32
        %parallel_loop3A_1527 = arith.index_cast %parallel_loop3A_1526 : i32 to index
        %parallel_loop3A_1528 = arith.index_cast %parallel_loop3A_1486 : i32 to index
        %parallel_loop3A_1529 = arith.constant 48 : index
        %parallel_loop3A_1530 = tpu.vector_load %arg15[%parallel_loop3A_1527, %parallel_loop3A_1528, %parallel_loop3A_1529] {strides = array<i32>} : memref<4x80x128xf32, #tpu.memory_space<vmem>>, vector<16xf32>,
        %parallel_loop3A_1531 = arith.mulf %parallel_loop3A_1530, %parallel_loop3A_1492 : vector<16xf32>
        %parallel_loop3A_1532 = arith.constant 1 : i32
        %parallel_loop3A_1533 = arith.index_cast %parallel_loop3A_1532 : i32 to index
        %parallel_loop3A_1534 = arith.index_cast %parallel_loop3A_1486 : i32 to index
        %parallel_loop3A_1535 = arith.constant 48 : index
        %parallel_loop3A_1536 = tpu.vector_load %arg15[%parallel_loop3A_1533, %parallel_loop3A_1534, %parallel_loop3A_1535] {strides = array<i32>} : memref<4x80x128xf32, #tpu.memory_space<vmem>>, vector<16xf32>,
        tpu.vector_store %arg15[%parallel_loop3A_1533, %parallel_loop3A_1534, %parallel_loop3A_1535], %parallel_loop3A_1531 {strides = array<i32>} : memref<4x80x128xf32, #tpu.memory_space<vmem>>, vector<16xf32>,
        %parallel_loop3A_1537 = arith.constant 1 : i32
        %parallel_loop3A_1538 = arith.index_cast %parallel_loop3A_1537 : i32 to index
        %parallel_loop3A_1539 = arith.index_cast %parallel_loop3A_1486 : i32 to index
        %parallel_loop3A_1540 = arith.constant 64 : index
        %parallel_loop3A_1541 = tpu.vector_load %arg15[%parallel_loop3A_1538, %parallel_loop3A_1539, %parallel_loop3A_1540] {strides = array<i32>} : memref<4x80x128xf32, #tpu.memory_space<vmem>>, vector<16xf32>,
        %parallel_loop3A_1542 = arith.mulf %parallel_loop3A_1541, %parallel_loop3A_1492 : vector<16xf32>
        %parallel_loop3A_1543 = arith.constant 1 : i32
        %parallel_loop3A_1544 = arith.index_cast %parallel_loop3A_1543 : i32 to index
        %parallel_loop3A_1545 = arith.index_cast %parallel_loop3A_1486 : i32 to index
        %parallel_loop3A_1546 = arith.constant 64 : index
        %parallel_loop3A_1547 = tpu.vector_load %arg15[%parallel_loop3A_1544, %parallel_loop3A_1545, %parallel_loop3A_1546] {strides = array<i32>} : memref<4x80x128xf32, #tpu.memory_space<vmem>>, vector<16xf32>,
        tpu.vector_store %arg15[%parallel_loop3A_1544, %parallel_loop3A_1545, %parallel_loop3A_1546], %parallel_loop3A_1542 {strides = array<i32>} : memref<4x80x128xf32, #tpu.memory_space<vmem>>, vector<16xf32>,
        %parallel_loop3A_1548 = arith.constant 1 : i32
        %parallel_loop3A_1549 = arith.index_cast %parallel_loop3A_1548 : i32 to index
        %parallel_loop3A_1550 = arith.index_cast %parallel_loop3A_1486 : i32 to index
        %parallel_loop3A_1551 = arith.constant 80 : index
        %parallel_loop3A_1552 = tpu.vector_load %arg15[%parallel_loop3A_1549, %parallel_loop3A_1550, %parallel_loop3A_1551] {strides = array<i32>} : memref<4x80x128xf32, #tpu.memory_space<vmem>>, vector<16xf32>,
        %parallel_loop3A_1553 = arith.mulf %parallel_loop3A_1552, %parallel_loop3A_1492 : vector<16xf32>
        %parallel_loop3A_1554 = arith.constant 1 : i32
        %parallel_loop3A_1555 = arith.index_cast %parallel_loop3A_1554 : i32 to index
        %parallel_loop3A_1556 = arith.index_cast %parallel_loop3A_1486 : i32 to index
        %parallel_loop3A_1557 = arith.constant 80 : index
        %parallel_loop3A_1558 = tpu.vector_load %arg15[%parallel_loop3A_1555, %parallel_loop3A_1556, %parallel_loop3A_1557] {strides = array<i32>} : memref<4x80x128xf32, #tpu.memory_space<vmem>>, vector<16xf32>,
        tpu.vector_store %arg15[%parallel_loop3A_1555, %parallel_loop3A_1556, %parallel_loop3A_1557], %parallel_loop3A_1553 {strides = array<i32>} : memref<4x80x128xf32, #tpu.memory_space<vmem>>, vector<16xf32>,
        %parallel_loop3A_1559 = arith.constant 1 : i32
        %parallel_loop3A_1560 = arith.index_cast %parallel_loop3A_1559 : i32 to index
        %parallel_loop3A_1561 = arith.index_cast %parallel_loop3A_1486 : i32 to index
        %parallel_loop3A_1562 = arith.constant 96 : index
        %parallel_loop3A_1563 = tpu.vector_load %arg15[%parallel_loop3A_1560, %parallel_loop3A_1561, %parallel_loop3A_1562] {strides = array<i32>} : memref<4x80x128xf32, #tpu.memory_space<vmem>>, vector<16xf32>,
        %parallel_loop3A_1564 = arith.mulf %parallel_loop3A_1563, %parallel_loop3A_1492 : vector<16xf32>
        %parallel_loop3A_1565 = arith.constant 1 : i32
        %parallel_loop3A_1566 = arith.index_cast %parallel_loop3A_1565 : i32 to index
        %parallel_loop3A_1567 = arith.index_cast %parallel_loop3A_1486 : i32 to index
        %parallel_loop3A_1568 = arith.constant 96 : index
        %parallel_loop3A_1569 = tpu.vector_load %arg15[%parallel_loop3A_1566, %parallel_loop3A_1567, %parallel_loop3A_1568] {strides = array<i32>} : memref<4x80x128xf32, #tpu.memory_space<vmem>>, vector<16xf32>,
        tpu.vector_store %arg15[%parallel_loop3A_1566, %parallel_loop3A_1567, %parallel_loop3A_1568], %parallel_loop3A_1564 {strides = array<i32>} : memref<4x80x128xf32, #tpu.memory_space<vmem>>, vector<16xf32>,
        %parallel_loop3A_1570 = arith.constant 1 : i32
        %parallel_loop3A_1571 = arith.index_cast %parallel_loop3A_1570 : i32 to index
        %parallel_loop3A_1572 = arith.index_cast %parallel_loop3A_1486 : i32 to index
        %parallel_loop3A_1573 = arith.constant 112 : index
        %parallel_loop3A_1574 = tpu.vector_load %arg15[%parallel_loop3A_1571, %parallel_loop3A_1572, %parallel_loop3A_1573] {strides = array<i32>} : memref<4x80x128xf32, #tpu.memory_space<vmem>>, vector<16xf32>,
        %parallel_loop3A_1575 = arith.mulf %parallel_loop3A_1574, %parallel_loop3A_1492 : vector<16xf32>
        %parallel_loop3A_1576 = arith.constant 1 : i32
        %parallel_loop3A_1577 = arith.index_cast %parallel_loop3A_1576 : i32 to index
        %parallel_loop3A_1578 = arith.index_cast %parallel_loop3A_1486 : i32 to index
        %parallel_loop3A_1579 = arith.constant 112 : index
        %parallel_loop3A_1580 = tpu.vector_load %arg15[%parallel_loop3A_1577, %parallel_loop3A_1578, %parallel_loop3A_1579] {strides = array<i32>} : memref<4x80x128xf32, #tpu.memory_space<vmem>>, vector<16xf32>,
        tpu.vector_store %arg15[%parallel_loop3A_1577, %parallel_loop3A_1578, %parallel_loop3A_1579], %parallel_loop3A_1575 {strides = array<i32>} : memref<4x80x128xf32, #tpu.memory_space<vmem>>, vector<16xf32>,
      } {sc.loop_unroll_factor = 4 : i64, sc.parallel_access}
      %dma_start3A_873 = arith.constant 1 : i32
      %dma_start3A_874 = arith.constant 1 : i32
      %dma_start3A_875 = arith.constant 1 : i32
      %dma_start3A_876 = arith.constant 0 : i32
      %dma_start3A_877 = arith.constant 0 : i32
      %dma_start3A_878 = tpu.memref_slice %arg15[%dma_start3A_873, %dma_start3A_876, %dma_start3A_877] : memref<4x80x128xf32, #tpu.memory_space<vmem>> -> memref<1x80x128xf32, #tpu.memory_space<vmem>>
      %dma_start3A_879 = tpu.memref_squeeze %dma_start3A_878 : memref<1x80x128xf32, #tpu.memory_space<vmem>> -> memref<80x128xf32, #tpu.memory_space<vmem>>
      %dma_start3A_880 = arith.constant 0 : i32
      %dma_start3A_881 = tpu.memref_slice %arg12[%dma_start3A_874, %dma_start3A_875, %dma_start3A_880] : memref<4x2x80xi32, #tpu.memory_space<vmem>> -> memref<1x1x80xi32, #tpu.memory_space<vmem>>
      %dma_start3A_882 = tpu.memref_squeeze %dma_start3A_881 : memref<1x1x80xi32, #tpu.memory_space<vmem>> -> memref<80xi32, #tpu.memory_space<vmem>>
      %dma_start3A_883 = arith.constant 0 : i32
      %dma_start3A_884 = arith.constant 0 : i32
      %dma_start3A_885 = tpu.memref_slice %arg8[%dma_start3A_883, %dma_start3A_884] : memref<10240x128xf32, #tpu.memory_space<vmem_shared>> -> memref<10240x128xf32, #tpu.memory_space<vmem_shared>>
      tpu.enqueue_indirect_dma source(%dma_start3A_879 : memref<80x128xf32, #tpu.memory_space<vmem>>) target(%dma_start3A_885 : memref<10240x128xf32, #tpu.memory_space<vmem_shared>>) offsets(%dma_start3A_882 : memref<80xi32, #tpu.memory_space<vmem>>) semaphore(%arg30 : memref<!tpu.dma_semaphore, #tpu.memory_space<semaphore_mem>>) {add = true}
      %dma_start3A_886 = arith.constant 1 : i32
      %dma_start3A_887 = arith.constant 1 : i32
      %dma_start3A_888 = arith.constant 1 : i32
      %dma_start3A_889 = arith.constant 0 : i32
      %dma_start3A_890 = tpu.memref_slice %arg16[%dma_start3A_886, %dma_start3A_889] : memref<4x80xf32, #tpu.memory_space<vmem>> -> memref<1x80xf32, #tpu.memory_space<vmem>>
      %dma_start3A_891 = tpu.memref_squeeze %dma_start3A_890 : memref<1x80xf32, #tpu.memory_space<vmem>> -> memref<80xf32, #tpu.memory_space<vmem>>
      %dma_start3A_892 = arith.constant 0 : i32
      %dma_start3A_893 = tpu.memref_slice %arg12[%dma_start3A_887, %dma_start3A_888, %dma_start3A_892] : memref<4x2x80xi32, #tpu.memory_space<vmem>> -> memref<1x1x80xi32, #tpu.memory_space<vmem>>
      %dma_start3A_894 = tpu.memref_squeeze %dma_start3A_893 : memref<1x1x80xi32, #tpu.memory_space<vmem>> -> memref<80xi32, #tpu.memory_space<vmem>>
      %dma_start3A_895 = arith.constant 0 : i32
      %dma_start3A_896 = tpu.memref_slice %arg9[%dma_start3A_895] : memref<10240xf32, #tpu.memory_space<vmem_shared>> -> memref<10240xf32, #tpu.memory_space<vmem_shared>>
      tpu.enqueue_indirect_dma source(%dma_start3A_891 : memref<80xf32, #tpu.memory_space<vmem>>) target(%dma_start3A_896 : memref<10240xf32, #tpu.memory_space<vmem_shared>>) offsets(%dma_start3A_894 : memref<80xi32, #tpu.memory_space<vmem>>) semaphore(%arg30 : memref<!tpu.dma_semaphore, #tpu.memory_space<semaphore_mem>>) {add = true}
      %mul3A_897 = arith.constant 4 : i32
      %mul3A_898 = arith.muli %mul3A_897, %scan3A_271 : i32
      %add3A_899 = arith.constant 2 : i32
      %add3A_900 = arith.addi %mul3A_898, %add3A_899 : i32
      %dma_wait3A_901 = arith.constant 0 : i32
      %dma_wait3A_902 = arith.constant 0 : i32
      %dma_wait3A_903 = arith.constant 1 : i32
      %dma_wait3A_904 = arith.constant 0 : i32
      %dma_wait3A_905 = arith.constant 0 : i32
      %dma_wait3A_906 = tpu.memref_slice %arg15[%dma_wait3A_901, %dma_wait3A_904, %dma_wait3A_905] : memref<4x80x128xf32, #tpu.memory_space<vmem>> -> memref<1x80x128xf32, #tpu.memory_space<vmem>>
      %dma_wait3A_907 = tpu.memref_squeeze %dma_wait3A_906 : memref<1x80x128xf32, #tpu.memory_space<vmem>> -> memref<80x128xf32, #tpu.memory_space<vmem>>
      %dma_wait3A_908 = arith.constant 0 : i32
      %dma_wait3A_909 = tpu.memref_slice %arg12[%dma_wait3A_902, %dma_wait3A_903, %dma_wait3A_908] : memref<4x2x80xi32, #tpu.memory_space<vmem>> -> memref<1x1x80xi32, #tpu.memory_space<vmem>>
      %dma_wait3A_910 = tpu.memref_squeeze %dma_wait3A_909 : memref<1x1x80xi32, #tpu.memory_space<vmem>> -> memref<80xi32, #tpu.memory_space<vmem>>
      %dma_wait3A_911 = arith.constant 0 : i32
      %dma_wait3A_912 = arith.constant 0 : i32
      %dma_wait3A_913 = tpu.memref_slice %arg8[%dma_wait3A_911, %dma_wait3A_912] : memref<10240x128xf32, #tpu.memory_space<vmem_shared>> -> memref<10240x128xf32, #tpu.memory_space<vmem_shared>>
      tpu.wait_indirect_dma semaphore(%arg29 : memref<!tpu.dma_semaphore, #tpu.memory_space<semaphore_mem>>) src(%dma_wait3A_907 : memref<80x128xf32, #tpu.memory_space<vmem>>) dst(%dma_wait3A_913 : memref<10240x128xf32, #tpu.memory_space<vmem_shared>>)
      %dma_wait3A_914 = arith.constant 0 : i32
      %dma_wait3A_915 = arith.constant 0 : i32
      %dma_wait3A_916 = arith.constant 1 : i32
      %dma_wait3A_917 = arith.constant 0 : i32
      %dma_wait3A_918 = tpu.memref_slice %arg16[%dma_wait3A_914, %dma_wait3A_917] : memref<4x80xf32, #tpu.memory_space<vmem>> -> memref<1x80xf32, #tpu.memory_space<vmem>>
      %dma_wait3A_919 = tpu.memref_squeeze %dma_wait3A_918 : memref<1x80xf32, #tpu.memory_space<vmem>> -> memref<80xf32, #tpu.memory_space<vmem>>
      %dma_wait3A_920 = arith.constant 0 : i32
      %dma_wait3A_921 = tpu.memref_slice %arg12[%dma_wait3A_915, %dma_wait3A_916, %dma_wait3A_920] : memref<4x2x80xi32, #tpu.memory_space<vmem>> -> memref<1x1x80xi32, #tpu.memory_space<vmem>>
      %dma_wait3A_922 = tpu.memref_squeeze %dma_wait3A_921 : memref<1x1x80xi32, #tpu.memory_space<vmem>> -> memref<80xi32, #tpu.memory_space<vmem>>
      %dma_wait3A_923 = arith.constant 0 : i32
      %dma_wait3A_924 = tpu.memref_slice %arg9[%dma_wait3A_923] : memref<10240xf32, #tpu.memory_space<vmem_shared>> -> memref<10240xf32, #tpu.memory_space<vmem_shared>>
      tpu.wait_indirect_dma semaphore(%arg29 : memref<!tpu.dma_semaphore, #tpu.memory_space<semaphore_mem>>) src(%dma_wait3A_919 : memref<80xf32, #tpu.memory_space<vmem>>) dst(%dma_wait3A_924 : memref<10240xf32, #tpu.memory_space<vmem_shared>>)
      %lt3A_925 = arith.constant 31 : i32
      %lt3A_926 = arith.cmpi slt, %scan3A_271, %lt3A_925 : i32
      %convert_element_type3A_927 = arith.extui %lt3A_926 : i1 to i32
      %cond3A_928 = arith.constant 0 : i32
      %cond3A_929 = arith.cmpi ne, %convert_element_type3A_927, %cond3A_928 : i32
      scf.if %cond3A_929 {
        %add3A_1486 = arith.constant 2 : i32
        %add3A_1487 = arith.addi %add3A_900, %add3A_1486 : i32
        %mul3A_1488 = arith.constant 128 : i32
        %mul3A_1489 = arith.muli %add3A, %mul3A_1488 : i32
        %add3A_1490 = arith.addi %mul3A_1489, %add3A_1487 : i32
        %dma_start3A_1491 = arith.constant 0 : i32
        %dma_start3A_1492 = arith.constant 0 : i32
        %dma_start3A_1493 = arith.constant 0 : i32
        %dma_start3A_1494 = tpu.memref_slice %arg12[%dma_start3A_1491, %dma_start3A_1492, %dma_start3A_1493] : memref<4x2x80xi32, #tpu.memory_space<vmem>> -> memref<1x2x80xi32, #tpu.memory_space<vmem>>
        %dma_start3A_1495 = tpu.memref_squeeze %dma_start3A_1494 : memref<1x2x80xi32, #tpu.memory_space<vmem>> -> memref<2x80xi32, #tpu.memory_space<vmem>>
        %dma_start3A_1496 = arith.constant 0 : i32
        %dma_start3A_1497 = arith.constant 0 : i32
        %dma_start3A_1498 = tpu.memref_slice %arg5[%add3A_1490, %dma_start3A_1496, %dma_start3A_1497] : memref<4096x2x80xi32, #tpu.memory_space<hbm>> -> memref<1x2x80xi32, #tpu.memory_space<hbm>>
        %dma_start3A_1499 = tpu.memref_squeeze %dma_start3A_1498 : memref<1x2x80xi32, #tpu.memory_space<hbm>> -> memref<2x80xi32, #tpu.memory_space<hbm>>
        %dma_start3A_1500 = arith.constant 0 : i32
        %dma_start3A_1501 = arith.constant 0 : i32
        %dma_start3A_1502 = tpu.memref_slice %arg12[%dma_start3A_1491, %dma_start3A_1500, %dma_start3A_1501] : memref<4x2x80xi32, #tpu.memory_space<vmem>> -> memref<1x2x80xi32, #tpu.memory_space<vmem>>
        %dma_start3A_1503 = tpu.memref_squeeze %dma_start3A_1502 : memref<1x2x80xi32, #tpu.memory_space<vmem>> -> memref<2x80xi32, #tpu.memory_space<vmem>>
        %dma_start3A_1504 = arith.constant 0 : i32
        %dma_start3A_1505 = arith.constant 0 : i32
        %dma_start3A_1506 = tpu.memref_slice %arg5[%add3A_1490, %dma_start3A_1504, %dma_start3A_1505] : memref<4096x2x80xi32, #tpu.memory_space<hbm>> -> memref<1x2x80xi32, #tpu.memory_space<hbm>>
        %dma_start3A_1507 = tpu.memref_squeeze %dma_start3A_1506 : memref<1x2x80xi32, #tpu.memory_space<hbm>> -> memref<2x80xi32, #tpu.memory_space<hbm>>
        tpu.enqueue_dma source(%dma_start3A_1507 : memref<2x80xi32, #tpu.memory_space<hbm>>) target(%dma_start3A_1503 : memref<2x80xi32, #tpu.memory_space<vmem>>) target_semaphore(%arg17 : memref<!tpu.dma_semaphore, #tpu.memory_space<semaphore_mem>>)
      } else {
      }
      %dma_wait3A_930 = arith.constant 2 : i32
      %dma_wait3A_931 = arith.constant 0 : i32
      %dma_wait3A_932 = arith.constant 2 : i32
      %dma_wait3A_933 = arith.constant 0 : i32
      %dma_wait3A_934 = tpu.memref_slice %arg13[%dma_wait3A_932, %dma_wait3A_933] : memref<4x80xf32, #tpu.memory_space<vmem>> -> memref<1x80xf32, #tpu.memory_space<vmem>>
      %dma_wait3A_935 = tpu.memref_squeeze %dma_wait3A_934 : memref<1x80xf32, #tpu.memory_space<vmem>> -> memref<80xf32, #tpu.memory_space<vmem>>
      %dma_wait3A_936 = arith.constant 0 : i32
      %dma_wait3A_937 = tpu.memref_slice %arg12[%dma_wait3A_930, %dma_wait3A_931, %dma_wait3A_936] : memref<4x2x80xi32, #tpu.memory_space<vmem>> -> memref<1x1x80xi32, #tpu.memory_space<vmem>>
      %dma_wait3A_938 = tpu.memref_squeeze %dma_wait3A_937 : memref<1x1x80xi32, #tpu.memory_space<vmem>> -> memref<80xi32, #tpu.memory_space<vmem>>
      %dma_wait3A_939 = arith.constant 0 : i32
      %dma_wait3A_940 = tpu.memref_slice %arg10[%dma_wait3A_939] : memref<10000xf32, #tpu.memory_space<vmem_shared>> -> memref<10000xf32, #tpu.memory_space<vmem_shared>>
      tpu.wait_indirect_dma semaphore(%arg23 : memref<!tpu.dma_semaphore, #tpu.memory_space<semaphore_mem>>) src(%dma_wait3A_940 : memref<10000xf32, #tpu.memory_space<vmem_shared>>) dst(%dma_wait3A_935 : memref<80xf32, #tpu.memory_space<vmem>>)
      %dma_wait3A_941 = arith.constant 2 : i32
      %dma_wait3A_942 = arith.constant 1 : i32
      %dma_wait3A_943 = arith.constant 2 : i32
      %dma_wait3A_944 = arith.constant 0 : i32
      %dma_wait3A_945 = tpu.memref_slice %arg14[%dma_wait3A_943, %dma_wait3A_944] : memref<4x80xf32, #tpu.memory_space<vmem>> -> memref<1x80xf32, #tpu.memory_space<vmem>>
      %dma_wait3A_946 = tpu.memref_squeeze %dma_wait3A_945 : memref<1x80xf32, #tpu.memory_space<vmem>> -> memref<80xf32, #tpu.memory_space<vmem>>
      %dma_wait3A_947 = arith.constant 0 : i32
      %dma_wait3A_948 = tpu.memref_slice %arg12[%dma_wait3A_941, %dma_wait3A_942, %dma_wait3A_947] : memref<4x2x80xi32, #tpu.memory_space<vmem>> -> memref<1x1x80xi32, #tpu.memory_space<vmem>>
      %dma_wait3A_949 = tpu.memref_squeeze %dma_wait3A_948 : memref<1x1x80xi32, #tpu.memory_space<vmem>> -> memref<80xi32, #tpu.memory_space<vmem>>
      %dma_wait3A_950 = arith.constant 0 : i32
      %dma_wait3A_951 = tpu.memref_slice %arg11[%dma_wait3A_950] : memref<10000xf32, #tpu.memory_space<vmem_shared>> -> memref<10000xf32, #tpu.memory_space<vmem_shared>>
      tpu.wait_indirect_dma semaphore(%arg23 : memref<!tpu.dma_semaphore, #tpu.memory_space<semaphore_mem>>) src(%dma_wait3A_951 : memref<10000xf32, #tpu.memory_space<vmem_shared>>) dst(%dma_wait3A_946 : memref<80xf32, #tpu.memory_space<vmem>>)
      %get3A_952 = arith.constant 2 : i32
      %get3A_953 = arith.index_cast %get3A_952 : i32 to index
      %get3A_954 = arith.constant 0 : index
      %get3A_955 = tpu.vector_load %arg13[%get3A_953, %get3A_954] {strides = array<i32>} : memref<4x80xf32, #tpu.memory_space<vmem>>, vector<16xf32>,
      %get3A_956 = arith.constant 2 : i32
      %get3A_957 = arith.index_cast %get3A_956 : i32 to index
      %get3A_958 = arith.constant 0 : index
      %get3A_959 = tpu.vector_load %arg14[%get3A_957, %get3A_958] {strides = array<i32>} : memref<4x80xf32, #tpu.memory_space<vmem>>, vector<16xf32>,
      %add3A_960 = arith.addf %get3A_955, %get3A_959 : vector<16xf32>
      %gt3A_961 = arith.constant 0.000000e+00 : f32
      %gt3A_962 = vector.broadcast %gt3A_961 : f32 to vector<16xf32>
      %gt3A_963 = arith.cmpf ogt, %add3A_960, %gt3A_962 : vector<16xf32>
      %mul3A_964 = arith.constant 2.000000e-01 : f32
      %mul3A_965 = vector.broadcast %mul3A_964 : f32 to vector<16xf32>
      %mul3A_966 = arith.mulf %mul3A_965, %add3A_960 : vector<16xf32>
      %select_n3A_967 = arith.select %gt3A_963, %add3A_960, %mul3A_966 : vector<16xi1>, vector<16xf32>
      %exp3A_968 = math.exp %select_n3A_967 : vector<16xf32>
      %mul3A_969 = arith.constant 80 : i32
      %mul3A_970 = arith.muli %add3A_900, %mul3A_969 : i32
      %add3A_971 = arith.constant 0 : i32
      %add3A_972 = arith.addi %mul3A_970, %add3A_971 : i32
      %iota3A_973 = tpu.iota {dimensions = array<i32: 0>} : vector<16xi32>
      %add3A_974 = vector.broadcast %add3A_972 : i32 to vector<16xi32>
      %add3A_975 = arith.addi %add3A_974, %iota3A_973 : vector<16xi32>
      %lt3A_976 = arith.constant 10000 : i32
      %lt3A_977 = vector.broadcast %lt3A_976 : i32 to vector<16xi32>
      %lt3A_978 = arith.cmpi slt, %add3A_975, %lt3A_977 : vector<16xi32>
      %jit3A_979 = arith.constant 0.000000e+00 : f32
      %broadcast_in_dim3A_980 = vector.broadcast %jit3A_979 : f32 to vector<16xf32>
      %select_n3A_981 = arith.select %lt3A_978, %exp3A_968, %broadcast_in_dim3A_980 : vector<16xi1>, vector<16xf32>
      %swap3A_982 = arith.constant 2 : i32
      %swap3A_983 = arith.index_cast %swap3A_982 : i32 to index
      %swap3A_984 = arith.constant 0 : index
      %swap3A_985 = tpu.vector_load %arg16[%swap3A_983, %swap3A_984] {strides = array<i32>} : memref<4x80xf32, #tpu.memory_space<vmem>>, vector<16xf32>,
      tpu.vector_store %arg16[%swap3A_983, %swap3A_984], %select_n3A_981 {strides = array<i32>} : memref<4x80xf32, #tpu.memory_space<vmem>>, vector<16xf32>,
      %get3A_986 = arith.constant 2 : i32
      %get3A_987 = arith.index_cast %get3A_986 : i32 to index
      %get3A_988 = arith.constant 16 : index
      %get3A_989 = tpu.vector_load %arg13[%get3A_987, %get3A_988] {strides = array<i32>} : memref<4x80xf32, #tpu.memory_space<vmem>>, vector<16xf32>,
      %get3A_990 = arith.constant 2 : i32
      %get3A_991 = arith.index_cast %get3A_990 : i32 to index
      %get3A_992 = arith.constant 16 : index
      %get3A_993 = tpu.vector_load %arg14[%get3A_991, %get3A_992] {strides = array<i32>} : memref<4x80xf32, #tpu.memory_space<vmem>>, vector<16xf32>,
      %add3A_994 = arith.addf %get3A_989, %get3A_993 : vector<16xf32>
      %gt3A_995 = arith.constant 0.000000e+00 : f32
      %gt3A_996 = vector.broadcast %gt3A_995 : f32 to vector<16xf32>
      %gt3A_997 = arith.cmpf ogt, %add3A_994, %gt3A_996 : vector<16xf32>
      %mul3A_998 = arith.constant 2.000000e-01 : f32
      %mul3A_999 = vector.broadcast %mul3A_998 : f32 to vector<16xf32>
      %mul3A_1000 = arith.mulf %mul3A_999, %add3A_994 : vector<16xf32>
      %select_n3A_1001 = arith.select %gt3A_997, %add3A_994, %mul3A_1000 : vector<16xi1>, vector<16xf32>
      %exp3A_1002 = math.exp %select_n3A_1001 : vector<16xf32>
      %mul3A_1003 = arith.constant 80 : i32
      %mul3A_1004 = arith.muli %add3A_900, %mul3A_1003 : i32
      %add3A_1005 = arith.constant 16 : i32
      %add3A_1006 = arith.addi %mul3A_1004, %add3A_1005 : i32
      %iota3A_1007 = tpu.iota {dimensions = array<i32: 0>} : vector<16xi32>
      %add3A_1008 = vector.broadcast %add3A_1006 : i32 to vector<16xi32>
      %add3A_1009 = arith.addi %add3A_1008, %iota3A_1007 : vector<16xi32>
      %lt3A_1010 = arith.constant 10000 : i32
      %lt3A_1011 = vector.broadcast %lt3A_1010 : i32 to vector<16xi32>
      %lt3A_1012 = arith.cmpi slt, %add3A_1009, %lt3A_1011 : vector<16xi32>
      %jit3A_1013 = arith.constant 0.000000e+00 : f32
      %broadcast_in_dim3A_1014 = vector.broadcast %jit3A_1013 : f32 to vector<16xf32>
      %select_n3A_1015 = arith.select %lt3A_1012, %exp3A_1002, %broadcast_in_dim3A_1014 : vector<16xi1>, vector<16xf32>
      %swap3A_1016 = arith.constant 2 : i32
      %swap3A_1017 = arith.index_cast %swap3A_1016 : i32 to index
      %swap3A_1018 = arith.constant 16 : index
      %swap3A_1019 = tpu.vector_load %arg16[%swap3A_1017, %swap3A_1018] {strides = array<i32>} : memref<4x80xf32, #tpu.memory_space<vmem>>, vector<16xf32>,
      tpu.vector_store %arg16[%swap3A_1017, %swap3A_1018], %select_n3A_1015 {strides = array<i32>} : memref<4x80xf32, #tpu.memory_space<vmem>>, vector<16xf32>,
      %get3A_1020 = arith.constant 2 : i32
      %get3A_1021 = arith.index_cast %get3A_1020 : i32 to index
      %get3A_1022 = arith.constant 32 : index
      %get3A_1023 = tpu.vector_load %arg13[%get3A_1021, %get3A_1022] {strides = array<i32>} : memref<4x80xf32, #tpu.memory_space<vmem>>, vector<16xf32>,
      %get3A_1024 = arith.constant 2 : i32
      %get3A_1025 = arith.index_cast %get3A_1024 : i32 to index
      %get3A_1026 = arith.constant 32 : index
      %get3A_1027 = tpu.vector_load %arg14[%get3A_1025, %get3A_1026] {strides = array<i32>} : memref<4x80xf32, #tpu.memory_space<vmem>>, vector<16xf32>,
      %add3A_1028 = arith.addf %get3A_1023, %get3A_1027 : vector<16xf32>
      %gt3A_1029 = arith.constant 0.000000e+00 : f32
      %gt3A_1030 = vector.broadcast %gt3A_1029 : f32 to vector<16xf32>
      %gt3A_1031 = arith.cmpf ogt, %add3A_1028, %gt3A_1030 : vector<16xf32>
      %mul3A_1032 = arith.constant 2.000000e-01 : f32
      %mul3A_1033 = vector.broadcast %mul3A_1032 : f32 to vector<16xf32>
      %mul3A_1034 = arith.mulf %mul3A_1033, %add3A_1028 : vector<16xf32>
      %select_n3A_1035 = arith.select %gt3A_1031, %add3A_1028, %mul3A_1034 : vector<16xi1>, vector<16xf32>
      %exp3A_1036 = math.exp %select_n3A_1035 : vector<16xf32>
      %mul3A_1037 = arith.constant 80 : i32
      %mul3A_1038 = arith.muli %add3A_900, %mul3A_1037 : i32
      %add3A_1039 = arith.constant 32 : i32
      %add3A_1040 = arith.addi %mul3A_1038, %add3A_1039 : i32
      %iota3A_1041 = tpu.iota {dimensions = array<i32: 0>} : vector<16xi32>
      %add3A_1042 = vector.broadcast %add3A_1040 : i32 to vector<16xi32>
      %add3A_1043 = arith.addi %add3A_1042, %iota3A_1041 : vector<16xi32>
      %lt3A_1044 = arith.constant 10000 : i32
      %lt3A_1045 = vector.broadcast %lt3A_1044 : i32 to vector<16xi32>
      %lt3A_1046 = arith.cmpi slt, %add3A_1043, %lt3A_1045 : vector<16xi32>
      %jit3A_1047 = arith.constant 0.000000e+00 : f32
      %broadcast_in_dim3A_1048 = vector.broadcast %jit3A_1047 : f32 to vector<16xf32>
      %select_n3A_1049 = arith.select %lt3A_1046, %exp3A_1036, %broadcast_in_dim3A_1048 : vector<16xi1>, vector<16xf32>
      %swap3A_1050 = arith.constant 2 : i32
      %swap3A_1051 = arith.index_cast %swap3A_1050 : i32 to index
      %swap3A_1052 = arith.constant 32 : index
      %swap3A_1053 = tpu.vector_load %arg16[%swap3A_1051, %swap3A_1052] {strides = array<i32>} : memref<4x80xf32, #tpu.memory_space<vmem>>, vector<16xf32>,
      tpu.vector_store %arg16[%swap3A_1051, %swap3A_1052], %select_n3A_1049 {strides = array<i32>} : memref<4x80xf32, #tpu.memory_space<vmem>>, vector<16xf32>,
      %get3A_1054 = arith.constant 2 : i32
      %get3A_1055 = arith.index_cast %get3A_1054 : i32 to index
      %get3A_1056 = arith.constant 48 : index
      %get3A_1057 = tpu.vector_load %arg13[%get3A_1055, %get3A_1056] {strides = array<i32>} : memref<4x80xf32, #tpu.memory_space<vmem>>, vector<16xf32>,
      %get3A_1058 = arith.constant 2 : i32
      %get3A_1059 = arith.index_cast %get3A_1058 : i32 to index
      %get3A_1060 = arith.constant 48 : index
      %get3A_1061 = tpu.vector_load %arg14[%get3A_1059, %get3A_1060] {strides = array<i32>} : memref<4x80xf32, #tpu.memory_space<vmem>>, vector<16xf32>,
      %add3A_1062 = arith.addf %get3A_1057, %get3A_1061 : vector<16xf32>
      %gt3A_1063 = arith.constant 0.000000e+00 : f32
      %gt3A_1064 = vector.broadcast %gt3A_1063 : f32 to vector<16xf32>
      %gt3A_1065 = arith.cmpf ogt, %add3A_1062, %gt3A_1064 : vector<16xf32>
      %mul3A_1066 = arith.constant 2.000000e-01 : f32
      %mul3A_1067 = vector.broadcast %mul3A_1066 : f32 to vector<16xf32>
      %mul3A_1068 = arith.mulf %mul3A_1067, %add3A_1062 : vector<16xf32>
      %select_n3A_1069 = arith.select %gt3A_1065, %add3A_1062, %mul3A_1068 : vector<16xi1>, vector<16xf32>
      %exp3A_1070 = math.exp %select_n3A_1069 : vector<16xf32>
      %mul3A_1071 = arith.constant 80 : i32
      %mul3A_1072 = arith.muli %add3A_900, %mul3A_1071 : i32
      %add3A_1073 = arith.constant 48 : i32
      %add3A_1074 = arith.addi %mul3A_1072, %add3A_1073 : i32
      %iota3A_1075 = tpu.iota {dimensions = array<i32: 0>} : vector<16xi32>
      %add3A_1076 = vector.broadcast %add3A_1074 : i32 to vector<16xi32>
      %add3A_1077 = arith.addi %add3A_1076, %iota3A_1075 : vector<16xi32>
      %lt3A_1078 = arith.constant 10000 : i32
      %lt3A_1079 = vector.broadcast %lt3A_1078 : i32 to vector<16xi32>
      %lt3A_1080 = arith.cmpi slt, %add3A_1077, %lt3A_1079 : vector<16xi32>
      %jit3A_1081 = arith.constant 0.000000e+00 : f32
      %broadcast_in_dim3A_1082 = vector.broadcast %jit3A_1081 : f32 to vector<16xf32>
      %select_n3A_1083 = arith.select %lt3A_1080, %exp3A_1070, %broadcast_in_dim3A_1082 : vector<16xi1>, vector<16xf32>
      %swap3A_1084 = arith.constant 2 : i32
      %swap3A_1085 = arith.index_cast %swap3A_1084 : i32 to index
      %swap3A_1086 = arith.constant 48 : index
      %swap3A_1087 = tpu.vector_load %arg16[%swap3A_1085, %swap3A_1086] {strides = array<i32>} : memref<4x80xf32, #tpu.memory_space<vmem>>, vector<16xf32>,
      tpu.vector_store %arg16[%swap3A_1085, %swap3A_1086], %select_n3A_1083 {strides = array<i32>} : memref<4x80xf32, #tpu.memory_space<vmem>>, vector<16xf32>,
      %get3A_1088 = arith.constant 2 : i32
      %get3A_1089 = arith.index_cast %get3A_1088 : i32 to index
      %get3A_1090 = arith.constant 64 : index
      %get3A_1091 = tpu.vector_load %arg13[%get3A_1089, %get3A_1090] {strides = array<i32>} : memref<4x80xf32, #tpu.memory_space<vmem>>, vector<16xf32>,
      %get3A_1092 = arith.constant 2 : i32
      %get3A_1093 = arith.index_cast %get3A_1092 : i32 to index
      %get3A_1094 = arith.constant 64 : index
      %get3A_1095 = tpu.vector_load %arg14[%get3A_1093, %get3A_1094] {strides = array<i32>} : memref<4x80xf32, #tpu.memory_space<vmem>>, vector<16xf32>,
      %add3A_1096 = arith.addf %get3A_1091, %get3A_1095 : vector<16xf32>
      %gt3A_1097 = arith.constant 0.000000e+00 : f32
      %gt3A_1098 = vector.broadcast %gt3A_1097 : f32 to vector<16xf32>
      %gt3A_1099 = arith.cmpf ogt, %add3A_1096, %gt3A_1098 : vector<16xf32>
      %mul3A_1100 = arith.constant 2.000000e-01 : f32
      %mul3A_1101 = vector.broadcast %mul3A_1100 : f32 to vector<16xf32>
      %mul3A_1102 = arith.mulf %mul3A_1101, %add3A_1096 : vector<16xf32>
      %select_n3A_1103 = arith.select %gt3A_1099, %add3A_1096, %mul3A_1102 : vector<16xi1>, vector<16xf32>
      %exp3A_1104 = math.exp %select_n3A_1103 : vector<16xf32>
      %mul3A_1105 = arith.constant 80 : i32
      %mul3A_1106 = arith.muli %add3A_900, %mul3A_1105 : i32
      %add3A_1107 = arith.constant 64 : i32
      %add3A_1108 = arith.addi %mul3A_1106, %add3A_1107 : i32
      %iota3A_1109 = tpu.iota {dimensions = array<i32: 0>} : vector<16xi32>
      %add3A_1110 = vector.broadcast %add3A_1108 : i32 to vector<16xi32>
      %add3A_1111 = arith.addi %add3A_1110, %iota3A_1109 : vector<16xi32>
      %lt3A_1112 = arith.constant 10000 : i32
      %lt3A_1113 = vector.broadcast %lt3A_1112 : i32 to vector<16xi32>
      %lt3A_1114 = arith.cmpi slt, %add3A_1111, %lt3A_1113 : vector<16xi32>
      %jit3A_1115 = arith.constant 0.000000e+00 : f32
      %broadcast_in_dim3A_1116 = vector.broadcast %jit3A_1115 : f32 to vector<16xf32>
      %select_n3A_1117 = arith.select %lt3A_1114, %exp3A_1104, %broadcast_in_dim3A_1116 : vector<16xi1>, vector<16xf32>
      %swap3A_1118 = arith.constant 2 : i32
      %swap3A_1119 = arith.index_cast %swap3A_1118 : i32 to index
      %swap3A_1120 = arith.constant 64 : index
      %swap3A_1121 = tpu.vector_load %arg16[%swap3A_1119, %swap3A_1120] {strides = array<i32>} : memref<4x80xf32, #tpu.memory_space<vmem>>, vector<16xf32>,
      tpu.vector_store %arg16[%swap3A_1119, %swap3A_1120], %select_n3A_1117 {strides = array<i32>} : memref<4x80xf32, #tpu.memory_space<vmem>>, vector<16xf32>,
      %dma_wait3A_1122 = arith.constant 0 : i32
      %dma_wait3A_1123 = arith.constant 3 : i32
      %dma_wait3A_1124 = arith.constant 0 : i32
      %dma_wait3A_1125 = arith.constant 0 : i32
      %dma_wait3A_1126 = tpu.memref_slice %arg12[%dma_wait3A_1123, %dma_wait3A_1124, %dma_wait3A_1125] : memref<4x2x80xi32, #tpu.memory_space<vmem>> -> memref<1x2x80xi32, #tpu.memory_space<vmem>>
      %dma_wait3A_1127 = tpu.memref_squeeze %dma_wait3A_1126 : memref<1x2x80xi32, #tpu.memory_space<vmem>> -> memref<2x80xi32, #tpu.memory_space<vmem>>
      %dma_wait3A_1128 = arith.constant 0 : i32
      %dma_wait3A_1129 = arith.constant 0 : i32
      %dma_wait3A_1130 = tpu.memref_slice %arg5[%dma_wait3A_1122, %dma_wait3A_1128, %dma_wait3A_1129] : memref<4096x2x80xi32, #tpu.memory_space<hbm>> -> memref<1x2x80xi32, #tpu.memory_space<hbm>>
      %dma_wait3A_1131 = tpu.memref_squeeze %dma_wait3A_1130 : memref<1x2x80xi32, #tpu.memory_space<hbm>> -> memref<2x80xi32, #tpu.memory_space<hbm>>
      %dma_wait3A_1132 = arith.constant 0 : i32
      %dma_wait3A_1133 = arith.constant 0 : i32
      %dma_wait3A_1134 = tpu.memref_slice %arg12[%dma_wait3A_1123, %dma_wait3A_1132, %dma_wait3A_1133] : memref<4x2x80xi32, #tpu.memory_space<vmem>> -> memref<1x2x80xi32, #tpu.memory_space<vmem>>
      %dma_wait3A_1135 = tpu.memref_squeeze %dma_wait3A_1134 : memref<1x2x80xi32, #tpu.memory_space<vmem>> -> memref<2x80xi32, #tpu.memory_space<vmem>>
      %dma_wait3A_1136 = arith.constant 0 : i32
      %dma_wait3A_1137 = arith.constant 0 : i32
      %dma_wait3A_1138 = tpu.memref_slice %arg5[%dma_wait3A_1122, %dma_wait3A_1136, %dma_wait3A_1137] : memref<4096x2x80xi32, #tpu.memory_space<hbm>> -> memref<1x2x80xi32, #tpu.memory_space<hbm>>
      %dma_wait3A_1139 = tpu.memref_squeeze %dma_wait3A_1138 : memref<1x2x80xi32, #tpu.memory_space<hbm>> -> memref<2x80xi32, #tpu.memory_space<hbm>>
      tpu.wait_dma2 semaphore(%arg20 : memref<!tpu.dma_semaphore, #tpu.memory_space<semaphore_mem>>) src(%dma_wait3A_1139 : memref<2x80xi32, #tpu.memory_space<hbm>>) dst(%dma_wait3A_1135 : memref<2x80xi32, #tpu.memory_space<vmem>>)
      %dma_start3A_1140 = arith.constant 3 : i32
      %dma_start3A_1141 = arith.constant 0 : i32
      %dma_start3A_1142 = arith.constant 3 : i32
      %dma_start3A_1143 = arith.constant 0 : i32
      %dma_start3A_1144 = tpu.memref_slice %arg13[%dma_start3A_1142, %dma_start3A_1143] : memref<4x80xf32, #tpu.memory_space<vmem>> -> memref<1x80xf32, #tpu.memory_space<vmem>>
      %dma_start3A_1145 = tpu.memref_squeeze %dma_start3A_1144 : memref<1x80xf32, #tpu.memory_space<vmem>> -> memref<80xf32, #tpu.memory_space<vmem>>
      %dma_start3A_1146 = arith.constant 0 : i32
      %dma_start3A_1147 = tpu.memref_slice %arg12[%dma_start3A_1140, %dma_start3A_1141, %dma_start3A_1146] : memref<4x2x80xi32, #tpu.memory_space<vmem>> -> memref<1x1x80xi32, #tpu.memory_space<vmem>>
      %dma_start3A_1148 = tpu.memref_squeeze %dma_start3A_1147 : memref<1x1x80xi32, #tpu.memory_space<vmem>> -> memref<80xi32, #tpu.memory_space<vmem>>
      %dma_start3A_1149 = arith.constant 0 : i32
      %dma_start3A_1150 = tpu.memref_slice %arg10[%dma_start3A_1149] : memref<10000xf32, #tpu.memory_space<vmem_shared>> -> memref<10000xf32, #tpu.memory_space<vmem_shared>>
      tpu.enqueue_indirect_dma source(%dma_start3A_1150 : memref<10000xf32, #tpu.memory_space<vmem_shared>>) target(%dma_start3A_1145 : memref<80xf32, #tpu.memory_space<vmem>>) offsets(%dma_start3A_1148 : memref<80xi32, #tpu.memory_space<vmem>>) semaphore(%arg24 : memref<!tpu.dma_semaphore, #tpu.memory_space<semaphore_mem>>)
      %dma_start3A_1151 = arith.constant 3 : i32
      %dma_start3A_1152 = arith.constant 1 : i32
      %dma_start3A_1153 = arith.constant 3 : i32
      %dma_start3A_1154 = arith.constant 0 : i32
      %dma_start3A_1155 = tpu.memref_slice %arg14[%dma_start3A_1153, %dma_start3A_1154] : memref<4x80xf32, #tpu.memory_space<vmem>> -> memref<1x80xf32, #tpu.memory_space<vmem>>
      %dma_start3A_1156 = tpu.memref_squeeze %dma_start3A_1155 : memref<1x80xf32, #tpu.memory_space<vmem>> -> memref<80xf32, #tpu.memory_space<vmem>>
      %dma_start3A_1157 = arith.constant 0 : i32
      %dma_start3A_1158 = tpu.memref_slice %arg12[%dma_start3A_1151, %dma_start3A_1152, %dma_start3A_1157] : memref<4x2x80xi32, #tpu.memory_space<vmem>> -> memref<1x1x80xi32, #tpu.memory_space<vmem>>
      %dma_start3A_1159 = tpu.memref_squeeze %dma_start3A_1158 : memref<1x1x80xi32, #tpu.memory_space<vmem>> -> memref<80xi32, #tpu.memory_space<vmem>>
      %dma_start3A_1160 = arith.constant 0 : i32
      %dma_start3A_1161 = tpu.memref_slice %arg11[%dma_start3A_1160] : memref<10000xf32, #tpu.memory_space<vmem_shared>> -> memref<10000xf32, #tpu.memory_space<vmem_shared>>
      tpu.enqueue_indirect_dma source(%dma_start3A_1161 : memref<10000xf32, #tpu.memory_space<vmem_shared>>) target(%dma_start3A_1156 : memref<80xf32, #tpu.memory_space<vmem>>) offsets(%dma_start3A_1159 : memref<80xi32, #tpu.memory_space<vmem>>) semaphore(%arg24 : memref<!tpu.dma_semaphore, #tpu.memory_space<semaphore_mem>>)
      %dma_start3A_1162 = arith.constant 3 : i32
      %dma_start3A_1163 = arith.constant 0 : i32
      %dma_start3A_1164 = arith.constant 3 : i32
      %dma_start3A_1165 = arith.constant 0 : i32
      %dma_start3A_1166 = arith.constant 0 : i32
      %dma_start3A_1167 = tpu.memref_slice %arg15[%dma_start3A_1164, %dma_start3A_1165, %dma_start3A_1166] : memref<4x80x128xf32, #tpu.memory_space<vmem>> -> memref<1x80x128xf32, #tpu.memory_space<vmem>>
      %dma_start3A_1168 = tpu.memref_squeeze %dma_start3A_1167 : memref<1x80x128xf32, #tpu.memory_space<vmem>> -> memref<80x128xf32, #tpu.memory_space<vmem>>
      %dma_start3A_1169 = arith.constant 0 : i32
      %dma_start3A_1170 = tpu.memref_slice %arg12[%dma_start3A_1162, %dma_start3A_1163, %dma_start3A_1169] : memref<4x2x80xi32, #tpu.memory_space<vmem>> -> memref<1x1x80xi32, #tpu.memory_space<vmem>>
      %dma_start3A_1171 = tpu.memref_squeeze %dma_start3A_1170 : memref<1x1x80xi32, #tpu.memory_space<vmem>> -> memref<80xi32, #tpu.memory_space<vmem>>
      %dma_start3A_1172 = arith.constant 0 : i32
      %dma_start3A_1173 = arith.constant 0 : i32
      %dma_start3A_1174 = tpu.memref_slice %arg2[%dma_start3A_1172, %dma_start3A_1173] : memref<10000x128xf32, #tpu.memory_space<hbm>> -> memref<10000x128xf32, #tpu.memory_space<hbm>>
      tpu.enqueue_indirect_dma source(%dma_start3A_1174 : memref<10000x128xf32, #tpu.memory_space<hbm>>) target(%dma_start3A_1168 : memref<80x128xf32, #tpu.memory_space<vmem>>) offsets(%dma_start3A_1171 : memref<80xi32, #tpu.memory_space<vmem>>) semaphore(%arg28 : memref<!tpu.dma_semaphore, #tpu.memory_space<semaphore_mem>>)
      %dma_wait3A_1175 = arith.constant 2 : i32
      %dma_wait3A_1176 = arith.constant 0 : i32
      %dma_wait3A_1177 = arith.constant 2 : i32
      %dma_wait3A_1178 = arith.constant 0 : i32
      %dma_wait3A_1179 = arith.constant 0 : i32
      %dma_wait3A_1180 = tpu.memref_slice %arg15[%dma_wait3A_1177, %dma_wait3A_1178, %dma_wait3A_1179] : memref<4x80x128xf32, #tpu.memory_space<vmem>> -> memref<1x80x128xf32, #tpu.memory_space<vmem>>
      %dma_wait3A_1181 = tpu.memref_squeeze %dma_wait3A_1180 : memref<1x80x128xf32, #tpu.memory_space<vmem>> -> memref<80x128xf32, #tpu.memory_space<vmem>>
      %dma_wait3A_1182 = arith.constant 0 : i32
      %dma_wait3A_1183 = tpu.memref_slice %arg12[%dma_wait3A_1175, %dma_wait3A_1176, %dma_wait3A_1182] : memref<4x2x80xi32, #tpu.memory_space<vmem>> -> memref<1x1x80xi32, #tpu.memory_space<vmem>>
      %dma_wait3A_1184 = tpu.memref_squeeze %dma_wait3A_1183 : memref<1x1x80xi32, #tpu.memory_space<vmem>> -> memref<80xi32, #tpu.memory_space<vmem>>
      %dma_wait3A_1185 = arith.constant 0 : i32
      %dma_wait3A_1186 = arith.constant 0 : i32
      %dma_wait3A_1187 = tpu.memref_slice %arg2[%dma_wait3A_1185, %dma_wait3A_1186] : memref<10000x128xf32, #tpu.memory_space<hbm>> -> memref<10000x128xf32, #tpu.memory_space<hbm>>
      tpu.wait_indirect_dma semaphore(%arg27 : memref<!tpu.dma_semaphore, #tpu.memory_space<semaphore_mem>>) src(%dma_wait3A_1187 : memref<10000x128xf32, #tpu.memory_space<hbm>>) dst(%dma_wait3A_1181 : memref<80x128xf32, #tpu.memory_space<vmem>>)
      %parallel_loop3A_1188 = arith.constant 0 : i32
      %parallel_loop3A_1189 = arith.constant 80 : i32
      %parallel_loop3A_1190 = arith.constant 1 : i32
      scf.for %parallel_loop3A_1486 = %parallel_loop3A_1188 to %parallel_loop3A_1189 step %parallel_loop3A_1190  : i32 {
        %parallel_loop3A_1487 = vector.broadcast %parallel_loop3A_1486 : i32 to vector<16xi32>
        %parallel_loop3A_1488 = arith.constant 2 : i32
        %parallel_loop3A_1489 = arith.constant 0 : i32
        %parallel_loop3A_1490 = tpu.memref_slice %arg16[%parallel_loop3A_1488, %parallel_loop3A_1489] : memref<4x80xf32, #tpu.memory_space<vmem>> -> memref<1x80xf32, #tpu.memory_space<vmem>>
        %parallel_loop3A_1491 = tpu.memref_squeeze %parallel_loop3A_1490 : memref<1x80xf32, #tpu.memory_space<vmem>> -> memref<80xf32, #tpu.memory_space<vmem>>
        %parallel_loop3A_1492 = tpu.vector_load_idx %parallel_loop3A_1491[%parallel_loop3A_1487] : memref<80xf32, #tpu.memory_space<vmem>>[vector<16xi32>], vector<16xf32>,
        %parallel_loop3A_1493 = arith.constant 2 : i32
        %parallel_loop3A_1494 = arith.index_cast %parallel_loop3A_1493 : i32 to index
        %parallel_loop3A_1495 = arith.index_cast %parallel_loop3A_1486 : i32 to index
        %parallel_loop3A_1496 = arith.constant 0 : index
        %parallel_loop3A_1497 = tpu.vector_load %arg15[%parallel_loop3A_1494, %parallel_loop3A_1495, %parallel_loop3A_1496] {strides = array<i32>} : memref<4x80x128xf32, #tpu.memory_space<vmem>>, vector<16xf32>,
        %parallel_loop3A_1498 = arith.mulf %parallel_loop3A_1497, %parallel_loop3A_1492 : vector<16xf32>
        %parallel_loop3A_1499 = arith.constant 2 : i32
        %parallel_loop3A_1500 = arith.index_cast %parallel_loop3A_1499 : i32 to index
        %parallel_loop3A_1501 = arith.index_cast %parallel_loop3A_1486 : i32 to index
        %parallel_loop3A_1502 = arith.constant 0 : index
        %parallel_loop3A_1503 = tpu.vector_load %arg15[%parallel_loop3A_1500, %parallel_loop3A_1501, %parallel_loop3A_1502] {strides = array<i32>} : memref<4x80x128xf32, #tpu.memory_space<vmem>>, vector<16xf32>,
        tpu.vector_store %arg15[%parallel_loop3A_1500, %parallel_loop3A_1501, %parallel_loop3A_1502], %parallel_loop3A_1498 {strides = array<i32>} : memref<4x80x128xf32, #tpu.memory_space<vmem>>, vector<16xf32>,
        %parallel_loop3A_1504 = arith.constant 2 : i32
        %parallel_loop3A_1505 = arith.index_cast %parallel_loop3A_1504 : i32 to index
        %parallel_loop3A_1506 = arith.index_cast %parallel_loop3A_1486 : i32 to index
        %parallel_loop3A_1507 = arith.constant 16 : index
        %parallel_loop3A_1508 = tpu.vector_load %arg15[%parallel_loop3A_1505, %parallel_loop3A_1506, %parallel_loop3A_1507] {strides = array<i32>} : memref<4x80x128xf32, #tpu.memory_space<vmem>>, vector<16xf32>,
        %parallel_loop3A_1509 = arith.mulf %parallel_loop3A_1508, %parallel_loop3A_1492 : vector<16xf32>
        %parallel_loop3A_1510 = arith.constant 2 : i32
        %parallel_loop3A_1511 = arith.index_cast %parallel_loop3A_1510 : i32 to index
        %parallel_loop3A_1512 = arith.index_cast %parallel_loop3A_1486 : i32 to index
        %parallel_loop3A_1513 = arith.constant 16 : index
        %parallel_loop3A_1514 = tpu.vector_load %arg15[%parallel_loop3A_1511, %parallel_loop3A_1512, %parallel_loop3A_1513] {strides = array<i32>} : memref<4x80x128xf32, #tpu.memory_space<vmem>>, vector<16xf32>,
        tpu.vector_store %arg15[%parallel_loop3A_1511, %parallel_loop3A_1512, %parallel_loop3A_1513], %parallel_loop3A_1509 {strides = array<i32>} : memref<4x80x128xf32, #tpu.memory_space<vmem>>, vector<16xf32>,
        %parallel_loop3A_1515 = arith.constant 2 : i32
        %parallel_loop3A_1516 = arith.index_cast %parallel_loop3A_1515 : i32 to index
        %parallel_loop3A_1517 = arith.index_cast %parallel_loop3A_1486 : i32 to index
        %parallel_loop3A_1518 = arith.constant 32 : index
        %parallel_loop3A_1519 = tpu.vector_load %arg15[%parallel_loop3A_1516, %parallel_loop3A_1517, %parallel_loop3A_1518] {strides = array<i32>} : memref<4x80x128xf32, #tpu.memory_space<vmem>>, vector<16xf32>,
        %parallel_loop3A_1520 = arith.mulf %parallel_loop3A_1519, %parallel_loop3A_1492 : vector<16xf32>
        %parallel_loop3A_1521 = arith.constant 2 : i32
        %parallel_loop3A_1522 = arith.index_cast %parallel_loop3A_1521 : i32 to index
        %parallel_loop3A_1523 = arith.index_cast %parallel_loop3A_1486 : i32 to index
        %parallel_loop3A_1524 = arith.constant 32 : index
        %parallel_loop3A_1525 = tpu.vector_load %arg15[%parallel_loop3A_1522, %parallel_loop3A_1523, %parallel_loop3A_1524] {strides = array<i32>} : memref<4x80x128xf32, #tpu.memory_space<vmem>>, vector<16xf32>,
        tpu.vector_store %arg15[%parallel_loop3A_1522, %parallel_loop3A_1523, %parallel_loop3A_1524], %parallel_loop3A_1520 {strides = array<i32>} : memref<4x80x128xf32, #tpu.memory_space<vmem>>, vector<16xf32>,
        %parallel_loop3A_1526 = arith.constant 2 : i32
        %parallel_loop3A_1527 = arith.index_cast %parallel_loop3A_1526 : i32 to index
        %parallel_loop3A_1528 = arith.index_cast %parallel_loop3A_1486 : i32 to index
        %parallel_loop3A_1529 = arith.constant 48 : index
        %parallel_loop3A_1530 = tpu.vector_load %arg15[%parallel_loop3A_1527, %parallel_loop3A_1528, %parallel_loop3A_1529] {strides = array<i32>} : memref<4x80x128xf32, #tpu.memory_space<vmem>>, vector<16xf32>,
        %parallel_loop3A_1531 = arith.mulf %parallel_loop3A_1530, %parallel_loop3A_1492 : vector<16xf32>
        %parallel_loop3A_1532 = arith.constant 2 : i32
        %parallel_loop3A_1533 = arith.index_cast %parallel_loop3A_1532 : i32 to index
        %parallel_loop3A_1534 = arith.index_cast %parallel_loop3A_1486 : i32 to index
        %parallel_loop3A_1535 = arith.constant 48 : index
        %parallel_loop3A_1536 = tpu.vector_load %arg15[%parallel_loop3A_1533, %parallel_loop3A_1534, %parallel_loop3A_1535] {strides = array<i32>} : memref<4x80x128xf32, #tpu.memory_space<vmem>>, vector<16xf32>,
        tpu.vector_store %arg15[%parallel_loop3A_1533, %parallel_loop3A_1534, %parallel_loop3A_1535], %parallel_loop3A_1531 {strides = array<i32>} : memref<4x80x128xf32, #tpu.memory_space<vmem>>, vector<16xf32>,
        %parallel_loop3A_1537 = arith.constant 2 : i32
        %parallel_loop3A_1538 = arith.index_cast %parallel_loop3A_1537 : i32 to index
        %parallel_loop3A_1539 = arith.index_cast %parallel_loop3A_1486 : i32 to index
        %parallel_loop3A_1540 = arith.constant 64 : index
        %parallel_loop3A_1541 = tpu.vector_load %arg15[%parallel_loop3A_1538, %parallel_loop3A_1539, %parallel_loop3A_1540] {strides = array<i32>} : memref<4x80x128xf32, #tpu.memory_space<vmem>>, vector<16xf32>,
        %parallel_loop3A_1542 = arith.mulf %parallel_loop3A_1541, %parallel_loop3A_1492 : vector<16xf32>
        %parallel_loop3A_1543 = arith.constant 2 : i32
        %parallel_loop3A_1544 = arith.index_cast %parallel_loop3A_1543 : i32 to index
        %parallel_loop3A_1545 = arith.index_cast %parallel_loop3A_1486 : i32 to index
        %parallel_loop3A_1546 = arith.constant 64 : index
        %parallel_loop3A_1547 = tpu.vector_load %arg15[%parallel_loop3A_1544, %parallel_loop3A_1545, %parallel_loop3A_1546] {strides = array<i32>} : memref<4x80x128xf32, #tpu.memory_space<vmem>>, vector<16xf32>,
        tpu.vector_store %arg15[%parallel_loop3A_1544, %parallel_loop3A_1545, %parallel_loop3A_1546], %parallel_loop3A_1542 {strides = array<i32>} : memref<4x80x128xf32, #tpu.memory_space<vmem>>, vector<16xf32>,
        %parallel_loop3A_1548 = arith.constant 2 : i32
        %parallel_loop3A_1549 = arith.index_cast %parallel_loop3A_1548 : i32 to index
        %parallel_loop3A_1550 = arith.index_cast %parallel_loop3A_1486 : i32 to index
        %parallel_loop3A_1551 = arith.constant 80 : index
        %parallel_loop3A_1552 = tpu.vector_load %arg15[%parallel_loop3A_1549, %parallel_loop3A_1550, %parallel_loop3A_1551] {strides = array<i32>} : memref<4x80x128xf32, #tpu.memory_space<vmem>>, vector<16xf32>,
        %parallel_loop3A_1553 = arith.mulf %parallel_loop3A_1552, %parallel_loop3A_1492 : vector<16xf32>
        %parallel_loop3A_1554 = arith.constant 2 : i32
        %parallel_loop3A_1555 = arith.index_cast %parallel_loop3A_1554 : i32 to index
        %parallel_loop3A_1556 = arith.index_cast %parallel_loop3A_1486 : i32 to index
        %parallel_loop3A_1557 = arith.constant 80 : index
        %parallel_loop3A_1558 = tpu.vector_load %arg15[%parallel_loop3A_1555, %parallel_loop3A_1556, %parallel_loop3A_1557] {strides = array<i32>} : memref<4x80x128xf32, #tpu.memory_space<vmem>>, vector<16xf32>,
        tpu.vector_store %arg15[%parallel_loop3A_1555, %parallel_loop3A_1556, %parallel_loop3A_1557], %parallel_loop3A_1553 {strides = array<i32>} : memref<4x80x128xf32, #tpu.memory_space<vmem>>, vector<16xf32>,
        %parallel_loop3A_1559 = arith.constant 2 : i32
        %parallel_loop3A_1560 = arith.index_cast %parallel_loop3A_1559 : i32 to index
        %parallel_loop3A_1561 = arith.index_cast %parallel_loop3A_1486 : i32 to index
        %parallel_loop3A_1562 = arith.constant 96 : index
        %parallel_loop3A_1563 = tpu.vector_load %arg15[%parallel_loop3A_1560, %parallel_loop3A_1561, %parallel_loop3A_1562] {strides = array<i32>} : memref<4x80x128xf32, #tpu.memory_space<vmem>>, vector<16xf32>,
        %parallel_loop3A_1564 = arith.mulf %parallel_loop3A_1563, %parallel_loop3A_1492 : vector<16xf32>
        %parallel_loop3A_1565 = arith.constant 2 : i32
        %parallel_loop3A_1566 = arith.index_cast %parallel_loop3A_1565 : i32 to index
        %parallel_loop3A_1567 = arith.index_cast %parallel_loop3A_1486 : i32 to index
        %parallel_loop3A_1568 = arith.constant 96 : index
        %parallel_loop3A_1569 = tpu.vector_load %arg15[%parallel_loop3A_1566, %parallel_loop3A_1567, %parallel_loop3A_1568] {strides = array<i32>} : memref<4x80x128xf32, #tpu.memory_space<vmem>>, vector<16xf32>,
        tpu.vector_store %arg15[%parallel_loop3A_1566, %parallel_loop3A_1567, %parallel_loop3A_1568], %parallel_loop3A_1564 {strides = array<i32>} : memref<4x80x128xf32, #tpu.memory_space<vmem>>, vector<16xf32>,
        %parallel_loop3A_1570 = arith.constant 2 : i32
        %parallel_loop3A_1571 = arith.index_cast %parallel_loop3A_1570 : i32 to index
        %parallel_loop3A_1572 = arith.index_cast %parallel_loop3A_1486 : i32 to index
        %parallel_loop3A_1573 = arith.constant 112 : index
        %parallel_loop3A_1574 = tpu.vector_load %arg15[%parallel_loop3A_1571, %parallel_loop3A_1572, %parallel_loop3A_1573] {strides = array<i32>} : memref<4x80x128xf32, #tpu.memory_space<vmem>>, vector<16xf32>,
        %parallel_loop3A_1575 = arith.mulf %parallel_loop3A_1574, %parallel_loop3A_1492 : vector<16xf32>
        %parallel_loop3A_1576 = arith.constant 2 : i32
        %parallel_loop3A_1577 = arith.index_cast %parallel_loop3A_1576 : i32 to index
        %parallel_loop3A_1578 = arith.index_cast %parallel_loop3A_1486 : i32 to index
        %parallel_loop3A_1579 = arith.constant 112 : index
        %parallel_loop3A_1580 = tpu.vector_load %arg15[%parallel_loop3A_1577, %parallel_loop3A_1578, %parallel_loop3A_1579] {strides = array<i32>} : memref<4x80x128xf32, #tpu.memory_space<vmem>>, vector<16xf32>,
        tpu.vector_store %arg15[%parallel_loop3A_1577, %parallel_loop3A_1578, %parallel_loop3A_1579], %parallel_loop3A_1575 {strides = array<i32>} : memref<4x80x128xf32, #tpu.memory_space<vmem>>, vector<16xf32>,
      } {sc.loop_unroll_factor = 4 : i64, sc.parallel_access}
      %dma_start3A_1191 = arith.constant 2 : i32
      %dma_start3A_1192 = arith.constant 2 : i32
      %dma_start3A_1193 = arith.constant 1 : i32
      %dma_start3A_1194 = arith.constant 0 : i32
      %dma_start3A_1195 = arith.constant 0 : i32
      %dma_start3A_1196 = tpu.memref_slice %arg15[%dma_start3A_1191, %dma_start3A_1194, %dma_start3A_1195] : memref<4x80x128xf32, #tpu.memory_space<vmem>> -> memref<1x80x128xf32, #tpu.memory_space<vmem>>
      %dma_start3A_1197 = tpu.memref_squeeze %dma_start3A_1196 : memref<1x80x128xf32, #tpu.memory_space<vmem>> -> memref<80x128xf32, #tpu.memory_space<vmem>>
      %dma_start3A_1198 = arith.constant 0 : i32
      %dma_start3A_1199 = tpu.memref_slice %arg12[%dma_start3A_1192, %dma_start3A_1193, %dma_start3A_1198] : memref<4x2x80xi32, #tpu.memory_space<vmem>> -> memref<1x1x80xi32, #tpu.memory_space<vmem>>
      %dma_start3A_1200 = tpu.memref_squeeze %dma_start3A_1199 : memref<1x1x80xi32, #tpu.memory_space<vmem>> -> memref<80xi32, #tpu.memory_space<vmem>>
      %dma_start3A_1201 = arith.constant 0 : i32
      %dma_start3A_1202 = arith.constant 0 : i32
      %dma_start3A_1203 = tpu.memref_slice %arg8[%dma_start3A_1201, %dma_start3A_1202] : memref<10240x128xf32, #tpu.memory_space<vmem_shared>> -> memref<10240x128xf32, #tpu.memory_space<vmem_shared>>
      tpu.enqueue_indirect_dma source(%dma_start3A_1197 : memref<80x128xf32, #tpu.memory_space<vmem>>) target(%dma_start3A_1203 : memref<10240x128xf32, #tpu.memory_space<vmem_shared>>) offsets(%dma_start3A_1200 : memref<80xi32, #tpu.memory_space<vmem>>) semaphore(%arg31 : memref<!tpu.dma_semaphore, #tpu.memory_space<semaphore_mem>>) {add = true}
      %dma_start3A_1204 = arith.constant 2 : i32
      %dma_start3A_1205 = arith.constant 2 : i32
      %dma_start3A_1206 = arith.constant 1 : i32
      %dma_start3A_1207 = arith.constant 0 : i32
      %dma_start3A_1208 = tpu.memref_slice %arg16[%dma_start3A_1204, %dma_start3A_1207] : memref<4x80xf32, #tpu.memory_space<vmem>> -> memref<1x80xf32, #tpu.memory_space<vmem>>
      %dma_start3A_1209 = tpu.memref_squeeze %dma_start3A_1208 : memref<1x80xf32, #tpu.memory_space<vmem>> -> memref<80xf32, #tpu.memory_space<vmem>>
      %dma_start3A_1210 = arith.constant 0 : i32
      %dma_start3A_1211 = tpu.memref_slice %arg12[%dma_start3A_1205, %dma_start3A_1206, %dma_start3A_1210] : memref<4x2x80xi32, #tpu.memory_space<vmem>> -> memref<1x1x80xi32, #tpu.memory_space<vmem>>
      %dma_start3A_1212 = tpu.memref_squeeze %dma_start3A_1211 : memref<1x1x80xi32, #tpu.memory_space<vmem>> -> memref<80xi32, #tpu.memory_space<vmem>>
      %dma_start3A_1213 = arith.constant 0 : i32
      %dma_start3A_1214 = tpu.memref_slice %arg9[%dma_start3A_1213] : memref<10240xf32, #tpu.memory_space<vmem_shared>> -> memref<10240xf32, #tpu.memory_space<vmem_shared>>
      tpu.enqueue_indirect_dma source(%dma_start3A_1209 : memref<80xf32, #tpu.memory_space<vmem>>) target(%dma_start3A_1214 : memref<10240xf32, #tpu.memory_space<vmem_shared>>) offsets(%dma_start3A_1212 : memref<80xi32, #tpu.memory_space<vmem>>) semaphore(%arg31 : memref<!tpu.dma_semaphore, #tpu.memory_space<semaphore_mem>>) {add = true}
      %mul3A_1215 = arith.constant 4 : i32
      %mul3A_1216 = arith.muli %mul3A_1215, %scan3A_271 : i32
      %add3A_1217 = arith.constant 3 : i32
      %add3A_1218 = arith.addi %mul3A_1216, %add3A_1217 : i32
      %dma_wait3A_1219 = arith.constant 1 : i32
      %dma_wait3A_1220 = arith.constant 1 : i32
      %dma_wait3A_1221 = arith.constant 1 : i32
      %dma_wait3A_1222 = arith.constant 0 : i32
      %dma_wait3A_1223 = arith.constant 0 : i32
      %dma_wait3A_1224 = tpu.memref_slice %arg15[%dma_wait3A_1219, %dma_wait3A_1222, %dma_wait3A_1223] : memref<4x80x128xf32, #tpu.memory_space<vmem>> -> memref<1x80x128xf32, #tpu.memory_space<vmem>>
      %dma_wait3A_1225 = tpu.memref_squeeze %dma_wait3A_1224 : memref<1x80x128xf32, #tpu.memory_space<vmem>> -> memref<80x128xf32, #tpu.memory_space<vmem>>
      %dma_wait3A_1226 = arith.constant 0 : i32
      %dma_wait3A_1227 = tpu.memref_slice %arg12[%dma_wait3A_1220, %dma_wait3A_1221, %dma_wait3A_1226] : memref<4x2x80xi32, #tpu.memory_space<vmem>> -> memref<1x1x80xi32, #tpu.memory_space<vmem>>
      %dma_wait3A_1228 = tpu.memref_squeeze %dma_wait3A_1227 : memref<1x1x80xi32, #tpu.memory_space<vmem>> -> memref<80xi32, #tpu.memory_space<vmem>>
      %dma_wait3A_1229 = arith.constant 0 : i32
      %dma_wait3A_1230 = arith.constant 0 : i32
      %dma_wait3A_1231 = tpu.memref_slice %arg8[%dma_wait3A_1229, %dma_wait3A_1230] : memref<10240x128xf32, #tpu.memory_space<vmem_shared>> -> memref<10240x128xf32, #tpu.memory_space<vmem_shared>>
      tpu.wait_indirect_dma semaphore(%arg30 : memref<!tpu.dma_semaphore, #tpu.memory_space<semaphore_mem>>) src(%dma_wait3A_1225 : memref<80x128xf32, #tpu.memory_space<vmem>>) dst(%dma_wait3A_1231 : memref<10240x128xf32, #tpu.memory_space<vmem_shared>>)
      %dma_wait3A_1232 = arith.constant 1 : i32
      %dma_wait3A_1233 = arith.constant 1 : i32
      %dma_wait3A_1234 = arith.constant 1 : i32
      %dma_wait3A_1235 = arith.constant 0 : i32
      %dma_wait3A_1236 = tpu.memref_slice %arg16[%dma_wait3A_1232, %dma_wait3A_1235] : memref<4x80xf32, #tpu.memory_space<vmem>> -> memref<1x80xf32, #tpu.memory_space<vmem>>
      %dma_wait3A_1237 = tpu.memref_squeeze %dma_wait3A_1236 : memref<1x80xf32, #tpu.memory_space<vmem>> -> memref<80xf32, #tpu.memory_space<vmem>>
      %dma_wait3A_1238 = arith.constant 0 : i32
      %dma_wait3A_1239 = tpu.memref_slice %arg12[%dma_wait3A_1233, %dma_wait3A_1234, %dma_wait3A_1238] : memref<4x2x80xi32, #tpu.memory_space<vmem>> -> memref<1x1x80xi32, #tpu.memory_space<vmem>>
      %dma_wait3A_1240 = tpu.memref_squeeze %dma_wait3A_1239 : memref<1x1x80xi32, #tpu.memory_space<vmem>> -> memref<80xi32, #tpu.memory_space<vmem>>
      %dma_wait3A_1241 = arith.constant 0 : i32
      %dma_wait3A_1242 = tpu.memref_slice %arg9[%dma_wait3A_1241] : memref<10240xf32, #tpu.memory_space<vmem_shared>> -> memref<10240xf32, #tpu.memory_space<vmem_shared>>
      tpu.wait_indirect_dma semaphore(%arg30 : memref<!tpu.dma_semaphore, #tpu.memory_space<semaphore_mem>>) src(%dma_wait3A_1237 : memref<80xf32, #tpu.memory_space<vmem>>) dst(%dma_wait3A_1242 : memref<10240xf32, #tpu.memory_space<vmem_shared>>)
      %lt3A_1243 = arith.constant 31 : i32
      %lt3A_1244 = arith.cmpi slt, %scan3A_271, %lt3A_1243 : i32
      %convert_element_type3A_1245 = arith.extui %lt3A_1244 : i1 to i32
      %cond3A_1246 = arith.constant 0 : i32
      %cond3A_1247 = arith.cmpi ne, %convert_element_type3A_1245, %cond3A_1246 : i32
      scf.if %cond3A_1247 {
        %add3A_1486 = arith.constant 2 : i32
        %add3A_1487 = arith.addi %add3A_1218, %add3A_1486 : i32
        %mul3A_1488 = arith.constant 128 : i32
        %mul3A_1489 = arith.muli %add3A, %mul3A_1488 : i32
        %add3A_1490 = arith.addi %mul3A_1489, %add3A_1487 : i32
        %dma_start3A_1491 = arith.constant 1 : i32
        %dma_start3A_1492 = arith.constant 0 : i32
        %dma_start3A_1493 = arith.constant 0 : i32
        %dma_start3A_1494 = tpu.memref_slice %arg12[%dma_start3A_1491, %dma_start3A_1492, %dma_start3A_1493] : memref<4x2x80xi32, #tpu.memory_space<vmem>> -> memref<1x2x80xi32, #tpu.memory_space<vmem>>
        %dma_start3A_1495 = tpu.memref_squeeze %dma_start3A_1494 : memref<1x2x80xi32, #tpu.memory_space<vmem>> -> memref<2x80xi32, #tpu.memory_space<vmem>>
        %dma_start3A_1496 = arith.constant 0 : i32
        %dma_start3A_1497 = arith.constant 0 : i32
        %dma_start3A_1498 = tpu.memref_slice %arg5[%add3A_1490, %dma_start3A_1496, %dma_start3A_1497] : memref<4096x2x80xi32, #tpu.memory_space<hbm>> -> memref<1x2x80xi32, #tpu.memory_space<hbm>>
        %dma_start3A_1499 = tpu.memref_squeeze %dma_start3A_1498 : memref<1x2x80xi32, #tpu.memory_space<hbm>> -> memref<2x80xi32, #tpu.memory_space<hbm>>
        %dma_start3A_1500 = arith.constant 0 : i32
        %dma_start3A_1501 = arith.constant 0 : i32
        %dma_start3A_1502 = tpu.memref_slice %arg12[%dma_start3A_1491, %dma_start3A_1500, %dma_start3A_1501] : memref<4x2x80xi32, #tpu.memory_space<vmem>> -> memref<1x2x80xi32, #tpu.memory_space<vmem>>
        %dma_start3A_1503 = tpu.memref_squeeze %dma_start3A_1502 : memref<1x2x80xi32, #tpu.memory_space<vmem>> -> memref<2x80xi32, #tpu.memory_space<vmem>>
        %dma_start3A_1504 = arith.constant 0 : i32
        %dma_start3A_1505 = arith.constant 0 : i32
        %dma_start3A_1506 = tpu.memref_slice %arg5[%add3A_1490, %dma_start3A_1504, %dma_start3A_1505] : memref<4096x2x80xi32, #tpu.memory_space<hbm>> -> memref<1x2x80xi32, #tpu.memory_space<hbm>>
        %dma_start3A_1507 = tpu.memref_squeeze %dma_start3A_1506 : memref<1x2x80xi32, #tpu.memory_space<hbm>> -> memref<2x80xi32, #tpu.memory_space<hbm>>
        tpu.enqueue_dma source(%dma_start3A_1507 : memref<2x80xi32, #tpu.memory_space<hbm>>) target(%dma_start3A_1503 : memref<2x80xi32, #tpu.memory_space<vmem>>) target_semaphore(%arg18 : memref<!tpu.dma_semaphore, #tpu.memory_space<semaphore_mem>>)
      } else {
      }
      %dma_wait3A_1248 = arith.constant 3 : i32
      %dma_wait3A_1249 = arith.constant 0 : i32
      %dma_wait3A_1250 = arith.constant 3 : i32
      %dma_wait3A_1251 = arith.constant 0 : i32
      %dma_wait3A_1252 = tpu.memref_slice %arg13[%dma_wait3A_1250, %dma_wait3A_1251] : memref<4x80xf32, #tpu.memory_space<vmem>> -> memref<1x80xf32, #tpu.memory_space<vmem>>
      %dma_wait3A_1253 = tpu.memref_squeeze %dma_wait3A_1252 : memref<1x80xf32, #tpu.memory_space<vmem>> -> memref<80xf32, #tpu.memory_space<vmem>>
      %dma_wait3A_1254 = arith.constant 0 : i32
      %dma_wait3A_1255 = tpu.memref_slice %arg12[%dma_wait3A_1248, %dma_wait3A_1249, %dma_wait3A_1254] : memref<4x2x80xi32, #tpu.memory_space<vmem>> -> memref<1x1x80xi32, #tpu.memory_space<vmem>>
      %dma_wait3A_1256 = tpu.memref_squeeze %dma_wait3A_1255 : memref<1x1x80xi32, #tpu.memory_space<vmem>> -> memref<80xi32, #tpu.memory_space<vmem>>
      %dma_wait3A_1257 = arith.constant 0 : i32
      %dma_wait3A_1258 = tpu.memref_slice %arg10[%dma_wait3A_1257] : memref<10000xf32, #tpu.memory_space<vmem_shared>> -> memref<10000xf32, #tpu.memory_space<vmem_shared>>
      tpu.wait_indirect_dma semaphore(%arg24 : memref<!tpu.dma_semaphore, #tpu.memory_space<semaphore_mem>>) src(%dma_wait3A_1258 : memref<10000xf32, #tpu.memory_space<vmem_shared>>) dst(%dma_wait3A_1253 : memref<80xf32, #tpu.memory_space<vmem>>)
      %dma_wait3A_1259 = arith.constant 3 : i32
      %dma_wait3A_1260 = arith.constant 1 : i32
      %dma_wait3A_1261 = arith.constant 3 : i32
      %dma_wait3A_1262 = arith.constant 0 : i32
      %dma_wait3A_1263 = tpu.memref_slice %arg14[%dma_wait3A_1261, %dma_wait3A_1262] : memref<4x80xf32, #tpu.memory_space<vmem>> -> memref<1x80xf32, #tpu.memory_space<vmem>>
      %dma_wait3A_1264 = tpu.memref_squeeze %dma_wait3A_1263 : memref<1x80xf32, #tpu.memory_space<vmem>> -> memref<80xf32, #tpu.memory_space<vmem>>
      %dma_wait3A_1265 = arith.constant 0 : i32
      %dma_wait3A_1266 = tpu.memref_slice %arg12[%dma_wait3A_1259, %dma_wait3A_1260, %dma_wait3A_1265] : memref<4x2x80xi32, #tpu.memory_space<vmem>> -> memref<1x1x80xi32, #tpu.memory_space<vmem>>
      %dma_wait3A_1267 = tpu.memref_squeeze %dma_wait3A_1266 : memref<1x1x80xi32, #tpu.memory_space<vmem>> -> memref<80xi32, #tpu.memory_space<vmem>>
      %dma_wait3A_1268 = arith.constant 0 : i32
      %dma_wait3A_1269 = tpu.memref_slice %arg11[%dma_wait3A_1268] : memref<10000xf32, #tpu.memory_space<vmem_shared>> -> memref<10000xf32, #tpu.memory_space<vmem_shared>>
      tpu.wait_indirect_dma semaphore(%arg24 : memref<!tpu.dma_semaphore, #tpu.memory_space<semaphore_mem>>) src(%dma_wait3A_1269 : memref<10000xf32, #tpu.memory_space<vmem_shared>>) dst(%dma_wait3A_1264 : memref<80xf32, #tpu.memory_space<vmem>>)
      %get3A_1270 = arith.constant 3 : i32
      %get3A_1271 = arith.index_cast %get3A_1270 : i32 to index
      %get3A_1272 = arith.constant 0 : index
      %get3A_1273 = tpu.vector_load %arg13[%get3A_1271, %get3A_1272] {strides = array<i32>} : memref<4x80xf32, #tpu.memory_space<vmem>>, vector<16xf32>,
      %get3A_1274 = arith.constant 3 : i32
      %get3A_1275 = arith.index_cast %get3A_1274 : i32 to index
      %get3A_1276 = arith.constant 0 : index
      %get3A_1277 = tpu.vector_load %arg14[%get3A_1275, %get3A_1276] {strides = array<i32>} : memref<4x80xf32, #tpu.memory_space<vmem>>, vector<16xf32>,
      %add3A_1278 = arith.addf %get3A_1273, %get3A_1277 : vector<16xf32>
      %gt3A_1279 = arith.constant 0.000000e+00 : f32
      %gt3A_1280 = vector.broadcast %gt3A_1279 : f32 to vector<16xf32>
      %gt3A_1281 = arith.cmpf ogt, %add3A_1278, %gt3A_1280 : vector<16xf32>
      %mul3A_1282 = arith.constant 2.000000e-01 : f32
      %mul3A_1283 = vector.broadcast %mul3A_1282 : f32 to vector<16xf32>
      %mul3A_1284 = arith.mulf %mul3A_1283, %add3A_1278 : vector<16xf32>
      %select_n3A_1285 = arith.select %gt3A_1281, %add3A_1278, %mul3A_1284 : vector<16xi1>, vector<16xf32>
      %exp3A_1286 = math.exp %select_n3A_1285 : vector<16xf32>
      %mul3A_1287 = arith.constant 80 : i32
      %mul3A_1288 = arith.muli %add3A_1218, %mul3A_1287 : i32
      %add3A_1289 = arith.constant 0 : i32
      %add3A_1290 = arith.addi %mul3A_1288, %add3A_1289 : i32
      %iota3A_1291 = tpu.iota {dimensions = array<i32: 0>} : vector<16xi32>
      %add3A_1292 = vector.broadcast %add3A_1290 : i32 to vector<16xi32>
      %add3A_1293 = arith.addi %add3A_1292, %iota3A_1291 : vector<16xi32>
      %lt3A_1294 = arith.constant 10000 : i32
      %lt3A_1295 = vector.broadcast %lt3A_1294 : i32 to vector<16xi32>
      %lt3A_1296 = arith.cmpi slt, %add3A_1293, %lt3A_1295 : vector<16xi32>
      %jit3A_1297 = arith.constant 0.000000e+00 : f32
      %broadcast_in_dim3A_1298 = vector.broadcast %jit3A_1297 : f32 to vector<16xf32>
      %select_n3A_1299 = arith.select %lt3A_1296, %exp3A_1286, %broadcast_in_dim3A_1298 : vector<16xi1>, vector<16xf32>
      %swap3A_1300 = arith.constant 3 : i32
      %swap3A_1301 = arith.index_cast %swap3A_1300 : i32 to index
      %swap3A_1302 = arith.constant 0 : index
      %swap3A_1303 = tpu.vector_load %arg16[%swap3A_1301, %swap3A_1302] {strides = array<i32>} : memref<4x80xf32, #tpu.memory_space<vmem>>, vector<16xf32>,
      tpu.vector_store %arg16[%swap3A_1301, %swap3A_1302], %select_n3A_1299 {strides = array<i32>} : memref<4x80xf32, #tpu.memory_space<vmem>>, vector<16xf32>,
      %get3A_1304 = arith.constant 3 : i32
      %get3A_1305 = arith.index_cast %get3A_1304 : i32 to index
      %get3A_1306 = arith.constant 16 : index
      %get3A_1307 = tpu.vector_load %arg13[%get3A_1305, %get3A_1306] {strides = array<i32>} : memref<4x80xf32, #tpu.memory_space<vmem>>, vector<16xf32>,
      %get3A_1308 = arith.constant 3 : i32
      %get3A_1309 = arith.index_cast %get3A_1308 : i32 to index
      %get3A_1310 = arith.constant 16 : index
      %get3A_1311 = tpu.vector_load %arg14[%get3A_1309, %get3A_1310] {strides = array<i32>} : memref<4x80xf32, #tpu.memory_space<vmem>>, vector<16xf32>,
      %add3A_1312 = arith.addf %get3A_1307, %get3A_1311 : vector<16xf32>
      %gt3A_1313 = arith.constant 0.000000e+00 : f32
      %gt3A_1314 = vector.broadcast %gt3A_1313 : f32 to vector<16xf32>
      %gt3A_1315 = arith.cmpf ogt, %add3A_1312, %gt3A_1314 : vector<16xf32>
      %mul3A_1316 = arith.constant 2.000000e-01 : f32
      %mul3A_1317 = vector.broadcast %mul3A_1316 : f32 to vector<16xf32>
      %mul3A_1318 = arith.mulf %mul3A_1317, %add3A_1312 : vector<16xf32>
      %select_n3A_1319 = arith.select %gt3A_1315, %add3A_1312, %mul3A_1318 : vector<16xi1>, vector<16xf32>
      %exp3A_1320 = math.exp %select_n3A_1319 : vector<16xf32>
      %mul3A_1321 = arith.constant 80 : i32
      %mul3A_1322 = arith.muli %add3A_1218, %mul3A_1321 : i32
      %add3A_1323 = arith.constant 16 : i32
      %add3A_1324 = arith.addi %mul3A_1322, %add3A_1323 : i32
      %iota3A_1325 = tpu.iota {dimensions = array<i32: 0>} : vector<16xi32>
      %add3A_1326 = vector.broadcast %add3A_1324 : i32 to vector<16xi32>
      %add3A_1327 = arith.addi %add3A_1326, %iota3A_1325 : vector<16xi32>
      %lt3A_1328 = arith.constant 10000 : i32
      %lt3A_1329 = vector.broadcast %lt3A_1328 : i32 to vector<16xi32>
      %lt3A_1330 = arith.cmpi slt, %add3A_1327, %lt3A_1329 : vector<16xi32>
      %jit3A_1331 = arith.constant 0.000000e+00 : f32
      %broadcast_in_dim3A_1332 = vector.broadcast %jit3A_1331 : f32 to vector<16xf32>
      %select_n3A_1333 = arith.select %lt3A_1330, %exp3A_1320, %broadcast_in_dim3A_1332 : vector<16xi1>, vector<16xf32>
      %swap3A_1334 = arith.constant 3 : i32
      %swap3A_1335 = arith.index_cast %swap3A_1334 : i32 to index
      %swap3A_1336 = arith.constant 16 : index
      %swap3A_1337 = tpu.vector_load %arg16[%swap3A_1335, %swap3A_1336] {strides = array<i32>} : memref<4x80xf32, #tpu.memory_space<vmem>>, vector<16xf32>,
      tpu.vector_store %arg16[%swap3A_1335, %swap3A_1336], %select_n3A_1333 {strides = array<i32>} : memref<4x80xf32, #tpu.memory_space<vmem>>, vector<16xf32>,
      %get3A_1338 = arith.constant 3 : i32
      %get3A_1339 = arith.index_cast %get3A_1338 : i32 to index
      %get3A_1340 = arith.constant 32 : index
      %get3A_1341 = tpu.vector_load %arg13[%get3A_1339, %get3A_1340] {strides = array<i32>} : memref<4x80xf32, #tpu.memory_space<vmem>>, vector<16xf32>,
      %get3A_1342 = arith.constant 3 : i32
      %get3A_1343 = arith.index_cast %get3A_1342 : i32 to index
      %get3A_1344 = arith.constant 32 : index
      %get3A_1345 = tpu.vector_load %arg14[%get3A_1343, %get3A_1344] {strides = array<i32>} : memref<4x80xf32, #tpu.memory_space<vmem>>, vector<16xf32>,
      %add3A_1346 = arith.addf %get3A_1341, %get3A_1345 : vector<16xf32>
      %gt3A_1347 = arith.constant 0.000000e+00 : f32
      %gt3A_1348 = vector.broadcast %gt3A_1347 : f32 to vector<16xf32>
      %gt3A_1349 = arith.cmpf ogt, %add3A_1346, %gt3A_1348 : vector<16xf32>
      %mul3A_1350 = arith.constant 2.000000e-01 : f32
      %mul3A_1351 = vector.broadcast %mul3A_1350 : f32 to vector<16xf32>
      %mul3A_1352 = arith.mulf %mul3A_1351, %add3A_1346 : vector<16xf32>
      %select_n3A_1353 = arith.select %gt3A_1349, %add3A_1346, %mul3A_1352 : vector<16xi1>, vector<16xf32>
      %exp3A_1354 = math.exp %select_n3A_1353 : vector<16xf32>
      %mul3A_1355 = arith.constant 80 : i32
      %mul3A_1356 = arith.muli %add3A_1218, %mul3A_1355 : i32
      %add3A_1357 = arith.constant 32 : i32
      %add3A_1358 = arith.addi %mul3A_1356, %add3A_1357 : i32
      %iota3A_1359 = tpu.iota {dimensions = array<i32: 0>} : vector<16xi32>
      %add3A_1360 = vector.broadcast %add3A_1358 : i32 to vector<16xi32>
      %add3A_1361 = arith.addi %add3A_1360, %iota3A_1359 : vector<16xi32>
      %lt3A_1362 = arith.constant 10000 : i32
      %lt3A_1363 = vector.broadcast %lt3A_1362 : i32 to vector<16xi32>
      %lt3A_1364 = arith.cmpi slt, %add3A_1361, %lt3A_1363 : vector<16xi32>
      %jit3A_1365 = arith.constant 0.000000e+00 : f32
      %broadcast_in_dim3A_1366 = vector.broadcast %jit3A_1365 : f32 to vector<16xf32>
      %select_n3A_1367 = arith.select %lt3A_1364, %exp3A_1354, %broadcast_in_dim3A_1366 : vector<16xi1>, vector<16xf32>
      %swap3A_1368 = arith.constant 3 : i32
      %swap3A_1369 = arith.index_cast %swap3A_1368 : i32 to index
      %swap3A_1370 = arith.constant 32 : index
      %swap3A_1371 = tpu.vector_load %arg16[%swap3A_1369, %swap3A_1370] {strides = array<i32>} : memref<4x80xf32, #tpu.memory_space<vmem>>, vector<16xf32>,
      tpu.vector_store %arg16[%swap3A_1369, %swap3A_1370], %select_n3A_1367 {strides = array<i32>} : memref<4x80xf32, #tpu.memory_space<vmem>>, vector<16xf32>,
      %get3A_1372 = arith.constant 3 : i32
      %get3A_1373 = arith.index_cast %get3A_1372 : i32 to index
      %get3A_1374 = arith.constant 48 : index
      %get3A_1375 = tpu.vector_load %arg13[%get3A_1373, %get3A_1374] {strides = array<i32>} : memref<4x80xf32, #tpu.memory_space<vmem>>, vector<16xf32>,
      %get3A_1376 = arith.constant 3 : i32
      %get3A_1377 = arith.index_cast %get3A_1376 : i32 to index
      %get3A_1378 = arith.constant 48 : index
      %get3A_1379 = tpu.vector_load %arg14[%get3A_1377, %get3A_1378] {strides = array<i32>} : memref<4x80xf32, #tpu.memory_space<vmem>>, vector<16xf32>,
      %add3A_1380 = arith.addf %get3A_1375, %get3A_1379 : vector<16xf32>
      %gt3A_1381 = arith.constant 0.000000e+00 : f32
      %gt3A_1382 = vector.broadcast %gt3A_1381 : f32 to vector<16xf32>
      %gt3A_1383 = arith.cmpf ogt, %add3A_1380, %gt3A_1382 : vector<16xf32>
      %mul3A_1384 = arith.constant 2.000000e-01 : f32
      %mul3A_1385 = vector.broadcast %mul3A_1384 : f32 to vector<16xf32>
      %mul3A_1386 = arith.mulf %mul3A_1385, %add3A_1380 : vector<16xf32>
      %select_n3A_1387 = arith.select %gt3A_1383, %add3A_1380, %mul3A_1386 : vector<16xi1>, vector<16xf32>
      %exp3A_1388 = math.exp %select_n3A_1387 : vector<16xf32>
      %mul3A_1389 = arith.constant 80 : i32
      %mul3A_1390 = arith.muli %add3A_1218, %mul3A_1389 : i32
      %add3A_1391 = arith.constant 48 : i32
      %add3A_1392 = arith.addi %mul3A_1390, %add3A_1391 : i32
      %iota3A_1393 = tpu.iota {dimensions = array<i32: 0>} : vector<16xi32>
      %add3A_1394 = vector.broadcast %add3A_1392 : i32 to vector<16xi32>
      %add3A_1395 = arith.addi %add3A_1394, %iota3A_1393 : vector<16xi32>
      %lt3A_1396 = arith.constant 10000 : i32
      %lt3A_1397 = vector.broadcast %lt3A_1396 : i32 to vector<16xi32>
      %lt3A_1398 = arith.cmpi slt, %add3A_1395, %lt3A_1397 : vector<16xi32>
      %jit3A_1399 = arith.constant 0.000000e+00 : f32
      %broadcast_in_dim3A_1400 = vector.broadcast %jit3A_1399 : f32 to vector<16xf32>
      %select_n3A_1401 = arith.select %lt3A_1398, %exp3A_1388, %broadcast_in_dim3A_1400 : vector<16xi1>, vector<16xf32>
      %swap3A_1402 = arith.constant 3 : i32
      %swap3A_1403 = arith.index_cast %swap3A_1402 : i32 to index
      %swap3A_1404 = arith.constant 48 : index
      %swap3A_1405 = tpu.vector_load %arg16[%swap3A_1403, %swap3A_1404] {strides = array<i32>} : memref<4x80xf32, #tpu.memory_space<vmem>>, vector<16xf32>,
      tpu.vector_store %arg16[%swap3A_1403, %swap3A_1404], %select_n3A_1401 {strides = array<i32>} : memref<4x80xf32, #tpu.memory_space<vmem>>, vector<16xf32>,
      %get3A_1406 = arith.constant 3 : i32
      %get3A_1407 = arith.index_cast %get3A_1406 : i32 to index
      %get3A_1408 = arith.constant 64 : index
      %get3A_1409 = tpu.vector_load %arg13[%get3A_1407, %get3A_1408] {strides = array<i32>} : memref<4x80xf32, #tpu.memory_space<vmem>>, vector<16xf32>,
      %get3A_1410 = arith.constant 3 : i32
      %get3A_1411 = arith.index_cast %get3A_1410 : i32 to index
      %get3A_1412 = arith.constant 64 : index
      %get3A_1413 = tpu.vector_load %arg14[%get3A_1411, %get3A_1412] {strides = array<i32>} : memref<4x80xf32, #tpu.memory_space<vmem>>, vector<16xf32>,
      %add3A_1414 = arith.addf %get3A_1409, %get3A_1413 : vector<16xf32>
      %gt3A_1415 = arith.constant 0.000000e+00 : f32
      %gt3A_1416 = vector.broadcast %gt3A_1415 : f32 to vector<16xf32>
      %gt3A_1417 = arith.cmpf ogt, %add3A_1414, %gt3A_1416 : vector<16xf32>
      %mul3A_1418 = arith.constant 2.000000e-01 : f32
      %mul3A_1419 = vector.broadcast %mul3A_1418 : f32 to vector<16xf32>
      %mul3A_1420 = arith.mulf %mul3A_1419, %add3A_1414 : vector<16xf32>
      %select_n3A_1421 = arith.select %gt3A_1417, %add3A_1414, %mul3A_1420 : vector<16xi1>, vector<16xf32>
      %exp3A_1422 = math.exp %select_n3A_1421 : vector<16xf32>
      %mul3A_1423 = arith.constant 80 : i32
      %mul3A_1424 = arith.muli %add3A_1218, %mul3A_1423 : i32
      %add3A_1425 = arith.constant 64 : i32
      %add3A_1426 = arith.addi %mul3A_1424, %add3A_1425 : i32
      %iota3A_1427 = tpu.iota {dimensions = array<i32: 0>} : vector<16xi32>
      %add3A_1428 = vector.broadcast %add3A_1426 : i32 to vector<16xi32>
      %add3A_1429 = arith.addi %add3A_1428, %iota3A_1427 : vector<16xi32>
      %lt3A_1430 = arith.constant 10000 : i32
      %lt3A_1431 = vector.broadcast %lt3A_1430 : i32 to vector<16xi32>
      %lt3A_1432 = arith.cmpi slt, %add3A_1429, %lt3A_1431 : vector<16xi32>
      %jit3A_1433 = arith.constant 0.000000e+00 : f32
      %broadcast_in_dim3A_1434 = vector.broadcast %jit3A_1433 : f32 to vector<16xf32>
      %select_n3A_1435 = arith.select %lt3A_1432, %exp3A_1422, %broadcast_in_dim3A_1434 : vector<16xi1>, vector<16xf32>
      %swap3A_1436 = arith.constant 3 : i32
      %swap3A_1437 = arith.index_cast %swap3A_1436 : i32 to index
      %swap3A_1438 = arith.constant 64 : index
      %swap3A_1439 = tpu.vector_load %arg16[%swap3A_1437, %swap3A_1438] {strides = array<i32>} : memref<4x80xf32, #tpu.memory_space<vmem>>, vector<16xf32>,
      tpu.vector_store %arg16[%swap3A_1437, %swap3A_1438], %select_n3A_1435 {strides = array<i32>} : memref<4x80xf32, #tpu.memory_space<vmem>>, vector<16xf32>,
      %lt3A_1440 = arith.constant 31 : i32
      %lt3A_1441 = arith.cmpi slt, %scan3A_271, %lt3A_1440 : i32
      %convert_element_type3A_1442 = arith.extui %lt3A_1441 : i1 to i32
      %cond3A_1443 = arith.constant 0 : i32
      %cond3A_1444 = arith.cmpi ne, %convert_element_type3A_1442, %cond3A_1443 : i32
      scf.if %cond3A_1444 {
        %dma_wait3A_1486 = arith.constant 0 : i32
        %dma_wait3A_1487 = arith.constant 0 : i32
        %dma_wait3A_1488 = arith.constant 0 : i32
        %dma_wait3A_1489 = arith.constant 0 : i32
        %dma_wait3A_1490 = tpu.memref_slice %arg12[%dma_wait3A_1487, %dma_wait3A_1488, %dma_wait3A_1489] : memref<4x2x80xi32, #tpu.memory_space<vmem>> -> memref<1x2x80xi32, #tpu.memory_space<vmem>>
        %dma_wait3A_1491 = tpu.memref_squeeze %dma_wait3A_1490 : memref<1x2x80xi32, #tpu.memory_space<vmem>> -> memref<2x80xi32, #tpu.memory_space<vmem>>
        %dma_wait3A_1492 = arith.constant 0 : i32
        %dma_wait3A_1493 = arith.constant 0 : i32
        %dma_wait3A_1494 = tpu.memref_slice %arg5[%dma_wait3A_1486, %dma_wait3A_1492, %dma_wait3A_1493] : memref<4096x2x80xi32, #tpu.memory_space<hbm>> -> memref<1x2x80xi32, #tpu.memory_space<hbm>>
        %dma_wait3A_1495 = tpu.memref_squeeze %dma_wait3A_1494 : memref<1x2x80xi32, #tpu.memory_space<hbm>> -> memref<2x80xi32, #tpu.memory_space<hbm>>
        %dma_wait3A_1496 = arith.constant 0 : i32
        %dma_wait3A_1497 = arith.constant 0 : i32
        %dma_wait3A_1498 = tpu.memref_slice %arg12[%dma_wait3A_1487, %dma_wait3A_1496, %dma_wait3A_1497] : memref<4x2x80xi32, #tpu.memory_space<vmem>> -> memref<1x2x80xi32, #tpu.memory_space<vmem>>
        %dma_wait3A_1499 = tpu.memref_squeeze %dma_wait3A_1498 : memref<1x2x80xi32, #tpu.memory_space<vmem>> -> memref<2x80xi32, #tpu.memory_space<vmem>>
        %dma_wait3A_1500 = arith.constant 0 : i32
        %dma_wait3A_1501 = arith.constant 0 : i32
        %dma_wait3A_1502 = tpu.memref_slice %arg5[%dma_wait3A_1486, %dma_wait3A_1500, %dma_wait3A_1501] : memref<4096x2x80xi32, #tpu.memory_space<hbm>> -> memref<1x2x80xi32, #tpu.memory_space<hbm>>
        %dma_wait3A_1503 = tpu.memref_squeeze %dma_wait3A_1502 : memref<1x2x80xi32, #tpu.memory_space<hbm>> -> memref<2x80xi32, #tpu.memory_space<hbm>>
        tpu.wait_dma2 semaphore(%arg17 : memref<!tpu.dma_semaphore, #tpu.memory_space<semaphore_mem>>) src(%dma_wait3A_1503 : memref<2x80xi32, #tpu.memory_space<hbm>>) dst(%dma_wait3A_1499 : memref<2x80xi32, #tpu.memory_space<vmem>>)
        %dma_start3A_1504 = arith.constant 0 : i32
        %dma_start3A_1505 = arith.constant 0 : i32
        %dma_start3A_1506 = arith.constant 0 : i32
        %dma_start3A_1507 = arith.constant 0 : i32
        %dma_start3A_1508 = tpu.memref_slice %arg13[%dma_start3A_1506, %dma_start3A_1507] : memref<4x80xf32, #tpu.memory_space<vmem>> -> memref<1x80xf32, #tpu.memory_space<vmem>>
        %dma_start3A_1509 = tpu.memref_squeeze %dma_start3A_1508 : memref<1x80xf32, #tpu.memory_space<vmem>> -> memref<80xf32, #tpu.memory_space<vmem>>
        %dma_start3A_1510 = arith.constant 0 : i32
        %dma_start3A_1511 = tpu.memref_slice %arg12[%dma_start3A_1504, %dma_start3A_1505, %dma_start3A_1510] : memref<4x2x80xi32, #tpu.memory_space<vmem>> -> memref<1x1x80xi32, #tpu.memory_space<vmem>>
        %dma_start3A_1512 = tpu.memref_squeeze %dma_start3A_1511 : memref<1x1x80xi32, #tpu.memory_space<vmem>> -> memref<80xi32, #tpu.memory_space<vmem>>
        %dma_start3A_1513 = arith.constant 0 : i32
        %dma_start3A_1514 = tpu.memref_slice %arg10[%dma_start3A_1513] : memref<10000xf32, #tpu.memory_space<vmem_shared>> -> memref<10000xf32, #tpu.memory_space<vmem_shared>>
        tpu.enqueue_indirect_dma source(%dma_start3A_1514 : memref<10000xf32, #tpu.memory_space<vmem_shared>>) target(%dma_start3A_1509 : memref<80xf32, #tpu.memory_space<vmem>>) offsets(%dma_start3A_1512 : memref<80xi32, #tpu.memory_space<vmem>>) semaphore(%arg21 : memref<!tpu.dma_semaphore, #tpu.memory_space<semaphore_mem>>)
        %dma_start3A_1515 = arith.constant 0 : i32
        %dma_start3A_1516 = arith.constant 1 : i32
        %dma_start3A_1517 = arith.constant 0 : i32
        %dma_start3A_1518 = arith.constant 0 : i32
        %dma_start3A_1519 = tpu.memref_slice %arg14[%dma_start3A_1517, %dma_start3A_1518] : memref<4x80xf32, #tpu.memory_space<vmem>> -> memref<1x80xf32, #tpu.memory_space<vmem>>
        %dma_start3A_1520 = tpu.memref_squeeze %dma_start3A_1519 : memref<1x80xf32, #tpu.memory_space<vmem>> -> memref<80xf32, #tpu.memory_space<vmem>>
        %dma_start3A_1521 = arith.constant 0 : i32
        %dma_start3A_1522 = tpu.memref_slice %arg12[%dma_start3A_1515, %dma_start3A_1516, %dma_start3A_1521] : memref<4x2x80xi32, #tpu.memory_space<vmem>> -> memref<1x1x80xi32, #tpu.memory_space<vmem>>
        %dma_start3A_1523 = tpu.memref_squeeze %dma_start3A_1522 : memref<1x1x80xi32, #tpu.memory_space<vmem>> -> memref<80xi32, #tpu.memory_space<vmem>>
        %dma_start3A_1524 = arith.constant 0 : i32
        %dma_start3A_1525 = tpu.memref_slice %arg11[%dma_start3A_1524] : memref<10000xf32, #tpu.memory_space<vmem_shared>> -> memref<10000xf32, #tpu.memory_space<vmem_shared>>
        tpu.enqueue_indirect_dma source(%dma_start3A_1525 : memref<10000xf32, #tpu.memory_space<vmem_shared>>) target(%dma_start3A_1520 : memref<80xf32, #tpu.memory_space<vmem>>) offsets(%dma_start3A_1523 : memref<80xi32, #tpu.memory_space<vmem>>) semaphore(%arg21 : memref<!tpu.dma_semaphore, #tpu.memory_space<semaphore_mem>>)
        %dma_start3A_1526 = arith.constant 0 : i32
        %dma_start3A_1527 = arith.constant 0 : i32
        %dma_start3A_1528 = arith.constant 0 : i32
        %dma_start3A_1529 = arith.constant 0 : i32
        %dma_start3A_1530 = arith.constant 0 : i32
        %dma_start3A_1531 = tpu.memref_slice %arg15[%dma_start3A_1528, %dma_start3A_1529, %dma_start3A_1530] : memref<4x80x128xf32, #tpu.memory_space<vmem>> -> memref<1x80x128xf32, #tpu.memory_space<vmem>>
        %dma_start3A_1532 = tpu.memref_squeeze %dma_start3A_1531 : memref<1x80x128xf32, #tpu.memory_space<vmem>> -> memref<80x128xf32, #tpu.memory_space<vmem>>
        %dma_start3A_1533 = arith.constant 0 : i32
        %dma_start3A_1534 = tpu.memref_slice %arg12[%dma_start3A_1526, %dma_start3A_1527, %dma_start3A_1533] : memref<4x2x80xi32, #tpu.memory_space<vmem>> -> memref<1x1x80xi32, #tpu.memory_space<vmem>>
        %dma_start3A_1535 = tpu.memref_squeeze %dma_start3A_1534 : memref<1x1x80xi32, #tpu.memory_space<vmem>> -> memref<80xi32, #tpu.memory_space<vmem>>
        %dma_start3A_1536 = arith.constant 0 : i32
        %dma_start3A_1537 = arith.constant 0 : i32
        %dma_start3A_1538 = tpu.memref_slice %arg2[%dma_start3A_1536, %dma_start3A_1537] : memref<10000x128xf32, #tpu.memory_space<hbm>> -> memref<10000x128xf32, #tpu.memory_space<hbm>>
        tpu.enqueue_indirect_dma source(%dma_start3A_1538 : memref<10000x128xf32, #tpu.memory_space<hbm>>) target(%dma_start3A_1532 : memref<80x128xf32, #tpu.memory_space<vmem>>) offsets(%dma_start3A_1535 : memref<80xi32, #tpu.memory_space<vmem>>) semaphore(%arg25 : memref<!tpu.dma_semaphore, #tpu.memory_space<semaphore_mem>>)
      } else {
      }
      %dma_wait3A_1445 = arith.constant 3 : i32
      %dma_wait3A_1446 = arith.constant 0 : i32
      %dma_wait3A_1447 = arith.constant 3 : i32
      %dma_wait3A_1448 = arith.constant 0 : i32
      %dma_wait3A_1449 = arith.constant 0 : i32
      %dma_wait3A_1450 = tpu.memref_slice %arg15[%dma_wait3A_1447, %dma_wait3A_1448, %dma_wait3A_1449] : memref<4x80x128xf32, #tpu.memory_space<vmem>> -> memref<1x80x128xf32, #tpu.memory_space<vmem>>
      %dma_wait3A_1451 = tpu.memref_squeeze %dma_wait3A_1450 : memref<1x80x128xf32, #tpu.memory_space<vmem>> -> memref<80x128xf32, #tpu.memory_space<vmem>>
      %dma_wait3A_1452 = arith.constant 0 : i32
      %dma_wait3A_1453 = tpu.memref_slice %arg12[%dma_wait3A_1445, %dma_wait3A_1446, %dma_wait3A_1452] : memref<4x2x80xi32, #tpu.memory_space<vmem>> -> memref<1x1x80xi32, #tpu.memory_space<vmem>>
      %dma_wait3A_1454 = tpu.memref_squeeze %dma_wait3A_1453 : memref<1x1x80xi32, #tpu.memory_space<vmem>> -> memref<80xi32, #tpu.memory_space<vmem>>
      %dma_wait3A_1455 = arith.constant 0 : i32
      %dma_wait3A_1456 = arith.constant 0 : i32
      %dma_wait3A_1457 = tpu.memref_slice %arg2[%dma_wait3A_1455, %dma_wait3A_1456] : memref<10000x128xf32, #tpu.memory_space<hbm>> -> memref<10000x128xf32, #tpu.memory_space<hbm>>
      tpu.wait_indirect_dma semaphore(%arg28 : memref<!tpu.dma_semaphore, #tpu.memory_space<semaphore_mem>>) src(%dma_wait3A_1457 : memref<10000x128xf32, #tpu.memory_space<hbm>>) dst(%dma_wait3A_1451 : memref<80x128xf32, #tpu.memory_space<vmem>>)
      %parallel_loop3A_1458 = arith.constant 0 : i32
      %parallel_loop3A_1459 = arith.constant 80 : i32
      %parallel_loop3A_1460 = arith.constant 1 : i32
      scf.for %parallel_loop3A_1486 = %parallel_loop3A_1458 to %parallel_loop3A_1459 step %parallel_loop3A_1460  : i32 {
        %parallel_loop3A_1487 = vector.broadcast %parallel_loop3A_1486 : i32 to vector<16xi32>
        %parallel_loop3A_1488 = arith.constant 3 : i32
        %parallel_loop3A_1489 = arith.constant 0 : i32
        %parallel_loop3A_1490 = tpu.memref_slice %arg16[%parallel_loop3A_1488, %parallel_loop3A_1489] : memref<4x80xf32, #tpu.memory_space<vmem>> -> memref<1x80xf32, #tpu.memory_space<vmem>>
        %parallel_loop3A_1491 = tpu.memref_squeeze %parallel_loop3A_1490 : memref<1x80xf32, #tpu.memory_space<vmem>> -> memref<80xf32, #tpu.memory_space<vmem>>
        %parallel_loop3A_1492 = tpu.vector_load_idx %parallel_loop3A_1491[%parallel_loop3A_1487] : memref<80xf32, #tpu.memory_space<vmem>>[vector<16xi32>], vector<16xf32>,
        %parallel_loop3A_1493 = arith.constant 3 : i32
        %parallel_loop3A_1494 = arith.index_cast %parallel_loop3A_1493 : i32 to index
        %parallel_loop3A_1495 = arith.index_cast %parallel_loop3A_1486 : i32 to index
        %parallel_loop3A_1496 = arith.constant 0 : index
        %parallel_loop3A_1497 = tpu.vector_load %arg15[%parallel_loop3A_1494, %parallel_loop3A_1495, %parallel_loop3A_1496] {strides = array<i32>} : memref<4x80x128xf32, #tpu.memory_space<vmem>>, vector<16xf32>,
        %parallel_loop3A_1498 = arith.mulf %parallel_loop3A_1497, %parallel_loop3A_1492 : vector<16xf32>
        %parallel_loop3A_1499 = arith.constant 3 : i32
        %parallel_loop3A_1500 = arith.index_cast %parallel_loop3A_1499 : i32 to index
        %parallel_loop3A_1501 = arith.index_cast %parallel_loop3A_1486 : i32 to index
        %parallel_loop3A_1502 = arith.constant 0 : index
        %parallel_loop3A_1503 = tpu.vector_load %arg15[%parallel_loop3A_1500, %parallel_loop3A_1501, %parallel_loop3A_1502] {strides = array<i32>} : memref<4x80x128xf32, #tpu.memory_space<vmem>>, vector<16xf32>,
        tpu.vector_store %arg15[%parallel_loop3A_1500, %parallel_loop3A_1501, %parallel_loop3A_1502], %parallel_loop3A_1498 {strides = array<i32>} : memref<4x80x128xf32, #tpu.memory_space<vmem>>, vector<16xf32>,
        %parallel_loop3A_1504 = arith.constant 3 : i32
        %parallel_loop3A_1505 = arith.index_cast %parallel_loop3A_1504 : i32 to index
        %parallel_loop3A_1506 = arith.index_cast %parallel_loop3A_1486 : i32 to index
        %parallel_loop3A_1507 = arith.constant 16 : index
        %parallel_loop3A_1508 = tpu.vector_load %arg15[%parallel_loop3A_1505, %parallel_loop3A_1506, %parallel_loop3A_1507] {strides = array<i32>} : memref<4x80x128xf32, #tpu.memory_space<vmem>>, vector<16xf32>,
        %parallel_loop3A_1509 = arith.mulf %parallel_loop3A_1508, %parallel_loop3A_1492 : vector<16xf32>
        %parallel_loop3A_1510 = arith.constant 3 : i32
        %parallel_loop3A_1511 = arith.index_cast %parallel_loop3A_1510 : i32 to index
        %parallel_loop3A_1512 = arith.index_cast %parallel_loop3A_1486 : i32 to index
        %parallel_loop3A_1513 = arith.constant 16 : index
        %parallel_loop3A_1514 = tpu.vector_load %arg15[%parallel_loop3A_1511, %parallel_loop3A_1512, %parallel_loop3A_1513] {strides = array<i32>} : memref<4x80x128xf32, #tpu.memory_space<vmem>>, vector<16xf32>,
        tpu.vector_store %arg15[%parallel_loop3A_1511, %parallel_loop3A_1512, %parallel_loop3A_1513], %parallel_loop3A_1509 {strides = array<i32>} : memref<4x80x128xf32, #tpu.memory_space<vmem>>, vector<16xf32>,
        %parallel_loop3A_1515 = arith.constant 3 : i32
        %parallel_loop3A_1516 = arith.index_cast %parallel_loop3A_1515 : i32 to index
        %parallel_loop3A_1517 = arith.index_cast %parallel_loop3A_1486 : i32 to index
        %parallel_loop3A_1518 = arith.constant 32 : index
        %parallel_loop3A_1519 = tpu.vector_load %arg15[%parallel_loop3A_1516, %parallel_loop3A_1517, %parallel_loop3A_1518] {strides = array<i32>} : memref<4x80x128xf32, #tpu.memory_space<vmem>>, vector<16xf32>,
        %parallel_loop3A_1520 = arith.mulf %parallel_loop3A_1519, %parallel_loop3A_1492 : vector<16xf32>
        %parallel_loop3A_1521 = arith.constant 3 : i32
        %parallel_loop3A_1522 = arith.index_cast %parallel_loop3A_1521 : i32 to index
        %parallel_loop3A_1523 = arith.index_cast %parallel_loop3A_1486 : i32 to index
        %parallel_loop3A_1524 = arith.constant 32 : index
        %parallel_loop3A_1525 = tpu.vector_load %arg15[%parallel_loop3A_1522, %parallel_loop3A_1523, %parallel_loop3A_1524] {strides = array<i32>} : memref<4x80x128xf32, #tpu.memory_space<vmem>>, vector<16xf32>,
        tpu.vector_store %arg15[%parallel_loop3A_1522, %parallel_loop3A_1523, %parallel_loop3A_1524], %parallel_loop3A_1520 {strides = array<i32>} : memref<4x80x128xf32, #tpu.memory_space<vmem>>, vector<16xf32>,
        %parallel_loop3A_1526 = arith.constant 3 : i32
        %parallel_loop3A_1527 = arith.index_cast %parallel_loop3A_1526 : i32 to index
        %parallel_loop3A_1528 = arith.index_cast %parallel_loop3A_1486 : i32 to index
        %parallel_loop3A_1529 = arith.constant 48 : index
        %parallel_loop3A_1530 = tpu.vector_load %arg15[%parallel_loop3A_1527, %parallel_loop3A_1528, %parallel_loop3A_1529] {strides = array<i32>} : memref<4x80x128xf32, #tpu.memory_space<vmem>>, vector<16xf32>,
        %parallel_loop3A_1531 = arith.mulf %parallel_loop3A_1530, %parallel_loop3A_1492 : vector<16xf32>
        %parallel_loop3A_1532 = arith.constant 3 : i32
        %parallel_loop3A_1533 = arith.index_cast %parallel_loop3A_1532 : i32 to index
        %parallel_loop3A_1534 = arith.index_cast %parallel_loop3A_1486 : i32 to index
        %parallel_loop3A_1535 = arith.constant 48 : index
        %parallel_loop3A_1536 = tpu.vector_load %arg15[%parallel_loop3A_1533, %parallel_loop3A_1534, %parallel_loop3A_1535] {strides = array<i32>} : memref<4x80x128xf32, #tpu.memory_space<vmem>>, vector<16xf32>,
        tpu.vector_store %arg15[%parallel_loop3A_1533, %parallel_loop3A_1534, %parallel_loop3A_1535], %parallel_loop3A_1531 {strides = array<i32>} : memref<4x80x128xf32, #tpu.memory_space<vmem>>, vector<16xf32>,
        %parallel_loop3A_1537 = arith.constant 3 : i32
        %parallel_loop3A_1538 = arith.index_cast %parallel_loop3A_1537 : i32 to index
        %parallel_loop3A_1539 = arith.index_cast %parallel_loop3A_1486 : i32 to index
        %parallel_loop3A_1540 = arith.constant 64 : index
        %parallel_loop3A_1541 = tpu.vector_load %arg15[%parallel_loop3A_1538, %parallel_loop3A_1539, %parallel_loop3A_1540] {strides = array<i32>} : memref<4x80x128xf32, #tpu.memory_space<vmem>>, vector<16xf32>,
        %parallel_loop3A_1542 = arith.mulf %parallel_loop3A_1541, %parallel_loop3A_1492 : vector<16xf32>
        %parallel_loop3A_1543 = arith.constant 3 : i32
        %parallel_loop3A_1544 = arith.index_cast %parallel_loop3A_1543 : i32 to index
        %parallel_loop3A_1545 = arith.index_cast %parallel_loop3A_1486 : i32 to index
        %parallel_loop3A_1546 = arith.constant 64 : index
        %parallel_loop3A_1547 = tpu.vector_load %arg15[%parallel_loop3A_1544, %parallel_loop3A_1545, %parallel_loop3A_1546] {strides = array<i32>} : memref<4x80x128xf32, #tpu.memory_space<vmem>>, vector<16xf32>,
        tpu.vector_store %arg15[%parallel_loop3A_1544, %parallel_loop3A_1545, %parallel_loop3A_1546], %parallel_loop3A_1542 {strides = array<i32>} : memref<4x80x128xf32, #tpu.memory_space<vmem>>, vector<16xf32>,
        %parallel_loop3A_1548 = arith.constant 3 : i32
        %parallel_loop3A_1549 = arith.index_cast %parallel_loop3A_1548 : i32 to index
        %parallel_loop3A_1550 = arith.index_cast %parallel_loop3A_1486 : i32 to index
        %parallel_loop3A_1551 = arith.constant 80 : index
        %parallel_loop3A_1552 = tpu.vector_load %arg15[%parallel_loop3A_1549, %parallel_loop3A_1550, %parallel_loop3A_1551] {strides = array<i32>} : memref<4x80x128xf32, #tpu.memory_space<vmem>>, vector<16xf32>,
        %parallel_loop3A_1553 = arith.mulf %parallel_loop3A_1552, %parallel_loop3A_1492 : vector<16xf32>
        %parallel_loop3A_1554 = arith.constant 3 : i32
        %parallel_loop3A_1555 = arith.index_cast %parallel_loop3A_1554 : i32 to index
        %parallel_loop3A_1556 = arith.index_cast %parallel_loop3A_1486 : i32 to index
        %parallel_loop3A_1557 = arith.constant 80 : index
        %parallel_loop3A_1558 = tpu.vector_load %arg15[%parallel_loop3A_1555, %parallel_loop3A_1556, %parallel_loop3A_1557] {strides = array<i32>} : memref<4x80x128xf32, #tpu.memory_space<vmem>>, vector<16xf32>,
        tpu.vector_store %arg15[%parallel_loop3A_1555, %parallel_loop3A_1556, %parallel_loop3A_1557], %parallel_loop3A_1553 {strides = array<i32>} : memref<4x80x128xf32, #tpu.memory_space<vmem>>, vector<16xf32>,
        %parallel_loop3A_1559 = arith.constant 3 : i32
        %parallel_loop3A_1560 = arith.index_cast %parallel_loop3A_1559 : i32 to index
        %parallel_loop3A_1561 = arith.index_cast %parallel_loop3A_1486 : i32 to index
        %parallel_loop3A_1562 = arith.constant 96 : index
        %parallel_loop3A_1563 = tpu.vector_load %arg15[%parallel_loop3A_1560, %parallel_loop3A_1561, %parallel_loop3A_1562] {strides = array<i32>} : memref<4x80x128xf32, #tpu.memory_space<vmem>>, vector<16xf32>,
        %parallel_loop3A_1564 = arith.mulf %parallel_loop3A_1563, %parallel_loop3A_1492 : vector<16xf32>
        %parallel_loop3A_1565 = arith.constant 3 : i32
        %parallel_loop3A_1566 = arith.index_cast %parallel_loop3A_1565 : i32 to index
        %parallel_loop3A_1567 = arith.index_cast %parallel_loop3A_1486 : i32 to index
        %parallel_loop3A_1568 = arith.constant 96 : index
        %parallel_loop3A_1569 = tpu.vector_load %arg15[%parallel_loop3A_1566, %parallel_loop3A_1567, %parallel_loop3A_1568] {strides = array<i32>} : memref<4x80x128xf32, #tpu.memory_space<vmem>>, vector<16xf32>,
        tpu.vector_store %arg15[%parallel_loop3A_1566, %parallel_loop3A_1567, %parallel_loop3A_1568], %parallel_loop3A_1564 {strides = array<i32>} : memref<4x80x128xf32, #tpu.memory_space<vmem>>, vector<16xf32>,
        %parallel_loop3A_1570 = arith.constant 3 : i32
        %parallel_loop3A_1571 = arith.index_cast %parallel_loop3A_1570 : i32 to index
        %parallel_loop3A_1572 = arith.index_cast %parallel_loop3A_1486 : i32 to index
        %parallel_loop3A_1573 = arith.constant 112 : index
        %parallel_loop3A_1574 = tpu.vector_load %arg15[%parallel_loop3A_1571, %parallel_loop3A_1572, %parallel_loop3A_1573] {strides = array<i32>} : memref<4x80x128xf32, #tpu.memory_space<vmem>>, vector<16xf32>,
        %parallel_loop3A_1575 = arith.mulf %parallel_loop3A_1574, %parallel_loop3A_1492 : vector<16xf32>
        %parallel_loop3A_1576 = arith.constant 3 : i32
        %parallel_loop3A_1577 = arith.index_cast %parallel_loop3A_1576 : i32 to index
        %parallel_loop3A_1578 = arith.index_cast %parallel_loop3A_1486 : i32 to index
        %parallel_loop3A_1579 = arith.constant 112 : index
        %parallel_loop3A_1580 = tpu.vector_load %arg15[%parallel_loop3A_1577, %parallel_loop3A_1578, %parallel_loop3A_1579] {strides = array<i32>} : memref<4x80x128xf32, #tpu.memory_space<vmem>>, vector<16xf32>,
        tpu.vector_store %arg15[%parallel_loop3A_1577, %parallel_loop3A_1578, %parallel_loop3A_1579], %parallel_loop3A_1575 {strides = array<i32>} : memref<4x80x128xf32, #tpu.memory_space<vmem>>, vector<16xf32>,
      } {sc.loop_unroll_factor = 4 : i64, sc.parallel_access}
      %dma_start3A_1461 = arith.constant 3 : i32
      %dma_start3A_1462 = arith.constant 3 : i32
      %dma_start3A_1463 = arith.constant 1 : i32
      %dma_start3A_1464 = arith.constant 0 : i32
      %dma_start3A_1465 = arith.constant 0 : i32
      %dma_start3A_1466 = tpu.memref_slice %arg15[%dma_start3A_1461, %dma_start3A_1464, %dma_start3A_1465] : memref<4x80x128xf32, #tpu.memory_space<vmem>> -> memref<1x80x128xf32, #tpu.memory_space<vmem>>
      %dma_start3A_1467 = tpu.memref_squeeze %dma_start3A_1466 : memref<1x80x128xf32, #tpu.memory_space<vmem>> -> memref<80x128xf32, #tpu.memory_space<vmem>>
      %dma_start3A_1468 = arith.constant 0 : i32
      %dma_start3A_1469 = tpu.memref_slice %arg12[%dma_start3A_1462, %dma_start3A_1463, %dma_start3A_1468] : memref<4x2x80xi32, #tpu.memory_space<vmem>> -> memref<1x1x80xi32, #tpu.memory_space<vmem>>
      %dma_start3A_1470 = tpu.memref_squeeze %dma_start3A_1469 : memref<1x1x80xi32, #tpu.memory_space<vmem>> -> memref<80xi32, #tpu.memory_space<vmem>>
      %dma_start3A_1471 = arith.constant 0 : i32
      %dma_start3A_1472 = arith.constant 0 : i32
      %dma_start3A_1473 = tpu.memref_slice %arg8[%dma_start3A_1471, %dma_start3A_1472] : memref<10240x128xf32, #tpu.memory_space<vmem_shared>> -> memref<10240x128xf32, #tpu.memory_space<vmem_shared>>
      tpu.enqueue_indirect_dma source(%dma_start3A_1467 : memref<80x128xf32, #tpu.memory_space<vmem>>) target(%dma_start3A_1473 : memref<10240x128xf32, #tpu.memory_space<vmem_shared>>) offsets(%dma_start3A_1470 : memref<80xi32, #tpu.memory_space<vmem>>) semaphore(%arg32 : memref<!tpu.dma_semaphore, #tpu.memory_space<semaphore_mem>>) {add = true}
      %dma_start3A_1474 = arith.constant 3 : i32
      %dma_start3A_1475 = arith.constant 3 : i32
      %dma_start3A_1476 = arith.constant 1 : i32
      %dma_start3A_1477 = arith.constant 0 : i32
      %dma_start3A_1478 = tpu.memref_slice %arg16[%dma_start3A_1474, %dma_start3A_1477] : memref<4x80xf32, #tpu.memory_space<vmem>> -> memref<1x80xf32, #tpu.memory_space<vmem>>
      %dma_start3A_1479 = tpu.memref_squeeze %dma_start3A_1478 : memref<1x80xf32, #tpu.memory_space<vmem>> -> memref<80xf32, #tpu.memory_space<vmem>>
      %dma_start3A_1480 = arith.constant 0 : i32
      %dma_start3A_1481 = tpu.memref_slice %arg12[%dma_start3A_1475, %dma_start3A_1476, %dma_start3A_1480] : memref<4x2x80xi32, #tpu.memory_space<vmem>> -> memref<1x1x80xi32, #tpu.memory_space<vmem>>
      %dma_start3A_1482 = tpu.memref_squeeze %dma_start3A_1481 : memref<1x1x80xi32, #tpu.memory_space<vmem>> -> memref<80xi32, #tpu.memory_space<vmem>>
      %dma_start3A_1483 = arith.constant 0 : i32
      %dma_start3A_1484 = tpu.memref_slice %arg9[%dma_start3A_1483] : memref<10240xf32, #tpu.memory_space<vmem_shared>> -> memref<10240xf32, #tpu.memory_space<vmem_shared>>
      tpu.enqueue_indirect_dma source(%dma_start3A_1479 : memref<80xf32, #tpu.memory_space<vmem>>) target(%dma_start3A_1484 : memref<10240xf32, #tpu.memory_space<vmem_shared>>) offsets(%dma_start3A_1482 : memref<80xi32, #tpu.memory_space<vmem>>) semaphore(%arg32 : memref<!tpu.dma_semaphore, #tpu.memory_space<semaphore_mem>>) {add = true}
      %scan3A_1485 = arith.constant 0 : i32
      scf.yield %scan3A_1485 : i32
    }
    %scan3A_212 = arith.constant 32 : i32
    %dma_wait3A_213 = arith.constant 2 : i32
    %dma_wait3A_214 = arith.constant 2 : i32
    %dma_wait3A_215 = arith.constant 1 : i32
    %dma_wait3A_216 = arith.constant 0 : i32
    %dma_wait3A_217 = arith.constant 0 : i32
    %dma_wait3A_218 = tpu.memref_slice %arg15[%dma_wait3A_213, %dma_wait3A_216, %dma_wait3A_217] : memref<4x80x128xf32, #tpu.memory_space<vmem>> -> memref<1x80x128xf32, #tpu.memory_space<vmem>>
    %dma_wait3A_219 = tpu.memref_squeeze %dma_wait3A_218 : memref<1x80x128xf32, #tpu.memory_space<vmem>> -> memref<80x128xf32, #tpu.memory_space<vmem>>
    %dma_wait3A_220 = arith.constant 0 : i32
    %dma_wait3A_221 = tpu.memref_slice %arg12[%dma_wait3A_214, %dma_wait3A_215, %dma_wait3A_220] : memref<4x2x80xi32, #tpu.memory_space<vmem>> -> memref<1x1x80xi32, #tpu.memory_space<vmem>>
    %dma_wait3A_222 = tpu.memref_squeeze %dma_wait3A_221 : memref<1x1x80xi32, #tpu.memory_space<vmem>> -> memref<80xi32, #tpu.memory_space<vmem>>
    %dma_wait3A_223 = arith.constant 0 : i32
    %dma_wait3A_224 = arith.constant 0 : i32
    %dma_wait3A_225 = tpu.memref_slice %arg8[%dma_wait3A_223, %dma_wait3A_224] : memref<10240x128xf32, #tpu.memory_space<vmem_shared>> -> memref<10240x128xf32, #tpu.memory_space<vmem_shared>>
    tpu.wait_indirect_dma semaphore(%arg31 : memref<!tpu.dma_semaphore, #tpu.memory_space<semaphore_mem>>) src(%dma_wait3A_219 : memref<80x128xf32, #tpu.memory_space<vmem>>) dst(%dma_wait3A_225 : memref<10240x128xf32, #tpu.memory_space<vmem_shared>>)
    %dma_wait3A_226 = arith.constant 2 : i32
    %dma_wait3A_227 = arith.constant 2 : i32
    %dma_wait3A_228 = arith.constant 1 : i32
    %dma_wait3A_229 = arith.constant 0 : i32
    %dma_wait3A_230 = tpu.memref_slice %arg16[%dma_wait3A_226, %dma_wait3A_229] : memref<4x80xf32, #tpu.memory_space<vmem>> -> memref<1x80xf32, #tpu.memory_space<vmem>>
    %dma_wait3A_231 = tpu.memref_squeeze %dma_wait3A_230 : memref<1x80xf32, #tpu.memory_space<vmem>> -> memref<80xf32, #tpu.memory_space<vmem>>
    %dma_wait3A_232 = arith.constant 0 : i32
    %dma_wait3A_233 = tpu.memref_slice %arg12[%dma_wait3A_227, %dma_wait3A_228, %dma_wait3A_232] : memref<4x2x80xi32, #tpu.memory_space<vmem>> -> memref<1x1x80xi32, #tpu.memory_space<vmem>>
    %dma_wait3A_234 = tpu.memref_squeeze %dma_wait3A_233 : memref<1x1x80xi32, #tpu.memory_space<vmem>> -> memref<80xi32, #tpu.memory_space<vmem>>
    %dma_wait3A_235 = arith.constant 0 : i32
    %dma_wait3A_236 = tpu.memref_slice %arg9[%dma_wait3A_235] : memref<10240xf32, #tpu.memory_space<vmem_shared>> -> memref<10240xf32, #tpu.memory_space<vmem_shared>>
    tpu.wait_indirect_dma semaphore(%arg31 : memref<!tpu.dma_semaphore, #tpu.memory_space<semaphore_mem>>) src(%dma_wait3A_231 : memref<80xf32, #tpu.memory_space<vmem>>) dst(%dma_wait3A_236 : memref<10240xf32, #tpu.memory_space<vmem_shared>>)
    %dma_wait3A_237 = arith.constant 3 : i32
    %dma_wait3A_238 = arith.constant 3 : i32
    %dma_wait3A_239 = arith.constant 1 : i32
    %dma_wait3A_240 = arith.constant 0 : i32
    %dma_wait3A_241 = arith.constant 0 : i32
    %dma_wait3A_242 = tpu.memref_slice %arg15[%dma_wait3A_237, %dma_wait3A_240, %dma_wait3A_241] : memref<4x80x128xf32, #tpu.memory_space<vmem>> -> memref<1x80x128xf32, #tpu.memory_space<vmem>>
    %dma_wait3A_243 = tpu.memref_squeeze %dma_wait3A_242 : memref<1x80x128xf32, #tpu.memory_space<vmem>> -> memref<80x128xf32, #tpu.memory_space<vmem>>
    %dma_wait3A_244 = arith.constant 0 : i32
    %dma_wait3A_245 = tpu.memref_slice %arg12[%dma_wait3A_238, %dma_wait3A_239, %dma_wait3A_244] : memref<4x2x80xi32, #tpu.memory_space<vmem>> -> memref<1x1x80xi32, #tpu.memory_space<vmem>>
    %dma_wait3A_246 = tpu.memref_squeeze %dma_wait3A_245 : memref<1x1x80xi32, #tpu.memory_space<vmem>> -> memref<80xi32, #tpu.memory_space<vmem>>
    %dma_wait3A_247 = arith.constant 0 : i32
    %dma_wait3A_248 = arith.constant 0 : i32
    %dma_wait3A_249 = tpu.memref_slice %arg8[%dma_wait3A_247, %dma_wait3A_248] : memref<10240x128xf32, #tpu.memory_space<vmem_shared>> -> memref<10240x128xf32, #tpu.memory_space<vmem_shared>>
    tpu.wait_indirect_dma semaphore(%arg32 : memref<!tpu.dma_semaphore, #tpu.memory_space<semaphore_mem>>) src(%dma_wait3A_243 : memref<80x128xf32, #tpu.memory_space<vmem>>) dst(%dma_wait3A_249 : memref<10240x128xf32, #tpu.memory_space<vmem_shared>>)
    %dma_wait3A_250 = arith.constant 3 : i32
    %dma_wait3A_251 = arith.constant 3 : i32
    %dma_wait3A_252 = arith.constant 1 : i32
    %dma_wait3A_253 = arith.constant 0 : i32
    %dma_wait3A_254 = tpu.memref_slice %arg16[%dma_wait3A_250, %dma_wait3A_253] : memref<4x80xf32, #tpu.memory_space<vmem>> -> memref<1x80xf32, #tpu.memory_space<vmem>>
    %dma_wait3A_255 = tpu.memref_squeeze %dma_wait3A_254 : memref<1x80xf32, #tpu.memory_space<vmem>> -> memref<80xf32, #tpu.memory_space<vmem>>
    %dma_wait3A_256 = arith.constant 0 : i32
    %dma_wait3A_257 = tpu.memref_slice %arg12[%dma_wait3A_251, %dma_wait3A_252, %dma_wait3A_256] : memref<4x2x80xi32, #tpu.memory_space<vmem>> -> memref<1x1x80xi32, #tpu.memory_space<vmem>>
    %dma_wait3A_258 = tpu.memref_squeeze %dma_wait3A_257 : memref<1x1x80xi32, #tpu.memory_space<vmem>> -> memref<80xi32, #tpu.memory_space<vmem>>
    %dma_wait3A_259 = arith.constant 0 : i32
    %dma_wait3A_260 = tpu.memref_slice %arg9[%dma_wait3A_259] : memref<10240xf32, #tpu.memory_space<vmem_shared>> -> memref<10240xf32, #tpu.memory_space<vmem_shared>>
    tpu.wait_indirect_dma semaphore(%arg32 : memref<!tpu.dma_semaphore, #tpu.memory_space<semaphore_mem>>) src(%dma_wait3A_255 : memref<80xf32, #tpu.memory_space<vmem>>) dst(%dma_wait3A_260 : memref<10240xf32, #tpu.memory_space<vmem_shared>>)
    %barrier3A_261 = arith.constant 0 : index
    tpu.barrier barrier_id(%barrier3A_261)
    %mul3A_262 = arith.constant 10240 : i32
    %mul3A_263 = arith.muli %arg0, %mul3A_262 : i32
    %mul3A_264 = arith.constant 640 : i32
    %mul3A_265 = arith.muli %arg1, %mul3A_264 : i32
    %add3A_266 = arith.addi %mul3A_263, %mul3A_265 : i32
    %mul3A_267 = arith.constant 640 : i32
    %mul3A_268 = arith.muli %arg1, %mul3A_267 : i32
    "tpu.region"() ({
      %run_scoped3A_271 = tpu.sem_alloc : memref<!tpu.dma_semaphore, #tpu.memory_space<semaphore_mem>>
      %dma_start3A_272 = arith.constant 0 : i32
      %dma_start3A_273 = tpu.memref_slice %arg6[%add3A_266, %dma_start3A_272] : memref<20480x128xf32, #tpu.memory_space<hbm>> -> memref<640x128xf32, #tpu.memory_space<hbm>>
      %dma_start3A_274 = arith.constant 0 : i32
      %dma_start3A_275 = tpu.memref_slice %arg8[%mul3A_268, %dma_start3A_274] : memref<10240x128xf32, #tpu.memory_space<vmem_shared>> -> memref<640x128xf32, #tpu.memory_space<vmem_shared>>
      tpu.enqueue_dma source(%dma_start3A_275 : memref<640x128xf32, #tpu.memory_space<vmem_shared>>) target(%dma_start3A_273 : memref<640x128xf32, #tpu.memory_space<hbm>>) target_semaphore(%run_scoped3A_271 : memref<!tpu.dma_semaphore, #tpu.memory_space<semaphore_mem>>)
      %dma_wait3A_276 = arith.constant 0 : i32
      %dma_wait3A_277 = tpu.memref_slice %arg6[%add3A_266, %dma_wait3A_276] : memref<20480x128xf32, #tpu.memory_space<hbm>> -> memref<640x128xf32, #tpu.memory_space<hbm>>
      %dma_wait3A_278 = arith.constant 0 : i32
      %dma_wait3A_279 = tpu.memref_slice %arg8[%mul3A_268, %dma_wait3A_278] : memref<10240x128xf32, #tpu.memory_space<vmem_shared>> -> memref<640x128xf32, #tpu.memory_space<vmem_shared>>
      tpu.wait_dma2 semaphore(%run_scoped3A_271 : memref<!tpu.dma_semaphore, #tpu.memory_space<semaphore_mem>>) src(%dma_wait3A_279 : memref<640x128xf32, #tpu.memory_space<vmem_shared>>) dst(%dma_wait3A_277 : memref<640x128xf32, #tpu.memory_space<hbm>>)
      tpu.yield
    }) : () -> ()
    %mul3A_269 = arith.constant 640 : i32
    %mul3A_270 = arith.muli %arg1, %mul3A_269 : i32
    "tpu.region"() ({
      %run_scoped3A_271 = tpu.sem_alloc : memref<!tpu.dma_semaphore, #tpu.memory_space<semaphore_mem>>
      %dma_start3A_272 = tpu.memref_slice %arg7[%add3A_266] : memref<20480xf32, #tpu.memory_space<hbm>> -> memref<640xf32, #tpu.memory_space<hbm>>
      %dma_start3A_273 = tpu.memref_slice %arg9[%mul3A_270] : memref<10240xf32, #tpu.memory_space<vmem_shared>> -> memref<640xf32, #tpu.memory_space<vmem_shared>>
      tpu.enqueue_dma source(%dma_start3A_273 : memref<640xf32, #tpu.memory_space<vmem_shared>>) target(%dma_start3A_272 : memref<640xf32, #tpu.memory_space<hbm>>) target_semaphore(%run_scoped3A_271 : memref<!tpu.dma_semaphore, #tpu.memory_space<semaphore_mem>>)
      %dma_wait3A_274 = tpu.memref_slice %arg7[%add3A_266] : memref<20480xf32, #tpu.memory_space<hbm>> -> memref<640xf32, #tpu.memory_space<hbm>>
      %dma_wait3A_275 = tpu.memref_slice %arg9[%mul3A_270] : memref<10240xf32, #tpu.memory_space<vmem_shared>> -> memref<640xf32, #tpu.memory_space<vmem_shared>>
      tpu.wait_dma2 semaphore(%run_scoped3A_271 : memref<!tpu.dma_semaphore, #tpu.memory_space<semaphore_mem>>) src(%dma_wait3A_275 : memref<640xf32, #tpu.memory_space<vmem_shared>>) dst(%dma_wait3A_274 : memref<640xf32, #tpu.memory_space<hbm>>)
      tpu.yield
    }) : () -> ()
    return
  }
}

module attributes {stable_mosaic.version = 14 : i64} {
  func.func @body(%arg0: i32, %arg1: memref<1000x128xf32, #tpu.memory_space<vmem>>, %arg2: memref<1000x128xf32, #tpu.memory_space<vmem>>, %arg3: memref<128x128xf32, #tpu.memory_space<vmem>>, %arg4: memref<1x128xf32, #tpu.memory_space<vmem>>, %arg5: memref<128x128xf32, #tpu.memory_space<vmem>>, %arg6: memref<1x128xf32, #tpu.memory_space<vmem>>, %arg7: memref<1x128xf32, #tpu.memory_space<vmem>>, %arg8: memref<1x128xf32, #tpu.memory_space<vmem>>, %arg9: memref<1000x128xf32, #tpu.memory_space<vmem>>, %arg10: memref<1000x1xf32, #tpu.memory_space<vmem>>, %arg11: memref<1000x1xf32, #tpu.memory_space<vmem>>) attributes {dimension_semantics = [#tpu.dimension_semantics<arbitrary>], iteration_bounds = array<i64: 10>, scalar_prefetch = 0 : i64, scratch_operands = 0 : i64, tpu.core_type = #tpu.core_type<tc>, window_params = [{transform_indices = @transform_0, window_bounds = array<i64: 1000, 128>}, {transform_indices = @transform_1, window_bounds = array<i64: 1000, 128>}, {pipeline_mode = #tpu.pipeline_mode<synchronous>, transform_indices = @transform_2, window_bounds = array<i64: 128, 128>}, {pipeline_mode = #tpu.pipeline_mode<synchronous>, transform_indices = @transform_3, window_bounds = array<i64: 1, 128>}, {pipeline_mode = #tpu.pipeline_mode<synchronous>, transform_indices = @transform_4, window_bounds = array<i64: 128, 128>}, {pipeline_mode = #tpu.pipeline_mode<synchronous>, transform_indices = @transform_5, window_bounds = array<i64: 1, 128>}, {pipeline_mode = #tpu.pipeline_mode<synchronous>, transform_indices = @transform_6, window_bounds = array<i64: 1, 128>}, {pipeline_mode = #tpu.pipeline_mode<synchronous>, transform_indices = @transform_7, window_bounds = array<i64: 1, 128>}, {transform_indices = @transform_8, window_bounds = array<i64: 1000, 128>}, {transform_indices = @transform_9, window_bounds = array<i64: 1000, 1>}, {transform_indices = @transform_10, window_bounds = array<i64: 1000, 1>}]} {
    %get3A = arith.constant 0 : index
    %get3A_0 = arith.constant 0 : index
    %get3A_1 = vector.load %arg1[%get3A, %get3A_0] : memref<1000x128xf32, #tpu.memory_space<vmem>>, vector<1000x128xf32>
    %get3A_2 = arith.constant 0 : index
    %get3A_3 = arith.constant 0 : index
    %get3A_4 = vector.load %arg3[%get3A_2, %get3A_3] : memref<128x128xf32, #tpu.memory_space<vmem>>, vector<128x128xf32>
    %dot_general3A = arith.constant dense<0.000000e+00> : vector<1000x128xf32>
    %dot_general3A_5 = tpu.matmul %get3A_1, %get3A_4, %dot_general3A {dimension_numbers = #tpu.dot_dimension_numbers<[1], [1], [0], [0], [0, 0, 1, 0], [], []>, transpose_lhs_hint = false} : vector<1000x128xf32>, vector<128x128xf32>, vector<1000x128xf32> -> vector<1000x128xf32>
    %get3A_6 = arith.constant 0 : index
    %get3A_7 = arith.constant 0 : index
    %get3A_8 = vector.load %arg4[%get3A_6, %get3A_7] : memref<1x128xf32, #tpu.memory_space<vmem>>, vector<1x128xf32>
    %add3A = vector.broadcast %get3A_8 : vector<1x128xf32> to vector<1000x128xf32>
    %add3A_9 = arith.addf %dot_general3A_5, %add3A : vector<1000x128xf32>
    %swap3A = arith.constant 0 : index
    %swap3A_10 = arith.constant 0 : index
    %swap3A_11 = vector.load %arg9[%swap3A, %swap3A_10] : memref<1000x128xf32, #tpu.memory_space<vmem>>, vector<1000x128xf32>
    tpu.vector_store %arg9[%swap3A, %swap3A_10], %add3A_9 {strides = array<i32>} : memref<1000x128xf32, #tpu.memory_space<vmem>>, vector<1000x128xf32>,
    %get3A_12 = arith.constant 0 : index
    %get3A_13 = arith.constant 0 : index
    %get3A_14 = vector.load %arg7[%get3A_12, %get3A_13] : memref<1x128xf32, #tpu.memory_space<vmem>>, vector<1x128xf32>
    %mul3A = vector.broadcast %get3A_14 : vector<1x128xf32> to vector<1000x128xf32>
    %mul3A_15 = arith.mulf %add3A_9, %mul3A : vector<1000x128xf32>
    %reduce_sum3A = arith.constant dense<0.000000e+00> : vector<1000xf32>
    %reduce_sum3A_16 = vector.multi_reduction <add>, %mul3A_15, %reduce_sum3A [1] : vector<1000x128xf32> to vector<1000xf32>
    %broadcast_in_dim3A = vector.shape_cast %reduce_sum3A_16 : vector<1000xf32> to vector<1000x1xf32>
    %swap3A_17 = arith.constant 0 : index
    %swap3A_18 = arith.constant 0 : index
    %swap3A_19 = vector.load %arg10[%swap3A_17, %swap3A_18] : memref<1000x1xf32, #tpu.memory_space<vmem>>, vector<1000x1xf32>
    tpu.vector_store %arg10[%swap3A_17, %swap3A_18], %broadcast_in_dim3A {strides = array<i32>} : memref<1000x1xf32, #tpu.memory_space<vmem>>, vector<1000x1xf32>,
    %get3A_20 = arith.constant 0 : index
    %get3A_21 = arith.constant 0 : index
    %get3A_22 = vector.load %arg2[%get3A_20, %get3A_21] : memref<1000x128xf32, #tpu.memory_space<vmem>>, vector<1000x128xf32>
    %get3A_23 = arith.constant 0 : index
    %get3A_24 = arith.constant 0 : index
    %get3A_25 = vector.load %arg5[%get3A_23, %get3A_24] : memref<128x128xf32, #tpu.memory_space<vmem>>, vector<128x128xf32>
    %dot_general3A_26 = arith.constant dense<0.000000e+00> : vector<1000x128xf32>
    %dot_general3A_27 = tpu.matmul %get3A_22, %get3A_25, %dot_general3A_26 {dimension_numbers = #tpu.dot_dimension_numbers<[1], [1], [0], [0], [0, 0, 1, 0], [], []>, transpose_lhs_hint = false} : vector<1000x128xf32>, vector<128x128xf32>, vector<1000x128xf32> -> vector<1000x128xf32>
    %get3A_28 = arith.constant 0 : index
    %get3A_29 = arith.constant 0 : index
    %get3A_30 = vector.load %arg6[%get3A_28, %get3A_29] : memref<1x128xf32, #tpu.memory_space<vmem>>, vector<1x128xf32>
    %add3A_31 = vector.broadcast %get3A_30 : vector<1x128xf32> to vector<1000x128xf32>
    %add3A_32 = arith.addf %dot_general3A_27, %add3A_31 : vector<1000x128xf32>
    %get3A_33 = arith.constant 0 : index
    %get3A_34 = arith.constant 0 : index
    %get3A_35 = vector.load %arg8[%get3A_33, %get3A_34] : memref<1x128xf32, #tpu.memory_space<vmem>>, vector<1x128xf32>
    %mul3A_36 = vector.broadcast %get3A_35 : vector<1x128xf32> to vector<1000x128xf32>
    %mul3A_37 = arith.mulf %add3A_32, %mul3A_36 : vector<1000x128xf32>
    %reduce_sum3A_38 = arith.constant dense<0.000000e+00> : vector<1000xf32>
    %reduce_sum3A_39 = vector.multi_reduction <add>, %mul3A_37, %reduce_sum3A_38 [1] : vector<1000x128xf32> to vector<1000xf32>
    %broadcast_in_dim3A_40 = vector.shape_cast %reduce_sum3A_39 : vector<1000xf32> to vector<1000x1xf32>
    %swap3A_41 = arith.constant 0 : index
    %swap3A_42 = arith.constant 0 : index
    %swap3A_43 = vector.load %arg11[%swap3A_41, %swap3A_42] : memref<1000x1xf32, #tpu.memory_space<vmem>>, vector<1000x1xf32>
    tpu.vector_store %arg11[%swap3A_41, %swap3A_42], %broadcast_in_dim3A_40 {strides = array<i32>} : memref<1000x1xf32, #tpu.memory_space<vmem>>, vector<1000x1xf32>,
    return
  }
  func.func @transform_0(%arg0: i32) -> (i32, i32) {
    %c0_i32 = arith.constant 0 : i32
    %c0_i32_0 = arith.constant 0 : i32
    return %arg0, %c0_i32 : i32, i32
  }
  func.func @transform_1(%arg0: i32) -> (i32, i32) {
    %c0_i32 = arith.constant 0 : i32
    %c0_i32_0 = arith.constant 0 : i32
    return %arg0, %c0_i32 : i32, i32
  }
  func.func @transform_2(%arg0: i32) -> (i32, i32) {
    %c0_i32 = arith.constant 0 : i32
    %c0_i32_0 = arith.constant 0 : i32
    %c0_i32_1 = arith.constant 0 : i32
    return %c0_i32, %c0_i32_0 : i32, i32
  }
  func.func @transform_3(%arg0: i32) -> (i32, i32) {
    %c0_i32 = arith.constant 0 : i32
    %c0_i32_0 = arith.constant 0 : i32
    %c0_i32_1 = arith.constant 0 : i32
    return %c0_i32, %c0_i32_0 : i32, i32
  }
  func.func @transform_4(%arg0: i32) -> (i32, i32) {
    %c0_i32 = arith.constant 0 : i32
    %c0_i32_0 = arith.constant 0 : i32
    %c0_i32_1 = arith.constant 0 : i32
    return %c0_i32, %c0_i32_0 : i32, i32
  }
  func.func @transform_5(%arg0: i32) -> (i32, i32) {
    %c0_i32 = arith.constant 0 : i32
    %c0_i32_0 = arith.constant 0 : i32
    %c0_i32_1 = arith.constant 0 : i32
    return %c0_i32, %c0_i32_0 : i32, i32
  }
  func.func @transform_6(%arg0: i32) -> (i32, i32) {
    %c0_i32 = arith.constant 0 : i32
    %c0_i32_0 = arith.constant 0 : i32
    %c0_i32_1 = arith.constant 0 : i32
    return %c0_i32, %c0_i32_0 : i32, i32
  }
  func.func @transform_7(%arg0: i32) -> (i32, i32) {
    %c0_i32 = arith.constant 0 : i32
    %c0_i32_0 = arith.constant 0 : i32
    %c0_i32_1 = arith.constant 0 : i32
    return %c0_i32, %c0_i32_0 : i32, i32
  }
  func.func @transform_8(%arg0: i32) -> (i32, i32) {
    %c0_i32 = arith.constant 0 : i32
    %c0_i32_0 = arith.constant 0 : i32
    return %arg0, %c0_i32 : i32, i32
  }
  func.func @transform_9(%arg0: i32) -> (i32, i32) {
    %c0_i32 = arith.constant 0 : i32
    %c0_i32_0 = arith.constant 0 : i32
    return %arg0, %c0_i32 : i32, i32
  }
  func.func @transform_10(%arg0: i32) -> (i32, i32) {
    %c0_i32 = arith.constant 0 : i32
    %c0_i32_0 = arith.constant 0 : i32
    return %arg0, %c0_i32 : i32, i32
  }
}

module attributes {stable_mosaic.version = 14 : i64} {
  func.func @body(%arg0: memref<20480x128xf32, #tpu.memory_space<vmem>>, %arg1: memref<2x10240x1xf32, #tpu.memory_space<vmem>>, %arg2: memref<10000x128xf32, #tpu.memory_space<vmem>>, %arg3: memref<1x128xf32, #tpu.memory_space<vmem>>, %arg4: memref<1x128xf32, #tpu.memory_space<vmem>>, %arg5: memref<10000x128xf32, #tpu.memory_space<vmem>>) attributes {dimension_semantics = [], scalar_prefetch = 0 : i64, scratch_operands = 0 : i64, tpu.core_type = #tpu.core_type<tc>} {
    %get3A = arith.constant 0 : index
    %get3A_0 = arith.constant 0 : index
    %get3A_1 = vector.load %arg0[%get3A, %get3A_0] : memref<20480x128xf32, #tpu.memory_space<vmem>>, vector<10000x128xf32>
    %get3A_2 = arith.constant 10240 : index
    %get3A_3 = arith.constant 0 : index
    %get3A_4 = vector.load %arg0[%get3A_2, %get3A_3] : memref<20480x128xf32, #tpu.memory_space<vmem>>, vector<10000x128xf32>
    %add3A = arith.addf %get3A_1, %get3A_4 : vector<10000x128xf32>
    %get3A_5 = arith.constant 0 : index
    %get3A_6 = arith.constant 0 : index
    %get3A_7 = arith.constant 0 : index
    %get3A_8 = vector.load %arg1[%get3A_5, %get3A_6, %get3A_7] : memref<2x10240x1xf32, #tpu.memory_space<vmem>>, vector<1x10000x1xf32>
    %get3A_9 = vector.shape_cast %get3A_8 : vector<1x10000x1xf32> to vector<10000x1xf32>
    %get3A_10 = arith.constant 1 : index
    %get3A_11 = arith.constant 0 : index
    %get3A_12 = arith.constant 0 : index
    %get3A_13 = vector.load %arg1[%get3A_10, %get3A_11, %get3A_12] : memref<2x10240x1xf32, #tpu.memory_space<vmem>>, vector<1x10000x1xf32>
    %get3A_14 = vector.shape_cast %get3A_13 : vector<1x10000x1xf32> to vector<10000x1xf32>
    %add3A_15 = arith.addf %get3A_9, %get3A_14 : vector<10000x1xf32>
    %max3A = arith.constant 1.000000e-30 : f32
    %max3A_16 = vector.broadcast %max3A : f32 to vector<10000x1xf32>
    %max3A_17 = arith.maximumf %add3A_15, %max3A_16 : vector<10000x1xf32>
    %div3A = vector.broadcast %max3A_17 : vector<10000x1xf32> to vector<10000x128xf32>
    %div3A_18 = arith.divf %add3A, %div3A : vector<10000x128xf32>
    %max3A_19 = arith.constant 0.000000e+00 : f32
    %max3A_20 = vector.broadcast %max3A_19 : f32 to vector<10000x128xf32>
    %max3A_21 = arith.maximumf %div3A_18, %max3A_20 : vector<10000x128xf32>
    %get3A_22 = arith.constant 0 : index
    %get3A_23 = arith.constant 0 : index
    %get3A_24 = vector.load %arg2[%get3A_22, %get3A_23] : memref<10000x128xf32, #tpu.memory_space<vmem>>, vector<10000x128xf32>
    %add3A_25 = arith.addf %max3A_21, %get3A_24 : vector<10000x128xf32>
    %reduce_sum3A = arith.constant dense<0.000000e+00> : vector<128xf32>
    %reduce_sum3A_26 = vector.multi_reduction <add>, %add3A_25, %reduce_sum3A [0] : vector<10000x128xf32> to vector<128xf32>
    %broadcast_in_dim3A = vector.shape_cast %reduce_sum3A_26 : vector<128xf32> to vector<1x128xf32>
    %div3A_27 = arith.constant 1.000000e+04 : f32
    %div3A_28 = vector.broadcast %div3A_27 : f32 to vector<1x128xf32>
    %div3A_29 = arith.divf %broadcast_in_dim3A, %div3A_28 : vector<1x128xf32>
    %sub3A = vector.broadcast %div3A_29 : vector<1x128xf32> to vector<10000x128xf32>
    %sub3A_30 = arith.subf %add3A_25, %sub3A : vector<10000x128xf32>
    %mul3A = arith.mulf %sub3A_30, %sub3A_30 : vector<10000x128xf32>
    %reduce_sum3A_31 = arith.constant dense<0.000000e+00> : vector<128xf32>
    %reduce_sum3A_32 = vector.multi_reduction <add>, %mul3A, %reduce_sum3A_31 [0] : vector<10000x128xf32> to vector<128xf32>
    %broadcast_in_dim3A_33 = vector.shape_cast %reduce_sum3A_32 : vector<128xf32> to vector<1x128xf32>
    %div3A_34 = arith.constant 1.000000e+04 : f32
    %div3A_35 = vector.broadcast %div3A_34 : f32 to vector<1x128xf32>
    %div3A_36 = arith.divf %broadcast_in_dim3A_33, %div3A_35 : vector<1x128xf32>
    %add3A_37 = arith.constant 9.99999974E-6 : f32
    %add3A_38 = vector.broadcast %add3A_37 : f32 to vector<1x128xf32>
    %add3A_39 = arith.addf %div3A_36, %add3A_38 : vector<1x128xf32>
    %rsqrt3A = math.rsqrt %add3A_39 : vector<1x128xf32>
    %mul3A_40 = vector.broadcast %rsqrt3A : vector<1x128xf32> to vector<10000x128xf32>
    %mul3A_41 = arith.mulf %sub3A_30, %mul3A_40 : vector<10000x128xf32>
    %get3A_42 = arith.constant 0 : index
    %get3A_43 = arith.constant 0 : index
    %get3A_44 = vector.load %arg3[%get3A_42, %get3A_43] : memref<1x128xf32, #tpu.memory_space<vmem>>, vector<1x128xf32>
    %mul3A_45 = vector.broadcast %get3A_44 : vector<1x128xf32> to vector<10000x128xf32>
    %mul3A_46 = arith.mulf %mul3A_41, %mul3A_45 : vector<10000x128xf32>
    %get3A_47 = arith.constant 0 : index
    %get3A_48 = arith.constant 0 : index
    %get3A_49 = vector.load %arg4[%get3A_47, %get3A_48] : memref<1x128xf32, #tpu.memory_space<vmem>>, vector<1x128xf32>
    %add3A_50 = vector.broadcast %get3A_49 : vector<1x128xf32> to vector<10000x128xf32>
    %add3A_51 = arith.addf %mul3A_46, %add3A_50 : vector<10000x128xf32>
    %max3A_52 = arith.constant 0.000000e+00 : f32
    %max3A_53 = vector.broadcast %max3A_52 : f32 to vector<10000x128xf32>
    %max3A_54 = arith.maximumf %add3A_51, %max3A_53 : vector<10000x128xf32>
    %swap3A = arith.constant 0 : index
    %swap3A_55 = arith.constant 0 : index
    %swap3A_56 = vector.load %arg5[%swap3A, %swap3A_55] : memref<10000x128xf32, #tpu.memory_space<vmem>>, vector<10000x128xf32>
    tpu.vector_store %arg5[%swap3A, %swap3A_55], %max3A_54 {strides = array<i32>} : memref<10000x128xf32, #tpu.memory_space<vmem>>, vector<10000x128xf32>,
    return
  }
}

</mosaic_0001>

<sc_bundles>
// kernel: kernel.5.cloned.1.call-start
scs
__scs_entry_jumppad:
0x0: {  	(pc) =	sbr.rel $0x88, $3  }
0x1: {  	(tag) =	ssettag $0x0;
	lr =	simm.s32 $0x1  }
0x2: {  	[smem:$0x3F96] =	sst lr;
	_ =	strace $0xD0000000  }
0x3: {  	_ = 	snop  }
0x4: {  	_ = 	snop  }
0x5: {  	_ = 	snop  }
0x6: {  	_ = 	snop  }
0x7: {  	_ = 	snop  }
__scs_overlays_trampoline_lowered:
0x8: {  	[smem:$0x3FA5] =	sst s0  }
0x9: {  	[smem:$0x3FA6] =	sst s1  }
0xa: {  	[smem:$0x3FA7] =	sst s2  }
0xb: {  	[smem:$0x3FA8] =	sst s3  }
0xc: {  	[smem:$0x3FA9] =	sst s4  }
0xd: {  	[smem:$0x3FAA] =	sst s5  }
0xe: {  	[smem:$0x3FAB] =	sst s6  }
0xf: {  	[smem:$0x3FAC] =	sst s7  }
0x10: {  	[smem:$0x3FAD] =	sst s8  }
0x11: {  	[smem:$0x3FAE] =	sst s9;
	s0 =	simm.s32 @!p0 $0x0  }
0x12: {  	s1 =	sld [smem:$0x3F94];
	s0 =	simm.s32 @p0 $0x1  }
0x13: {  	[smem:$0x3FAF] =	sst s0;
	s0 =	simm.s32 @!p1 $0x0  }
0x14: {  	s2 =	sld [smem:$0x3F93];
	s0 =	simm.s32 @p1 $0x1  }
0x15: {  	[smem:$0x3FB0] =	sst s0;
	s0 =	simm.s32 @!p2 $0x0  }
0x16: {  	s3 =	sld [smem:$0x3FDB];
	s0 =	simm.s32 @p2 $0x1  }
0x17: {  	s4 =	simm.s32 $0x1BF5;
	[smem:$0x3FB2] =	sst s0  }
0x18: {  	s0 =	sld [smem:$0x3F95];
	_ =	swait.ge [sflag:s4], $0x0  }
0x19: {  	s7 =	sld [smem:$0x3F96]  }
0x1a: {  	s8 =	sadd.s32 $0xFFFFE003, lr  }
0x1b: {  	s9 =	sadd.s32 $0xFFFFFEF7, lr;
	s5 =	simm.s32 $0xFFFFFFFF;
	p2 =	slt.u32 s8, $0xFFFFF086  }
0x1c: {  	p1 =	slt.u32 s9, $0xF7A;
	s5 =	simm.s32 @!p2 $0x0  }
0x1d: {  	s5 =	simm.s32 @p1 $0x1;
	p0 =	seq.s32 s7, s2  }
0x1e: {  	s7 =	smul.u32 @!p0 $0xF7A, s2;
	p2 =	seq.s32 @!p0 s5, $0x0  }
0x1f: {  	s9 =	smul.u32 $0xF7A, s1;
	s8 =	simm.s32 @!p0 $0x1BF5;
	p2 =	por !p2, p0  }
0x20: {  	[sflag:s8] =	ssyncset.s32 @!p0 $0xFFFFF086;
	s6 =	sadd.s32 @!p0 s3, s7;
	s7 =	simm.s32 @!p0 $0x108  }
0x21: {  	s3 =	sadd.s32 s3, s9;
	s6 =	sadd.s32 @!p0 $0x88, s6;
	s7 =	simm.s32 @p2 $0x1082  }
0x22: {  	[simem:s7], [sflag:s8] =	dma.local @!p0 [hbm:s6], $0xF7A  }
0x23: {  	s9 =	sor.u32 $0xD0000000, s2;
	s6 =	simm.s32 $0x108;
	_ =	swait.ge @!p0 [sflag:s8], $0x0  }
0x24: {  	s3 =	sadd.s32 $0x88, s3;
	s6 =	simm.s32 @!p1 $0x1082;
	[sflag:s4] =	ssyncset.s32 $0xFFFFF086  }
0x25: {  	[simem:s6], [sflag:s4] =	dma.local [hbm:s3], $0xF7A  }
0x26: {  	[smem:$0x3F96] =	sst s1;
	(tag) =	ssettag s2;
	_ =	strace s9  }
0x27: {  	s1 =	sld [smem:$0x3FA6]  }
0x28: {  	s2 =	sld [smem:$0x3FA7]  }
0x29: {  	s4 =	sld [smem:$0x3FA9]  }
0x2a: {  	p0 =	seq.s32 s5, $0x0;
	s5 =	sld [smem:$0x3FAA]  }
0x2b: {  	s6 =	sld [smem:$0x3FAB]  }
0x2c: {  	s7 =	sld [smem:$0x3FAC]  }
0x2d: {  	s3 =	simm.s32 $0x108;
	s8 =	sld [smem:$0x3FAD]  }
0x2e: {  	s3 =	simm.s32 @!p0 $0x1082;
	s9 =	sld [smem:$0x3FAE]  }
0x2f: {  	lr =	sadd.s32 s0, s3;
	s0 =	sld [smem:$0x3FA5]  }
0x30: {  	s3 =	sld [smem:$0x3FA8]  }
0x31: {  	[smem:$0x3FB1] =	sst s10  }
0x32: {  	s10 =	sld [smem:$0x3FAF];
	_ =	sdelay $0x3  }
0x33: {  	p0 =	seq.s32 s10, $0x1;
	s10 =	sld [smem:$0x3FB1];
	_ =	sdelay $0x3  }
0x34: {  	[smem:$0x3FB1] =	sst s10  }
0x35: {  	s10 =	sld [smem:$0x3FB0];
	_ =	sdelay $0x3  }
0x36: {  	p1 =	seq.s32 s10, $0x1;
	s10 =	sld [smem:$0x3FB1];
	_ =	sdelay $0x3  }
0x37: {  	[smem:$0x3FB1] =	sst s10  }
0x38: {  	s10 =	sld [smem:$0x3FB2]  }
0x39: {  	_ = 	snop;
	(pc) =	sbr.ind lr, $3  }
0x3a: {  	_ = 	snop  }
0x3b: {  	_ = 	snop  }
0x3c: {  	p2 =	seq.s32 s10, $0x1;
	s10 =	sld [smem:$0x3FB1]  }
0x3d: {  	_ =	shalt  }
0x3e: {  	_ =	shalt  }
0x3f: {  	_ =	shalt  }
0x40: {  	_ =	shalt  }
0x41: {  	_ =	shalt  }
0x42: {  	_ =	shalt  }
0x43: {  	_ =	shalt  }
0x44: {  	_ =	shalt  }
0x45: {  	_ =	shalt  }
0x46: {  	_ =	shalt  }
0x47: {  	_ =	shalt  }
0x48: {  	_ =	shalt  }
0x49: {  	_ =	shalt  }
0x4a: {  	_ =	shalt  }
0x4b: {  	_ =	shalt  }
0x4c: {  	_ =	shalt  }
0x4d: {  	_ =	shalt  }
0x4e: {  	_ =	shalt  }
0x4f: {  	_ =	shalt  }
0x50: {  	_ =	shalt  }
0x51: {  	_ =	shalt  }
0x52: {  	_ =	shalt  }
0x53: {  	_ =	shalt  }
0x54: {  	_ =	shalt  }
0x55: {  	_ =	shalt  }
0x56: {  	_ =	shalt  }
0x57: {  	_ =	shalt  }
0x58: {  	_ =	shalt  }
0x59: {  	_ =	shalt  }
0x5a: {  	_ =	shalt  }
0x5b: {  	_ =	shalt  }
0x5c: {  	_ =	shalt  }
0x5d: {  	_ =	shalt  }
0x5e: {  	_ =	shalt  }
0x5f: {  	_ =	shalt  }
0x60: {  	_ =	shalt  }
0x61: {  	_ =	shalt  }
0x62: {  	_ =	shalt  }
0x63: {  	_ =	shalt  }
0x64: {  	_ =	shalt  }
0x65: {  	_ =	shalt  }
0x66: {  	_ =	shalt  }
0x67: {  	_ =	shalt  }
0x68: {  	_ =	shalt  }
0x69: {  	_ =	shalt  }
0x6a: {  	_ =	shalt  }
0x6b: {  	_ =	shalt  }
0x6c: {  	_ =	shalt  }
0x6d: {  	_ =	shalt  }
0x6e: {  	_ =	shalt  }
0x6f: {  	_ =	shalt  }
0x70: {  	_ =	shalt  }
0x71: {  	_ =	shalt  }
0x72: {  	_ =	shalt  }
0x73: {  	_ =	shalt  }
0x74: {  	_ =	shalt  }
0x75: {  	_ =	shalt  }
0x76: {  	_ =	shalt  }
0x77: {  	_ =	shalt  }
0x78: {  	_ =	shalt  }
0x79: {  	_ =	shalt  }
0x7a: {  	_ =	shalt  }
0x7b: {  	_ =	shalt  }
0x7c: {  	_ =	shalt  }
0x7d: {  	_ =	shalt  }
0x7e: {  	_ =	shalt  }
0x7f: {  	_ =	shalt  }
0x80: {  	_ =	shalt  }
0x81: {  	_ =	shalt  }
0x82: {  	_ =	shalt  }
0x83: {  	_ =	shalt  }
0x84: {  	_ =	shalt  }
0x85: {  	_ =	shalt  }
0x86: {  	_ =	shalt  }
0x87: {  	_ =	shalt  }
.Lfunc_end0:
.L_simem_size_0:
called_computation_lowered:
.L_overlay_start_0:
0x88: {  	s2 =	sld [smem:$0x3FD9]  }
0x89: {  	s3 =	sld [smem:$0x3FFE];
	_ =	sdelay $0x1  }
0x8a: {  	s1 =	srdreg.scid  }
0x8b: {  	s0 =	sand.u32 $0x1, s1  }
0x8c: {  	s14 =	sshll.u32 s0, $0xA;
	s2 =	sadd.s32 s3, s2  }
0x8d: {  	s2 =	sadd.s32 s2, s14  }
0x8e: {  	[smem:$0x3FBD] =	sst s2  }
0x8f: {  	_ = 	snop  }
0x90: {  	s2 =	sld [smem:$0x3FD0];
	_ =	sdelay $0x2  }
0x91: {  	s15 =	simm.s32 $0xA;
	s4 =	simm.s32 $0x10  }
0x92: {  	[smem:s4], [sflag:s15] =	dma.local [hbm:s2], $0x1  }
0x93: {  	_ =	swait.eq [sflag:s15], $0x1  }
0x94: {  	[sflag:s15] =	ssyncset.done $0x0  }
0x95: {  	s16 =	sld [smem:$0x10];
	[sflag:s15] =	ssyncadd.s32 $0xFFFFFFFF  }
0x96: {  	s17 =	sld [smem:$0x11];
	(tm) =	ssettm $0x1  }
0x97: {  	s18 =	sld [smem:$0x3FFB];
	_ =	sdelay $0x3  }
0x98: {  	_ =	strace s18  }
0x99: {  	s4 =	sld [smem:$0x3FFC];
	_ =	sdelay $0x3  }
0x9a: {  	_ =	strace s4  }
0x9b: {  	s4 =	sld [smem:$0x3FFD];
	_ =	sdelay $0x3  }
0x9c: {  	_ =	strace s4  }
0x9d: {  	_ =	strace $0x8FFFFFFF  }
0x9e: {  	s19 =	sld [smem:$0x3FDB];
	_ =	sdelay $0x1  }
0x9f: {  	s5 =	simm.s32 $_scs_section_size  }
0xa0: {  	s6 =	simm.s32 $_size__tile_overlayer_lowered;
	s7 =	simm.s32 $_tile_overlayer_lowered  }
0xa1: {  	s22 =	simm.s32 $0x1BFF;
	s21 =	sshll.u32 s7, $0x1;
	s4 =	sadd.s32 s5, s19  }
0xa2: {  	s8 =	simm.s32 $0x0;
	s20 =	sshll.u32 s6, $0x1;
	s6 =	sadd.s32 s21, s4  }
0xa3: {  	[timem:s8], [sflag:s22] =	dma.local [hbm:s6], s20  }
0xa4: {  	_ =	swait.ge [sflag:s22], s20  }
0xa5: {  	s5 =	ssub.s32 $0x0, s20;
	[sflag:s22] =	ssyncset.done $0x0  }
0xa6: {  	[sflag:s22] =	ssyncadd.s32 s5;
	_ =	sdelay $0x1  }
0xa7: {  	s23 =	simm.s32 $0x1B8B  }
0xa8: {  	_ =	swait.ge [sflag:s23], $0x1  }
0xa9: {  	[sflag:s23] =	ssyncset.done $0x0  }
0xaa: {  	s25 =	simm.s32 $0x1B8E;
	s24 =	sld [smem:$0x3FFE];
	[sflag:s23] =	ssyncadd.s32 $0xFFFFFFFF  }
0xab: {  	s26 =	simm.s32 $execute0_lowered;
	[smem:$0x3FD2] =	sst s25  }
0xac: {  	s6 =	sshll.u32 s26, $0x1;
	_ =	strace $0x80000046;
	[dreg:$0x1] =	wrdreg $0xFFFFFFFF  }
0xad: {  	s28 =	simm.s32 $_size_execute0_lowered;
	s4 =	sadd.s32 s4, s6;
	[dreg:$0x0] =	wrdreg $0x0  }
0xae: {  	s6 =	sshll.u32 s28, $0x1;
	[dreg:$0x2] =	wrdreg s4  }
0xaf: {  	[dreg:$0x3] =	wrdreg s6  }
0xb0: {  	[dreg:$0x4] =	wrdreg $0xC0  }
0xb1: {  	_ =	task [dreg:s8], $0x5FFFF  }
0xb2: {  	[dreg:$0x1] =	wrdreg $0xFFFFFFFF  }
0xb3: {  	[dreg:$0x0] =	wrdreg $0x60  }
0xb4: {  	[dreg:$0x2] =	wrdreg s17  }
0xb5: {  	[dreg:$0x3] =	wrdreg s24  }
0xb6: {  	[dreg:$0x4] =	wrdreg s16  }
0xb7: {  	[dreg:$0x5] =	wrdreg $0x0  }
0xb8: {  	[dreg:$0x6] =	wrdreg $0x142800  }
0xb9: {  	[dreg:$0x7] =	wrdreg $0x144F80  }
0xba: {  	[dreg:$0x8] =	wrdreg $0x140000  }
0xbb: {  	[dreg:$0x9] =	wrdreg $0x9  }
0xbc: {  	_ =	task.clear_ibuf [dreg:s8], $0xAFFFF;
	_ =	strace $0x90000046  }
0xbd: {  	s29 =	simm.s32 $0x9;
	_ =	strace $0x80000048  }
0xbe: {  	_ =	swait.ge [sflag:s29], $0x1  }
0xbf: {  	[sflag:s29] =	ssyncadd.s32 $0xFFFFFFFF  }
0xc0: {  	_ =	strace $0x90000048  }
0xc1: {  	_ =	sfence  }
0xc2: {  	s30 =	sld [smem:$0x0];
	_ =	sdelay $0x2  }
0xc3: {  	s31 =	sshll.u32 s1, $0xD;
	s1 =	sshrl.u32 s1, $0x2  }
0xc4: {  	s3 =	sand.u32 $0x4000, s31;
	s1 =	sadd.s32 s1, s30  }
0xc5: {  	s0 =	sor.u32 s3, s0;
	s1 =	sshll.u32 s1, $0x11  }
0xc6: {  	s0 =	sor.u32 s1, s0  }
0xc7: {  	s0 =	sadd.s32 $0x8F2B, s0  }
0xc8: {  	[sflag:s0] =	ssyncadd.remote.s32 $0x1  }
0xc9: {  	_ =	sfence.sel $0xFFFF  }
0xca: {  	[dreg:$0x0] =	wrdreg $0xFFFFFFFF;
	(pc) =	sbr.abs _section_cstart, $3  }
0xcb: {  	[dreg:$0x1] =	wrdreg $0xFFFFFFFF  }
0xcc: {  	_ =	task.clear_ibuf [dreg:s8], $0x2FFFF;
	_ =	strace $0x9FFFFFFF  }
0xcd: {  	(tm) =	ssettm $0x7FFFFFFF  }
tec
execute0_lowered:
.L_overlay_start_1:
0x0: {  	(tag) =	ssettag $0x1  }
0x1: {  	s0 =	rddreg [dreg:$0x0]  }
0x2: {  	s1 =	rddreg [dreg:$0x1]  }
0x3: {  	s2 =	rddreg [dreg:$0x2]  }
0x4: {  	s3 =	rddreg [dreg:$0x3]  }
0x5: {  	s4 =	rddreg [dreg:$0x4]  }
0x6: {  	s5 =	rddreg [dreg:$0x5]  }
0x7: {  	s6 =	rddreg [dreg:$0x6]  }
0x8: {  	s7 =	srdreg.scid;
	s15 =	stileid.u32;
	s18 =	simm.s32 $0x0  }
0x9: {  	s31 =	simm.s32 $0x148F0;
	s28 =	simm.s32 $0xD;
	s30 =	simm.s32 $0xE  }
0xa: {  	s7 =	sand.u32 $0x1, s7;
	s8 =	smul.u32 $0x280, s15;
	[smem:$0x7FF] =	sst s18  }
0xb: {  	s10 =	sadd.s32 $0x1C00, s1;
	s24 =	sadd.s32 $0x2200, s1;
	s11 =	smul.u32 $0x50000, s15  }
0xc: {  	s23 =	sshll.u32 s15, $0x7;
	p1 =	seq.s32 s15, $0x1;
	p0 =	sne.s32 s15, $0x0  }
0xd: {  	s15 =	simm.s32 $0x7;
	_ =	strace $0x80000047;
	[dreg:$0x9] =	wrdreg s10  }
0xe: {  	s9 =	smul.u32 $0x2800, s7;
	[dreg:$0xa] =	wrdreg s24;
	s26 =	ssub.s32 $0x2, s7  }
0xf: {  	s7 =	sshll.u32 s7, $0xB;
	s12 =	sshrl.u32 s26, $0x1;
	s11 =	sshrl.u32 s11, $0x2  }
0x10: {  	s13 =	sor.u32 $0x50, s8;
	s16 =	sadd.s32 $0xF0, s8;
	s22 =	sadd.s32 $0x140, s8  }
0x11: {  	s9 =	sadd.s32 s8, s9;
	s21 =	sadd.s32 s11, s3;
	s29 =	sshll.u32 s13, $0x7  }
0x12: {  	s13 =	sadd.s32 s13, s6;
	s14 =	sshll.u32 s16, $0x7;
	s24 =	sshll.u32 s22, $0x7  }
0x13: {  	s25 =	sshll.u32 s9, $0x4;
	s9 =	sshrl.u32 s9, $0x3;
	[dreg:$0xd] =	wrdreg s13  }
0x14: {  	s11 =	sadd.s32 s29, s3;
	s20 =	sadd.s32 s14, s3;
	[dreg:$0xb] =	wrdreg s21  }
0x15: {  	s10 =	sadd.s32 s25, s1;
	s1 =	sadd.s32 s9, s1;
	[dreg:$0xc] =	wrdreg s11  }
0x16: {  	s9 =	ssub.s32 s26, s12;
	[dreg:$0x10] =	wrdreg s20;
	s26 =	sadd.s32 s24, s3  }
0x17: {  	s12 =	sadd.s32 $0xA0, s8;
	s24 =	sadd.s32 s8, s6;
	[dreg:$0x12] =	wrdreg s26  }
0x18: {  	s25 =	sadd.s32 $0x190, s8;
	s11 =	sadd.s32 s12, s6;
	[dreg:$0x15] =	wrdreg s24  }
0x19: {  	s19 =	sshll.u32 s12, $0x7;
	s12 =	sadd.s32 s16, s6;
	[dreg:$0xf] =	wrdreg s11  }
0x1a: {  	s17 =	sor.u32 s23, s7;
	s7 =	sadd.s32 s25, s6;
	[dreg:$0x11] =	wrdreg s12  }
0x1b: {  	s20 =	sshll.u32 s17, $0x5;
	s1 =	sadd.s32 $0x2800, s1;
	[dreg:$0x16] =	wrdreg s7  }
0x1c: {  	s29 =	sshll.u32 s25, $0x7;
	s23 =	smax.u32 s9, $0x1;
	[dreg:$0x1d] =	wrdreg s1  }
0x1d: {  	s26 =	sor.u32 $0x4, s17;
	s9 =	simm.s32 $0x6;
	[dreg:$0x1e] =	wrdreg s23  }
0x1e: {  	s13 =	sadd.s32 s19, s3;
	s11 =	sadd.s32 s22, s6;
	[smem:$0x7FC] =	sst s26  }
0x1f: {  	s12 =	sadd.s32 s29, s3;
	s22 =	sadd.s32 $0x3200, s10;
	[dreg:$0xe] =	wrdreg s13  }
0x20: {  	s29 =	sor.u32 $0x5, s17;
	s26 =	simm.s32 $0x11;
	[dreg:$0x13] =	wrdreg s11  }
0x21: {  	s23 =	simm.s32 $0x5;
	s10 =	simm.s32 $0x149F0;
	[dreg:$0x14] =	wrdreg s12  }
0x22: {  	s13 =	sadd.s32 $0x1E0, s8;
	s8 =	sadd.s32 $0x230, s8;
	[dreg:$0x1c] =	wrdreg s22  }
0x23: {  	[smem:$0x7FD] =	sst s29;
	s12 =	simm.s32 $0x14AF0;
	s22 =	simm.s32 $0x8  }
0x24: {  	s14 =	sshll.u32 s13, $0x7;
	s19 =	sshll.u32 s8, $0x7;
	s11 =	sadd.s32 s13, s6  }
0x25: {  	s8 =	sadd.s32 s8, s6;
	s13 =	simm.s32 $0x14A70;
	[dreg:$0x18] =	wrdreg s11  }
0x26: {  	s16 =	sadd.s32 s14, s3;
	s7 =	sadd.s32 s19, s3;
	[dreg:$0x1a] =	wrdreg s8  }
0x27: {  	s14 =	simm.s32 $0x1EF70;
	s19 =	simm.s32 $0x50;
	[dreg:$0x17] =	wrdreg s16  }
0x28: {  	s11 =	simm.s32 $0x14970;
	[dreg:$0x19] =	wrdreg s7;
	s7 =	sadd.s32 s2, s20  }
0x29: {  	s16 =	simm.s32 $0x1F0F0;
	[dreg:$0x1b] =	wrdreg s7;
	s25 =	sadd.s32 $0x20, s7  }
0x2a: {  	v0 =	vimm.f32 $0.0e+00;
	s7 =	simm.s32 $0x1F070;
	[dreg:$0x1f] =	wrdreg s25;
	s25 =	simm.s32 $0x1EFF0  }
.LBB2_1:
.Ltmp0:
0x2b: {  	(pc) =	sbr.rel @p1 .LBB2_4-.Ltmp0, $2  }
0x2c: {  	_ =	sdelay $0x2  }
0x2d: {  	[dreg:$0x8] =	wrdreg s18  }
.Ltmp1:
0x2e: {  	(pc) =	sbr.rel @p0 .LBB2_6-.Ltmp1, $1  }
0x2f: {  	_ =	sdelay $0x3  }
.Ltmp2:
0x30: {  	(pc) =	sbr.rel .LBB2_5-.Ltmp2, $3  }
0x31: {  	_ =	sdelay $0x1  }
0x32: {  	s1 =	sshrl.u32 s4, $0x3;
	s8 =	rddreg [dreg:$0x9];
	s18 =	simm.s32 $0x1C11  }
0x33: {  	[spmem:s1], [sflag:s18] =	dma.local [hbm:s8], $0x4F0  }
.LBB2_4:
0x34: {  	s1 =	sshrl.u32 s5, $0x3;
	s8 =	rddreg [dreg:$0xa];
	s18 =	simm.s32 $0x1C51  }
0x35: {  	[spmem:s1], [sflag:s18] =	dma.local [hbm:s8], $0x4F0  }
.LBB2_5:
0x36: {  	_ =	swait.ge [sflag:s26], $0x4F0  }
0x37: {  	[sflag:s26] =	ssyncset.done $0x0  }
0x38: {  	[sflag:s26] =	ssyncadd.s32 $0xFFFFFB10  }
.LBB2_6:
0x39: {  	s1 =	simm.s32 $0x0;
	s20 =	simm.s32 $0x200  }
.LBB2_7:
0x3a: {  	p2 =	sne.s32 s20, $0x9E00;
	[tilespmem:s1+$0x14FE0] =	vst v0  }
0x3b: {  	[tilespmem:s1+$0x14F70] =	vst v0  }
0x3c: {  	[tilespmem:s1+$0x14F80] =	vst v0  }
.Ltmp3:
0x3d: {  	[tilespmem:s1+$0x14F90] =	vst v0;
	(pc) =	sbr.rel @p2 .LBB2_7-.Ltmp3, $4  }
0x3e: {  	[tilespmem:s1+$0x14FA0] =	vst v0  }
0x3f: {  	[tilespmem:s1+$0x14FB0] =	vst v0  }
0x40: {  	[tilespmem:s1+$0x14FC0] =	vst v0  }
0x41: {  	[tilespmem:s1+$0x14FD0] =	vst v0;
	s1 =	sshra.s32 s20, $0x2;
	s20 =	sadd.s32 $0x200, s20  }
0x42: {  	[tilespmem:s1+$0x14FE0] =	vst v0  }
0x43: {  	[tilespmem:s1+$0x14F70] =	vst v0  }
0x44: {  	[tilespmem:s1+$0x14F80] =	vst v0  }
0x45: {  	[tilespmem:s1+$0x14F90] =	vst v0  }
0x46: {  	[tilespmem:s1+$0x14FA0] =	vst v0  }
0x47: {  	[tilespmem:s1+$0x14FB0] =	vst v0  }
0x48: {  	[tilespmem:s1+$0x14FC0] =	vst v0  }
0x49: {  	[tilespmem:s1+$0x14FD0] =	vst v0  }
0x4a: {  	[tilespmem:$0x1EF70] =	vst v0  }
0x4b: {  	[tilespmem:$0x1EF80] =	vst v0  }
0x4c: {  	[tilespmem:$0x1EF90] =	vst v0  }
0x4d: {  	[tilespmem:$0x1EFA0] =	vst v0  }
0x4e: {  	s8 =	simm.s32 $0x14F70;
	[tilespmem:$0x1EFB0] =	vst v0  }
0x4f: {  	[spmem:s21] =	stream.linear.scatter [tilespmem:s8], [sflag:$0x11], $0x2800, $0x38;
	[tilespmem:$0x1F170] =	vst v63  }
0x50: {  	_ =	swait.ge [sflag:s26], $0x2800  }
0x51: {  	[sflag:s26] =	ssyncset.done $0x0  }
0x52: {  	[sflag:s26] =	ssyncadd.s32 $0xFFFFD800  }
0x53: {  	[spmem:s24] =	stream.linear.scatter [tilespmem:s14], [sflag:$0x11], $0x50, $0x38;
	[tilespmem:$0x1F170] =	vst v63  }
0x54: {  	_ =	swait.ge [sflag:s26], $0x50  }
0x55: {  	[sflag:s26] =	ssyncset.done $0x0  }
0x56: {  	s29 =	rddreg [dreg:$0xc];
	[sflag:s26] =	ssyncadd.s32 $0xFFFFFFB0  }
0x57: {  	[spmem:s29] =	stream.linear.scatter [tilespmem:s8], [sflag:$0x11], $0x2800, $0x38;
	[tilespmem:$0x1F170] =	vst v63  }
0x58: {  	_ =	swait.ge [sflag:s26], $0x2800  }
0x59: {  	[sflag:s26] =	ssyncset.done $0x0  }
0x5a: {  	s18 =	rddreg [dreg:$0xd];
	[sflag:s26] =	ssyncadd.s32 $0xFFFFD800  }
0x5b: {  	[spmem:s18] =	stream.linear.scatter [tilespmem:s14], [sflag:$0x11], $0x50, $0x38;
	[tilespmem:$0x1F170] =	vst v63  }
0x5c: {  	_ =	swait.ge [sflag:s26], $0x50  }
0x5d: {  	[sflag:s26] =	ssyncset.done $0x0  }
0x5e: {  	s20 =	rddreg [dreg:$0xe];
	[sflag:s26] =	ssyncadd.s32 $0xFFFFFFB0  }
0x5f: {  	[spmem:s20] =	stream.linear.scatter [tilespmem:s8], [sflag:$0x11], $0x2800, $0x38;
	[tilespmem:$0x1F170] =	vst v63  }
0x60: {  	_ =	swait.ge [sflag:s26], $0x2800  }
0x61: {  	[sflag:s26] =	ssyncset.done $0x0  }
0x62: {  	s21 =	rddreg [dreg:$0xf];
	[sflag:s26] =	ssyncadd.s32 $0xFFFFD800  }
0x63: {  	[spmem:s21] =	stream.linear.scatter [tilespmem:s14], [sflag:$0x11], $0x50, $0x38;
	[tilespmem:$0x1F170] =	vst v63  }
0x64: {  	_ =	swait.ge [sflag:s26], $0x50  }
0x65: {  	[sflag:s26] =	ssyncset.done $0x0  }
0x66: {  	s24 =	rddreg [dreg:$0x10];
	[sflag:s26] =	ssyncadd.s32 $0xFFFFFFB0  }
0x67: {  	[spmem:s24] =	stream.linear.scatter [tilespmem:s8], [sflag:$0x11], $0x2800, $0x38;
	[tilespmem:$0x1F170] =	vst v63  }
0x68: {  	_ =	swait.ge [sflag:s26], $0x2800  }
0x69: {  	[sflag:s26] =	ssyncset.done $0x0  }
0x6a: {  	s29 =	rddreg [dreg:$0x11];
	[sflag:s26] =	ssyncadd.s32 $0xFFFFD800  }
0x6b: {  	[spmem:s29] =	stream.linear.scatter [tilespmem:s14], [sflag:$0x11], $0x50, $0x38;
	[tilespmem:$0x1F170] =	vst v63  }
0x6c: {  	_ =	swait.ge [sflag:s26], $0x50  }
0x6d: {  	[sflag:s26] =	ssyncset.done $0x0  }
0x6e: {  	s18 =	rddreg [dreg:$0x12];
	[sflag:s26] =	ssyncadd.s32 $0xFFFFFFB0  }
0x6f: {  	[spmem:s18] =	stream.linear.scatter [tilespmem:s8], [sflag:$0x11], $0x2800, $0x38;
	[tilespmem:$0x1F170] =	vst v63  }
0x70: {  	_ =	swait.ge [sflag:s26], $0x2800  }
0x71: {  	[sflag:s26] =	ssyncset.done $0x0  }
0x72: {  	s20 =	rddreg [dreg:$0x13];
	[sflag:s26] =	ssyncadd.s32 $0xFFFFD800  }
0x73: {  	[spmem:s20] =	stream.linear.scatter [tilespmem:s14], [sflag:$0x11], $0x50, $0x38;
	[tilespmem:$0x1F170] =	vst v63  }
0x74: {  	_ =	swait.ge [sflag:s26], $0x50  }
0x75: {  	[sflag:s26] =	ssyncset.done $0x0  }
0x76: {  	s21 =	rddreg [dreg:$0x14];
	[sflag:s26] =	ssyncadd.s32 $0xFFFFFFB0  }
0x77: {  	[spmem:s21] =	stream.linear.scatter [tilespmem:s8], [sflag:$0x11], $0x2800, $0x38;
	[tilespmem:$0x1F170] =	vst v63  }
0x78: {  	_ =	swait.ge [sflag:s26], $0x2800  }
0x79: {  	[sflag:s26] =	ssyncset.done $0x0  }
0x7a: {  	s24 =	rddreg [dreg:$0x16];
	[sflag:s26] =	ssyncadd.s32 $0xFFFFD800  }
0x7b: {  	[spmem:s24] =	stream.linear.scatter [tilespmem:s14], [sflag:$0x11], $0x50, $0x38;
	[tilespmem:$0x1F170] =	vst v63  }
0x7c: {  	_ =	swait.ge [sflag:s26], $0x50  }
0x7d: {  	[sflag:s26] =	ssyncset.done $0x0  }
0x7e: {  	s29 =	rddreg [dreg:$0x17];
	[sflag:s26] =	ssyncadd.s32 $0xFFFFFFB0  }
0x7f: {  	[spmem:s29] =	stream.linear.scatter [tilespmem:s8], [sflag:$0x11], $0x2800, $0x38;
	[tilespmem:$0x1F170] =	vst v63  }
0x80: {  	_ =	swait.ge [sflag:s26], $0x2800  }
0x81: {  	[sflag:s26] =	ssyncset.done $0x0  }
0x82: {  	s18 =	rddreg [dreg:$0x18];
	[sflag:s26] =	ssyncadd.s32 $0xFFFFD800  }
0x83: {  	[spmem:s18] =	stream.linear.scatter [tilespmem:s14], [sflag:$0x11], $0x50, $0x38;
	[tilespmem:$0x1F170] =	vst v63  }
0x84: {  	_ =	swait.ge [sflag:s26], $0x50  }
0x85: {  	[sflag:s26] =	ssyncset.done $0x0  }
0x86: {  	s20 =	rddreg [dreg:$0x19];
	[sflag:s26] =	ssyncadd.s32 $0xFFFFFFB0  }
0x87: {  	[spmem:s20] =	stream.linear.scatter [tilespmem:s8], [sflag:$0x11], $0x2800, $0x38;
	[tilespmem:$0x1F170] =	vst v63  }
0x88: {  	_ =	swait.ge [sflag:s26], $0x2800  }
0x89: {  	[sflag:s26] =	ssyncset.done $0x0  }
0x8a: {  	s21 =	rddreg [dreg:$0x1a];
	[sflag:s26] =	ssyncadd.s32 $0xFFFFD800  }
0x8b: {  	[spmem:s21] =	stream.linear.scatter [tilespmem:s14], [sflag:$0x11], $0x50, $0x38;
	[tilespmem:$0x1F170] =	vst v63  }
0x8c: {  	_ =	swait.ge [sflag:s26], $0x50  }
0x8d: {  	[sflag:s26] =	ssyncset.done $0x0  }
0x8e: {  	[sflag:s26] =	ssyncadd.s32 $0xFFFFFFB0  }
0x8f: {  	[bflag:$0x0] =	sbarrier.arrive $0xFFFF  }
0x90: {  	s24 =	simm.s32 $0x0;
	s18 =	simm.s32 $0x14770;
	s26 =	rddreg [dreg:$0x1b]  }
0x91: {  	[tilespmem:s18], [sflag:$0x1] =	stream.linear.gather [hbm4b:s26+s24], $0x100, $0x38;
	[tilespmem:$0x1F170] =	vst v63  }
0x92: {  	s20 =	simm.s32 $0x14870;
	s21 =	simm.s32 $0x1;
	s29 =	rddreg [dreg:$0x1f]  }
0x93: {  	[tilespmem:s20], [sflag:$0x2] =	stream.linear.gather [hbm4b:s29+s24], $0x100, $0x38;
	[tilespmem:$0x1F170] =	vst v63  }
0x94: {  	_ =	swait.ge [sflag:s21], $0x100  }
0x95: {  	[sflag:s21] =	ssyncset.done $0x0  }
0x96: {  	s24 =	simm.s32 $0x14B70;
	[sflag:s21] =	ssyncadd.s32 $0xFFFFFF00  }
0x97: {  	[tilespmem:s24], [sflag:$0x5] =	stream.indirect.gather [spmem:s4], $0x1, s18, s19, $0xb8;
	[tilespmem:$0x1F170] =	vst v63  }
0x98: {  	s26 =	simm.s32 $0x147F0;
	s29 =	simm.s32 $0x14D70  }
0x99: {  	[tilespmem:s29], [sflag:$0x5] =	stream.indirect.gather [spmem:s5], $0x1, s26, s19, $0xb8;
	[tilespmem:$0x1F170] =	vst v63  }
0x9a: {  	s20 =	simm.s32 $0x0  }
0x9b: {  	[tilespmem:s8], [sflag:$0x9] =	stream.indirect.gather [hbm4b:s0+s19], $0x80, s18, s19, $0xb8;
	[tilespmem:$0x1F170] =	vst v63  }
.LBB2_9:
0x9c: {  	p2 =	seq.s32 s20, $0x0  }
0x9d: {  	s1 =	simm.s32 @!p2 $0xF  }
0x9e: {  	_ =	swait.ge @!p2 [sflag:s1], $0x2800  }
0x9f: {  	s21 =	sshll.u32 s20, $0x2;
	[sflag:s1] =	ssyncset.done @!p2 $0x0  }
0xa0: {  	s26 =	sor.u32 $0x2, s21;
	[sflag:s1] =	ssyncadd.s32 @!p2 $0xFFFFD800  }
0xa1: {  	s18 =	sadd.s32 s17, s26;
	_ =	swait.ge @!p2 [sflag:s1], $0x50  }
0xa2: {  	s18 =	sshll.u32 s18, $0x5;
	[sflag:s1] =	ssyncset.done @!p2 $0x0  }
0xa3: {  	s24 =	simm.s32 $0x0;
	s18 =	sadd.s32 s2, s18;
	[sflag:s1] =	ssyncadd.s32 @!p2 $0xFFFFFFB0  }
0xa4: {  	[tilespmem:s11], [sflag:$0x3] =	stream.linear.gather [hbm4b:s18+s24], $0x100, $0x38;
	[tilespmem:$0x1F170] =	vst v63  }
0xa5: {  	_ =	swait.ge [sflag:s23], $0x50  }
0xa6: {  	[sflag:s23] =	ssyncset.done $0x0  }
0xa7: {  	[sflag:s23] =	ssyncadd.s32 $0xFFFFFFB0  }
0xa8: {  	_ =	swait.ge [sflag:s23], $0x50  }
0xa9: {  	[sflag:s23] =	ssyncset.done $0x0  }
0xaa: {  	[sflag:s23] =	ssyncadd.s32 $0xFFFFFFB0  }
0xab: {  	v1 =	vld [tilespmem:$0x14B70]  }
0xac: {  	v2 =	vld [tilespmem:$0x14D70]  }
0xad: {  	v3 =	vld [tilespmem:$0x14B80]  }
0xae: {  	v4 =	vld [tilespmem:$0x14D80]  }
0xaf: {  	v5 =	vld [tilespmem:$0x14B90]  }
0xb0: {  	v6 =	vld [tilespmem:$0x14D90]  }
0xb1: {  	v7 =	vld [tilespmem:$0x14DA0];
	v1 =	vadd.f32 v2, v1  }
0xb2: {  	v9 =	vld [tilespmem:$0x14BB0]  }
0xb3: {  	v2 =	vld [tilespmem:$0x14BA0];
	v8 =	vmul.f32 $2.000000030e-01, v1  }
0xb4: {  	v10 =	vld [tilespmem:$0x14DB0];
	vm0 =	vgt.f32 v1, $0.0e+00  }
0xb5: {  	v3 =	vadd.f32 v4, v3;
	v1 =	vsel vm0, v1, v8  }
0xb6: {  	v1 =	vmul.f32 $1.442695020e+00, v1  }
0xb7: {  	v5 =	vadd.f32 v6, v5;
	v4 =	vmul.f32 $2.000000030e-01, v3  }
0xb8: {  	vm12 =	vgt.f32 v3, $0.0e+00;
	(erf) = vpow2.f32 v1;
	v1 =	vadd.f32 v7, v2  }
0xb9: {  	v2 =	vsel vm12, v3, v4;
	v3 =	vmul.f32 $2.000000030e-01, v5;
	v4 =	vadd.f32 v10, v9  }
0xba: {  	vm13 =	vgt.f32 v5, $0.0e+00;
	v2 =	vmul.f32 $1.442695020e+00, v2;
	v6 =	vmul.f32 $2.000000030e-01, v1  }
0xbb: {  	v3 =	vsel vm13, v5, v3;
	vm14 =	vgt.f32 v1, $0.0e+00;
	v5 =	vmul.f32 $2.000000030e-01, v4  }
0xbc: {  	vm15 =	vgt.f32 v4, $0.0e+00;
	v3 =	vmul.f32 $1.442695020e+00, v3;
	v1 =	vsel vm14, v1, v6  }
0xbd: {  	(erf) = vpow2.f32 v2;
	v2 =	vsel vm15, v4, v5;
	v1 =	vmul.f32 $1.442695020e+00, v1  }
0xbe: {  	(erf) = vpow2.f32 v3;
	v2 =	vmul.f32 $1.442695020e+00, v2  }
0xbf: {  	(erf) = vpow2.f32 v1  }
0xc0: {  	(erf) = vpow2.f32 v2;
	_ =	sdelay $0x4  }
0xc1: {  	v1 =	vpop (erf)  }
0xc2: {  	[tilespmem:$0x1EF70] =	vst v1;
	v2 =	vpop (erf)  }
0xc3: {  	[tilespmem:$0x1EF80] =	vst v2;
	v1 =	vpop (erf)  }
0xc4: {  	[tilespmem:$0x1EF90] =	vst v1;
	v2 =	vpop (erf)  }
0xc5: {  	[tilespmem:$0x1EFA0] =	vst v2;
	v1 =	vpop (erf)  }
0xc6: {  	s8 =	simm.s32 $0x2;
	[tilespmem:$0x1EFB0] =	vst v1  }
0xc7: {  	_ =	swait.ge [sflag:s8], $0x100  }
0xc8: {  	s11 =	simm.s32 $0x14BF0;
	[sflag:s8] =	ssyncset.done $0x0  }
0xc9: {  	v1 =	vmov s24;
	s24 =	simm.s32 $0x2;
	[sflag:s8] =	ssyncadd.s32 $0xFFFFFF00;
	s8 =	simm.s32 $0x14870  }
0xca: {  	[tilespmem:s11], [sflag:$0x6] =	stream.indirect.gather [spmem:s4], $0x1, s8, s19, $0xb8;
	[tilespmem:$0x1F170] =	vst v63  }
0xcb: {  	v1 =	vand.u32 $0xFFFFFFFC, v1;
	v2 =	vmov s24;
	s11 =	simm.s32 $0x14DF0  }
0xcc: {  	v1 =	vbroadcast v1, $0x0;
	v2 =	vand.u32 $0xFFFFFFFE, v2;
	[tilespmem:s11], [sflag:$0x6] =	stream.indirect.gather [spmem:s5], $0x1, s31, s19, $0xb8;
	[tilespmem:$0x1F170] =	vst v63  }
0xcd: {  	s18 =	simm.s32 $0x17770;
	s24 =	simm.s32 $0x9;
	v2 =	vbroadcast v2, $0x0  }
0xce: {  	[tilespmem:s18], [sflag:$0xA] =	stream.indirect.gather [hbm4b:s0+s19], $0x80, s8, s19, $0xb8;
	[tilespmem:$0x1F170] =	vst v63  }
0xcf: {  	_ =	swait.ge [sflag:s24], $0x2800  }
0xd0: {  	[sflag:s24] =	ssyncset.done $0x0  }
0xd1: {  	[sflag:s24] =	ssyncadd.s32 $0xFFFFD800  }
0xd2: {  	v1 =	vld.idx.msk [tilespmem:v1+s14+$0x0], $0xffff  }
0xd3: {  	s24 =	simm.s32 $0x15070;
	v2 =	vld.idx.msk [tilespmem:v2+s14+$0x0], $0xffff  }
0xd4: {  	s8 =	simm.s32 $0x1;
	v4 =	vld [tilespmem:s24+$0x70]  }
0xd5: {  	v3 =	vmov s8;
	v5 =	vld [tilespmem:s24+$0xFFFFFF00]  }
0xd6: {  	v3 =	vand.u32 $0xFFFFFFFD, v3;
	v6 =	vld [tilespmem:s24+$0xFFFFFF10]  }
0xd7: {  	v3 =	vbroadcast v3, $0x0;
	v7 =	vld [tilespmem:s24+$0xFFFFFF20]  }
0xd8: {  	v8 =	vld [tilespmem:s24+$0xFFFFFF30]  }
0xd9: {  	v9 =	vld [tilespmem:s24+$0xFFFFFF40]  }
0xda: {  	v10 =	vld [tilespmem:s24+$0xFFFFFF50]  }
0xdb: {  	v11 =	vld [tilespmem:s24+$0xFFFFFF60];
	v5 =	vmul.f32 v5, v1  }
0xdc: {  	v13 =	vld [tilespmem:s24+$0x40];
	v4 =	vmul.f32 v4, v2  }
0xdd: {  	v3 =	vld.idx.msk [tilespmem:v3+s14+$0x0], $0xffff;
	[tilespmem:s24+$0xFFFFFF00] =	vst v5;
	v5 =	vmul.f32 v6, v1  }
0xde: {  	v6 =	vld [tilespmem:s24+$0xFFFFFF70];
	[tilespmem:s24+$0x70] =	vst v4;
	v4 =	vmul.f32 v7, v1  }
0xdf: {  	v7 =	vld [tilespmem:s24+$0xFFFFFF80];
	[tilespmem:s24+$0xFFFFFF10] =	vst v5;
	v5 =	vmul.f32 v8, v1  }
0xe0: {  	v8 =	vld [tilespmem:s24+$0xFFFFFF90];
	[tilespmem:s24+$0xFFFFFF20] =	vst v4;
	v4 =	vmul.f32 v9, v1  }
0xe1: {  	v9 =	vld [tilespmem:s24+$0xFFFFFFA0];
	[tilespmem:s24+$0xFFFFFF30] =	vst v5;
	v5 =	vmul.f32 v10, v1  }
0xe2: {  	v10 =	vld [tilespmem:s24+$0xFFFFFFB0];
	[tilespmem:s24+$0xFFFFFF40] =	vst v4;
	v4 =	vmul.f32 v11, v1  }
0xe3: {  	v11 =	vld [tilespmem:s24+$0xFFFFFFC0];
	v6 =	vmul.f32 v6, v1;
	[tilespmem:s24+$0xFFFFFF50] =	vst v5  }
0xe4: {  	v5 =	vmul.f32 v7, v3;
	v7 =	vld [tilespmem:s24+$0xFFFFFFD0];
	[tilespmem:s24+$0xFFFFFF60] =	vst v4  }
0xe5: {  	s11 =	simm.s32 $0x3;
	v4 =	vld [tilespmem:s24+$0xFFFFFFE0];
	v8 =	vmul.f32 v8, v3;
	[tilespmem:s24+$0xFFFFFF70] =	vst v6  }
0xe6: {  	v12 =	vmov s11;
	v6 =	vld [tilespmem:s24+$0xFFFFFFF0];
	[tilespmem:s24+$0xFFFFFF80] =	vst v5;
	v5 =	vmul.f32 v9, v3  }
0xe7: {  	v9 =	vld [tilespmem:s24+$0x0];
	[tilespmem:s24+$0xFFFFFF90] =	vst v8;
	v8 =	vmul.f32 v10, v3  }
0xe8: {  	v10 =	vld [tilespmem:s24+$0x10];
	[tilespmem:s24+$0xFFFFFFA0] =	vst v5;
	v5 =	vmul.f32 v11, v3  }
0xe9: {  	[tilespmem:s24+$0xFFFFFFB0] =	vst v8;
	v7 =	vmul.f32 v7, v3;
	v8 =	vld [tilespmem:s24+$0x20]  }
0xea: {  	v11 =	vld [tilespmem:s24+$0x30];
	v4 =	vmul.f32 v4, v3;
	[tilespmem:s24+$0xFFFFFFC0] =	vst v5  }
0xeb: {  	v1 =	vld.idx.msk [tilespmem:v12+s14+$0x0], $0xffff;
	v3 =	vmul.f32 v6, v3;
	[tilespmem:s24+$0xFFFFFFD0] =	vst v7  }
0xec: {  	[tilespmem:s24+$0xFFFFFFE0] =	vst v4;
	v5 =	vmul.f32 v9, v2;
	v4 =	vld [tilespmem:s24+$0x50]  }
0xed: {  	s18 =	simm.s32 $0x4;
	[tilespmem:s24+$0xFFFFFFF0] =	vst v3;
	v6 =	vmul.f32 v10, v2;
	v3 =	vld [tilespmem:s24+$0x60]  }
0xee: {  	s8 =	simm.s32 $0x7;
	v7 =	vmov s18;
	[tilespmem:s24+$0x0] =	vst v5;
	v9 =	vmul.f32 v8, v2;
	v8 =	vld [tilespmem:s24+$0x80]  }
0xef: {  	s11 =	simm.s32 $0x5;
	v12 =	vand.u32 $0xFFFFFFFC, v7;
	v7 =	vld [tilespmem:s24+$0x90];
	v5 =	vmov s8;
	v10 =	vmul.f32 v11, v2;
	[tilespmem:s24+$0x10] =	vst v6  }
0xf0: {  	s29 =	simm.s32 $0x6;
	s1 =	simm.s32 $0x8;
	s31 =	simm.s32 $0x15070;
	v11 =	vmul.f32 v13, v2;
	v6 =	vbroadcast v12, $0x0;
	v12 =	vmov s11;
	[tilespmem:s24+$0x20] =	vst v9;
	v9 =	vld [tilespmem:s24+$0xA0]  }
.LBB2_10:
0xf1: {  	p3 =	slt.u32 s1, $0x4C;
	v12 =	vand.u32 $0xFFFFFFFD, v12;
	v13 =	vmov s29;
	[tilespmem:s24+$0x30] =	vst v10;
	v4 =	vmul.f32 v4, v2;
	v10 =	vld [tilespmem:s24+$0xB0]  }
0xf2: {  	v12 =	vbroadcast v12, $0x0;
	v13 =	vand.u32 $0xFFFFFFFE, v13;
	[tilespmem:s24+$0x40] =	vst v11;
	v2 =	vmul.f32 v3, v2;
	v3 =	vld [tilespmem:s24+$0xC0]  }
0xf3: {  	v11 =	vbroadcast v13, $0x0;
	[tilespmem:s24+$0x50] =	vst v4;
	v4 =	vmul.f32 v8, v1;
	v8 =	vld [tilespmem:s24+$0xD0]  }
0xf4: {  	[tilespmem:s24+$0x60] =	vst v2;
	v2 =	vmul.f32 v7, v1;
	v7 =	vld [tilespmem:s24+$0xE0]  }
0xf5: {  	[tilespmem:s24+$0x80] =	vst v4;
	v4 =	vmul.f32 v9, v1;
	v9 =	vld [tilespmem:s24+$0xF0]  }
0xf6: {  	v5 =	vld.idx.msk [tilespmem:v5+s14+$0x0], $0xffff;
	[tilespmem:s24+$0x90] =	vst v2;
	v2 =	vmul.f32 v10, v1  }
0xf7: {  	v6 =	vld.idx.msk [tilespmem:v6+s14+$0x0], $0xffff;
	[tilespmem:s24+$0xA0] =	vst v4;
	v3 =	vmul.f32 v3, v1  }
0xf8: {  	v4 =	vld.idx.msk [tilespmem:v12+s14+$0x0], $0xffff;
	[tilespmem:s24+$0xB0] =	vst v2;
	v8 =	vmul.f32 v8, v1  }
0xf9: {  	s24 =	sadd.s32 $0x200, s24;
	v2 =	vld.idx.msk [tilespmem:v11+s14+$0x0], $0xffff;
	[tilespmem:s31+$0xC0] =	vst v3;
	v3 =	vmul.f32 v7, v1  }
0xfa: {  	v7 =	vld [tilespmem:s24+$0x70];
	[tilespmem:s31+$0xD0] =	vst v8;
	v9 =	vmul.f32 v9, v1  }
0xfb: {  	v8 =	vld [tilespmem:s24+$0xFFFFFF00];
	[tilespmem:s31+$0xE0] =	vst v3  }
0xfc: {  	v1 =	vmov v5;
	v3 =	vld [tilespmem:s24+$0xFFFFFF10];
	[tilespmem:s31+$0xF0] =	vst v9;
	s31 =	smov.u32 s24  }
0xfd: {  	v5 =	vld [tilespmem:s24+$0xFFFFFF20]  }
0xfe: {  	v9 =	vld [tilespmem:s24+$0xFFFFFF30]  }
0xff: {  	v10 =	vld [tilespmem:s24+$0xFFFFFF40];
	v7 =	vmul.f32 v7, v2  }
0x100: {  	v8 =	vmul.f32 v8, v6;
	v11 =	vld [tilespmem:s24+$0xFFFFFF50]  }
0x101: {  	v3 =	vmul.f32 v3, v6;
	v12 =	vld [tilespmem:s24+$0xFFFFFF60];
	[tilespmem:s24+$0x70] =	vst v7  }
0x102: {  	[tilespmem:s24+$0xFFFFFF00] =	vst v8;
	v5 =	vmul.f32 v5, v6;
	v7 =	vld [tilespmem:s24+$0xFFFFFF70]  }
0x103: {  	[tilespmem:s24+$0xFFFFFF10] =	vst v3;
	v3 =	vmul.f32 v9, v6;
	v8 =	vld [tilespmem:s24+$0xFFFFFF80]  }
0x104: {  	[tilespmem:s24+$0xFFFFFF20] =	vst v5;
	v5 =	vmul.f32 v10, v6;
	v9 =	vld [tilespmem:s24+$0xFFFFFF90]  }
0x105: {  	[tilespmem:s24+$0xFFFFFF30] =	vst v3;
	v3 =	vmul.f32 v11, v6;
	v10 =	vld [tilespmem:s24+$0xFFFFFFA0]  }
0x106: {  	[tilespmem:s24+$0xFFFFFF40] =	vst v5;
	v5 =	vmul.f32 v12, v6;
	v11 =	vld [tilespmem:s24+$0xFFFFFFB0]  }
0x107: {  	[tilespmem:s24+$0xFFFFFF50] =	vst v3;
	v3 =	vmul.f32 v7, v6;
	v6 =	vld [tilespmem:s24+$0xFFFFFFC0]  }
0x108: {  	[tilespmem:s24+$0xFFFFFF60] =	vst v5;
	v5 =	vmul.f32 v8, v4;
	v7 =	vld [tilespmem:s24+$0xFFFFFFD0]  }
0x109: {  	[tilespmem:s24+$0xFFFFFF70] =	vst v3;
	v3 =	vmul.f32 v9, v4;
	v8 =	vld [tilespmem:s24+$0xFFFFFFE0]  }
0x10a: {  	[tilespmem:s24+$0xFFFFFF80] =	vst v5;
	v5 =	vmul.f32 v10, v4;
	v9 =	vld [tilespmem:s24+$0xFFFFFFF0]  }
0x10b: {  	[tilespmem:s24+$0xFFFFFF90] =	vst v3;
	v3 =	vmul.f32 v11, v4;
	v10 =	vld [tilespmem:s24+$0x0]  }
0x10c: {  	[tilespmem:s24+$0xFFFFFFA0] =	vst v5;
	v5 =	vmul.f32 v6, v4;
	v6 =	vld [tilespmem:s24+$0x10]  }
0x10d: {  	[tilespmem:s24+$0xFFFFFFB0] =	vst v3;
	v3 =	vmul.f32 v7, v4;
	v7 =	vld [tilespmem:s24+$0x20]  }
0x10e: {  	[tilespmem:s24+$0xFFFFFFC0] =	vst v5;
	v5 =	vmul.f32 v8, v4;
	v11 =	vld [tilespmem:s24+$0x30]  }
0x10f: {  	[tilespmem:s24+$0xFFFFFFD0] =	vst v3;
	v3 =	vmul.f32 v9, v4;
	v9 =	vld [tilespmem:s24+$0x40]  }
.Ltmp4:
0x110: {  	[tilespmem:s24+$0xFFFFFFE0] =	vst v5;
	v5 =	vmul.f32 v10, v2;
	v4 =	vld [tilespmem:s24+$0x50];
	(pc) =	sbr.rel @p3 .LBB2_10-.Ltmp4, $4  }
0x111: {  	[tilespmem:s24+$0xFFFFFFF0] =	vst v3;
	v6 =	vmul.f32 v6, v2;
	v3 =	vld [tilespmem:s24+$0x60]  }
0x112: {  	s18 =	sadd.s32 $0x3, s1;
	v10 =	vmov s1;
	[tilespmem:s24+$0x0] =	vst v5;
	v13 =	vmul.f32 v7, v2;
	v8 =	vld [tilespmem:s24+$0x80]  }
0x113: {  	s29 =	sadd.s32 $0x1, s1;
	v12 =	vand.u32 $0xFFFFFFFC, v10;
	v5 =	vmov s18;
	[tilespmem:s24+$0x10] =	vst v6;
	v10 =	vmul.f32 v11, v2;
	v7 =	vld [tilespmem:s24+$0x90]  }
0x114: {  	v6 =	vbroadcast v12, $0x0;
	v12 =	vmov s29;
	s29 =	sadd.s32 $0x2, s1;
	s1 =	sadd.s32 $0x4, s1;
	[tilespmem:s24+$0x20] =	vst v13;
	v11 =	vmul.f32 v9, v2;
	v9 =	vld [tilespmem:s24+$0xA0]  }
0x115: {  	v13 =	vld [tilespmem:s24+$0xB0]  }
0x116: {  	v15 =	vld [tilespmem:s24+$0xC0]  }
0x117: {  	v14 =	vmov s29;
	v16 =	vld [tilespmem:s24+$0xD0]  }
0x118: {  	v17 =	vld [tilespmem:s24+$0xE0];
	[tilespmem:s24+$0x30] =	vst v10;
	v4 =	vmul.f32 v4, v2;
	v14 =	vand.u32 $0xFFFFFFFE, v14  }
0x119: {  	v12 =	vand.u32 $0xFFFFFFFD, v12;
	v5 =	vld.idx.msk [tilespmem:v5+s14+$0x0], $0xffff;
	[tilespmem:s24+$0x40] =	vst v11;
	v2 =	vmul.f32 v3, v2;
	v14 =	vbroadcast v14, $0x0  }
0x11a: {  	s1 =	sadd.s32 $0x200, s24;
	v12 =	vbroadcast v12, $0x0;
	v3 =	vld.idx.msk [tilespmem:v6+s14+$0x0], $0xffff;
	v8 =	vmul.f32 v8, v1;
	[tilespmem:s24+$0x50] =	vst v4  }
0x11b: {  	v10 =	vld [tilespmem:s1+$0xFFFFFF00];
	v4 =	vmul.f32 v7, v1;
	[tilespmem:s24+$0x60] =	vst v2  }
0x11c: {  	[tilespmem:s24+$0x80] =	vst v8;
	v8 =	vld [tilespmem:s24+$0xF0];
	v2 =	vmul.f32 v9, v1  }
0x11d: {  	v11 =	vld [tilespmem:s1+$0xFFFFFF10];
	[tilespmem:s24+$0x90] =	vst v4;
	v4 =	vmul.f32 v13, v1  }
0x11e: {  	v9 =	vld [tilespmem:s1+$0x70];
	[tilespmem:s24+$0xA0] =	vst v2;
	v2 =	vmul.f32 v15, v1  }
0x11f: {  	[tilespmem:s24+$0xB0] =	vst v4;
	v4 =	vmul.f32 v16, v1;
	v7 =	vld.idx.msk [tilespmem:v14+s14+$0x0], $0xffff  }
0x120: {  	v6 =	vld.idx.msk [tilespmem:v12+s14+$0x0], $0xffff;
	[tilespmem:s31+$0xC0] =	vst v2;
	v2 =	vmul.f32 v17, v1  }
0x121: {  	v12 =	vld [tilespmem:s1+$0xFFFFFF20];
	[tilespmem:s31+$0xD0] =	vst v4;
	v1 =	vmul.f32 v8, v1  }
0x122: {  	v4 =	vld [tilespmem:s1+$0xFFFFFF30];
	[tilespmem:s31+$0xE0] =	vst v2  }
0x123: {  	v2 =	vld [tilespmem:s1+$0xFFFFFF40];
	[tilespmem:s31+$0xF0] =	vst v1;
	v1 =	vmul.f32 v10, v3  }
0x124: {  	v8 =	vmul.f32 v9, v7;
	v9 =	vld [tilespmem:s1+$0xFFFFFF50]  }
0x125: {  	v10 =	vmul.f32 v11, v3;
	v11 =	vld [tilespmem:s1+$0xFFFFFF60];
	[tilespmem:s1+$0xFFFFFF00] =	vst v1  }
0x126: {  	v1 =	vmul.f32 v12, v3;
	[tilespmem:s1+$0x70] =	vst v8;
	v8 =	vld [tilespmem:s1+$0xFFFFFF70]  }
0x127: {  	[tilespmem:s1+$0xFFFFFF10] =	vst v10;
	v10 =	vld [tilespmem:s1+$0xFFFFFF80];
	v4 =	vmul.f32 v4, v3  }
0x128: {  	[tilespmem:s1+$0xFFFFFF20] =	vst v1;
	v1 =	vmul.f32 v2, v3;
	v2 =	vld [tilespmem:s1+$0xFFFFFF90]  }
0x129: {  	[tilespmem:s1+$0xFFFFFF30] =	vst v4;
	v4 =	vmul.f32 v9, v3;
	v9 =	vld [tilespmem:s1+$0xFFFFFFA0]  }
0x12a: {  	[tilespmem:s1+$0xFFFFFF40] =	vst v1;
	v1 =	vmul.f32 v11, v3;
	v11 =	vld [tilespmem:s1+$0xFFFFFFB0]  }
0x12b: {  	[tilespmem:s1+$0xFFFFFF50] =	vst v4;
	v3 =	vmul.f32 v8, v3;
	v4 =	vld [tilespmem:s1+$0xFFFFFFC0]  }
0x12c: {  	[tilespmem:s1+$0xFFFFFF60] =	vst v1;
	v1 =	vmul.f32 v10, v6;
	v8 =	vld [tilespmem:s1+$0xFFFFFFD0]  }
0x12d: {  	v2 =	vmul.f32 v2, v6;
	[tilespmem:s1+$0xFFFFFF70] =	vst v3;
	v3 =	vld [tilespmem:s1+$0xFFFFFFE0]  }
0x12e: {  	[tilespmem:s1+$0xFFFFFF80] =	vst v1;
	v1 =	vmul.f32 v9, v6;
	v9 =	vld [tilespmem:s1+$0xFFFFFFF0]  }
0x12f: {  	v10 =	vld [tilespmem:s1+$0x0];
	[tilespmem:s1+$0xFFFFFF90] =	vst v2;
	v2 =	vmul.f32 v11, v6  }
0x130: {  	[tilespmem:s1+$0xFFFFFFA0] =	vst v1;
	v1 =	vmul.f32 v4, v6;
	v4 =	vld [tilespmem:s1+$0x10]  }
0x131: {  	[tilespmem:s1+$0xFFFFFFB0] =	vst v2;
	v2 =	vmul.f32 v8, v6;
	v8 =	vld [tilespmem:s1+$0x20]  }
0x132: {  	[tilespmem:s1+$0xFFFFFFC0] =	vst v1;
	v1 =	vmul.f32 v3, v6;
	v3 =	vld [tilespmem:s1+$0x30]  }
0x133: {  	[tilespmem:s1+$0xFFFFFFD0] =	vst v2;
	v2 =	vmul.f32 v9, v6;
	v6 =	vld [tilespmem:s1+$0x40]  }
0x134: {  	v9 =	vld [tilespmem:s1+$0x50];
	[tilespmem:s1+$0xFFFFFFE0] =	vst v1;
	v1 =	vmul.f32 v10, v7  }
0x135: {  	[tilespmem:s1+$0xFFFFFFF0] =	vst v2;
	v2 =	vmul.f32 v4, v7;
	v4 =	vld [tilespmem:s1+$0x60]  }
0x136: {  	[tilespmem:s1+$0x0] =	vst v1;
	v1 =	vmul.f32 v8, v7;
	v8 =	vld [tilespmem:s1+$0x80]  }
0x137: {  	[tilespmem:s1+$0x10] =	vst v2;
	v2 =	vmul.f32 v3, v7;
	v3 =	vld [tilespmem:s1+$0x90]  }
0x138: {  	[tilespmem:s1+$0x20] =	vst v1;
	v1 =	vmul.f32 v6, v7;
	v6 =	vld [tilespmem:s1+$0xA0]  }
0x139: {  	[tilespmem:s1+$0x30] =	vst v2;
	v2 =	vmul.f32 v9, v7;
	v9 =	vld [tilespmem:s1+$0xB0]  }
0x13a: {  	[tilespmem:s1+$0x40] =	vst v1;
	v1 =	vmul.f32 v4, v7;
	v4 =	vld [tilespmem:s1+$0xC0]  }
0x13b: {  	v7 =	vld [tilespmem:s1+$0xD0];
	[tilespmem:s1+$0x50] =	vst v2;
	v2 =	vmul.f32 v8, v5  }
0x13c: {  	[tilespmem:s1+$0x60] =	vst v1;
	v1 =	vmul.f32 v3, v5;
	v3 =	vld [tilespmem:s1+$0xE0]  }
0x13d: {  	[tilespmem:s1+$0x80] =	vst v2;
	v2 =	vmul.f32 v6, v5;
	v6 =	vld [tilespmem:s1+$0xF0]  }
0x13e: {  	[tilespmem:s1+$0x90] =	vst v1;
	v1 =	vmul.f32 v9, v5  }
0x13f: {  	[tilespmem:s1+$0xA0] =	vst v2;
	v2 =	vmul.f32 v4, v5  }
0x140: {  	[tilespmem:s1+$0xB0] =	vst v1;
	v1 =	vmul.f32 v7, v5  }
0x141: {  	[tilespmem:s1+$0xC0] =	vst v2;
	v2 =	vmul.f32 v3, v5  }
0x142: {  	[tilespmem:s1+$0xD0] =	vst v1;
	v1 =	vmul.f32 v6, v5  }
0x143: {  	[tilespmem:s1+$0xE0] =	vst v2  }
0x144: {  	s11 =	simm.s32 $0x14F70;
	s8 =	simm.s32 $0x147F0;
	[tilespmem:s1+$0xF0] =	vst v1  }
0x145: {  	[spmem:s3] =	stream.indirect.scatter.add.f32 [tilespmem:s11], [sflag:$0xD], $0x80, s8, s19, $0xb8;
	[tilespmem:$0x1F170] =	vst v63  }
0x146: {  	s1 =	simm.s32 @!p2 $0x10  }
0x147: {  	[spmem:s6] =	stream.indirect.scatter.add.f32 [tilespmem:s14], [sflag:$0xD], $0x1, s8, s19, $0xb8;
	[tilespmem:$0x1F170] =	vst v63  }
0x148: {  	_ =	swait.ge @!p2 [sflag:s1], $0x2800  }
0x149: {  	[sflag:s1] =	ssyncset.done @!p2 $0x0  }
0x14a: {  	s24 =	sor.u32 $0x3, s21;
	[sflag:s1] =	ssyncadd.s32 @!p2 $0xFFFFD800  }
0x14b: {  	s18 =	sadd.s32 s17, s24;
	_ =	swait.ge @!p2 [sflag:s1], $0x50  }
0x14c: {  	s18 =	sshll.u32 s18, $0x5;
	[sflag:s1] =	ssyncset.done @!p2 $0x0  }
0x14d: {  	s18 =	sadd.s32 s2, s18;
	[sflag:s1] =	ssyncadd.s32 @!p2 $0xFFFFFFB0;
	s1 =	simm.s32 $0x0  }
0x14e: {  	[tilespmem:s13], [sflag:$0x4] =	stream.linear.gather [hbm4b:s18+s1], $0x100, $0x38;
	[tilespmem:$0x1F170] =	vst v63  }
0x14f: {  	_ =	swait.ge [sflag:s9], $0x50  }
0x150: {  	[sflag:s9] =	ssyncset.done $0x0  }
0x151: {  	[sflag:s9] =	ssyncadd.s32 $0xFFFFFFB0  }
0x152: {  	_ =	swait.ge [sflag:s9], $0x50  }
0x153: {  	[sflag:s9] =	ssyncset.done $0x0  }
0x154: {  	[sflag:s9] =	ssyncadd.s32 $0xFFFFFFB0  }
0x155: {  	v1 =	vld [tilespmem:$0x14BF0]  }
0x156: {  	v2 =	vld [tilespmem:$0x14DF0]  }
0x157: {  	v3 =	vld [tilespmem:$0x14C00]  }
0x158: {  	v4 =	vld [tilespmem:$0x14E00]  }
0x159: {  	v5 =	vld [tilespmem:$0x14C10]  }
0x15a: {  	v6 =	vld [tilespmem:$0x14E10]  }
0x15b: {  	v7 =	vld [tilespmem:$0x14E20];
	v1 =	vadd.f32 v2, v1  }
0x15c: {  	v9 =	vld [tilespmem:$0x14C30]  }
0x15d: {  	v2 =	vld [tilespmem:$0x14C20];
	v8 =	vmul.f32 $2.000000030e-01, v1  }
0x15e: {  	v10 =	vld [tilespmem:$0x14E30];
	vm0 =	vgt.f32 v1, $0.0e+00  }
0x15f: {  	v3 =	vadd.f32 v4, v3;
	v1 =	vsel vm0, v1, v8  }
0x160: {  	v1 =	vmul.f32 $1.442695020e+00, v1  }
0x161: {  	v5 =	vadd.f32 v6, v5;
	v4 =	vmul.f32 $2.000000030e-01, v3  }
0x162: {  	vm12 =	vgt.f32 v3, $0.0e+00;
	(erf) = vpow2.f32 v1;
	v1 =	vadd.f32 v7, v2  }
0x163: {  	v2 =	vsel vm12, v3, v4;
	v3 =	vmul.f32 $2.000000030e-01, v5;
	v4 =	vadd.f32 v10, v9  }
0x164: {  	vm13 =	vgt.f32 v5, $0.0e+00;
	v2 =	vmul.f32 $1.442695020e+00, v2;
	v6 =	vmul.f32 $2.000000030e-01, v1  }
0x165: {  	v3 =	vsel vm13, v5, v3;
	vm14 =	vgt.f32 v1, $0.0e+00;
	v5 =	vmul.f32 $2.000000030e-01, v4  }
0x166: {  	vm15 =	vgt.f32 v4, $0.0e+00;
	v3 =	vmul.f32 $1.442695020e+00, v3;
	v1 =	vsel vm14, v1, v6  }
0x167: {  	(erf) = vpow2.f32 v2;
	v2 =	vsel vm15, v4, v5;
	v1 =	vmul.f32 $1.442695020e+00, v1  }
0x168: {  	(erf) = vpow2.f32 v3;
	v2 =	vmul.f32 $1.442695020e+00, v2  }
0x169: {  	(erf) = vpow2.f32 v1  }
0x16a: {  	(erf) = vpow2.f32 v2;
	_ =	sdelay $0x1  }
0x16b: {  	s13 =	smul.u32 $0x140, s20;
	_ =	sdelay $0x1  }
0x16c: {  	s29 =	sadd.s32 $0x50, s13  }
0x16d: {  	p6 =	slt.u32 s29, $0x2710;
	s29 =	sadd.s32 $0x60, s13;
	v1 =	vpop (erf)  }
0x16e: {  	p3 =	slt.u32 s29, $0x2710;
	s29 =	sadd.s32 $0x70, s13;
	v1 =	vpsel !p6, $0x0, v1;
	v2 =	vpop (erf)  }
0x16f: {  	p4 =	slt.u32 s29, $0x2710;
	s29 =	sadd.s32 $0x80, s13;
	[tilespmem:$0x1EFF0] =	vst v1;
	v1 =	vpsel !p3, $0x0, v2;
	v3 =	vpop (erf)  }
0x170: {  	s18 =	sadd.s32 $0x90, s13;
	p5 =	slt.u32 s29, $0x2710;
	[tilespmem:$0x1F000] =	vst v1;
	v1 =	vpsel !p4, $0x0, v3;
	v2 =	vpop (erf)  }
0x171: {  	p6 =	slt.u32 s18, $0x2710;
	[tilespmem:$0x1F010] =	vst v1;
	v1 =	vpsel !p5, $0x0, v2;
	v2 =	vpop (erf)  }
0x172: {  	[tilespmem:$0x1F020] =	vst v1;
	v1 =	vpsel !p6, $0x0, v2  }
0x173: {  	s18 =	simm.s32 $0x3;
	[tilespmem:$0x1F030] =	vst v1  }
0x174: {  	_ =	swait.ge [sflag:s18], $0x100  }
0x175: {  	[sflag:s18] =	ssyncset.done $0x0  }
0x176: {  	s11 =	simm.s32 $0x14C70;
	s8 =	simm.s32 $0x14970;
	[sflag:s18] =	ssyncadd.s32 $0xFFFFFF00  }
0x177: {  	v1 =	vmov s1;
	[tilespmem:s11], [sflag:$0x7] =	stream.indirect.gather [spmem:s4], $0x1, s8, s19, $0xb8;
	[tilespmem:$0x1F170] =	vst v63  }
0x178: {  	s13 =	simm.s32 $0x14E70;
	v1 =	vand.u32 $0xFFFFFFFC, v1  }
0x179: {  	v1 =	vbroadcast v1, $0x0;
	[tilespmem:s13], [sflag:$0x7] =	stream.indirect.gather [spmem:s5], $0x1, s10, s19, $0xb8;
	[tilespmem:$0x1F170] =	vst v63  }
0x17a: {  	s18 =	simm.s32 $0x19F70;
	s11 =	simm.s32 $0x2;
	s10 =	simm.s32 $0xA  }
0x17b: {  	[tilespmem:s18], [sflag:$0xB] =	stream.indirect.gather [hbm4b:s0+s19], $0x80, s8, s19, $0xb8;
	[tilespmem:$0x1F170] =	vst v63  }
0x17c: {  	v2 =	vmov s11;
	_ =	swait.ge [sflag:s10], $0x2800  }
0x17d: {  	v2 =	vand.u32 $0xFFFFFFFE, v2;
	[sflag:s10] =	ssyncset.done $0x0  }
0x17e: {  	v2 =	vbroadcast v2, $0x0;
	[sflag:s10] =	ssyncadd.s32 $0xFFFFD800  }
0x17f: {  	s31 =	simm.s32 $0x17960;
	v1 =	vld.idx.msk [tilespmem:v1+s25+$0x0], $0xffff  }
0x180: {  	v4 =	vld [tilespmem:s31+$0xFFFFFF80]  }
0x181: {  	s13 =	simm.s32 $0x1;
	v5 =	vld [tilespmem:s31+$0xFFFFFE10]  }
0x182: {  	v3 =	vmov s13;
	v6 =	vld [tilespmem:s31+$0xFFFFFE20]  }
0x183: {  	v3 =	vand.u32 $0xFFFFFFFD, v3;
	v7 =	vld [tilespmem:s31+$0xFFFFFE30]  }
0x184: {  	v3 =	vbroadcast v3, $0x0;
	v2 =	vld.idx.msk [tilespmem:v2+s25+$0x0], $0xffff  }
0x185: {  	v8 =	vld [tilespmem:s31+$0xFFFFFE40]  }
0x186: {  	v9 =	vld [tilespmem:s31+$0xFFFFFE50]  }
0x187: {  	v10 =	vld [tilespmem:s31+$0xFFFFFE60]  }
0x188: {  	v11 =	vld [tilespmem:s31+$0xFFFFFE70];
	v5 =	vmul.f32 v5, v1  }
0x189: {  	v13 =	vld [tilespmem:s31+$0xFFFFFF50];
	v4 =	vmul.f32 v4, v2  }
0x18a: {  	v3 =	vld.idx.msk [tilespmem:v3+s25+$0x0], $0xffff;
	[tilespmem:s31+$0xFFFFFE10] =	vst v5;
	v5 =	vmul.f32 v6, v1  }
0x18b: {  	v6 =	vld [tilespmem:s31+$0xFFFFFE80];
	[tilespmem:s31+$0xFFFFFF80] =	vst v4;
	v4 =	vmul.f32 v7, v1  }
0x18c: {  	v7 =	vld [tilespmem:s31+$0xFFFFFE90];
	[tilespmem:s31+$0xFFFFFE20] =	vst v5;
	v5 =	vmul.f32 v8, v1  }
0x18d: {  	v8 =	vld [tilespmem:s31+$0xFFFFFEA0];
	[tilespmem:s31+$0xFFFFFE30] =	vst v4;
	v4 =	vmul.f32 v9, v1  }
0x18e: {  	v9 =	vld [tilespmem:s31+$0xFFFFFEB0];
	[tilespmem:s31+$0xFFFFFE40] =	vst v5;
	v5 =	vmul.f32 v10, v1  }
0x18f: {  	v10 =	vld [tilespmem:s31+$0xFFFFFEC0];
	[tilespmem:s31+$0xFFFFFE50] =	vst v4;
	v4 =	vmul.f32 v11, v1  }
0x190: {  	v11 =	vld [tilespmem:s31+$0xFFFFFED0];
	v6 =	vmul.f32 v6, v1;
	[tilespmem:s31+$0xFFFFFE60] =	vst v5  }
0x191: {  	v5 =	vmul.f32 v7, v3;
	v7 =	vld [tilespmem:s31+$0xFFFFFEE0];
	[tilespmem:s31+$0xFFFFFE70] =	vst v4  }
0x192: {  	s18 =	simm.s32 $0x3;
	v4 =	vld [tilespmem:s31+$0xFFFFFEF0];
	v8 =	vmul.f32 v8, v3;
	[tilespmem:s31+$0xFFFFFE80] =	vst v6  }
0x193: {  	v12 =	vmov s18;
	v6 =	vld [tilespmem:s31+$0xFFFFFF00];
	[tilespmem:s31+$0xFFFFFE90] =	vst v5;
	v5 =	vmul.f32 v9, v3  }
0x194: {  	v9 =	vld [tilespmem:s31+$0xFFFFFF10];
	[tilespmem:s31+$0xFFFFFEA0] =	vst v8;
	v8 =	vmul.f32 v10, v3  }
0x195: {  	v10 =	vld [tilespmem:s31+$0xFFFFFF20];
	[tilespmem:s31+$0xFFFFFEB0] =	vst v5;
	v5 =	vmul.f32 v11, v3  }
0x196: {  	[tilespmem:s31+$0xFFFFFEC0] =	vst v8;
	v7 =	vmul.f32 v7, v3;
	v8 =	vld [tilespmem:s31+$0xFFFFFF30]  }
0x197: {  	v11 =	vld [tilespmem:s31+$0xFFFFFF40];
	[tilespmem:s31+$0xFFFFFED0] =	vst v5;
	v4 =	vmul.f32 v4, v3  }
0x198: {  	v1 =	vld.idx.msk [tilespmem:v12+s25+$0x0], $0xffff;
	v3 =	vmul.f32 v6, v3;
	[tilespmem:s31+$0xFFFFFEE0] =	vst v7  }
0x199: {  	v5 =	vmul.f32 v9, v2;
	[tilespmem:s31+$0xFFFFFEF0] =	vst v4;
	v4 =	vld [tilespmem:s31+$0xFFFFFF60]  }
0x19a: {  	s8 =	simm.s32 $0x4;
	[tilespmem:s31+$0xFFFFFF00] =	vst v3;
	v6 =	vmul.f32 v10, v2;
	v3 =	vld [tilespmem:s31+$0xFFFFFF70]  }
0x19b: {  	s10 =	simm.s32 $0x7;
	v7 =	vmov s8;
	[tilespmem:s31+$0xFFFFFF10] =	vst v5;
	v9 =	vmul.f32 v8, v2;
	v8 =	vld [tilespmem:s31+$0xFFFFFF90]  }
0x19c: {  	s29 =	simm.s32 $0x8;
	s13 =	simm.s32 $0x5;
	v12 =	vand.u32 $0xFFFFFFFC, v7;
	v7 =	vld [tilespmem:s31+$0xFFFFFFA0];
	v5 =	vmov s10;
	v10 =	vmul.f32 v11, v2;
	[tilespmem:s31+$0xFFFFFF20] =	vst v6  }
0x19d: {  	s1 =	simm.s32 $0x17960;
	s11 =	simm.s32 $0x14970;
	s18 =	simm.s32 $0x6;
	v11 =	vmul.f32 v13, v2;
	v6 =	vbroadcast v12, $0x0;
	v12 =	vmov s13;
	[tilespmem:s31+$0xFFFFFF30] =	vst v9;
	v9 =	vld [tilespmem:s31+$0xFFFFFFB0]  }
.LBB2_12:
0x19e: {  	p2 =	slt.u32 s29, $0x4C;
	v12 =	vand.u32 $0xFFFFFFFD, v12;
	v13 =	vmov s18;
	[tilespmem:s31+$0xFFFFFF40] =	vst v10;
	v4 =	vmul.f32 v4, v2;
	v10 =	vld [tilespmem:s31+$0xFFFFFFC0]  }
0x19f: {  	v12 =	vbroadcast v12, $0x0;
	v13 =	vand.u32 $0xFFFFFFFE, v13;
	[tilespmem:s31+$0xFFFFFF50] =	vst v11;
	v2 =	vmul.f32 v3, v2;
	v3 =	vld [tilespmem:s31+$0xFFFFFFD0]  }
0x1a0: {  	v11 =	vbroadcast v13, $0x0;
	[tilespmem:s31+$0xFFFFFF60] =	vst v4;
	v4 =	vmul.f32 v8, v1;
	v8 =	vld [tilespmem:s31+$0xFFFFFFE0]  }
0x1a1: {  	[tilespmem:s31+$0xFFFFFF70] =	vst v2;
	v2 =	vmul.f32 v7, v1;
	v7 =	vld [tilespmem:s31+$0xFFFFFFF0]  }
0x1a2: {  	[tilespmem:s31+$0xFFFFFF90] =	vst v4;
	v4 =	vmul.f32 v9, v1;
	v9 =	vld [tilespmem:s31+$0x0]  }
0x1a3: {  	v5 =	vld.idx.msk [tilespmem:v5+s25+$0x0], $0xffff;
	[tilespmem:s31+$0xFFFFFFA0] =	vst v2;
	v2 =	vmul.f32 v10, v1  }
0x1a4: {  	v6 =	vld.idx.msk [tilespmem:v6+s25+$0x0], $0xffff;
	[tilespmem:s31+$0xFFFFFFB0] =	vst v4;
	v3 =	vmul.f32 v3, v1  }
0x1a5: {  	v4 =	vld.idx.msk [tilespmem:v12+s25+$0x0], $0xffff;
	[tilespmem:s31+$0xFFFFFFC0] =	vst v2;
	v8 =	vmul.f32 v8, v1  }
0x1a6: {  	s31 =	sadd.s32 $0x200, s31;
	v2 =	vld.idx.msk [tilespmem:v11+s25+$0x0], $0xffff;
	[tilespmem:s1+$0xFFFFFFD0] =	vst v3;
	v3 =	vmul.f32 v7, v1  }
0x1a7: {  	v7 =	vld [tilespmem:s31+$0xFFFFFF80];
	[tilespmem:s1+$0xFFFFFFE0] =	vst v8;
	v9 =	vmul.f32 v9, v1  }
0x1a8: {  	v8 =	vld [tilespmem:s31+$0xFFFFFE10];
	[tilespmem:s1+$0xFFFFFFF0] =	vst v3  }
0x1a9: {  	v1 =	vmov v5;
	v3 =	vld [tilespmem:s31+$0xFFFFFE20];
	[tilespmem:s1+$0x0] =	vst v9;
	s1 =	smov.u32 s31  }
0x1aa: {  	v5 =	vld [tilespmem:s31+$0xFFFFFE30]  }
0x1ab: {  	v9 =	vld [tilespmem:s31+$0xFFFFFE40]  }
0x1ac: {  	v10 =	vld [tilespmem:s31+$0xFFFFFE50];
	v7 =	vmul.f32 v7, v2  }
0x1ad: {  	v8 =	vmul.f32 v8, v6;
	v11 =	vld [tilespmem:s31+$0xFFFFFE60]  }
0x1ae: {  	v3 =	vmul.f32 v3, v6;
	v12 =	vld [tilespmem:s31+$0xFFFFFE70];
	[tilespmem:s31+$0xFFFFFF80] =	vst v7  }
0x1af: {  	[tilespmem:s31+$0xFFFFFE10] =	vst v8;
	v5 =	vmul.f32 v5, v6;
	v7 =	vld [tilespmem:s31+$0xFFFFFE80]  }
0x1b0: {  	[tilespmem:s31+$0xFFFFFE20] =	vst v3;
	v3 =	vmul.f32 v9, v6;
	v8 =	vld [tilespmem:s31+$0xFFFFFE90]  }
0x1b1: {  	[tilespmem:s31+$0xFFFFFE30] =	vst v5;
	v5 =	vmul.f32 v10, v6;
	v9 =	vld [tilespmem:s31+$0xFFFFFEA0]  }
0x1b2: {  	[tilespmem:s31+$0xFFFFFE40] =	vst v3;
	v3 =	vmul.f32 v11, v6;
	v10 =	vld [tilespmem:s31+$0xFFFFFEB0]  }
0x1b3: {  	[tilespmem:s31+$0xFFFFFE50] =	vst v5;
	v5 =	vmul.f32 v12, v6;
	v11 =	vld [tilespmem:s31+$0xFFFFFEC0]  }
0x1b4: {  	[tilespmem:s31+$0xFFFFFE60] =	vst v3;
	v3 =	vmul.f32 v7, v6;
	v6 =	vld [tilespmem:s31+$0xFFFFFED0]  }
0x1b5: {  	[tilespmem:s31+$0xFFFFFE70] =	vst v5;
	v5 =	vmul.f32 v8, v4;
	v7 =	vld [tilespmem:s31+$0xFFFFFEE0]  }
0x1b6: {  	[tilespmem:s31+$0xFFFFFE80] =	vst v3;
	v3 =	vmul.f32 v9, v4;
	v8 =	vld [tilespmem:s31+$0xFFFFFEF0]  }
0x1b7: {  	[tilespmem:s31+$0xFFFFFE90] =	vst v5;
	v5 =	vmul.f32 v10, v4;
	v9 =	vld [tilespmem:s31+$0xFFFFFF00]  }
0x1b8: {  	[tilespmem:s31+$0xFFFFFEA0] =	vst v3;
	v3 =	vmul.f32 v11, v4;
	v10 =	vld [tilespmem:s31+$0xFFFFFF10]  }
0x1b9: {  	[tilespmem:s31+$0xFFFFFEB0] =	vst v5;
	v5 =	vmul.f32 v6, v4;
	v6 =	vld [tilespmem:s31+$0xFFFFFF20]  }
0x1ba: {  	[tilespmem:s31+$0xFFFFFEC0] =	vst v3;
	v3 =	vmul.f32 v7, v4;
	v7 =	vld [tilespmem:s31+$0xFFFFFF30]  }
0x1bb: {  	[tilespmem:s31+$0xFFFFFED0] =	vst v5;
	v5 =	vmul.f32 v8, v4;
	v11 =	vld [tilespmem:s31+$0xFFFFFF40]  }
0x1bc: {  	[tilespmem:s31+$0xFFFFFEE0] =	vst v3;
	v3 =	vmul.f32 v9, v4;
	v9 =	vld [tilespmem:s31+$0xFFFFFF50]  }
.Ltmp5:
0x1bd: {  	[tilespmem:s31+$0xFFFFFEF0] =	vst v5;
	v5 =	vmul.f32 v10, v2;
	v4 =	vld [tilespmem:s31+$0xFFFFFF60];
	(pc) =	sbr.rel @p2 .LBB2_12-.Ltmp5, $4  }
0x1be: {  	[tilespmem:s31+$0xFFFFFF00] =	vst v3;
	v6 =	vmul.f32 v6, v2;
	v3 =	vld [tilespmem:s31+$0xFFFFFF70]  }
0x1bf: {  	s18 =	sadd.s32 $0x3, s29;
	v10 =	vmov s29;
	[tilespmem:s31+$0xFFFFFF10] =	vst v5;
	v13 =	vmul.f32 v7, v2;
	v8 =	vld [tilespmem:s31+$0xFFFFFF90]  }
0x1c0: {  	s8 =	sadd.s32 $0x1, s29;
	v12 =	vand.u32 $0xFFFFFFFC, v10;
	v5 =	vmov s18;
	[tilespmem:s31+$0xFFFFFF20] =	vst v6;
	v10 =	vmul.f32 v11, v2;
	v7 =	vld [tilespmem:s31+$0xFFFFFFA0]  }
0x1c1: {  	s18 =	sadd.s32 $0x2, s29;
	s29 =	sadd.s32 $0x4, s29;
	v6 =	vbroadcast v12, $0x0;
	v12 =	vmov s8;
	[tilespmem:s31+$0xFFFFFF30] =	vst v13;
	v11 =	vmul.f32 v9, v2;
	v9 =	vld [tilespmem:s31+$0xFFFFFFB0]  }
0x1c2: {  	v13 =	vld [tilespmem:s31+$0xFFFFFFC0]  }
0x1c3: {  	v15 =	vld [tilespmem:s31+$0xFFFFFFD0]  }
0x1c4: {  	v14 =	vmov s18;
	v16 =	vld [tilespmem:s31+$0xFFFFFFE0]  }
0x1c5: {  	v17 =	vld [tilespmem:s31+$0xFFFFFFF0];
	[tilespmem:s31+$0xFFFFFF40] =	vst v10;
	v4 =	vmul.f32 v4, v2;
	v14 =	vand.u32 $0xFFFFFFFE, v14  }
0x1c6: {  	v12 =	vand.u32 $0xFFFFFFFD, v12;
	v5 =	vld.idx.msk [tilespmem:v5+s25+$0x0], $0xffff;
	[tilespmem:s31+$0xFFFFFF50] =	vst v11;
	v2 =	vmul.f32 v3, v2;
	v14 =	vbroadcast v14, $0x0  }
0x1c7: {  	s29 =	sadd.s32 $0x200, s31;
	v12 =	vbroadcast v12, $0x0;
	v3 =	vld.idx.msk [tilespmem:v6+s25+$0x0], $0xffff;
	v8 =	vmul.f32 v8, v1;
	[tilespmem:s31+$0xFFFFFF60] =	vst v4  }
0x1c8: {  	v10 =	vld [tilespmem:s29+$0xFFFFFE10];
	v4 =	vmul.f32 v7, v1;
	[tilespmem:s31+$0xFFFFFF70] =	vst v2  }
0x1c9: {  	[tilespmem:s31+$0xFFFFFF90] =	vst v8;
	v8 =	vld [tilespmem:s31+$0x0];
	v2 =	vmul.f32 v9, v1  }
0x1ca: {  	v11 =	vld [tilespmem:s29+$0xFFFFFE20];
	[tilespmem:s31+$0xFFFFFFA0] =	vst v4;
	v4 =	vmul.f32 v13, v1  }
0x1cb: {  	v9 =	vld [tilespmem:s29+$0xFFFFFF80];
	[tilespmem:s31+$0xFFFFFFB0] =	vst v2;
	v2 =	vmul.f32 v15, v1  }
0x1cc: {  	[tilespmem:s31+$0xFFFFFFC0] =	vst v4;
	v4 =	vmul.f32 v16, v1;
	v7 =	vld.idx.msk [tilespmem:v14+s25+$0x0], $0xffff  }
0x1cd: {  	v6 =	vld.idx.msk [tilespmem:v12+s25+$0x0], $0xffff;
	[tilespmem:s1+$0xFFFFFFD0] =	vst v2;
	v2 =	vmul.f32 v17, v1  }
0x1ce: {  	v12 =	vld [tilespmem:s29+$0xFFFFFE30];
	[tilespmem:s1+$0xFFFFFFE0] =	vst v4;
	v1 =	vmul.f32 v8, v1  }
0x1cf: {  	v4 =	vld [tilespmem:s29+$0xFFFFFE40];
	[tilespmem:s1+$0xFFFFFFF0] =	vst v2  }
0x1d0: {  	v2 =	vld [tilespmem:s29+$0xFFFFFE50];
	[tilespmem:s1+$0x0] =	vst v1;
	v1 =	vmul.f32 v10, v3  }
0x1d1: {  	v8 =	vmul.f32 v9, v7;
	v9 =	vld [tilespmem:s29+$0xFFFFFE60]  }
0x1d2: {  	v10 =	vmul.f32 v11, v3;
	v11 =	vld [tilespmem:s29+$0xFFFFFE70];
	[tilespmem:s29+$0xFFFFFE10] =	vst v1  }
0x1d3: {  	v1 =	vmul.f32 v12, v3;
	[tilespmem:s29+$0xFFFFFF80] =	vst v8;
	v8 =	vld [tilespmem:s29+$0xFFFFFE80]  }
0x1d4: {  	[tilespmem:s29+$0xFFFFFE20] =	vst v10;
	v10 =	vld [tilespmem:s29+$0xFFFFFE90];
	v4 =	vmul.f32 v4, v3  }
0x1d5: {  	[tilespmem:s29+$0xFFFFFE30] =	vst v1;
	v1 =	vmul.f32 v2, v3;
	v2 =	vld [tilespmem:s29+$0xFFFFFEA0]  }
0x1d6: {  	[tilespmem:s29+$0xFFFFFE40] =	vst v4;
	v4 =	vmul.f32 v9, v3;
	v9 =	vld [tilespmem:s29+$0xFFFFFEB0]  }
0x1d7: {  	[tilespmem:s29+$0xFFFFFE50] =	vst v1;
	v1 =	vmul.f32 v11, v3;
	v11 =	vld [tilespmem:s29+$0xFFFFFEC0]  }
0x1d8: {  	[tilespmem:s29+$0xFFFFFE60] =	vst v4;
	v3 =	vmul.f32 v8, v3;
	v4 =	vld [tilespmem:s29+$0xFFFFFED0]  }
0x1d9: {  	[tilespmem:s29+$0xFFFFFE70] =	vst v1;
	v1 =	vmul.f32 v10, v6;
	v8 =	vld [tilespmem:s29+$0xFFFFFEE0]  }
0x1da: {  	v2 =	vmul.f32 v2, v6;
	[tilespmem:s29+$0xFFFFFE80] =	vst v3;
	v3 =	vld [tilespmem:s29+$0xFFFFFEF0]  }
0x1db: {  	[tilespmem:s29+$0xFFFFFE90] =	vst v1;
	v1 =	vmul.f32 v9, v6;
	v9 =	vld [tilespmem:s29+$0xFFFFFF00]  }
0x1dc: {  	v10 =	vld [tilespmem:s29+$0xFFFFFF10];
	[tilespmem:s29+$0xFFFFFEA0] =	vst v2;
	v2 =	vmul.f32 v11, v6  }
0x1dd: {  	[tilespmem:s29+$0xFFFFFEB0] =	vst v1;
	v1 =	vmul.f32 v4, v6;
	v4 =	vld [tilespmem:s29+$0xFFFFFF20]  }
0x1de: {  	[tilespmem:s29+$0xFFFFFEC0] =	vst v2;
	v2 =	vmul.f32 v8, v6;
	v8 =	vld [tilespmem:s29+$0xFFFFFF30]  }
0x1df: {  	[tilespmem:s29+$0xFFFFFED0] =	vst v1;
	v1 =	vmul.f32 v3, v6;
	v3 =	vld [tilespmem:s29+$0xFFFFFF40]  }
0x1e0: {  	[tilespmem:s29+$0xFFFFFEE0] =	vst v2;
	v2 =	vmul.f32 v9, v6;
	v6 =	vld [tilespmem:s29+$0xFFFFFF50]  }
0x1e1: {  	v9 =	vld [tilespmem:s29+$0xFFFFFF60];
	[tilespmem:s29+$0xFFFFFEF0] =	vst v1;
	v1 =	vmul.f32 v10, v7  }
0x1e2: {  	[tilespmem:s29+$0xFFFFFF00] =	vst v2;
	v2 =	vmul.f32 v4, v7;
	v4 =	vld [tilespmem:s29+$0xFFFFFF70]  }
0x1e3: {  	[tilespmem:s29+$0xFFFFFF10] =	vst v1;
	v1 =	vmul.f32 v8, v7;
	v8 =	vld [tilespmem:s29+$0xFFFFFF90]  }
0x1e4: {  	[tilespmem:s29+$0xFFFFFF20] =	vst v2;
	v2 =	vmul.f32 v3, v7;
	v3 =	vld [tilespmem:s29+$0xFFFFFFA0]  }
0x1e5: {  	[tilespmem:s29+$0xFFFFFF30] =	vst v1;
	v1 =	vmul.f32 v6, v7;
	v6 =	vld [tilespmem:s29+$0xFFFFFFB0]  }
0x1e6: {  	[tilespmem:s29+$0xFFFFFF40] =	vst v2;
	v2 =	vmul.f32 v9, v7;
	v9 =	vld [tilespmem:s29+$0xFFFFFFC0]  }
0x1e7: {  	[tilespmem:s29+$0xFFFFFF50] =	vst v1;
	v1 =	vmul.f32 v4, v7;
	v4 =	vld [tilespmem:s29+$0xFFFFFFD0]  }
0x1e8: {  	v7 =	vld [tilespmem:s29+$0xFFFFFFE0];
	[tilespmem:s29+$0xFFFFFF60] =	vst v2;
	v2 =	vmul.f32 v8, v5  }
0x1e9: {  	[tilespmem:s29+$0xFFFFFF70] =	vst v1;
	v1 =	vmul.f32 v3, v5;
	v3 =	vld [tilespmem:s29+$0xFFFFFFF0]  }
0x1ea: {  	[tilespmem:s29+$0xFFFFFF90] =	vst v2;
	v2 =	vmul.f32 v6, v5;
	v6 =	vld [tilespmem:s29+$0x0]  }
0x1eb: {  	[tilespmem:s29+$0xFFFFFFA0] =	vst v1;
	v1 =	vmul.f32 v9, v5  }
0x1ec: {  	[tilespmem:s29+$0xFFFFFFB0] =	vst v2;
	v2 =	vmul.f32 v4, v5  }
0x1ed: {  	[tilespmem:s29+$0xFFFFFFC0] =	vst v1;
	v1 =	vmul.f32 v7, v5  }
0x1ee: {  	[tilespmem:s29+$0xFFFFFFD0] =	vst v2;
	v2 =	vmul.f32 v3, v5  }
0x1ef: {  	[tilespmem:s29+$0xFFFFFFE0] =	vst v1;
	v1 =	vmul.f32 v6, v5  }
0x1f0: {  	[tilespmem:s29+$0xFFFFFFF0] =	vst v2  }
0x1f1: {  	s8 =	simm.s32 $0x17770;
	s31 =	simm.s32 $0x148F0;
	[tilespmem:s29+$0x0] =	vst v1  }
0x1f2: {  	[spmem:s3] =	stream.indirect.scatter.add.f32 [tilespmem:s8], [sflag:$0xE], $0x80, s31, s19, $0xb8;
	[tilespmem:$0x1F170] =	vst v63  }
0x1f3: {  	_ = 	snop  }
0x1f4: {  	[spmem:s6] =	stream.indirect.scatter.add.f32 [tilespmem:s25], [sflag:$0xE], $0x1, s31, s19, $0xb8;
	[tilespmem:$0x1F170] =	vst v63  }
0x1f5: {  	_ =	swait.ge [sflag:s28], $0x2800  }
0x1f6: {  	[sflag:s28] =	ssyncset.done $0x0  }
0x1f7: {  	[sflag:s28] =	ssyncadd.s32 $0xFFFFD800  }
0x1f8: {  	_ =	swait.ge [sflag:s28], $0x50  }
0x1f9: {  	s1 =	sld [smem:$0x7FC];
	_ =	sdelay $0x1  }
0x1fa: {  	p2 =	seq.s32 s20, $0x1F  }
0x1fb: {  	s1 =	sadd.s32 @!p2 s21, s1  }
0x1fc: {  	s18 =	simm.s32 @!p2 $0x14770;
	[sflag:s28] =	ssyncset.done $0x0;
	s1 =	sshll.u32 @!p2 s1, $0x5  }
0x1fd: {  	s8 =	simm.s32 @!p2 $0x0;
	[sflag:s28] =	ssyncadd.s32 $0xFFFFFFB0;
	s1 =	sadd.s32 @!p2 s2, s1  }
0x1fe: {  	[tilespmem:s18], [sflag:$0x1] =	stream.linear.gather @!p2 [hbm4b:s1+s8], $0x100, $0x38;
	[tilespmem:$0x1F170] =	vst v63  }
0x1ff: {  	_ =	swait.ge [sflag:s15], $0x50  }
0x200: {  	[sflag:s15] =	ssyncset.done $0x0  }
0x201: {  	[sflag:s15] =	ssyncadd.s32 $0xFFFFFFB0  }
0x202: {  	_ =	swait.ge [sflag:s15], $0x50  }
0x203: {  	[sflag:s15] =	ssyncset.done $0x0  }
0x204: {  	[sflag:s15] =	ssyncadd.s32 $0xFFFFFFB0  }
0x205: {  	v1 =	vld [tilespmem:$0x14C70]  }
0x206: {  	v2 =	vld [tilespmem:$0x14E70]  }
0x207: {  	v3 =	vld [tilespmem:$0x14C80]  }
0x208: {  	v4 =	vld [tilespmem:$0x14E80]  }
0x209: {  	v5 =	vld [tilespmem:$0x14C90]  }
0x20a: {  	v6 =	vld [tilespmem:$0x14E90]  }
0x20b: {  	v7 =	vld [tilespmem:$0x14EA0];
	v1 =	vadd.f32 v2, v1  }
0x20c: {  	v9 =	vld [tilespmem:$0x14CB0]  }
0x20d: {  	v2 =	vld [tilespmem:$0x14CA0];
	v8 =	vmul.f32 $2.000000030e-01, v1  }
0x20e: {  	v10 =	vld [tilespmem:$0x14EB0];
	vm0 =	vgt.f32 v1, $0.0e+00  }
0x20f: {  	v3 =	vadd.f32 v4, v3;
	v1 =	vsel vm0, v1, v8  }
0x210: {  	v1 =	vmul.f32 $1.442695020e+00, v1  }
0x211: {  	v5 =	vadd.f32 v6, v5;
	v4 =	vmul.f32 $2.000000030e-01, v3  }
0x212: {  	vm12 =	vgt.f32 v3, $0.0e+00;
	(erf) = vpow2.f32 v1;
	v1 =	vadd.f32 v7, v2  }
0x213: {  	v2 =	vsel vm12, v3, v4;
	v3 =	vmul.f32 $2.000000030e-01, v5;
	v4 =	vadd.f32 v10, v9  }
0x214: {  	vm13 =	vgt.f32 v5, $0.0e+00;
	v2 =	vmul.f32 $1.442695020e+00, v2;
	v6 =	vmul.f32 $2.000000030e-01, v1  }
0x215: {  	v3 =	vsel vm13, v5, v3;
	vm14 =	vgt.f32 v1, $0.0e+00;
	v5 =	vmul.f32 $2.000000030e-01, v4  }
0x216: {  	vm15 =	vgt.f32 v4, $0.0e+00;
	v3 =	vmul.f32 $1.442695020e+00, v3;
	v1 =	vsel vm14, v1, v6  }
0x217: {  	(erf) = vpow2.f32 v2;
	v2 =	vsel vm15, v4, v5;
	v1 =	vmul.f32 $1.442695020e+00, v1  }
0x218: {  	(erf) = vpow2.f32 v3;
	v2 =	vmul.f32 $1.442695020e+00, v2  }
0x219: {  	(erf) = vpow2.f32 v1  }
0x21a: {  	(erf) = vpow2.f32 v2;
	_ =	sdelay $0x2  }
0x21b: {  	s10 =	smul.u32 $0x50, s26;
	_ =	sdelay $0x1  }
0x21c: {  	p3 =	slt.u32 s10, $0x2710;
	s13 =	sor.u32 $0x10, s10;
	v1 =	vpop (erf)  }
0x21d: {  	p6 =	slt.u32 s13, $0x2710;
	s18 =	sadd.s32 $0x20, s10;
	v1 =	vpsel !p3, $0x0, v1;
	v2 =	vpop (erf)  }
0x21e: {  	s26 =	sadd.s32 $0x30, s10;
	p4 =	slt.u32 s18, $0x2710;
	[tilespmem:$0x1F070] =	vst v1;
	v1 =	vpsel !p6, $0x0, v2;
	v3 =	vpop (erf)  }
0x21f: {  	p5 =	slt.u32 s26, $0x2710;
	s1 =	sadd.s32 $0x40, s10;
	[tilespmem:$0x1F080] =	vst v1;
	v1 =	vpsel !p4, $0x0, v3;
	v2 =	vpop (erf)  }
0x220: {  	p6 =	slt.u32 s1, $0x2710;
	[tilespmem:$0x1F090] =	vst v1;
	v1 =	vpsel !p5, $0x0, v2;
	v2 =	vpop (erf)  }
0x221: {  	[tilespmem:$0x1F0A0] =	vst v1;
	v1 =	vpsel !p6, $0x0, v2  }
0x222: {  	s8 =	simm.s32 $0x4;
	[tilespmem:$0x1F0B0] =	vst v1  }
0x223: {  	_ =	swait.ge [sflag:s8], $0x100  }
0x224: {  	s13 =	simm.s32 $0x0;
	s10 =	simm.s32 $0x14CF0;
	[sflag:s8] =	ssyncset.done $0x0  }
0x225: {  	s18 =	simm.s32 $0x2;
	[sflag:s8] =	ssyncadd.s32 $0xFFFFFF00;
	s8 =	simm.s32 $0x14A70  }
0x226: {  	v1 =	vmov s13;
	[tilespmem:s10], [sflag:$0x8] =	stream.indirect.gather [spmem:s4], $0x1, s8, s19, $0xb8;
	[tilespmem:$0x1F170] =	vst v63  }
0x227: {  	s26 =	simm.s32 $0x14EF0;
	v2 =	vmov s18;
	v1 =	vand.u32 $0xFFFFFFFC, v1  }
0x228: {  	v2 =	vand.u32 $0xFFFFFFFE, v2;
	v1 =	vbroadcast v1, $0x0;
	[tilespmem:s26], [sflag:$0x8] =	stream.indirect.gather [spmem:s5], $0x1, s12, s19, $0xb8;
	[tilespmem:$0x1F170] =	vst v63  }
0x229: {  	v2 =	vbroadcast v2, $0x0;
	s10 =	simm.s32 $0x1C770;
	s12 =	simm.s32 $0xB  }
0x22a: {  	[tilespmem:s10], [sflag:$0xC] =	stream.indirect.gather [hbm4b:s0+s19], $0x80, s8, s19, $0xb8;
	[tilespmem:$0x1F170] =	vst v63  }
0x22b: {  	_ =	swait.ge [sflag:s12], $0x2800  }
0x22c: {  	[sflag:s12] =	ssyncset.done $0x0  }
0x22d: {  	[sflag:s12] =	ssyncadd.s32 $0xFFFFD800  }
0x22e: {  	v1 =	vld.idx.msk [tilespmem:v1+s7+$0x0], $0xffff  }
0x22f: {  	s18 =	simm.s32 $0x1;
	s26 =	simm.s32 $0x1A160;
	v2 =	vld.idx.msk [tilespmem:v2+s7+$0x0], $0xffff  }
0x230: {  	v3 =	vmov s18;
	v4 =	vld [tilespmem:s26+$0xFFFFFF80]  }
0x231: {  	v3 =	vand.u32 $0xFFFFFFFD, v3;
	v5 =	vld [tilespmem:s26+$0xFFFFFE10]  }
0x232: {  	v3 =	vbroadcast v3, $0x0;
	v6 =	vld [tilespmem:s26+$0xFFFFFE20]  }
0x233: {  	v7 =	vld [tilespmem:s26+$0xFFFFFE30]  }
0x234: {  	v8 =	vld [tilespmem:s26+$0xFFFFFE40]  }
0x235: {  	v9 =	vld [tilespmem:s26+$0xFFFFFE50]  }
0x236: {  	v10 =	vld [tilespmem:s26+$0xFFFFFE60]  }
0x237: {  	v11 =	vld [tilespmem:s26+$0xFFFFFE70];
	v5 =	vmul.f32 v5, v1  }
0x238: {  	v3 =	vld.idx.msk [tilespmem:v3+s7+$0x0], $0xffff;
	v4 =	vmul.f32 v4, v2  }
0x239: {  	v13 =	vld [tilespmem:s26+$0xFFFFFF50];
	[tilespmem:s26+$0xFFFFFE10] =	vst v5;
	v5 =	vmul.f32 v6, v1  }
0x23a: {  	v6 =	vld [tilespmem:s26+$0xFFFFFE80];
	[tilespmem:s26+$0xFFFFFF80] =	vst v4;
	v4 =	vmul.f32 v7, v1  }
0x23b: {  	v7 =	vld [tilespmem:s26+$0xFFFFFE90];
	[tilespmem:s26+$0xFFFFFE20] =	vst v5;
	v5 =	vmul.f32 v8, v1  }
0x23c: {  	v8 =	vld [tilespmem:s26+$0xFFFFFEA0];
	[tilespmem:s26+$0xFFFFFE30] =	vst v4;
	v4 =	vmul.f32 v9, v1  }
0x23d: {  	v9 =	vld [tilespmem:s26+$0xFFFFFEB0];
	[tilespmem:s26+$0xFFFFFE40] =	vst v5;
	v5 =	vmul.f32 v10, v1  }
0x23e: {  	v10 =	vld [tilespmem:s26+$0xFFFFFEC0];
	[tilespmem:s26+$0xFFFFFE50] =	vst v4;
	v4 =	vmul.f32 v11, v1  }
0x23f: {  	v11 =	vld [tilespmem:s26+$0xFFFFFED0];
	v6 =	vmul.f32 v6, v1;
	[tilespmem:s26+$0xFFFFFE60] =	vst v5  }
0x240: {  	v5 =	vmul.f32 v7, v3;
	v7 =	vld [tilespmem:s26+$0xFFFFFEE0];
	[tilespmem:s26+$0xFFFFFE70] =	vst v4  }
0x241: {  	s8 =	simm.s32 $0x3;
	v4 =	vld [tilespmem:s26+$0xFFFFFEF0];
	v8 =	vmul.f32 v8, v3;
	[tilespmem:s26+$0xFFFFFE80] =	vst v6  }
0x242: {  	v12 =	vmov s8;
	v6 =	vld [tilespmem:s26+$0xFFFFFF00];
	[tilespmem:s26+$0xFFFFFE90] =	vst v5;
	v5 =	vmul.f32 v9, v3  }
0x243: {  	v9 =	vld [tilespmem:s26+$0xFFFFFF10];
	[tilespmem:s26+$0xFFFFFEA0] =	vst v8;
	v8 =	vmul.f32 v10, v3  }
0x244: {  	v10 =	vld [tilespmem:s26+$0xFFFFFF20];
	[tilespmem:s26+$0xFFFFFEB0] =	vst v5;
	v5 =	vmul.f32 v11, v3  }
0x245: {  	[tilespmem:s26+$0xFFFFFEC0] =	vst v8;
	v7 =	vmul.f32 v7, v3;
	v8 =	vld [tilespmem:s26+$0xFFFFFF30]  }
0x246: {  	v11 =	vld [tilespmem:s26+$0xFFFFFF40];
	v4 =	vmul.f32 v4, v3;
	[tilespmem:s26+$0xFFFFFED0] =	vst v5  }
0x247: {  	v1 =	vld.idx.msk [tilespmem:v12+s7+$0x0], $0xffff;
	v3 =	vmul.f32 v6, v3;
	[tilespmem:s26+$0xFFFFFEE0] =	vst v7  }
0x248: {  	[tilespmem:s26+$0xFFFFFEF0] =	vst v4;
	v5 =	vmul.f32 v9, v2;
	v4 =	vld [tilespmem:s26+$0xFFFFFF60]  }
0x249: {  	s10 =	simm.s32 $0x4;
	[tilespmem:s26+$0xFFFFFF00] =	vst v3;
	v6 =	vmul.f32 v10, v2;
	v3 =	vld [tilespmem:s26+$0xFFFFFF70]  }
0x24a: {  	s12 =	simm.s32 $0x7;
	v7 =	vmov s10;
	[tilespmem:s26+$0xFFFFFF10] =	vst v5;
	v9 =	vmul.f32 v8, v2;
	v8 =	vld [tilespmem:s26+$0xFFFFFF90]  }
0x24b: {  	s29 =	simm.s32 $0x8;
	s18 =	simm.s32 $0x5;
	v12 =	vand.u32 $0xFFFFFFFC, v7;
	v7 =	vld [tilespmem:s26+$0xFFFFFFA0];
	v5 =	vmov s12;
	v10 =	vmul.f32 v11, v2;
	[tilespmem:s26+$0xFFFFFF20] =	vst v6  }
0x24c: {  	s1 =	simm.s32 $0x1A160;
	s13 =	simm.s32 $0x14A70;
	v11 =	vmul.f32 v13, v2;
	v6 =	vbroadcast v12, $0x0;
	v12 =	vmov s18;
	s18 =	simm.s32 $0x6;
	[tilespmem:s26+$0xFFFFFF30] =	vst v9;
	v9 =	vld [tilespmem:s26+$0xFFFFFFB0]  }
.LBB2_14:
0x24d: {  	p3 =	slt.u32 s29, $0x4C;
	v12 =	vand.u32 $0xFFFFFFFD, v12;
	v13 =	vmov s18;
	[tilespmem:s26+$0xFFFFFF40] =	vst v10;
	v4 =	vmul.f32 v4, v2;
	v10 =	vld [tilespmem:s26+$0xFFFFFFC0]  }
0x24e: {  	v12 =	vbroadcast v12, $0x0;
	v13 =	vand.u32 $0xFFFFFFFE, v13;
	[tilespmem:s26+$0xFFFFFF50] =	vst v11;
	v2 =	vmul.f32 v3, v2;
	v3 =	vld [tilespmem:s26+$0xFFFFFFD0]  }
0x24f: {  	v11 =	vbroadcast v13, $0x0;
	[tilespmem:s26+$0xFFFFFF60] =	vst v4;
	v4 =	vmul.f32 v8, v1;
	v8 =	vld [tilespmem:s26+$0xFFFFFFE0]  }
0x250: {  	[tilespmem:s26+$0xFFFFFF70] =	vst v2;
	v2 =	vmul.f32 v7, v1;
	v7 =	vld [tilespmem:s26+$0xFFFFFFF0]  }
0x251: {  	[tilespmem:s26+$0xFFFFFF90] =	vst v4;
	v4 =	vmul.f32 v9, v1;
	v9 =	vld [tilespmem:s26+$0x0]  }
0x252: {  	v5 =	vld.idx.msk [tilespmem:v5+s7+$0x0], $0xffff;
	[tilespmem:s26+$0xFFFFFFA0] =	vst v2;
	v2 =	vmul.f32 v10, v1  }
0x253: {  	v6 =	vld.idx.msk [tilespmem:v6+s7+$0x0], $0xffff;
	[tilespmem:s26+$0xFFFFFFB0] =	vst v4;
	v3 =	vmul.f32 v3, v1  }
0x254: {  	v4 =	vld.idx.msk [tilespmem:v12+s7+$0x0], $0xffff;
	[tilespmem:s26+$0xFFFFFFC0] =	vst v2;
	v8 =	vmul.f32 v8, v1  }
0x255: {  	s26 =	sadd.s32 $0x200, s26;
	v2 =	vld.idx.msk [tilespmem:v11+s7+$0x0], $0xffff;
	[tilespmem:s1+$0xFFFFFFD0] =	vst v3;
	v3 =	vmul.f32 v7, v1  }
0x256: {  	v7 =	vld [tilespmem:s26+$0xFFFFFF80];
	[tilespmem:s1+$0xFFFFFFE0] =	vst v8;
	v9 =	vmul.f32 v9, v1  }
0x257: {  	v8 =	vld [tilespmem:s26+$0xFFFFFE10];
	[tilespmem:s1+$0xFFFFFFF0] =	vst v3  }
0x258: {  	v1 =	vmov v5;
	v3 =	vld [tilespmem:s26+$0xFFFFFE20];
	[tilespmem:s1+$0x0] =	vst v9;
	s1 =	smov.u32 s26  }
0x259: {  	v5 =	vld [tilespmem:s26+$0xFFFFFE30]  }
0x25a: {  	v9 =	vld [tilespmem:s26+$0xFFFFFE40]  }
0x25b: {  	v10 =	vld [tilespmem:s26+$0xFFFFFE50];
	v7 =	vmul.f32 v7, v2  }
0x25c: {  	v8 =	vmul.f32 v8, v6;
	v11 =	vld [tilespmem:s26+$0xFFFFFE60]  }
0x25d: {  	v3 =	vmul.f32 v3, v6;
	v12 =	vld [tilespmem:s26+$0xFFFFFE70];
	[tilespmem:s26+$0xFFFFFF80] =	vst v7  }
0x25e: {  	[tilespmem:s26+$0xFFFFFE10] =	vst v8;
	v5 =	vmul.f32 v5, v6;
	v7 =	vld [tilespmem:s26+$0xFFFFFE80]  }
0x25f: {  	[tilespmem:s26+$0xFFFFFE20] =	vst v3;
	v3 =	vmul.f32 v9, v6;
	v8 =	vld [tilespmem:s26+$0xFFFFFE90]  }
0x260: {  	[tilespmem:s26+$0xFFFFFE30] =	vst v5;
	v5 =	vmul.f32 v10, v6;
	v9 =	vld [tilespmem:s26+$0xFFFFFEA0]  }
0x261: {  	[tilespmem:s26+$0xFFFFFE40] =	vst v3;
	v3 =	vmul.f32 v11, v6;
	v10 =	vld [tilespmem:s26+$0xFFFFFEB0]  }
0x262: {  	[tilespmem:s26+$0xFFFFFE50] =	vst v5;
	v5 =	vmul.f32 v12, v6;
	v11 =	vld [tilespmem:s26+$0xFFFFFEC0]  }
0x263: {  	[tilespmem:s26+$0xFFFFFE60] =	vst v3;
	v3 =	vmul.f32 v7, v6;
	v6 =	vld [tilespmem:s26+$0xFFFFFED0]  }
0x264: {  	[tilespmem:s26+$0xFFFFFE70] =	vst v5;
	v5 =	vmul.f32 v8, v4;
	v7 =	vld [tilespmem:s26+$0xFFFFFEE0]  }
0x265: {  	[tilespmem:s26+$0xFFFFFE80] =	vst v3;
	v3 =	vmul.f32 v9, v4;
	v8 =	vld [tilespmem:s26+$0xFFFFFEF0]  }
0x266: {  	[tilespmem:s26+$0xFFFFFE90] =	vst v5;
	v5 =	vmul.f32 v10, v4;
	v9 =	vld [tilespmem:s26+$0xFFFFFF00]  }
0x267: {  	[tilespmem:s26+$0xFFFFFEA0] =	vst v3;
	v3 =	vmul.f32 v11, v4;
	v10 =	vld [tilespmem:s26+$0xFFFFFF10]  }
0x268: {  	[tilespmem:s26+$0xFFFFFEB0] =	vst v5;
	v5 =	vmul.f32 v6, v4;
	v6 =	vld [tilespmem:s26+$0xFFFFFF20]  }
0x269: {  	[tilespmem:s26+$0xFFFFFEC0] =	vst v3;
	v3 =	vmul.f32 v7, v4;
	v7 =	vld [tilespmem:s26+$0xFFFFFF30]  }
0x26a: {  	[tilespmem:s26+$0xFFFFFED0] =	vst v5;
	v5 =	vmul.f32 v8, v4;
	v11 =	vld [tilespmem:s26+$0xFFFFFF40]  }
0x26b: {  	[tilespmem:s26+$0xFFFFFEE0] =	vst v3;
	v3 =	vmul.f32 v9, v4;
	v9 =	vld [tilespmem:s26+$0xFFFFFF50]  }
.Ltmp6:
0x26c: {  	[tilespmem:s26+$0xFFFFFEF0] =	vst v5;
	v5 =	vmul.f32 v10, v2;
	v4 =	vld [tilespmem:s26+$0xFFFFFF60];
	(pc) =	sbr.rel @p3 .LBB2_14-.Ltmp6, $4  }
0x26d: {  	[tilespmem:s26+$0xFFFFFF00] =	vst v3;
	v6 =	vmul.f32 v6, v2;
	v3 =	vld [tilespmem:s26+$0xFFFFFF70]  }
0x26e: {  	s8 =	sadd.s32 $0x3, s29;
	v10 =	vmov s29;
	[tilespmem:s26+$0xFFFFFF10] =	vst v5;
	v13 =	vmul.f32 v7, v2;
	v8 =	vld [tilespmem:s26+$0xFFFFFF90]  }
0x26f: {  	s18 =	sadd.s32 $0x1, s29;
	v12 =	vand.u32 $0xFFFFFFFC, v10;
	v5 =	vmov s8;
	[tilespmem:s26+$0xFFFFFF20] =	vst v6;
	v10 =	vmul.f32 v11, v2;
	v7 =	vld [tilespmem:s26+$0xFFFFFFA0]  }
0x270: {  	v6 =	vbroadcast v12, $0x0;
	v12 =	vmov s18;
	s18 =	sadd.s32 $0x2, s29;
	s29 =	sadd.s32 $0x4, s29;
	[tilespmem:s26+$0xFFFFFF30] =	vst v13;
	v11 =	vmul.f32 v9, v2;
	v9 =	vld [tilespmem:s26+$0xFFFFFFB0]  }
0x271: {  	v13 =	vld [tilespmem:s26+$0xFFFFFFC0]  }
0x272: {  	v15 =	vld [tilespmem:s26+$0xFFFFFFD0]  }
0x273: {  	v14 =	vmov s18;
	v16 =	vld [tilespmem:s26+$0xFFFFFFE0]  }
0x274: {  	v17 =	vld [tilespmem:s26+$0xFFFFFFF0];
	[tilespmem:s26+$0xFFFFFF40] =	vst v10;
	v4 =	vmul.f32 v4, v2;
	v14 =	vand.u32 $0xFFFFFFFE, v14  }
0x275: {  	v12 =	vand.u32 $0xFFFFFFFD, v12;
	v5 =	vld.idx.msk [tilespmem:v5+s7+$0x0], $0xffff;
	[tilespmem:s26+$0xFFFFFF50] =	vst v11;
	v2 =	vmul.f32 v3, v2;
	v14 =	vbroadcast v14, $0x0  }
0x276: {  	s29 =	sadd.s32 $0x200, s26;
	v12 =	vbroadcast v12, $0x0;
	v3 =	vld.idx.msk [tilespmem:v6+s7+$0x0], $0xffff;
	v8 =	vmul.f32 v8, v1;
	[tilespmem:s26+$0xFFFFFF60] =	vst v4  }
0x277: {  	v10 =	vld [tilespmem:s29+$0xFFFFFE10];
	v4 =	vmul.f32 v7, v1;
	[tilespmem:s26+$0xFFFFFF70] =	vst v2  }
0x278: {  	[tilespmem:s26+$0xFFFFFF90] =	vst v8;
	v8 =	vld [tilespmem:s26+$0x0];
	v2 =	vmul.f32 v9, v1  }
0x279: {  	v11 =	vld [tilespmem:s29+$0xFFFFFE20];
	[tilespmem:s26+$0xFFFFFFA0] =	vst v4;
	v4 =	vmul.f32 v13, v1  }
0x27a: {  	v9 =	vld [tilespmem:s29+$0xFFFFFF80];
	[tilespmem:s26+$0xFFFFFFB0] =	vst v2;
	v2 =	vmul.f32 v15, v1  }
0x27b: {  	[tilespmem:s26+$0xFFFFFFC0] =	vst v4;
	v4 =	vmul.f32 v16, v1;
	v7 =	vld.idx.msk [tilespmem:v14+s7+$0x0], $0xffff  }
0x27c: {  	v6 =	vld.idx.msk [tilespmem:v12+s7+$0x0], $0xffff;
	[tilespmem:s1+$0xFFFFFFD0] =	vst v2;
	v2 =	vmul.f32 v17, v1  }
0x27d: {  	v12 =	vld [tilespmem:s29+$0xFFFFFE30];
	[tilespmem:s1+$0xFFFFFFE0] =	vst v4;
	v1 =	vmul.f32 v8, v1  }
0x27e: {  	v4 =	vld [tilespmem:s29+$0xFFFFFE40];
	[tilespmem:s1+$0xFFFFFFF0] =	vst v2  }
0x27f: {  	v2 =	vld [tilespmem:s29+$0xFFFFFE50];
	[tilespmem:s1+$0x0] =	vst v1;
	v1 =	vmul.f32 v10, v3  }
0x280: {  	v8 =	vmul.f32 v9, v7;
	v9 =	vld [tilespmem:s29+$0xFFFFFE60]  }
0x281: {  	v10 =	vmul.f32 v11, v3;
	v11 =	vld [tilespmem:s29+$0xFFFFFE70];
	[tilespmem:s29+$0xFFFFFE10] =	vst v1  }
0x282: {  	v1 =	vmul.f32 v12, v3;
	[tilespmem:s29+$0xFFFFFF80] =	vst v8;
	v8 =	vld [tilespmem:s29+$0xFFFFFE80]  }
0x283: {  	[tilespmem:s29+$0xFFFFFE20] =	vst v10;
	v10 =	vld [tilespmem:s29+$0xFFFFFE90];
	v4 =	vmul.f32 v4, v3  }
0x284: {  	[tilespmem:s29+$0xFFFFFE30] =	vst v1;
	v1 =	vmul.f32 v2, v3;
	v2 =	vld [tilespmem:s29+$0xFFFFFEA0]  }
0x285: {  	[tilespmem:s29+$0xFFFFFE40] =	vst v4;
	v4 =	vmul.f32 v9, v3;
	v9 =	vld [tilespmem:s29+$0xFFFFFEB0]  }
0x286: {  	[tilespmem:s29+$0xFFFFFE50] =	vst v1;
	v1 =	vmul.f32 v11, v3;
	v11 =	vld [tilespmem:s29+$0xFFFFFEC0]  }
0x287: {  	[tilespmem:s29+$0xFFFFFE60] =	vst v4;
	v3 =	vmul.f32 v8, v3;
	v4 =	vld [tilespmem:s29+$0xFFFFFED0]  }
0x288: {  	[tilespmem:s29+$0xFFFFFE70] =	vst v1;
	v1 =	vmul.f32 v10, v6;
	v8 =	vld [tilespmem:s29+$0xFFFFFEE0]  }
0x289: {  	v2 =	vmul.f32 v2, v6;
	[tilespmem:s29+$0xFFFFFE80] =	vst v3;
	v3 =	vld [tilespmem:s29+$0xFFFFFEF0]  }
0x28a: {  	[tilespmem:s29+$0xFFFFFE90] =	vst v1;
	v1 =	vmul.f32 v9, v6;
	v9 =	vld [tilespmem:s29+$0xFFFFFF00]  }
0x28b: {  	v10 =	vld [tilespmem:s29+$0xFFFFFF10];
	[tilespmem:s29+$0xFFFFFEA0] =	vst v2;
	v2 =	vmul.f32 v11, v6  }
0x28c: {  	[tilespmem:s29+$0xFFFFFEB0] =	vst v1;
	v1 =	vmul.f32 v4, v6;
	v4 =	vld [tilespmem:s29+$0xFFFFFF20]  }
0x28d: {  	[tilespmem:s29+$0xFFFFFEC0] =	vst v2;
	v2 =	vmul.f32 v8, v6;
	v8 =	vld [tilespmem:s29+$0xFFFFFF30]  }
0x28e: {  	[tilespmem:s29+$0xFFFFFED0] =	vst v1;
	v1 =	vmul.f32 v3, v6;
	v3 =	vld [tilespmem:s29+$0xFFFFFF40]  }
0x28f: {  	[tilespmem:s29+$0xFFFFFEE0] =	vst v2;
	v2 =	vmul.f32 v9, v6;
	v6 =	vld [tilespmem:s29+$0xFFFFFF50]  }
0x290: {  	v9 =	vld [tilespmem:s29+$0xFFFFFF60];
	[tilespmem:s29+$0xFFFFFEF0] =	vst v1;
	v1 =	vmul.f32 v10, v7  }
0x291: {  	[tilespmem:s29+$0xFFFFFF00] =	vst v2;
	v2 =	vmul.f32 v4, v7;
	v4 =	vld [tilespmem:s29+$0xFFFFFF70]  }
0x292: {  	[tilespmem:s29+$0xFFFFFF10] =	vst v1;
	v1 =	vmul.f32 v8, v7;
	v8 =	vld [tilespmem:s29+$0xFFFFFF90]  }
0x293: {  	[tilespmem:s29+$0xFFFFFF20] =	vst v2;
	v2 =	vmul.f32 v3, v7;
	v3 =	vld [tilespmem:s29+$0xFFFFFFA0]  }
0x294: {  	[tilespmem:s29+$0xFFFFFF30] =	vst v1;
	v1 =	vmul.f32 v6, v7;
	v6 =	vld [tilespmem:s29+$0xFFFFFFB0]  }
0x295: {  	[tilespmem:s29+$0xFFFFFF40] =	vst v2;
	v2 =	vmul.f32 v9, v7;
	v9 =	vld [tilespmem:s29+$0xFFFFFFC0]  }
0x296: {  	[tilespmem:s29+$0xFFFFFF50] =	vst v1;
	v1 =	vmul.f32 v4, v7;
	v4 =	vld [tilespmem:s29+$0xFFFFFFD0]  }
0x297: {  	v7 =	vld [tilespmem:s29+$0xFFFFFFE0];
	[tilespmem:s29+$0xFFFFFF60] =	vst v2;
	v2 =	vmul.f32 v8, v5  }
0x298: {  	[tilespmem:s29+$0xFFFFFF70] =	vst v1;
	v1 =	vmul.f32 v3, v5;
	v3 =	vld [tilespmem:s29+$0xFFFFFFF0]  }
0x299: {  	[tilespmem:s29+$0xFFFFFF90] =	vst v2;
	v2 =	vmul.f32 v6, v5;
	v6 =	vld [tilespmem:s29+$0x0]  }
0x29a: {  	[tilespmem:s29+$0xFFFFFFA0] =	vst v1;
	v1 =	vmul.f32 v9, v5  }
0x29b: {  	[tilespmem:s29+$0xFFFFFFB0] =	vst v2;
	v2 =	vmul.f32 v4, v5  }
0x29c: {  	[tilespmem:s29+$0xFFFFFFC0] =	vst v1;
	v1 =	vmul.f32 v7, v5  }
0x29d: {  	[tilespmem:s29+$0xFFFFFFD0] =	vst v2;
	v2 =	vmul.f32 v3, v5  }
0x29e: {  	[tilespmem:s29+$0xFFFFFFE0] =	vst v1;
	v1 =	vmul.f32 v6, v5  }
0x29f: {  	[tilespmem:s29+$0xFFFFFFF0] =	vst v2  }
0x2a0: {  	s8 =	simm.s32 $0x19F70;
	[tilespmem:s29+$0x0] =	vst v1;
	s29 =	simm.s32 $0x149F0  }
0x2a1: {  	[spmem:s3] =	stream.indirect.scatter.add.f32 [tilespmem:s8], [sflag:$0xF], $0x80, s29, s19, $0xb8;
	[tilespmem:$0x1F170] =	vst v63  }
0x2a2: {  	_ = 	snop  }
0x2a3: {  	[spmem:s6] =	stream.indirect.scatter.add.f32 [tilespmem:s7], [sflag:$0xF], $0x1, s29, s19, $0xb8;
	[tilespmem:$0x1F170] =	vst v63  }
0x2a4: {  	_ =	swait.ge [sflag:s30], $0x2800  }
0x2a5: {  	[sflag:s30] =	ssyncset.done $0x0  }
0x2a6: {  	[sflag:s30] =	ssyncadd.s32 $0xFFFFD800  }
0x2a7: {  	_ =	swait.ge [sflag:s30], $0x50  }
0x2a8: {  	s1 =	sld [smem:$0x7FD];
	_ =	sdelay $0x2  }
0x2a9: {  	s1 =	sadd.s32 @!p2 s21, s1  }
0x2aa: {  	s18 =	simm.s32 @!p2 $0x14870;
	[sflag:s30] =	ssyncset.done $0x0;
	s1 =	sshll.u32 @!p2 s1, $0x5  }
0x2ab: {  	s8 =	simm.s32 @!p2 $0x0;
	[sflag:s30] =	ssyncadd.s32 $0xFFFFFFB0;
	s1 =	sadd.s32 @!p2 s2, s1  }
0x2ac: {  	[tilespmem:s18], [sflag:$0x2] =	stream.linear.gather @!p2 [hbm4b:s1+s8], $0x100, $0x38;
	[tilespmem:$0x1F170] =	vst v63  }
0x2ad: {  	_ =	swait.ge [sflag:s22], $0x50  }
0x2ae: {  	[sflag:s22] =	ssyncset.done $0x0  }
0x2af: {  	[sflag:s22] =	ssyncadd.s32 $0xFFFFFFB0  }
0x2b0: {  	_ =	swait.ge [sflag:s22], $0x50  }
0x2b1: {  	[sflag:s22] =	ssyncset.done $0x0  }
0x2b2: {  	[sflag:s22] =	ssyncadd.s32 $0xFFFFFFB0  }
0x2b3: {  	v1 =	vld [tilespmem:$0x14CF0]  }
0x2b4: {  	v2 =	vld [tilespmem:$0x14EF0]  }
0x2b5: {  	v3 =	vld [tilespmem:$0x14D00]  }
0x2b6: {  	v4 =	vld [tilespmem:$0x14F00]  }
0x2b7: {  	v5 =	vld [tilespmem:$0x14D10]  }
0x2b8: {  	v6 =	vld [tilespmem:$0x14F10]  }
0x2b9: {  	v7 =	vld [tilespmem:$0x14F20];
	v1 =	vadd.f32 v2, v1  }
0x2ba: {  	v9 =	vld [tilespmem:$0x14D30]  }
0x2bb: {  	v2 =	vld [tilespmem:$0x14D20];
	v8 =	vmul.f32 $2.000000030e-01, v1  }
0x2bc: {  	v10 =	vld [tilespmem:$0x14F30];
	vm0 =	vgt.f32 v1, $0.0e+00  }
0x2bd: {  	v3 =	vadd.f32 v4, v3;
	v1 =	vsel vm0, v1, v8  }
0x2be: {  	v1 =	vmul.f32 $1.442695020e+00, v1  }
0x2bf: {  	v5 =	vadd.f32 v6, v5;
	v4 =	vmul.f32 $2.000000030e-01, v3  }
0x2c0: {  	vm12 =	vgt.f32 v3, $0.0e+00;
	(erf) = vpow2.f32 v1;
	v1 =	vadd.f32 v7, v2  }
0x2c1: {  	v2 =	vsel vm12, v3, v4;
	v3 =	vmul.f32 $2.000000030e-01, v5;
	v4 =	vadd.f32 v10, v9  }
0x2c2: {  	vm13 =	vgt.f32 v5, $0.0e+00;
	v2 =	vmul.f32 $1.442695020e+00, v2;
	v6 =	vmul.f32 $2.000000030e-01, v1  }
0x2c3: {  	v3 =	vsel vm13, v5, v3;
	vm14 =	vgt.f32 v1, $0.0e+00;
	v5 =	vmul.f32 $2.000000030e-01, v4  }
0x2c4: {  	vm15 =	vgt.f32 v4, $0.0e+00;
	v3 =	vmul.f32 $1.442695020e+00, v3;
	v1 =	vsel vm14, v1, v6  }
0x2c5: {  	(erf) = vpow2.f32 v2;
	v2 =	vsel vm15, v4, v5;
	v1 =	vmul.f32 $1.442695020e+00, v1  }
0x2c6: {  	(erf) = vpow2.f32 v3;
	v2 =	vmul.f32 $1.442695020e+00, v2  }
0x2c7: {  	(erf) = vpow2.f32 v1  }
0x2c8: {  	(erf) = vpow2.f32 v2;
	_ =	sdelay $0x2  }
0x2c9: {  	s12 =	smul.u32 $0x50, s24;
	_ =	sdelay $0x1  }
0x2ca: {  	p3 =	slt.u32 s12, $0x2710;
	s18 =	sadd.s32 $0x10, s12;
	v1 =	vpop (erf)  }
0x2cb: {  	s21 =	sadd.s32 $0x20, s12;
	p6 =	slt.u32 s18, $0x2710;
	v1 =	vpsel !p3, $0x0, v1;
	v2 =	vpop (erf)  }
0x2cc: {  	s24 =	sadd.s32 $0x30, s12;
	p4 =	slt.u32 s21, $0x2710;
	[tilespmem:$0x1F0F0] =	vst v1;
	v1 =	vpsel !p6, $0x0, v2;
	v3 =	vpop (erf)  }
0x2cd: {  	p5 =	slt.u32 s24, $0x2710;
	s1 =	sadd.s32 $0x40, s12;
	[tilespmem:$0x1F100] =	vst v1;
	v1 =	vpsel !p4, $0x0, v3;
	v2 =	vpop (erf)  }
0x2ce: {  	p6 =	slt.u32 s1, $0x2710;
	[tilespmem:$0x1F110] =	vst v1;
	v1 =	vpsel !p5, $0x0, v2;
	v2 =	vpop (erf)  }
0x2cf: {  	[tilespmem:$0x1F120] =	vst v1;
	v1 =	vpsel !p6, $0x0, v2  }
0x2d0: {  	s1 =	simm.s32 @!p2 $0x1;
	[tilespmem:$0x1F130] =	vst v1  }
0x2d1: {  	_ =	swait.ge @!p2 [sflag:s1], $0x100  }
0x2d2: {  	s26 =	simm.s32 $0x0;
	s8 =	simm.s32 @!p2 $0x14770;
	[sflag:s1] =	ssyncset.done @!p2 $0x0  }
0x2d3: {  	s18 =	simm.s32 @!p2 $0x14B70;
	[sflag:s1] =	ssyncadd.s32 @!p2 $0xFFFFFF00;
	s1 =	simm.s32 @!p2 $0x50  }
0x2d4: {  	[tilespmem:s18], [sflag:$0x5] =	stream.indirect.gather @!p2 [spmem:s4], $0x1, s8, s1, $0xb8;
	[tilespmem:$0x1F170] =	vst v63  }
0x2d5: {  	s24 =	simm.s32 @!p2 $0x14D70;
	s29 =	simm.s32 $0x2;
	s21 =	simm.s32 @!p2 $0x147F0;
	v1 =	vmov s26  }
0x2d6: {  	v2 =	vmov s29;
	v1 =	vand.u32 $0xFFFFFFFC, v1;
	[tilespmem:s24], [sflag:$0x5] =	stream.indirect.gather @!p2 [spmem:s5], $0x1, s21, s1, $0xb8;
	[tilespmem:$0x1F170] =	vst v63  }
0x2d7: {  	v2 =	vand.u32 $0xFFFFFFFE, v2;
	v1 =	vbroadcast v1, $0x0;
	s18 =	simm.s32 @!p2 $0x14F70  }
0x2d8: {  	v2 =	vbroadcast v2, $0x0;
	[tilespmem:s18], [sflag:$0x9] =	stream.indirect.gather @!p2 [hbm4b:s0+s1], $0x80, s8, s1, $0xb8;
	[tilespmem:$0x1F170] =	vst v63  }
0x2d9: {  	s8 =	simm.s32 $0xC  }
0x2da: {  	_ =	swait.ge [sflag:s8], $0x2800  }
0x2db: {  	[sflag:s8] =	ssyncset.done $0x0  }
0x2dc: {  	[sflag:s8] =	ssyncadd.s32 $0xFFFFD800  }
0x2dd: {  	v1 =	vld.idx.msk [tilespmem:v1+s16+$0x0], $0xffff  }
0x2de: {  	s12 =	simm.s32 $0x1;
	s21 =	simm.s32 $0x1C960;
	v2 =	vld.idx.msk [tilespmem:v2+s16+$0x0], $0xffff  }
0x2df: {  	v3 =	vmov s12;
	v4 =	vld [tilespmem:s21+$0xFFFFFF80]  }
0x2e0: {  	v3 =	vand.u32 $0xFFFFFFFD, v3;
	v5 =	vld [tilespmem:s21+$0xFFFFFE10]  }
0x2e1: {  	v3 =	vbroadcast v3, $0x0;
	v6 =	vld [tilespmem:s21+$0xFFFFFE20]  }
0x2e2: {  	v7 =	vld [tilespmem:s21+$0xFFFFFE30]  }
0x2e3: {  	v8 =	vld [tilespmem:s21+$0xFFFFFE40]  }
0x2e4: {  	v9 =	vld [tilespmem:s21+$0xFFFFFE50]  }
0x2e5: {  	v10 =	vld [tilespmem:s21+$0xFFFFFE60]  }
0x2e6: {  	v11 =	vld [tilespmem:s21+$0xFFFFFE70];
	v5 =	vmul.f32 v5, v1  }
0x2e7: {  	v3 =	vld.idx.msk [tilespmem:v3+s16+$0x0], $0xffff;
	v4 =	vmul.f32 v4, v2  }
0x2e8: {  	v13 =	vld [tilespmem:s21+$0xFFFFFF50];
	[tilespmem:s21+$0xFFFFFE10] =	vst v5;
	v5 =	vmul.f32 v6, v1  }
0x2e9: {  	v6 =	vld [tilespmem:s21+$0xFFFFFE80];
	[tilespmem:s21+$0xFFFFFF80] =	vst v4;
	v4 =	vmul.f32 v7, v1  }
0x2ea: {  	v7 =	vld [tilespmem:s21+$0xFFFFFE90];
	[tilespmem:s21+$0xFFFFFE20] =	vst v5;
	v5 =	vmul.f32 v8, v1  }
0x2eb: {  	v8 =	vld [tilespmem:s21+$0xFFFFFEA0];
	[tilespmem:s21+$0xFFFFFE30] =	vst v4;
	v4 =	vmul.f32 v9, v1  }
0x2ec: {  	v9 =	vld [tilespmem:s21+$0xFFFFFEB0];
	[tilespmem:s21+$0xFFFFFE40] =	vst v5;
	v5 =	vmul.f32 v10, v1  }
0x2ed: {  	v10 =	vld [tilespmem:s21+$0xFFFFFEC0];
	[tilespmem:s21+$0xFFFFFE50] =	vst v4;
	v4 =	vmul.f32 v11, v1  }
0x2ee: {  	v11 =	vld [tilespmem:s21+$0xFFFFFED0];
	v6 =	vmul.f32 v6, v1;
	[tilespmem:s21+$0xFFFFFE60] =	vst v5  }
0x2ef: {  	v5 =	vmul.f32 v7, v3;
	v7 =	vld [tilespmem:s21+$0xFFFFFEE0];
	[tilespmem:s21+$0xFFFFFE70] =	vst v4  }
0x2f0: {  	s18 =	simm.s32 $0x3;
	v4 =	vld [tilespmem:s21+$0xFFFFFEF0];
	v8 =	vmul.f32 v8, v3;
	[tilespmem:s21+$0xFFFFFE80] =	vst v6  }
0x2f1: {  	v12 =	vmov s18;
	v6 =	vld [tilespmem:s21+$0xFFFFFF00];
	[tilespmem:s21+$0xFFFFFE90] =	vst v5;
	v5 =	vmul.f32 v9, v3  }
0x2f2: {  	v9 =	vld [tilespmem:s21+$0xFFFFFF10];
	[tilespmem:s21+$0xFFFFFEA0] =	vst v8;
	v8 =	vmul.f32 v10, v3  }
0x2f3: {  	v10 =	vld [tilespmem:s21+$0xFFFFFF20];
	[tilespmem:s21+$0xFFFFFEB0] =	vst v5;
	v5 =	vmul.f32 v11, v3  }
0x2f4: {  	[tilespmem:s21+$0xFFFFFEC0] =	vst v8;
	v7 =	vmul.f32 v7, v3;
	v8 =	vld [tilespmem:s21+$0xFFFFFF30]  }
0x2f5: {  	v11 =	vld [tilespmem:s21+$0xFFFFFF40];
	v4 =	vmul.f32 v4, v3;
	[tilespmem:s21+$0xFFFFFED0] =	vst v5  }
0x2f6: {  	v1 =	vld.idx.msk [tilespmem:v12+s16+$0x0], $0xffff;
	v3 =	vmul.f32 v6, v3;
	[tilespmem:s21+$0xFFFFFEE0] =	vst v7  }
0x2f7: {  	[tilespmem:s21+$0xFFFFFEF0] =	vst v4;
	v5 =	vmul.f32 v9, v2;
	v4 =	vld [tilespmem:s21+$0xFFFFFF60]  }
0x2f8: {  	s24 =	simm.s32 $0x4;
	[tilespmem:s21+$0xFFFFFF00] =	vst v3;
	v6 =	vmul.f32 v10, v2;
	v3 =	vld [tilespmem:s21+$0xFFFFFF70]  }
0x2f9: {  	s26 =	simm.s32 $0x7;
	v7 =	vmov s24;
	[tilespmem:s21+$0xFFFFFF10] =	vst v5;
	v9 =	vmul.f32 v8, v2;
	v8 =	vld [tilespmem:s21+$0xFFFFFF90]  }
0x2fa: {  	s10 =	simm.s32 $0x149F0;
	s29 =	simm.s32 $0x5;
	v12 =	vand.u32 $0xFFFFFFFC, v7;
	v7 =	vld [tilespmem:s21+$0xFFFFFFA0];
	v5 =	vmov s26;
	v10 =	vmul.f32 v11, v2;
	[tilespmem:s21+$0xFFFFFF20] =	vst v6  }
0x2fb: {  	s1 =	simm.s32 $0x1C960;
	s18 =	simm.s32 $0x6;
	s24 =	simm.s32 $0x8;
	v11 =	vmul.f32 v13, v2;
	v6 =	vbroadcast v12, $0x0;
	v12 =	vmov s29;
	[tilespmem:s21+$0xFFFFFF30] =	vst v9;
	v9 =	vld [tilespmem:s21+$0xFFFFFFB0]  }
.LBB2_16:
0x2fc: {  	p2 =	slt.u32 s24, $0x4C;
	v12 =	vand.u32 $0xFFFFFFFD, v12;
	v13 =	vmov s18;
	[tilespmem:s21+$0xFFFFFF40] =	vst v10;
	v4 =	vmul.f32 v4, v2;
	v10 =	vld [tilespmem:s21+$0xFFFFFFC0]  }
0x2fd: {  	v12 =	vbroadcast v12, $0x0;
	v13 =	vand.u32 $0xFFFFFFFE, v13;
	[tilespmem:s21+$0xFFFFFF50] =	vst v11;
	v2 =	vmul.f32 v3, v2;
	v3 =	vld [tilespmem:s21+$0xFFFFFFD0]  }
0x2fe: {  	v11 =	vbroadcast v13, $0x0;
	[tilespmem:s21+$0xFFFFFF60] =	vst v4;
	v4 =	vmul.f32 v8, v1;
	v8 =	vld [tilespmem:s21+$0xFFFFFFE0]  }
0x2ff: {  	[tilespmem:s21+$0xFFFFFF70] =	vst v2;
	v2 =	vmul.f32 v7, v1;
	v7 =	vld [tilespmem:s21+$0xFFFFFFF0]  }
0x300: {  	[tilespmem:s21+$0xFFFFFF90] =	vst v4;
	v4 =	vmul.f32 v9, v1;
	v9 =	vld [tilespmem:s21+$0x0]  }
0x301: {  	v5 =	vld.idx.msk [tilespmem:v5+s16+$0x0], $0xffff;
	[tilespmem:s21+$0xFFFFFFA0] =	vst v2;
	v2 =	vmul.f32 v10, v1  }
0x302: {  	v6 =	vld.idx.msk [tilespmem:v6+s16+$0x0], $0xffff;
	[tilespmem:s21+$0xFFFFFFB0] =	vst v4;
	v3 =	vmul.f32 v3, v1  }
0x303: {  	v4 =	vld.idx.msk [tilespmem:v12+s16+$0x0], $0xffff;
	[tilespmem:s21+$0xFFFFFFC0] =	vst v2;
	v8 =	vmul.f32 v8, v1  }
0x304: {  	s21 =	sadd.s32 $0x200, s21;
	v2 =	vld.idx.msk [tilespmem:v11+s16+$0x0], $0xffff;
	[tilespmem:s1+$0xFFFFFFD0] =	vst v3;
	v3 =	vmul.f32 v7, v1  }
0x305: {  	v7 =	vld [tilespmem:s21+$0xFFFFFF80];
	[tilespmem:s1+$0xFFFFFFE0] =	vst v8;
	v9 =	vmul.f32 v9, v1  }
0x306: {  	v8 =	vld [tilespmem:s21+$0xFFFFFE10];
	[tilespmem:s1+$0xFFFFFFF0] =	vst v3  }
0x307: {  	v1 =	vmov v5;
	v3 =	vld [tilespmem:s21+$0xFFFFFE20];
	[tilespmem:s1+$0x0] =	vst v9;
	s1 =	smov.u32 s21  }
0x308: {  	v5 =	vld [tilespmem:s21+$0xFFFFFE30]  }
0x309: {  	v9 =	vld [tilespmem:s21+$0xFFFFFE40]  }
0x30a: {  	v10 =	vld [tilespmem:s21+$0xFFFFFE50];
	v7 =	vmul.f32 v7, v2  }
0x30b: {  	v8 =	vmul.f32 v8, v6;
	v11 =	vld [tilespmem:s21+$0xFFFFFE60]  }
0x30c: {  	v3 =	vmul.f32 v3, v6;
	v12 =	vld [tilespmem:s21+$0xFFFFFE70];
	[tilespmem:s21+$0xFFFFFF80] =	vst v7  }
0x30d: {  	[tilespmem:s21+$0xFFFFFE10] =	vst v8;
	v5 =	vmul.f32 v5, v6;
	v7 =	vld [tilespmem:s21+$0xFFFFFE80]  }
0x30e: {  	[tilespmem:s21+$0xFFFFFE20] =	vst v3;
	v3 =	vmul.f32 v9, v6;
	v8 =	vld [tilespmem:s21+$0xFFFFFE90]  }
0x30f: {  	[tilespmem:s21+$0xFFFFFE30] =	vst v5;
	v5 =	vmul.f32 v10, v6;
	v9 =	vld [tilespmem:s21+$0xFFFFFEA0]  }
0x310: {  	[tilespmem:s21+$0xFFFFFE40] =	vst v3;
	v3 =	vmul.f32 v11, v6;
	v10 =	vld [tilespmem:s21+$0xFFFFFEB0]  }
0x311: {  	[tilespmem:s21+$0xFFFFFE50] =	vst v5;
	v5 =	vmul.f32 v12, v6;
	v11 =	vld [tilespmem:s21+$0xFFFFFEC0]  }
0x312: {  	[tilespmem:s21+$0xFFFFFE60] =	vst v3;
	v3 =	vmul.f32 v7, v6;
	v6 =	vld [tilespmem:s21+$0xFFFFFED0]  }
0x313: {  	[tilespmem:s21+$0xFFFFFE70] =	vst v5;
	v5 =	vmul.f32 v8, v4;
	v7 =	vld [tilespmem:s21+$0xFFFFFEE0]  }
0x314: {  	[tilespmem:s21+$0xFFFFFE80] =	vst v3;
	v3 =	vmul.f32 v9, v4;
	v8 =	vld [tilespmem:s21+$0xFFFFFEF0]  }
0x315: {  	[tilespmem:s21+$0xFFFFFE90] =	vst v5;
	v5 =	vmul.f32 v10, v4;
	v9 =	vld [tilespmem:s21+$0xFFFFFF00]  }
0x316: {  	[tilespmem:s21+$0xFFFFFEA0] =	vst v3;
	v3 =	vmul.f32 v11, v4;
	v10 =	vld [tilespmem:s21+$0xFFFFFF10]  }
0x317: {  	[tilespmem:s21+$0xFFFFFEB0] =	vst v5;
	v5 =	vmul.f32 v6, v4;
	v6 =	vld [tilespmem:s21+$0xFFFFFF20]  }
0x318: {  	[tilespmem:s21+$0xFFFFFEC0] =	vst v3;
	v3 =	vmul.f32 v7, v4;
	v7 =	vld [tilespmem:s21+$0xFFFFFF30]  }
0x319: {  	[tilespmem:s21+$0xFFFFFED0] =	vst v5;
	v5 =	vmul.f32 v8, v4;
	v11 =	vld [tilespmem:s21+$0xFFFFFF40]  }
0x31a: {  	[tilespmem:s21+$0xFFFFFEE0] =	vst v3;
	v3 =	vmul.f32 v9, v4;
	v9 =	vld [tilespmem:s21+$0xFFFFFF50]  }
.Ltmp7:
0x31b: {  	[tilespmem:s21+$0xFFFFFEF0] =	vst v5;
	v5 =	vmul.f32 v10, v2;
	v4 =	vld [tilespmem:s21+$0xFFFFFF60];
	(pc) =	sbr.rel @p2 .LBB2_16-.Ltmp7, $4  }
0x31c: {  	[tilespmem:s21+$0xFFFFFF00] =	vst v3;
	v6 =	vmul.f32 v6, v2;
	v3 =	vld [tilespmem:s21+$0xFFFFFF70]  }
0x31d: {  	s8 =	sadd.s32 $0x3, s24;
	v10 =	vmov s24;
	[tilespmem:s21+$0xFFFFFF10] =	vst v5;
	v13 =	vmul.f32 v7, v2;
	v8 =	vld [tilespmem:s21+$0xFFFFFF90]  }
0x31e: {  	s18 =	sadd.s32 $0x1, s24;
	v12 =	vand.u32 $0xFFFFFFFC, v10;
	v5 =	vmov s8;
	[tilespmem:s21+$0xFFFFFF20] =	vst v6;
	v10 =	vmul.f32 v11, v2;
	v7 =	vld [tilespmem:s21+$0xFFFFFFA0]  }
0x31f: {  	v6 =	vbroadcast v12, $0x0;
	v12 =	vmov s18;
	s18 =	sadd.s32 $0x2, s24;
	s24 =	sadd.s32 $0x4, s24;
	[tilespmem:s21+$0xFFFFFF30] =	vst v13;
	v11 =	vmul.f32 v9, v2;
	v9 =	vld [tilespmem:s21+$0xFFFFFFB0]  }
0x320: {  	v13 =	vld [tilespmem:s21+$0xFFFFFFC0]  }
0x321: {  	v15 =	vld [tilespmem:s21+$0xFFFFFFD0]  }
0x322: {  	v16 =	vld [tilespmem:s21+$0xFFFFFFE0]  }
0x323: {  	v17 =	vld [tilespmem:s21+$0xFFFFFFF0]  }
0x324: {  	v29 =	vld [tilespmem:s21+$0x0];
	[tilespmem:s21+$0xFFFFFF40] =	vst v10;
	v4 =	vmul.f32 v4, v2  }
0x325: {  	v5 =	vld.idx.msk [tilespmem:v5+s16+$0x0], $0xffff;
	[tilespmem:s21+$0xFFFFFF50] =	vst v11;
	v2 =	vmul.f32 v3, v2  }
0x326: {  	s24 =	sadd.s32 $0x200, s21;
	v3 =	vld.idx.msk [tilespmem:v6+s16+$0x0], $0xffff;
	v8 =	vmul.f32 v8, v1;
	[tilespmem:s21+$0xFFFFFF60] =	vst v4  }
0x327: {  	v14 =	vmov s18;
	v34 =	vld [tilespmem:s24+$0xFFFFFF80];
	v30 =	vmul.f32 v7, v1;
	[tilespmem:s21+$0xFFFFFF70] =	vst v2  }
0x328: {  	v14 =	vand.u32 $0xFFFFFFFE, v14;
	v35 =	vld [tilespmem:s24+$0xFFFFFE10];
	[tilespmem:s21+$0xFFFFFF90] =	vst v8;
	v2 =	vmul.f32 v9, v1  }
0x329: {  	v37 =	vld [tilespmem:s24+$0xFFFFFE20];
	v14 =	vbroadcast v14, $0x0;
	[tilespmem:s21+$0xFFFFFFA0] =	vst v30;
	v33 =	vmul.f32 v13, v1  }
0x32a: {  	v38 =	vld [tilespmem:s24+$0xFFFFFE30];
	[tilespmem:s21+$0xFFFFFFB0] =	vst v2;
	v2 =	vmul.f32 v15, v1  }
0x32b: {  	v12 =	vand.u32 $0xFFFFFFFD, v12;
	v39 =	vld [tilespmem:s24+$0xFFFFFE40];
	v36 =	vmul.f32 v16, v1;
	[tilespmem:s21+$0xFFFFFFC0] =	vst v33  }
0x32c: {  	v12 =	vbroadcast v12, $0x0;
	v41 =	vld [tilespmem:s24+$0xFFFFFE60];
	[tilespmem:s1+$0xFFFFFFD0] =	vst v2;
	v2 =	vmul.f32 v17, v1  }
0x32d: {  	v43 =	vld [tilespmem:s24+$0xFFFFFE70];
	[tilespmem:s1+$0xFFFFFFE0] =	vst v36;
	v1 =	vmul.f32 v29, v1  }
0x32e: {  	v42 =	vmul.f32 v37, v3;
	[tilespmem:s1+$0xFFFFFFF0] =	vst v2;
	v2 =	vld [tilespmem:s24+$0xFFFFFE50]  }
0x32f: {  	v32 =	vld.idx.msk [tilespmem:v14+s16+$0x0], $0xffff;
	[tilespmem:s1+$0x0] =	vst v1;
	v1 =	vmul.f32 v35, v3  }
0x330: {  	v44 =	vld [tilespmem:s24+$0xFFFFFE80];
	v4 =	vmul.f32 v39, v3;
	[tilespmem:s24+$0xFFFFFE20] =	vst v42  }
0x331: {  	v45 =	vld [tilespmem:s24+$0xFFFFFE90];
	[tilespmem:s24+$0xFFFFFE10] =	vst v1;
	v1 =	vmul.f32 v38, v3  }
0x332: {  	v46 =	vmul.f32 v41, v3;
	v31 =	vld.idx.msk [tilespmem:v12+s16+$0x0], $0xffff;
	[tilespmem:s24+$0xFFFFFE40] =	vst v4  }
0x333: {  	[tilespmem:s24+$0xFFFFFE30] =	vst v1;
	v1 =	vmul.f32 v2, v3;
	v2 =	vld [tilespmem:s24+$0xFFFFFEA0]  }
0x334: {  	v47 =	vld [tilespmem:s24+$0xFFFFFEB0];
	[tilespmem:s24+$0xFFFFFE60] =	vst v46;
	v40 =	vmul.f32 v34, v32  }
0x335: {  	v48 =	vld [tilespmem:s24+$0xFFFFFEC0];
	[tilespmem:s24+$0xFFFFFE50] =	vst v1;
	v1 =	vmul.f32 v43, v3  }
0x336: {  	v49 =	vld [tilespmem:s24+$0xFFFFFED0];
	[tilespmem:s24+$0xFFFFFF80] =	vst v40;
	v3 =	vmul.f32 v44, v3  }
0x337: {  	v50 =	vld [tilespmem:s24+$0xFFFFFEE0];
	[tilespmem:s24+$0xFFFFFE70] =	vst v1;
	v1 =	vmul.f32 v45, v31  }
0x338: {  	[tilespmem:s24+$0xFFFFFE80] =	vst v3;
	v3 =	vld [tilespmem:s24+$0xFFFFFEF0];
	v2 =	vmul.f32 v2, v31  }
0x339: {  	v51 =	vld [tilespmem:s24+$0xFFFFFF00];
	[tilespmem:s24+$0xFFFFFE90] =	vst v1;
	v1 =	vmul.f32 v47, v31  }
0x33a: {  	v52 =	vld [tilespmem:s24+$0xFFFFFF10];
	[tilespmem:s24+$0xFFFFFEA0] =	vst v2;
	v2 =	vmul.f32 v48, v31  }
0x33b: {  	v53 =	vld [tilespmem:s24+$0xFFFFFF20];
	[tilespmem:s24+$0xFFFFFEB0] =	vst v1;
	v1 =	vmul.f32 v49, v31  }
0x33c: {  	v54 =	vld [tilespmem:s24+$0xFFFFFF30];
	[tilespmem:s24+$0xFFFFFEC0] =	vst v2;
	v2 =	vmul.f32 v50, v31  }
0x33d: {  	[tilespmem:s24+$0xFFFFFED0] =	vst v1;
	v1 =	vmul.f32 v3, v31;
	v3 =	vld [tilespmem:s24+$0xFFFFFF40]  }
0x33e: {  	v55 =	vld [tilespmem:s24+$0xFFFFFF50];
	[tilespmem:s24+$0xFFFFFEE0] =	vst v2;
	v2 =	vmul.f32 v51, v31  }
0x33f: {  	v56 =	vld [tilespmem:s24+$0xFFFFFF60];
	[tilespmem:s24+$0xFFFFFEF0] =	vst v1;
	v1 =	vmul.f32 v52, v32  }
0x340: {  	v57 =	vld [tilespmem:s24+$0xFFFFFF70];
	[tilespmem:s24+$0xFFFFFF00] =	vst v2;
	v2 =	vmul.f32 v53, v32  }
0x341: {  	v58 =	vld [tilespmem:s24+$0xFFFFFF90];
	[tilespmem:s24+$0xFFFFFF10] =	vst v1;
	v1 =	vmul.f32 v54, v32  }
0x342: {  	[tilespmem:s24+$0xFFFFFF20] =	vst v2;
	v2 =	vmul.f32 v3, v32;
	v3 =	vld [tilespmem:s24+$0xFFFFFFA0]  }
0x343: {  	v59 =	vld [tilespmem:s24+$0xFFFFFFB0];
	[tilespmem:s24+$0xFFFFFF30] =	vst v1;
	v1 =	vmul.f32 v55, v32  }
0x344: {  	v60 =	vld [tilespmem:s24+$0xFFFFFFC0];
	[tilespmem:s24+$0xFFFFFF40] =	vst v2;
	v2 =	vmul.f32 v56, v32  }
0x345: {  	v61 =	vld [tilespmem:s24+$0xFFFFFFD0];
	[tilespmem:s24+$0xFFFFFF50] =	vst v1;
	v1 =	vmul.f32 v57, v32  }
0x346: {  	v62 =	vld [tilespmem:s24+$0xFFFFFFE0];
	[tilespmem:s24+$0xFFFFFF60] =	vst v2;
	v2 =	vmul.f32 v58, v5  }
0x347: {  	[tilespmem:s24+$0xFFFFFF70] =	vst v1;
	v1 =	vmul.f32 v3, v5;
	v3 =	vld [tilespmem:s24+$0xFFFFFFF0]  }
0x348: {  	v63 =	vld [tilespmem:s24+$0x0];
	[tilespmem:s24+$0xFFFFFF90] =	vst v2;
	v2 =	vmul.f32 v59, v5  }
0x349: {  	[tilespmem:s24+$0xFFFFFFA0] =	vst v1;
	v1 =	vmul.f32 v60, v5  }
0x34a: {  	[tilespmem:s24+$0xFFFFFFB0] =	vst v2;
	v2 =	vmul.f32 v61, v5  }
0x34b: {  	[tilespmem:s24+$0xFFFFFFC0] =	vst v1;
	v1 =	vmul.f32 v62, v5  }
0x34c: {  	s20 =	sadd.s32 $0x1, s20;
	[tilespmem:s24+$0xFFFFFFD0] =	vst v2;
	v2 =	vmul.f32 v3, v5  }
0x34d: {  	p2 =	sne.s32 s20, $0x20;
	[tilespmem:s24+$0xFFFFFFE0] =	vst v1;
	v1 =	vmul.f32 v63, v5  }
.Ltmp8:
0x34e: {  	[tilespmem:s24+$0xFFFFFFF0] =	vst v2;
	(pc) =	sbr.rel @p2 .LBB2_9-.Ltmp8, $4  }
0x34f: {  	s29 =	simm.s32 $0x14AF0;
	s8 =	simm.s32 $0x1C770;
	[tilespmem:s24+$0x0] =	vst v1  }
0x350: {  	[spmem:s3] =	stream.indirect.scatter.add.f32 [tilespmem:s8], [sflag:$0x10], $0x80, s29, s19, $0xb8;
	[tilespmem:$0x1F170] =	vst v63  }
0x351: {  	s12 =	simm.s32 $0x14AF0  }
0x352: {  	[spmem:s6] =	stream.indirect.scatter.add.f32 [tilespmem:s16], [sflag:$0x10], $0x1, s29, s19, $0xb8;
	[tilespmem:$0x1F170] =	vst v63  }
0x353: {  	s1 =	simm.s32 $0xF  }
0x354: {  	_ =	swait.ge [sflag:s1], $0x2800  }
0x355: {  	[sflag:s1] =	ssyncset.done $0x0  }
0x356: {  	[sflag:s1] =	ssyncadd.s32 $0xFFFFD800  }
0x357: {  	_ =	swait.ge [sflag:s1], $0x50  }
0x358: {  	[sflag:s1] =	ssyncset.done $0x0  }
0x359: {  	s8 =	simm.s32 $0x10;
	[sflag:s1] =	ssyncadd.s32 $0xFFFFFFB0  }
0x35a: {  	_ =	swait.ge [sflag:s8], $0x2800  }
0x35b: {  	[sflag:s8] =	ssyncset.done $0x0  }
0x35c: {  	[sflag:s8] =	ssyncadd.s32 $0xFFFFD800  }
0x35d: {  	_ =	swait.ge [sflag:s8], $0x50  }
0x35e: {  	[sflag:s8] =	ssyncset.done $0x0  }
0x35f: {  	[sflag:s8] =	ssyncadd.s32 $0xFFFFFFB0  }
0x360: {  	s18 =	stileid.u32;
	[bflag:$0x0] =	sbarrier.arrive $0xFFFF  }
0x361: {  	s26 =	simm.s32 $0x11;
	s1 =	sshll.u32 s18, $0x6;
	s21 =	rddreg [dreg:$0xb]  }
0x362: {  	s1 =	sor.u32 $0x1C11, s1;
	s18 =	rddreg [dreg:$0x1c];
	s8 =	sshrl.u32 s21, $0x3  }
0x363: {  	[hbm:s18], [sflag:s1] =	dma.local [spmem:s8], $0x2800  }
0x364: {  	_ =	swait.ge [sflag:s26], $0x2800  }
0x365: {  	[sflag:s26] =	ssyncset.done $0x0;
	s24 =	rddreg [dreg:$0x15]  }
0x366: {  	s29 =	rddreg [dreg:$0x1d];
	[sflag:s26] =	ssyncadd.s32 $0xFFFFD800;
	s20 =	sshrl.u32 s24, $0x3  }
0x367: {  	[hbm:s29], [sflag:s1] =	dma.local [spmem:s20], $0x50  }
0x368: {  	_ =	swait.ge [sflag:s26], $0x50  }
0x369: {  	s20 =	rddreg [dreg:$0x8]  }
0x36a: {  	s29 =	rddreg [dreg:$0x1e];
	s18 =	sadd.s32 $0x1, s20  }
0x36b: {  	p2 =	sne.s32 s18, s29  }
.Ltmp9:
0x36c: {  	_ = 	snop;
	(pc) =	sbr.rel @p2 .LBB2_1-.Ltmp9, $3  }
0x36d: {  	_ =	sdelay $0x1  }
0x36e: {  	[sflag:s26] =	ssyncset.done $0x0  }
0x36f: {  	[sflag:s26] =	ssyncadd.s32 $0xFFFFFFB0  }
0x370: {  	_ =	sfence.sel $0x180000  }
0x371: {  	[bflag:$0x0] =	sbarrier.arrive $0xFFFF  }
0x372: {  	_ =	strace $0x90000047  }
0x373: {  	[bflag:$0x2] =	sbarrier.arrive $0xFFFF  }
0x374: {  	s0 =	rddreg [dreg:$0x7]  }
0x375: {  	s0 =	sadd.s32 @!p0 $0x100000, s0  }
0x376: {  	[sflag:s0] =	ssyncadd.tile.s32 @!p0 $0x1;
	_ =	shalt  }
.Lfunc_end2:
_tile_overlayer_lowered:
.L_overlay_start_2:
0x377: {  	(tag) =	ssettag $0x2  }
0x378: {  	s0 =	rddreg [dreg:$0x0];
	s2 =	stileid.u32  }
0x379: {  	s1 =	rddreg [dreg:$0x1];
	p0 =	sne.s32 s2, $0x0  }
0x37a: {  	s3 =	rddreg [dreg:$0x2];
	[bflag:$0x3] =	sbarrier.arrive $0xFFFF;
	s2 =	simm.s32 @!p0 $0x1C11  }
0x37b: {  	[timem:s3], [sflag:s2] =	dma.local @!p0 [hbm:s0], s1  }
0x37c: {  	s0 =	simm.s32 @!p0 $0x11  }
0x37d: {  	_ =	swait.ge @!p0 [sflag:s0], s1  }
0x37e: {  	s1 =	ssub.s32 @!p0 $0x0, s1;
	[sflag:s0] =	ssyncset.done @!p0 $0x0  }
0x37f: {  	[sflag:s0] =	ssyncadd.s32 @!p0 s1  }
0x380: {  	[bflag:$0x3] =	sbarrier.arrive $0xFFFF  }
0x381: {  	_ =	shalt  }

</sc_bundles>
